<compile_context>
chip_gen: v7x
topology: tpu7x:2x2x1
jax: 0.10.2.dev20260603
libtpu: 0.0.44.dev20260713+nightly
codegen_flags: <defaults>
</compile_context>

<pallas_src>
import jax
import jax.numpy as jnp
from jax import lax
from jax.experimental import pallas as pl
from jax.experimental.pallas import tpu as pltpu
from jax.experimental.pallas import tpu_sc as plsc

N = 10000
D = 128
E = 320000
G = 100
GP = 104
NC = 2
NS = 16
HN = N // NC
NG = 32
AR = HN + NG + 8
W = 80
EPT = E // NS
WINS = EPT // W
Z0 = 312
ZL = AR - (NS - 1) * Z0
D0 = 312
DL = HN - (NS - 1) * D0
PW = 80
PWINS = N // PW

_mesh = plsc.VectorSubcoreMesh(
    core_axis_name="c", subcore_axis_name="s", num_cores=NC, num_subcores=NS)


def _edge_agg_body(K, *refs):
    (src_hbm, dst_hbm, zeros_hbm), rest = refs[:3], refs[3:]
    tables = rest[:K]
    outs = rest[K:2 * K]
    srcv, dstv, idxm, rowb, acc, sem = rest[2 * K:]
    c = lax.axis_index("c")
    s = lax.axis_index("s")
    base = c * HN
    pltpu.sync_copy(src_hbm.at[s], srcv)
    pltpu.sync_copy(dst_hbm.at[s], dstv)
    lanes = lax.iota(jnp.int32, 16)

    def remap(w, _):
        for j in range(W // 16):
            v = dstv[w, pl.ds(j * 16, 16)]
            rel = v - base
            inh = (rel >= 0) & (rel < HN)
            garb = HN + ((v + lanes) & (NG - 1))
            dstv[w, pl.ds(j * 16, 16)] = jnp.where(inh, rel, garb)
        return 0

    lax.fori_loop(0, WINS, remap, 0)
    zoff = pl.multiple_of(s * Z0, 8)
    doff = pl.multiple_of(s * D0, 8)
    for k in range(K):
        @pl.when(s < NS - 1)
        def _():
            pltpu.sync_copy(zeros_hbm.at[pl.ds(0, Z0)], acc.at[pl.ds(zoff, Z0)])

        @pl.when(s == NS - 1)
        def _():
            pltpu.sync_copy(zeros_hbm, acc.at[pl.ds((NS - 1) * Z0, ZL)])

        plsc.subcore_barrier()
        table = tables[k]
        pltpu.async_copy(table.at[srcv.at[0]], rowb.at[0], sem.at[0])

        def step(w, _):
            pltpu.async_copy(table.at[srcv.at[w + 1]],
                             rowb.at[lax.rem(w + 1, 2)],
                             sem.at[lax.rem(w + 1, 2)])
            pltpu.make_async_copy(
                table.at[srcv.at[w]], rowb.at[lax.rem(w, 2)],
                sem.at[lax.rem(w, 2)]).wait()
            pltpu.sync_copy(rowb.at[lax.rem(w, 2)], acc.at[dstv.at[w]],
                            add=True)
            return 0

        lax.fori_loop(0, WINS - 1, step, 0)
        last = WINS - 1
        pltpu.make_async_copy(
            table.at[srcv.at[last]], rowb.at[lax.rem(last, 2)],
            sem.at[lax.rem(last, 2)]).wait()
        pltpu.sync_copy(rowb.at[lax.rem(last, 2)], acc.at[dstv.at[last]],
                        add=True)
        plsc.subcore_barrier()

        @pl.when(s < NS - 1)
        def _():
            pltpu.sync_copy(acc.at[pl.ds(doff, D0)],
                            outs[k].at[pl.ds(base + doff, D0)])

        @pl.when(s == NS - 1)
        def _():
            pltpu.sync_copy(acc.at[pl.ds((NS - 1) * D0, DL)],
                            outs[k].at[pl.ds(base + (NS - 1) * D0, DL)])

        if k + 1 < K:
            plsc.subcore_barrier()


def _make_edge_agg(K):
    def body(*refs):
        _edge_agg_body(K, *refs)
    return pl.kernel(
        body,
        out_type=[jax.ShapeDtypeStruct((N, D), jnp.float32)
                  for _ in range(K)],
        mesh=_mesh,
        scratch_types=[
            pltpu.VMEM((WINS, W), jnp.int32),
            pltpu.VMEM((WINS, W), jnp.int32),
            pltpu.VMEM((W,), jnp.int32),
            pltpu.VMEM((2, W, D), jnp.float32),
            pltpu.VMEM_SHARED((AR, D), jnp.float32),
            pltpu.SemaphoreType.DMA((2,)),
        ],
    )


def _pool_body(seg_hbm, zeros3_hbm, ones_hbm, lat3_hbm, cur3_hbm, out_hbm,
               segv, rowb, onesb, accb, accc, accn, sem):
    c = lax.axis_index("c")
    s = lax.axis_index("s")
    wid = c * NS + s
    pltpu.sync_copy(ones_hbm, onesb)
    pltpu.sync_copy(seg_hbm, segv)

    @pl.when(s == 0)
    def _():
        pltpu.sync_copy(zeros3_hbm.at[0], accb)
        pltpu.sync_copy(zeros3_hbm.at[1], accc)
        pltpu.sync_copy(zeros3_hbm.at[2], accn)

    plsc.subcore_barrier()

    def do_window(j):
        pltpu.sync_copy(lat3_hbm.at[pl.ds(j * PW, PW)], rowb)
        pltpu.sync_copy(rowb, accb.at[segv.at[j]], add=True)
        pltpu.sync_copy(cur3_hbm.at[pl.ds(j * PW, PW)], rowb)
        pltpu.sync_copy(rowb, accc.at[segv.at[j]], add=True)
        pltpu.sync_copy(onesb, accn.at[segv.at[j]], add=True)

    per = PWINS // NW_POOL
    npre = per * NW_POOL
    for t in range(per):
        do_window(wid * per + t)

    @pl.when(wid < PWINS - npre)
    def _():
        do_window(npre + wid)

    plsc.subcore_barrier()

    @pl.when(s == 0)
    def _():
        for cc in range(NC):
            @pl.when(c == cc)
            def _(cc=cc):
                pltpu.sync_copy(accb, out_hbm.at[0, cc])
                pltpu.sync_copy(accc, out_hbm.at[1, cc])
                pltpu.sync_copy(accn, out_hbm.at[2, cc])


NW_POOL = NC * NS

_pool_kernel = pl.kernel(
    _pool_body,
    out_type=jax.ShapeDtypeStruct((3, NC, GP, D), jnp.float32),
    mesh=_mesh,
    scratch_types=[
        pltpu.VMEM((PWINS, PW), jnp.int32),
        pltpu.VMEM((PW, D), jnp.float32),
        pltpu.VMEM((PW, D), jnp.float32),
        pltpu.VMEM_SHARED((GP, D), jnp.float32),
        pltpu.VMEM_SHARED((GP, D), jnp.float32),
        pltpu.VMEM_SHARED((GP, D), jnp.float32),
        pltpu.SemaphoreType.DMA,
    ],
)



RB = 2000
GRID = N // RB


def _f32dot(a, b):
    return jnp.dot(a, b, preferred_element_type=jnp.float32)


def _single_body(x, a, w1, w2, b, o):
    o[...] = jnp.maximum(
        _f32dot(x[...], w1[...]) + _f32dot(a[...], w2[...]) + b[...], 0.0)


def _dual_body(p, q, ap, aq, w1, w2, w3, w4, w5, w6, b1, b2, o1, o2):
    o1[...] = jnp.maximum(
        _f32dot(p[...], w1[...]) + _f32dot(ap[...], w2[...]) + b1[...], 0.0)
    o2[...] = jnp.maximum(
        _f32dot(p[...], w3[...]) + _f32dot(q[...], w4[...])
        + _f32dot(ap[...], w5[...]) + _f32dot(aq[...], w6[...]) + b2[...],
        0.0)


def _quad_body(p, q, ap, aq, w3, w4, w5, w6, b2, o2):
    o2[...] = jnp.maximum(
        _f32dot(p[...], w3[...]) + _f32dot(q[...], w4[...])
        + _f32dot(ap[...], w5[...]) + _f32dot(aq[...], w6[...]) + b2[...],
        0.0)


def _row_spec():
    return pl.BlockSpec((RB, D), lambda i: (i, 0))


def _w_spec():
    return pl.BlockSpec((D, D), lambda i: (0, 0))


def _b_spec():
    return pl.BlockSpec((1, D), lambda i: (0, 0))


def _nd():
    return jax.ShapeDtypeStruct((N, D), jnp.float32)


def _tc_single(x, a, w1, w2, b):
    return pl.pallas_call(
        _single_body,
        grid=(GRID,),
        in_specs=[_row_spec()] * 2 + [_w_spec()] * 2 + [_b_spec()],
        out_specs=_row_spec(),
        out_shape=_nd(),
    )(x, a, w1, w2, b)


def _tc_dual(p, q, ap, aq, w1, w2, w3, w4, w5, w6, b1, b2):
    return pl.pallas_call(
        _dual_body,
        grid=(GRID,),
        in_specs=[_row_spec()] * 4 + [_w_spec()] * 6 + [_b_spec()] * 2,
        out_specs=[_row_spec()] * 2,
        out_shape=[_nd(), _nd()],
    )(p, q, ap, aq, w1, w2, w3, w4, w5, w6, b1, b2)


def _tc_quad(p, q, ap, aq, w3, w4, w5, w6, b2):
    return pl.pallas_call(
        _quad_body,
        grid=(GRID,),
        in_specs=[_row_spec()] * 4 + [_w_spec()] * 4 + [_b_spec()],
        out_specs=_row_spec(),
        out_shape=_nd(),
    )(p, q, ap, aq, w3, w4, w5, w6, b2)


def _head_body(pool, h1a, h1b, h2, h3, h4, h5, b1, b2, b3, b4, b5, o):
    cnt = jnp.maximum(pool[2, 0] + pool[2, 1], 1.0)
    base = (pool[0, 0] + pool[0, 1]) / cnt
    adapt = (pool[1, 0] + pool[1, 1]) / cnt
    t1 = _f32dot(base, h1a[...]) + _f32dot(adapt, h1b[...]) + b1[...]
    t2 = jnp.maximum(_f32dot(t1, h2[...]) + b2[...], 0.0)
    t3 = _f32dot(t2, h3[...]) + b3[...]
    t4 = jnp.maximum(_f32dot(t3, h4[...]) + b4[...], 0.0)
    o[...] = _f32dot(t4, h5[...]) + b5[...]


def _tc_head(pool, h1a, h1b, h2, h3, h4, h5p, b1, b2, b3, b4, b5p):
    return pl.pallas_call(
        _head_body,
        out_shape=jax.ShapeDtypeStruct((GP, 8), jnp.float32),
    )(pool, h1a, h1b, h2, h3, h4, h5p, b1, b2, b3, b4, b5p)


def kernel(x, edge_index, segment_ids, Ws_self, Ws_nbr, bs, Wa_self, Wa_nbr,
           ba, H1, b1, H2, b2, H3, b3, H4, b4, H5, b5):
    src_r = edge_index[0].reshape(NS, WINS, W)
    dst_r = edge_index[1].reshape(NS, WINS, W)
    seg_r = segment_ids.reshape(PWINS, PW)
    zeros = jnp.zeros((ZL, D), jnp.float32)
    zeros3 = jnp.zeros((3, GP, D), jnp.float32)
    ones = jnp.ones((PW, D), jnp.float32)

    agg1 = _make_edge_agg(1)
    agg2 = _make_edge_agg(2)

    bs_ = [bs[i][None] for i in range(3)]
    ba_ = [ba[i][None] for i in range(3)]
    WsS = [Ws_self[i] for i in range(3)]
    WsN = [Ws_nbr[i] for i in range(3)]
    WaSa = [Wa_self[i][:D] for i in range(3)]
    WaSb = [Wa_self[i][D:] for i in range(3)]
    WaNa = [Wa_nbr[i][:D] for i in range(3)]
    WaNb = [Wa_nbr[i][D:] for i in range(3)]

    (a0,) = agg1(src_r, dst_r, zeros, x)
    lat1 = _tc_single(x, a0, WsS[0], WsN[0], bs_[0])
    (a1,) = agg1(src_r, dst_r, zeros, lat1)
    lat2, cur1 = _tc_dual(lat1, x, a1, a0,
                          WsS[1], WsN[1], WaSa[0], WaSb[0], WaNa[0], WaNb[0],
                          bs_[1], ba_[0])
    a2, c1 = agg2(src_r, dst_r, zeros, lat2, cur1)
    lat3, cur2 = _tc_dual(lat2, cur1, a2, c1,
                          WsS[2], WsN[2], WaSa[1], WaSb[1], WaNa[1], WaNb[1],
                          bs_[2], ba_[1])
    a3, c2 = agg2(src_r, dst_r, zeros, lat3, cur2)
    cur3 = _tc_quad(lat3, cur2, a3, c2,
                    WaSa[2], WaSb[2], WaNa[2], WaNb[2], ba_[2])
    pool = _pool_kernel(seg_r, zeros3, ones, lat3, cur3)
    H1a, H1b = H1[:D], H1[D:]
    H5p = jnp.pad(H5, ((0, 0), (0, 7)))
    b5p = jnp.pad(b5, (0, 7))[None]
    out = _tc_head(pool, H1a, H1b, H2, H3, H4, H5p,
                   b1[None], b2[None], b3[None], b4[None], b5p)
    return out[:G, :1]

# --- scband reference (transcript-rebuilt; emitter-appended) ---
"""Pipeline reference for scband-cgregressor-adapter-69320772158305 (READ-ONLY COPY).

The authoritative reference and input builder live on the scoring server;
editing this copy changes nothing except your own understanding.
"""

import jax, jax.numpy as jnp
import numpy as np

N = 10000
E = 320000
D = 128
HS = 128
G = 100
L = 3


def setup_inputs(seed: int = 0) -> dict:
    key = jax.random.key(seed)
    ks = jax.random.split(key, 16)
    s = 1.0 / np.sqrt(HS)
    inp = {}
    inp["x"] = jax.random.normal(ks[0], (N, D), dtype=jnp.float32)
    inp["edge_index"] = jax.random.randint(ks[1], (2, E), 0, N, dtype=jnp.int32)
    inp["segment_ids"] = jnp.sort(jax.random.randint(ks[2], (N,), 0, G, dtype=jnp.int32))
    # base encoder GNN layers (in=out=hidden=128)
    inp["Ws_self"] = jax.random.normal(ks[3], (L, HS, HS), dtype=jnp.float32) * s
    inp["Ws_nbr"] = jax.random.normal(ks[4], (L, HS, HS), dtype=jnp.float32) * s
    inp["bs"] = jnp.zeros((L, HS), dtype=jnp.float32)
    # adapter GNN layers (in=2*hidden, out=hidden)
    inp["Wa_self"] = jax.random.normal(ks[5], (L, 2 * HS, HS), dtype=jnp.float32) * s
    inp["Wa_nbr"] = jax.random.normal(ks[6], (L, 2 * HS, HS), dtype=jnp.float32) * s
    inp["ba"] = jnp.zeros((L, HS), dtype=jnp.float32)
    # adapter head MLP: Linear(2hs,hs) Linear(hs,hs) ReLU Linear(hs,hs) Linear(hs,hs) ReLU Linear(hs,1)
    inp["H1"] = jax.random.normal(ks[7], (2 * HS, HS), dtype=jnp.float32) * s
    inp["b1"] = jnp.zeros((HS,), dtype=jnp.float32)
    inp["H2"] = jax.random.normal(ks[8], (HS, HS), dtype=jnp.float32) * s
    inp["b2"] = jnp.zeros((HS,), dtype=jnp.float32)
    inp["H3"] = jax.random.normal(ks[9], (HS, HS), dtype=jnp.float32) * s
    inp["b3"] = jnp.zeros((HS,), dtype=jnp.float32)
    inp["H4"] = jax.random.normal(ks[10], (HS, HS), dtype=jnp.float32) * s
    inp["b4"] = jnp.zeros((HS,), dtype=jnp.float32)
    inp["H5"] = jax.random.normal(ks[11], (HS, 1), dtype=jnp.float32) * s
    inp["b5"] = jnp.zeros((1,), dtype=jnp.float32)
    return inp


def _gnn(h, src, dst, Wself, Wnbr, b):
    # message passing: gather src node features, scatter-add to dst nodes
    agg = jax.ops.segment_sum(h[src], dst, num_segments=N)
    return h @ Wself + agg @ Wnbr + b


def reference(x, edge_index, segment_ids, Ws_self, Ws_nbr, bs, Wa_self, Wa_nbr, ba, H1, b1, H2, b2, H3, b3, H4, b4, H5, b5):
    src = edge_index[0]
    dst = edge_index[1]
    # base encoder: collect latent embeds per layer (compute_base_latent_embeds)
    lat = [x]
    h = x
    for i in range(L):
        h = jax.nn.relu(_gnn(h, src, dst, Ws_self[i], Ws_nbr[i], bs[i]))
        lat.append(h)
    # adapter body: concat base latent with running adapter output each layer
    cur = lat[0]
    for i in range(L):
        cur = jnp.concatenate([lat[i + 1], cur], axis=-1)
        cur = jax.nn.relu(_gnn(cur, src, dst, Wa_self[i], Wa_nbr[i], ba[i]))
    # per-graph aggregation (mean pool over batch indicator)
    cnt = jnp.maximum(jax.ops.segment_sum(jnp.ones((N, 1), jnp.float32), segment_ids, num_segments=G), 1.0)
    base_emb = jax.ops.segment_sum(lat[-1], segment_ids, num_segments=G) / cnt
    adapt_emb = jax.ops.segment_sum(cur, segment_ids, num_segments=G) / cnt
    g = jnp.concatenate([base_emb, adapt_emb], axis=-1)
    # adapter head (K=1, k_curr=0, alpha=None)
    h1 = g @ H1 + b1
    h2 = jax.nn.relu(h1 @ H2 + b2)
    h3 = h2 @ H3 + b3
    h4 = jax.nn.relu(h3 @ H4 + b4)
    return h4 @ H5 + b5

if __name__ == "__main__":
    import jax
    _d = setup_inputs()
    print(jax.jit(kernel)(*tuple(_d.values())))

</pallas_src>

<mosaic_0001>
#map = affine_map<(d0, d1) -> (0, 0, 0)>
#map1 = affine_map<(d0, d1) -> (0, 0)>
module attributes {stable_mosaic.version = 14 : i64} {
  func.func @body(%arg0: i32, %arg1: i32, %arg2: memref<16x250x80xi32, #tpu.memory_space<hbm>>, %arg3: memref<16x250x80xi32, #tpu.memory_space<hbm>>, %arg4: memref<360x128xf32, #tpu.memory_space<hbm>>, %arg5: memref<10000x128xf32, #tpu.memory_space<hbm>>, %arg6: memref<10000x128xf32, #tpu.memory_space<hbm>>, %arg7: memref<10000x128xf32, #tpu.memory_space<hbm>>, %arg8: memref<10000x128xf32, #tpu.memory_space<hbm>>, %arg9: memref<250x80xi32, #tpu.memory_space<vmem>>, %arg10: memref<250x80xi32, #tpu.memory_space<vmem>>, %arg11: memref<80xi32, #tpu.memory_space<vmem>>, %arg12: memref<2x80x128xf32, #tpu.memory_space<vmem>>, %arg13: memref<5040x128xf32, #tpu.memory_space<vmem_shared>>, %arg14: memref<2x!tpu.dma_semaphore, #tpu.memory_space<semaphore_mem>>) attributes {dimension_semantics = [#tpu.dimension_semantics<core_parallel>, #tpu.dimension_semantics<subcore_parallel>], iteration_bounds = array<i64: 2, 16>, scalar_prefetch = 0 : i64, scratch_operands = 6 : i64, tpu.core_type = #tpu.core_type<sc_vector_subcore>, window_params = [{transform_indices = #map}, {transform_indices = #map}, {transform_indices = #map1}, {transform_indices = #map1}, {transform_indices = #map1}, {transform_indices = #map1}, {transform_indices = #map1}]} {
    %mul3A = arith.constant 5000 : i32
    %mul3A_0 = arith.muli %arg0, %mul3A : i32
    "tpu.region"() ({
      %run_scoped3A_138 = tpu.sem_alloc : memref<!tpu.dma_semaphore, #tpu.memory_space<semaphore_mem>>
      %dma_start3A_139 = arith.constant 0 : i32
      %dma_start3A_140 = arith.constant 0 : i32
      %dma_start3A_141 = tpu.memref_slice %arg2[%arg1, %dma_start3A_139, %dma_start3A_140] : memref<16x250x80xi32, #tpu.memory_space<hbm>> -> memref<1x250x80xi32, #tpu.memory_space<hbm>>
      %dma_start3A_142 = tpu.memref_squeeze %dma_start3A_141 : memref<1x250x80xi32, #tpu.memory_space<hbm>> -> memref<250x80xi32, #tpu.memory_space<hbm>>
      %dma_start3A_143 = arith.constant 0 : i32
      %dma_start3A_144 = arith.constant 0 : i32
      %dma_start3A_145 = tpu.memref_slice %arg2[%arg1, %dma_start3A_143, %dma_start3A_144] : memref<16x250x80xi32, #tpu.memory_space<hbm>> -> memref<1x250x80xi32, #tpu.memory_space<hbm>>
      %dma_start3A_146 = tpu.memref_squeeze %dma_start3A_145 : memref<1x250x80xi32, #tpu.memory_space<hbm>> -> memref<250x80xi32, #tpu.memory_space<hbm>>
      tpu.enqueue_dma source(%dma_start3A_146 : memref<250x80xi32, #tpu.memory_space<hbm>>) target(%arg9 : memref<250x80xi32, #tpu.memory_space<vmem>>) target_semaphore(%run_scoped3A_138 : memref<!tpu.dma_semaphore, #tpu.memory_space<semaphore_mem>>)
      %dma_wait3A_147 = arith.constant 0 : i32
      %dma_wait3A_148 = arith.constant 0 : i32
      %dma_wait3A_149 = tpu.memref_slice %arg2[%arg1, %dma_wait3A_147, %dma_wait3A_148] : memref<16x250x80xi32, #tpu.memory_space<hbm>> -> memref<1x250x80xi32, #tpu.memory_space<hbm>>
      %dma_wait3A_150 = tpu.memref_squeeze %dma_wait3A_149 : memref<1x250x80xi32, #tpu.memory_space<hbm>> -> memref<250x80xi32, #tpu.memory_space<hbm>>
      %dma_wait3A_151 = arith.constant 0 : i32
      %dma_wait3A_152 = arith.constant 0 : i32
      %dma_wait3A_153 = tpu.memref_slice %arg2[%arg1, %dma_wait3A_151, %dma_wait3A_152] : memref<16x250x80xi32, #tpu.memory_space<hbm>> -> memref<1x250x80xi32, #tpu.memory_space<hbm>>
      %dma_wait3A_154 = tpu.memref_squeeze %dma_wait3A_153 : memref<1x250x80xi32, #tpu.memory_space<hbm>> -> memref<250x80xi32, #tpu.memory_space<hbm>>
      tpu.wait_dma2 semaphore(%run_scoped3A_138 : memref<!tpu.dma_semaphore, #tpu.memory_space<semaphore_mem>>) src(%dma_wait3A_154 : memref<250x80xi32, #tpu.memory_space<hbm>>) dst(%arg9 : memref<250x80xi32, #tpu.memory_space<vmem>>)
      tpu.yield
    }) : () -> ()
    "tpu.region"() ({
      %run_scoped3A_138 = tpu.sem_alloc : memref<!tpu.dma_semaphore, #tpu.memory_space<semaphore_mem>>
      %dma_start3A_139 = arith.constant 0 : i32
      %dma_start3A_140 = arith.constant 0 : i32
      %dma_start3A_141 = tpu.memref_slice %arg3[%arg1, %dma_start3A_139, %dma_start3A_140] : memref<16x250x80xi32, #tpu.memory_space<hbm>> -> memref<1x250x80xi32, #tpu.memory_space<hbm>>
      %dma_start3A_142 = tpu.memref_squeeze %dma_start3A_141 : memref<1x250x80xi32, #tpu.memory_space<hbm>> -> memref<250x80xi32, #tpu.memory_space<hbm>>
      %dma_start3A_143 = arith.constant 0 : i32
      %dma_start3A_144 = arith.constant 0 : i32
      %dma_start3A_145 = tpu.memref_slice %arg3[%arg1, %dma_start3A_143, %dma_start3A_144] : memref<16x250x80xi32, #tpu.memory_space<hbm>> -> memref<1x250x80xi32, #tpu.memory_space<hbm>>
      %dma_start3A_146 = tpu.memref_squeeze %dma_start3A_145 : memref<1x250x80xi32, #tpu.memory_space<hbm>> -> memref<250x80xi32, #tpu.memory_space<hbm>>
      tpu.enqueue_dma source(%dma_start3A_146 : memref<250x80xi32, #tpu.memory_space<hbm>>) target(%arg10 : memref<250x80xi32, #tpu.memory_space<vmem>>) target_semaphore(%run_scoped3A_138 : memref<!tpu.dma_semaphore, #tpu.memory_space<semaphore_mem>>)
      %dma_wait3A_147 = arith.constant 0 : i32
      %dma_wait3A_148 = arith.constant 0 : i32
      %dma_wait3A_149 = tpu.memref_slice %arg3[%arg1, %dma_wait3A_147, %dma_wait3A_148] : memref<16x250x80xi32, #tpu.memory_space<hbm>> -> memref<1x250x80xi32, #tpu.memory_space<hbm>>
      %dma_wait3A_150 = tpu.memref_squeeze %dma_wait3A_149 : memref<1x250x80xi32, #tpu.memory_space<hbm>> -> memref<250x80xi32, #tpu.memory_space<hbm>>
      %dma_wait3A_151 = arith.constant 0 : i32
      %dma_wait3A_152 = arith.constant 0 : i32
      %dma_wait3A_153 = tpu.memref_slice %arg3[%arg1, %dma_wait3A_151, %dma_wait3A_152] : memref<16x250x80xi32, #tpu.memory_space<hbm>> -> memref<1x250x80xi32, #tpu.memory_space<hbm>>
      %dma_wait3A_154 = tpu.memref_squeeze %dma_wait3A_153 : memref<1x250x80xi32, #tpu.memory_space<hbm>> -> memref<250x80xi32, #tpu.memory_space<hbm>>
      tpu.wait_dma2 semaphore(%run_scoped3A_138 : memref<!tpu.dma_semaphore, #tpu.memory_space<semaphore_mem>>) src(%dma_wait3A_154 : memref<250x80xi32, #tpu.memory_space<hbm>>) dst(%arg10 : memref<250x80xi32, #tpu.memory_space<vmem>>)
      tpu.yield
    }) : () -> ()
    %iota3A = tpu.iota {dimensions = array<i32: 0>} : vector<16xi32>
    %scan3A = arith.constant 0 : i32
    %scan3A_1 = arith.constant 0 : i32
    %scan3A_2 = arith.constant 250 : i32
    %scan3A_3 = arith.addi %scan3A_1, %scan3A_2 : i32
    %scan3A_4 = arith.constant 1 : i32
    %scan3A_5 = scf.for %scan3A_138 = %scan3A_1 to %scan3A_3 step %scan3A_4 iter_args(%scan3A_139 = %scan3A) -> (i32)  : i32 {
      %get3A = arith.index_cast %scan3A_138 : i32 to index
      %get3A_140 = arith.constant 0 : index
      %get3A_141 = tpu.vector_load %arg10[%get3A, %get3A_140] {strides = array<i32>} : memref<250x80xi32, #tpu.memory_space<vmem>>, vector<1x16xi32>,
      %get3A_142 = vector.shape_cast %get3A_141 : vector<1x16xi32> to vector<16xi32>
      %sub3A = vector.broadcast %mul3A_0 : i32 to vector<16xi32>
      %sub3A_143 = arith.subi %get3A_142, %sub3A : vector<16xi32>
      %ge3A = arith.constant 0 : i32
      %ge3A_144 = vector.broadcast %ge3A : i32 to vector<16xi32>
      %ge3A_145 = arith.cmpi sge, %sub3A_143, %ge3A_144 : vector<16xi32>
      %lt3A_146 = arith.constant 5000 : i32
      %lt3A_147 = vector.broadcast %lt3A_146 : i32 to vector<16xi32>
      %lt3A_148 = arith.cmpi slt, %sub3A_143, %lt3A_147 : vector<16xi32>
      %and3A = arith.andi %ge3A_145, %lt3A_148 : vector<16xi1>
      %add3A = arith.addi %get3A_142, %iota3A : vector<16xi32>
      %and3A_149 = arith.constant 31 : i32
      %and3A_150 = vector.broadcast %and3A_149 : i32 to vector<16xi32>
      %and3A_151 = arith.andi %add3A, %and3A_150 : vector<16xi32>
      %add3A_152 = arith.constant 5000 : i32
      %add3A_153 = vector.broadcast %add3A_152 : i32 to vector<16xi32>
      %add3A_154 = arith.addi %add3A_153, %and3A_151 : vector<16xi32>
      %select_n3A = arith.select %and3A, %sub3A_143, %add3A_154 : vector<16xi1>, vector<16xi32>
      %swap3A = arith.index_cast %scan3A_138 : i32 to index
      %swap3A_155 = arith.constant 0 : index
      %swap3A_156 = tpu.vector_load %arg10[%swap3A, %swap3A_155] {strides = array<i32>} : memref<250x80xi32, #tpu.memory_space<vmem>>, vector<1x16xi32>,
      %swap3A_157 = vector.shape_cast %swap3A_156 : vector<1x16xi32> to vector<16xi32>
      %swap3A_158 = vector.shape_cast %select_n3A : vector<16xi32> to vector<1x16xi32>
      tpu.vector_store %arg10[%swap3A, %swap3A_155], %swap3A_158 {strides = array<i32>} : memref<250x80xi32, #tpu.memory_space<vmem>>, vector<1x16xi32>,
      %get3A_159 = arith.index_cast %scan3A_138 : i32 to index
      %get3A_160 = arith.constant 16 : index
      %get3A_161 = tpu.vector_load %arg10[%get3A_159, %get3A_160] {strides = array<i32>} : memref<250x80xi32, #tpu.memory_space<vmem>>, vector<1x16xi32>,
      %get3A_162 = vector.shape_cast %get3A_161 : vector<1x16xi32> to vector<16xi32>
      %sub3A_163 = vector.broadcast %mul3A_0 : i32 to vector<16xi32>
      %sub3A_164 = arith.subi %get3A_162, %sub3A_163 : vector<16xi32>
      %ge3A_165 = arith.constant 0 : i32
      %ge3A_166 = vector.broadcast %ge3A_165 : i32 to vector<16xi32>
      %ge3A_167 = arith.cmpi sge, %sub3A_164, %ge3A_166 : vector<16xi32>
      %lt3A_168 = arith.constant 5000 : i32
      %lt3A_169 = vector.broadcast %lt3A_168 : i32 to vector<16xi32>
      %lt3A_170 = arith.cmpi slt, %sub3A_164, %lt3A_169 : vector<16xi32>
      %and3A_171 = arith.andi %ge3A_167, %lt3A_170 : vector<16xi1>
      %add3A_172 = arith.addi %get3A_162, %iota3A : vector<16xi32>
      %and3A_173 = arith.constant 31 : i32
      %and3A_174 = vector.broadcast %and3A_173 : i32 to vector<16xi32>
      %and3A_175 = arith.andi %add3A_172, %and3A_174 : vector<16xi32>
      %add3A_176 = arith.constant 5000 : i32
      %add3A_177 = vector.broadcast %add3A_176 : i32 to vector<16xi32>
      %add3A_178 = arith.addi %add3A_177, %and3A_175 : vector<16xi32>
      %select_n3A_179 = arith.select %and3A_171, %sub3A_164, %add3A_178 : vector<16xi1>, vector<16xi32>
      %swap3A_180 = arith.index_cast %scan3A_138 : i32 to index
      %swap3A_181 = arith.constant 16 : index
      %swap3A_182 = tpu.vector_load %arg10[%swap3A_180, %swap3A_181] {strides = array<i32>} : memref<250x80xi32, #tpu.memory_space<vmem>>, vector<1x16xi32>,
      %swap3A_183 = vector.shape_cast %swap3A_182 : vector<1x16xi32> to vector<16xi32>
      %swap3A_184 = vector.shape_cast %select_n3A_179 : vector<16xi32> to vector<1x16xi32>
      tpu.vector_store %arg10[%swap3A_180, %swap3A_181], %swap3A_184 {strides = array<i32>} : memref<250x80xi32, #tpu.memory_space<vmem>>, vector<1x16xi32>,
      %get3A_185 = arith.index_cast %scan3A_138 : i32 to index
      %get3A_186 = arith.constant 32 : index
      %get3A_187 = tpu.vector_load %arg10[%get3A_185, %get3A_186] {strides = array<i32>} : memref<250x80xi32, #tpu.memory_space<vmem>>, vector<1x16xi32>,
      %get3A_188 = vector.shape_cast %get3A_187 : vector<1x16xi32> to vector<16xi32>
      %sub3A_189 = vector.broadcast %mul3A_0 : i32 to vector<16xi32>
      %sub3A_190 = arith.subi %get3A_188, %sub3A_189 : vector<16xi32>
      %ge3A_191 = arith.constant 0 : i32
      %ge3A_192 = vector.broadcast %ge3A_191 : i32 to vector<16xi32>
      %ge3A_193 = arith.cmpi sge, %sub3A_190, %ge3A_192 : vector<16xi32>
      %lt3A_194 = arith.constant 5000 : i32
      %lt3A_195 = vector.broadcast %lt3A_194 : i32 to vector<16xi32>
      %lt3A_196 = arith.cmpi slt, %sub3A_190, %lt3A_195 : vector<16xi32>
      %and3A_197 = arith.andi %ge3A_193, %lt3A_196 : vector<16xi1>
      %add3A_198 = arith.addi %get3A_188, %iota3A : vector<16xi32>
      %and3A_199 = arith.constant 31 : i32
      %and3A_200 = vector.broadcast %and3A_199 : i32 to vector<16xi32>
      %and3A_201 = arith.andi %add3A_198, %and3A_200 : vector<16xi32>
      %add3A_202 = arith.constant 5000 : i32
      %add3A_203 = vector.broadcast %add3A_202 : i32 to vector<16xi32>
      %add3A_204 = arith.addi %add3A_203, %and3A_201 : vector<16xi32>
      %select_n3A_205 = arith.select %and3A_197, %sub3A_190, %add3A_204 : vector<16xi1>, vector<16xi32>
      %swap3A_206 = arith.index_cast %scan3A_138 : i32 to index
      %swap3A_207 = arith.constant 32 : index
      %swap3A_208 = tpu.vector_load %arg10[%swap3A_206, %swap3A_207] {strides = array<i32>} : memref<250x80xi32, #tpu.memory_space<vmem>>, vector<1x16xi32>,
      %swap3A_209 = vector.shape_cast %swap3A_208 : vector<1x16xi32> to vector<16xi32>
      %swap3A_210 = vector.shape_cast %select_n3A_205 : vector<16xi32> to vector<1x16xi32>
      tpu.vector_store %arg10[%swap3A_206, %swap3A_207], %swap3A_210 {strides = array<i32>} : memref<250x80xi32, #tpu.memory_space<vmem>>, vector<1x16xi32>,
      %get3A_211 = arith.index_cast %scan3A_138 : i32 to index
      %get3A_212 = arith.constant 48 : index
      %get3A_213 = tpu.vector_load %arg10[%get3A_211, %get3A_212] {strides = array<i32>} : memref<250x80xi32, #tpu.memory_space<vmem>>, vector<1x16xi32>,
      %get3A_214 = vector.shape_cast %get3A_213 : vector<1x16xi32> to vector<16xi32>
      %sub3A_215 = vector.broadcast %mul3A_0 : i32 to vector<16xi32>
      %sub3A_216 = arith.subi %get3A_214, %sub3A_215 : vector<16xi32>
      %ge3A_217 = arith.constant 0 : i32
      %ge3A_218 = vector.broadcast %ge3A_217 : i32 to vector<16xi32>
      %ge3A_219 = arith.cmpi sge, %sub3A_216, %ge3A_218 : vector<16xi32>
      %lt3A_220 = arith.constant 5000 : i32
      %lt3A_221 = vector.broadcast %lt3A_220 : i32 to vector<16xi32>
      %lt3A_222 = arith.cmpi slt, %sub3A_216, %lt3A_221 : vector<16xi32>
      %and3A_223 = arith.andi %ge3A_219, %lt3A_222 : vector<16xi1>
      %add3A_224 = arith.addi %get3A_214, %iota3A : vector<16xi32>
      %and3A_225 = arith.constant 31 : i32
      %and3A_226 = vector.broadcast %and3A_225 : i32 to vector<16xi32>
      %and3A_227 = arith.andi %add3A_224, %and3A_226 : vector<16xi32>
      %add3A_228 = arith.constant 5000 : i32
      %add3A_229 = vector.broadcast %add3A_228 : i32 to vector<16xi32>
      %add3A_230 = arith.addi %add3A_229, %and3A_227 : vector<16xi32>
      %select_n3A_231 = arith.select %and3A_223, %sub3A_216, %add3A_230 : vector<16xi1>, vector<16xi32>
      %swap3A_232 = arith.index_cast %scan3A_138 : i32 to index
      %swap3A_233 = arith.constant 48 : index
      %swap3A_234 = tpu.vector_load %arg10[%swap3A_232, %swap3A_233] {strides = array<i32>} : memref<250x80xi32, #tpu.memory_space<vmem>>, vector<1x16xi32>,
      %swap3A_235 = vector.shape_cast %swap3A_234 : vector<1x16xi32> to vector<16xi32>
      %swap3A_236 = vector.shape_cast %select_n3A_231 : vector<16xi32> to vector<1x16xi32>
      tpu.vector_store %arg10[%swap3A_232, %swap3A_233], %swap3A_236 {strides = array<i32>} : memref<250x80xi32, #tpu.memory_space<vmem>>, vector<1x16xi32>,
      %get3A_237 = arith.index_cast %scan3A_138 : i32 to index
      %get3A_238 = arith.constant 64 : index
      %get3A_239 = tpu.vector_load %arg10[%get3A_237, %get3A_238] {strides = array<i32>} : memref<250x80xi32, #tpu.memory_space<vmem>>, vector<1x16xi32>,
      %get3A_240 = vector.shape_cast %get3A_239 : vector<1x16xi32> to vector<16xi32>
      %sub3A_241 = vector.broadcast %mul3A_0 : i32 to vector<16xi32>
      %sub3A_242 = arith.subi %get3A_240, %sub3A_241 : vector<16xi32>
      %ge3A_243 = arith.constant 0 : i32
      %ge3A_244 = vector.broadcast %ge3A_243 : i32 to vector<16xi32>
      %ge3A_245 = arith.cmpi sge, %sub3A_242, %ge3A_244 : vector<16xi32>
      %lt3A_246 = arith.constant 5000 : i32
      %lt3A_247 = vector.broadcast %lt3A_246 : i32 to vector<16xi32>
      %lt3A_248 = arith.cmpi slt, %sub3A_242, %lt3A_247 : vector<16xi32>
      %and3A_249 = arith.andi %ge3A_245, %lt3A_248 : vector<16xi1>
      %add3A_250 = arith.addi %get3A_240, %iota3A : vector<16xi32>
      %and3A_251 = arith.constant 31 : i32
      %and3A_252 = vector.broadcast %and3A_251 : i32 to vector<16xi32>
      %and3A_253 = arith.andi %add3A_250, %and3A_252 : vector<16xi32>
      %add3A_254 = arith.constant 5000 : i32
      %add3A_255 = vector.broadcast %add3A_254 : i32 to vector<16xi32>
      %add3A_256 = arith.addi %add3A_255, %and3A_253 : vector<16xi32>
      %select_n3A_257 = arith.select %and3A_249, %sub3A_242, %add3A_256 : vector<16xi1>, vector<16xi32>
      %swap3A_258 = arith.index_cast %scan3A_138 : i32 to index
      %swap3A_259 = arith.constant 64 : index
      %swap3A_260 = tpu.vector_load %arg10[%swap3A_258, %swap3A_259] {strides = array<i32>} : memref<250x80xi32, #tpu.memory_space<vmem>>, vector<1x16xi32>,
      %swap3A_261 = vector.shape_cast %swap3A_260 : vector<1x16xi32> to vector<16xi32>
      %swap3A_262 = vector.shape_cast %select_n3A_257 : vector<16xi32> to vector<1x16xi32>
      tpu.vector_store %arg10[%swap3A_258, %swap3A_259], %swap3A_262 {strides = array<i32>} : memref<250x80xi32, #tpu.memory_space<vmem>>, vector<1x16xi32>,
      %scan3A_263 = arith.constant 0 : i32
      scf.yield %scan3A_263 : i32
    }
    %scan3A_6 = arith.constant 250 : i32
    %mul3A_7 = arith.constant 312 : i32
    %mul3A_8 = arith.muli %arg1, %mul3A_7 : i32
    %multiple_of3A = tpu.assume_multiple %mul3A_8, 8 : i32
    %mul3A_9 = arith.constant 312 : i32
    %mul3A_10 = arith.muli %arg1, %mul3A_9 : i32
    %multiple_of3A_11 = tpu.assume_multiple %mul3A_10, 8 : i32
    %lt3A = arith.constant 15 : i32
    %lt3A_12 = arith.cmpi slt, %arg1, %lt3A : i32
    %convert_element_type3A = arith.extui %lt3A_12 : i1 to i32
    %cond3A = arith.constant 0 : i32
    %cond3A_13 = arith.cmpi ne, %convert_element_type3A, %cond3A : i32
    scf.if %cond3A_13 {
      "tpu.region"() ({
        %run_scoped3A_138 = tpu.sem_alloc : memref<!tpu.dma_semaphore, #tpu.memory_space<semaphore_mem>>
        %dma_start3A_139 = arith.constant 0 : i32
        %dma_start3A_140 = tpu.memref_slice %arg13[%multiple_of3A, %dma_start3A_139] : memref<5040x128xf32, #tpu.memory_space<vmem_shared>> -> memref<312x128xf32, #tpu.memory_space<vmem_shared>>
        %dma_start3A_141 = arith.constant 0 : i32
        %dma_start3A_142 = arith.constant 0 : i32
        %dma_start3A_143 = tpu.memref_slice %arg4[%dma_start3A_141, %dma_start3A_142] : memref<360x128xf32, #tpu.memory_space<hbm>> -> memref<312x128xf32, #tpu.memory_space<hbm>>
        tpu.enqueue_dma source(%dma_start3A_143 : memref<312x128xf32, #tpu.memory_space<hbm>>) target(%dma_start3A_140 : memref<312x128xf32, #tpu.memory_space<vmem_shared>>) target_semaphore(%run_scoped3A_138 : memref<!tpu.dma_semaphore, #tpu.memory_space<semaphore_mem>>)
        %dma_wait3A_144 = arith.constant 0 : i32
        %dma_wait3A_145 = tpu.memref_slice %arg13[%multiple_of3A, %dma_wait3A_144] : memref<5040x128xf32, #tpu.memory_space<vmem_shared>> -> memref<312x128xf32, #tpu.memory_space<vmem_shared>>
        %dma_wait3A_146 = arith.constant 0 : i32
        %dma_wait3A_147 = arith.constant 0 : i32
        %dma_wait3A_148 = tpu.memref_slice %arg4[%dma_wait3A_146, %dma_wait3A_147] : memref<360x128xf32, #tpu.memory_space<hbm>> -> memref<312x128xf32, #tpu.memory_space<hbm>>
        tpu.wait_dma2 semaphore(%run_scoped3A_138 : memref<!tpu.dma_semaphore, #tpu.memory_space<semaphore_mem>>) src(%dma_wait3A_148 : memref<312x128xf32, #tpu.memory_space<hbm>>) dst(%dma_wait3A_145 : memref<312x128xf32, #tpu.memory_space<vmem_shared>>)
        tpu.yield
      }) : () -> ()
    } else {
    }
    %eq3A = arith.constant 15 : i32
    %eq3A_14 = arith.cmpi eq, %arg1, %eq3A : i32
    %convert_element_type3A_15 = arith.extui %eq3A_14 : i1 to i32
    %cond3A_16 = arith.constant 0 : i32
    %cond3A_17 = arith.cmpi ne, %convert_element_type3A_15, %cond3A_16 : i32
    scf.if %cond3A_17 {
      "tpu.region"() ({
        %run_scoped3A_138 = tpu.sem_alloc : memref<!tpu.dma_semaphore, #tpu.memory_space<semaphore_mem>>
        %dma_start3A_139 = arith.constant 4680 : i32
        %dma_start3A_140 = arith.constant 0 : i32
        %dma_start3A_141 = tpu.memref_slice %arg13[%dma_start3A_139, %dma_start3A_140] : memref<5040x128xf32, #tpu.memory_space<vmem_shared>> -> memref<360x128xf32, #tpu.memory_space<vmem_shared>>
        tpu.enqueue_dma source(%arg4 : memref<360x128xf32, #tpu.memory_space<hbm>>) target(%dma_start3A_141 : memref<360x128xf32, #tpu.memory_space<vmem_shared>>) target_semaphore(%run_scoped3A_138 : memref<!tpu.dma_semaphore, #tpu.memory_space<semaphore_mem>>)
        %dma_wait3A_142 = arith.constant 4680 : i32
        %dma_wait3A_143 = arith.constant 0 : i32
        %dma_wait3A_144 = tpu.memref_slice %arg13[%dma_wait3A_142, %dma_wait3A_143] : memref<5040x128xf32, #tpu.memory_space<vmem_shared>> -> memref<360x128xf32, #tpu.memory_space<vmem_shared>>
        tpu.wait_dma2 semaphore(%run_scoped3A_138 : memref<!tpu.dma_semaphore, #tpu.memory_space<semaphore_mem>>) src(%arg4 : memref<360x128xf32, #tpu.memory_space<hbm>>) dst(%dma_wait3A_144 : memref<360x128xf32, #tpu.memory_space<vmem_shared>>)
        tpu.yield
      }) : () -> ()
    } else {
    }
    %barrier3A = arith.constant 0 : index
    tpu.barrier barrier_id(%barrier3A)
    %dma_start3A = arith.constant 0 : i32
    %dma_start3A_18 = arith.constant 0 : i32
    %dma_start3A_19 = arith.constant 0 : i32
    %dma_start3A_20 = arith.constant 0 : i32
    %dma_start3A_21 = arith.constant 0 : i32
    %dma_start3A_22 = tpu.memref_slice %arg12[%dma_start3A_18, %dma_start3A_20, %dma_start3A_21] : memref<2x80x128xf32, #tpu.memory_space<vmem>> -> memref<1x80x128xf32, #tpu.memory_space<vmem>>
    %dma_start3A_23 = tpu.memref_squeeze %dma_start3A_22 : memref<1x80x128xf32, #tpu.memory_space<vmem>> -> memref<80x128xf32, #tpu.memory_space<vmem>>
    %dma_start3A_24 = arith.constant 0 : i32
    %dma_start3A_25 = tpu.memref_slice %arg9[%dma_start3A, %dma_start3A_24] : memref<250x80xi32, #tpu.memory_space<vmem>> -> memref<1x80xi32, #tpu.memory_space<vmem>>
    %dma_start3A_26 = tpu.memref_squeeze %dma_start3A_25 : memref<1x80xi32, #tpu.memory_space<vmem>> -> memref<80xi32, #tpu.memory_space<vmem>>
    %dma_start3A_27 = arith.constant 0 : i32
    %dma_start3A_28 = arith.constant 0 : i32
    %dma_start3A_29 = tpu.memref_slice %arg5[%dma_start3A_27, %dma_start3A_28] : memref<10000x128xf32, #tpu.memory_space<hbm>> -> memref<10000x128xf32, #tpu.memory_space<hbm>>
    %dma_start3A_30 = tpu.memref_slice %arg14[%dma_start3A_19] : memref<2x!tpu.dma_semaphore, #tpu.memory_space<semaphore_mem>> -> memref<1x!tpu.dma_semaphore, #tpu.memory_space<semaphore_mem>>
    %dma_start3A_31 = tpu.memref_squeeze %dma_start3A_30 : memref<1x!tpu.dma_semaphore, #tpu.memory_space<semaphore_mem>> -> memref<!tpu.dma_semaphore, #tpu.memory_space<semaphore_mem>>
    tpu.enqueue_indirect_dma source(%dma_start3A_29 : memref<10000x128xf32, #tpu.memory_space<hbm>>) target(%dma_start3A_23 : memref<80x128xf32, #tpu.memory_space<vmem>>) offsets(%dma_start3A_26 : memref<80xi32, #tpu.memory_space<vmem>>) semaphore(%dma_start3A_31 : memref<!tpu.dma_semaphore, #tpu.memory_space<semaphore_mem>>)
    %scan3A_32 = arith.constant 0 : i32
    %scan3A_33 = arith.constant 0 : i32
    %scan3A_34 = arith.constant 249 : i32
    %scan3A_35 = arith.addi %scan3A_33, %scan3A_34 : i32
    %scan3A_36 = arith.constant 1 : i32
    %scan3A_37 = scf.for %scan3A_138 = %scan3A_33 to %scan3A_35 step %scan3A_36 iter_args(%scan3A_139 = %scan3A_32) -> (i32)  : i32 {
      %add3A = arith.constant 1 : i32
      %add3A_140 = arith.addi %scan3A_138, %add3A : i32
      %add3A_141 = arith.constant 1 : i32
      %add3A_142 = arith.addi %scan3A_138, %add3A_141 : i32
      %rem3A_143 = arith.constant 2 : i32
      %rem3A_144 = arith.remsi %add3A_142, %rem3A_143 : i32
      %add3A_145 = arith.constant 1 : i32
      %add3A_146 = arith.addi %scan3A_138, %add3A_145 : i32
      %rem3A_147 = arith.constant 2 : i32
      %rem3A_148 = arith.remsi %add3A_146, %rem3A_147 : i32
      %dma_start3A_149 = arith.constant 0 : i32
      %dma_start3A_150 = arith.constant 0 : i32
      %dma_start3A_151 = tpu.memref_slice %arg12[%rem3A_144, %dma_start3A_149, %dma_start3A_150] : memref<2x80x128xf32, #tpu.memory_space<vmem>> -> memref<1x80x128xf32, #tpu.memory_space<vmem>>
      %dma_start3A_152 = tpu.memref_squeeze %dma_start3A_151 : memref<1x80x128xf32, #tpu.memory_space<vmem>> -> memref<80x128xf32, #tpu.memory_space<vmem>>
      %dma_start3A_153 = arith.constant 0 : i32
      %dma_start3A_154 = tpu.memref_slice %arg9[%add3A_140, %dma_start3A_153] : memref<250x80xi32, #tpu.memory_space<vmem>> -> memref<1x80xi32, #tpu.memory_space<vmem>>
      %dma_start3A_155 = tpu.memref_squeeze %dma_start3A_154 : memref<1x80xi32, #tpu.memory_space<vmem>> -> memref<80xi32, #tpu.memory_space<vmem>>
      %dma_start3A_156 = arith.constant 0 : i32
      %dma_start3A_157 = arith.constant 0 : i32
      %dma_start3A_158 = tpu.memref_slice %arg5[%dma_start3A_156, %dma_start3A_157] : memref<10000x128xf32, #tpu.memory_space<hbm>> -> memref<10000x128xf32, #tpu.memory_space<hbm>>
      %dma_start3A_159 = tpu.memref_slice %arg14[%rem3A_148] : memref<2x!tpu.dma_semaphore, #tpu.memory_space<semaphore_mem>> -> memref<1x!tpu.dma_semaphore, #tpu.memory_space<semaphore_mem>>
      %dma_start3A_160 = tpu.memref_squeeze %dma_start3A_159 : memref<1x!tpu.dma_semaphore, #tpu.memory_space<semaphore_mem>> -> memref<!tpu.dma_semaphore, #tpu.memory_space<semaphore_mem>>
      tpu.enqueue_indirect_dma source(%dma_start3A_158 : memref<10000x128xf32, #tpu.memory_space<hbm>>) target(%dma_start3A_152 : memref<80x128xf32, #tpu.memory_space<vmem>>) offsets(%dma_start3A_155 : memref<80xi32, #tpu.memory_space<vmem>>) semaphore(%dma_start3A_160 : memref<!tpu.dma_semaphore, #tpu.memory_space<semaphore_mem>>)
      %rem3A_161 = arith.constant 2 : i32
      %rem3A_162 = arith.remsi %scan3A_138, %rem3A_161 : i32
      %rem3A_163 = arith.constant 2 : i32
      %rem3A_164 = arith.remsi %scan3A_138, %rem3A_163 : i32
      %dma_wait3A_165 = arith.constant 0 : i32
      %dma_wait3A_166 = arith.constant 0 : i32
      %dma_wait3A_167 = tpu.memref_slice %arg12[%rem3A_162, %dma_wait3A_165, %dma_wait3A_166] : memref<2x80x128xf32, #tpu.memory_space<vmem>> -> memref<1x80x128xf32, #tpu.memory_space<vmem>>
      %dma_wait3A_168 = tpu.memref_squeeze %dma_wait3A_167 : memref<1x80x128xf32, #tpu.memory_space<vmem>> -> memref<80x128xf32, #tpu.memory_space<vmem>>
      %dma_wait3A_169 = arith.constant 0 : i32
      %dma_wait3A_170 = tpu.memref_slice %arg9[%scan3A_138, %dma_wait3A_169] : memref<250x80xi32, #tpu.memory_space<vmem>> -> memref<1x80xi32, #tpu.memory_space<vmem>>
      %dma_wait3A_171 = tpu.memref_squeeze %dma_wait3A_170 : memref<1x80xi32, #tpu.memory_space<vmem>> -> memref<80xi32, #tpu.memory_space<vmem>>
      %dma_wait3A_172 = arith.constant 0 : i32
      %dma_wait3A_173 = arith.constant 0 : i32
      %dma_wait3A_174 = tpu.memref_slice %arg5[%dma_wait3A_172, %dma_wait3A_173] : memref<10000x128xf32, #tpu.memory_space<hbm>> -> memref<10000x128xf32, #tpu.memory_space<hbm>>
      %dma_wait3A_175 = tpu.memref_slice %arg14[%rem3A_164] : memref<2x!tpu.dma_semaphore, #tpu.memory_space<semaphore_mem>> -> memref<1x!tpu.dma_semaphore, #tpu.memory_space<semaphore_mem>>
      %dma_wait3A_176 = tpu.memref_squeeze %dma_wait3A_175 : memref<1x!tpu.dma_semaphore, #tpu.memory_space<semaphore_mem>> -> memref<!tpu.dma_semaphore, #tpu.memory_space<semaphore_mem>>
      tpu.wait_indirect_dma semaphore(%dma_wait3A_176 : memref<!tpu.dma_semaphore, #tpu.memory_space<semaphore_mem>>) src(%dma_wait3A_174 : memref<10000x128xf32, #tpu.memory_space<hbm>>) dst(%dma_wait3A_168 : memref<80x128xf32, #tpu.memory_space<vmem>>)
      %rem3A_177 = arith.constant 2 : i32
      %rem3A_178 = arith.remsi %scan3A_138, %rem3A_177 : i32
      "tpu.region"() ({
        %run_scoped3A_180 = tpu.sem_alloc : memref<!tpu.dma_semaphore, #tpu.memory_space<semaphore_mem>>
        %dma_start3A_181 = arith.constant 0 : i32
        %dma_start3A_182 = arith.constant 0 : i32
        %dma_start3A_183 = tpu.memref_slice %arg12[%rem3A_178, %dma_start3A_181, %dma_start3A_182] : memref<2x80x128xf32, #tpu.memory_space<vmem>> -> memref<1x80x128xf32, #tpu.memory_space<vmem>>
        %dma_start3A_184 = tpu.memref_squeeze %dma_start3A_183 : memref<1x80x128xf32, #tpu.memory_space<vmem>> -> memref<80x128xf32, #tpu.memory_space<vmem>>
        %dma_start3A_185 = arith.constant 0 : i32
        %dma_start3A_186 = tpu.memref_slice %arg10[%scan3A_138, %dma_start3A_185] : memref<250x80xi32, #tpu.memory_space<vmem>> -> memref<1x80xi32, #tpu.memory_space<vmem>>
        %dma_start3A_187 = tpu.memref_squeeze %dma_start3A_186 : memref<1x80xi32, #tpu.memory_space<vmem>> -> memref<80xi32, #tpu.memory_space<vmem>>
        %dma_start3A_188 = arith.constant 0 : i32
        %dma_start3A_189 = arith.constant 0 : i32
        %dma_start3A_190 = tpu.memref_slice %arg13[%dma_start3A_188, %dma_start3A_189] : memref<5040x128xf32, #tpu.memory_space<vmem_shared>> -> memref<5040x128xf32, #tpu.memory_space<vmem_shared>>
        tpu.enqueue_indirect_dma source(%dma_start3A_184 : memref<80x128xf32, #tpu.memory_space<vmem>>) target(%dma_start3A_190 : memref<5040x128xf32, #tpu.memory_space<vmem_shared>>) offsets(%dma_start3A_187 : memref<80xi32, #tpu.memory_space<vmem>>) semaphore(%run_scoped3A_180 : memref<!tpu.dma_semaphore, #tpu.memory_space<semaphore_mem>>) {add = true}
        %dma_wait3A_191 = arith.constant 0 : i32
        %dma_wait3A_192 = arith.constant 0 : i32
        %dma_wait3A_193 = tpu.memref_slice %arg12[%rem3A_178, %dma_wait3A_191, %dma_wait3A_192] : memref<2x80x128xf32, #tpu.memory_space<vmem>> -> memref<1x80x128xf32, #tpu.memory_space<vmem>>
        %dma_wait3A_194 = tpu.memref_squeeze %dma_wait3A_193 : memref<1x80x128xf32, #tpu.memory_space<vmem>> -> memref<80x128xf32, #tpu.memory_space<vmem>>
        %dma_wait3A_195 = arith.constant 0 : i32
        %dma_wait3A_196 = tpu.memref_slice %arg10[%scan3A_138, %dma_wait3A_195] : memref<250x80xi32, #tpu.memory_space<vmem>> -> memref<1x80xi32, #tpu.memory_space<vmem>>
        %dma_wait3A_197 = tpu.memref_squeeze %dma_wait3A_196 : memref<1x80xi32, #tpu.memory_space<vmem>> -> memref<80xi32, #tpu.memory_space<vmem>>
        %dma_wait3A_198 = arith.constant 0 : i32
        %dma_wait3A_199 = arith.constant 0 : i32
        %dma_wait3A_200 = tpu.memref_slice %arg13[%dma_wait3A_198, %dma_wait3A_199] : memref<5040x128xf32, #tpu.memory_space<vmem_shared>> -> memref<5040x128xf32, #tpu.memory_space<vmem_shared>>
        tpu.wait_indirect_dma semaphore(%run_scoped3A_180 : memref<!tpu.dma_semaphore, #tpu.memory_space<semaphore_mem>>) src(%dma_wait3A_194 : memref<80x128xf32, #tpu.memory_space<vmem>>) dst(%dma_wait3A_200 : memref<5040x128xf32, #tpu.memory_space<vmem_shared>>)
        tpu.yield
      }) : () -> ()
      %scan3A_179 = arith.constant 0 : i32
      scf.yield %scan3A_179 : i32
    }
    %scan3A_38 = arith.constant 249 : i32
    %rem3A = arith.constant 249 : i32
    %rem3A_39 = arith.constant 2 : i32
    %rem3A_40 = arith.remsi %rem3A, %rem3A_39 : i32
    %rem3A_41 = arith.constant 249 : i32
    %rem3A_42 = arith.constant 2 : i32
    %rem3A_43 = arith.remsi %rem3A_41, %rem3A_42 : i32
    %dma_wait3A = arith.constant 249 : i32
    %dma_wait3A_44 = arith.constant 0 : i32
    %dma_wait3A_45 = arith.constant 0 : i32
    %dma_wait3A_46 = tpu.memref_slice %arg12[%rem3A_40, %dma_wait3A_44, %dma_wait3A_45] : memref<2x80x128xf32, #tpu.memory_space<vmem>> -> memref<1x80x128xf32, #tpu.memory_space<vmem>>
    %dma_wait3A_47 = tpu.memref_squeeze %dma_wait3A_46 : memref<1x80x128xf32, #tpu.memory_space<vmem>> -> memref<80x128xf32, #tpu.memory_space<vmem>>
    %dma_wait3A_48 = arith.constant 0 : i32
    %dma_wait3A_49 = tpu.memref_slice %arg9[%dma_wait3A, %dma_wait3A_48] : memref<250x80xi32, #tpu.memory_space<vmem>> -> memref<1x80xi32, #tpu.memory_space<vmem>>
    %dma_wait3A_50 = tpu.memref_squeeze %dma_wait3A_49 : memref<1x80xi32, #tpu.memory_space<vmem>> -> memref<80xi32, #tpu.memory_space<vmem>>
    %dma_wait3A_51 = arith.constant 0 : i32
    %dma_wait3A_52 = arith.constant 0 : i32
    %dma_wait3A_53 = tpu.memref_slice %arg5[%dma_wait3A_51, %dma_wait3A_52] : memref<10000x128xf32, #tpu.memory_space<hbm>> -> memref<10000x128xf32, #tpu.memory_space<hbm>>
    %dma_wait3A_54 = tpu.memref_slice %arg14[%rem3A_43] : memref<2x!tpu.dma_semaphore, #tpu.memory_space<semaphore_mem>> -> memref<1x!tpu.dma_semaphore, #tpu.memory_space<semaphore_mem>>
    %dma_wait3A_55 = tpu.memref_squeeze %dma_wait3A_54 : memref<1x!tpu.dma_semaphore, #tpu.memory_space<semaphore_mem>> -> memref<!tpu.dma_semaphore, #tpu.memory_space<semaphore_mem>>
    tpu.wait_indirect_dma semaphore(%dma_wait3A_55 : memref<!tpu.dma_semaphore, #tpu.memory_space<semaphore_mem>>) src(%dma_wait3A_53 : memref<10000x128xf32, #tpu.memory_space<hbm>>) dst(%dma_wait3A_47 : memref<80x128xf32, #tpu.memory_space<vmem>>)
    %rem3A_56 = arith.constant 249 : i32
    %rem3A_57 = arith.constant 2 : i32
    %rem3A_58 = arith.remsi %rem3A_56, %rem3A_57 : i32
    %run_scoped3A = arith.constant 249 : i32
    "tpu.region"() ({
      %run_scoped3A_138 = tpu.sem_alloc : memref<!tpu.dma_semaphore, #tpu.memory_space<semaphore_mem>>
      %dma_start3A_139 = arith.constant 0 : i32
      %dma_start3A_140 = arith.constant 0 : i32
      %dma_start3A_141 = tpu.memref_slice %arg12[%rem3A_58, %dma_start3A_139, %dma_start3A_140] : memref<2x80x128xf32, #tpu.memory_space<vmem>> -> memref<1x80x128xf32, #tpu.memory_space<vmem>>
      %dma_start3A_142 = tpu.memref_squeeze %dma_start3A_141 : memref<1x80x128xf32, #tpu.memory_space<vmem>> -> memref<80x128xf32, #tpu.memory_space<vmem>>
      %dma_start3A_143 = arith.constant 0 : i32
      %dma_start3A_144 = tpu.memref_slice %arg10[%run_scoped3A, %dma_start3A_143] : memref<250x80xi32, #tpu.memory_space<vmem>> -> memref<1x80xi32, #tpu.memory_space<vmem>>
      %dma_start3A_145 = tpu.memref_squeeze %dma_start3A_144 : memref<1x80xi32, #tpu.memory_space<vmem>> -> memref<80xi32, #tpu.memory_space<vmem>>
      %dma_start3A_146 = arith.constant 0 : i32
      %dma_start3A_147 = arith.constant 0 : i32
      %dma_start3A_148 = tpu.memref_slice %arg13[%dma_start3A_146, %dma_start3A_147] : memref<5040x128xf32, #tpu.memory_space<vmem_shared>> -> memref<5040x128xf32, #tpu.memory_space<vmem_shared>>
      tpu.enqueue_indirect_dma source(%dma_start3A_142 : memref<80x128xf32, #tpu.memory_space<vmem>>) target(%dma_start3A_148 : memref<5040x128xf32, #tpu.memory_space<vmem_shared>>) offsets(%dma_start3A_145 : memref<80xi32, #tpu.memory_space<vmem>>) semaphore(%run_scoped3A_138 : memref<!tpu.dma_semaphore, #tpu.memory_space<semaphore_mem>>) {add = true}
      %dma_wait3A_149 = arith.constant 0 : i32
      %dma_wait3A_150 = arith.constant 0 : i32
      %dma_wait3A_151 = tpu.memref_slice %arg12[%rem3A_58, %dma_wait3A_149, %dma_wait3A_150] : memref<2x80x128xf32, #tpu.memory_space<vmem>> -> memref<1x80x128xf32, #tpu.memory_space<vmem>>
      %dma_wait3A_152 = tpu.memref_squeeze %dma_wait3A_151 : memref<1x80x128xf32, #tpu.memory_space<vmem>> -> memref<80x128xf32, #tpu.memory_space<vmem>>
      %dma_wait3A_153 = arith.constant 0 : i32
      %dma_wait3A_154 = tpu.memref_slice %arg10[%run_scoped3A, %dma_wait3A_153] : memref<250x80xi32, #tpu.memory_space<vmem>> -> memref<1x80xi32, #tpu.memory_space<vmem>>
      %dma_wait3A_155 = tpu.memref_squeeze %dma_wait3A_154 : memref<1x80xi32, #tpu.memory_space<vmem>> -> memref<80xi32, #tpu.memory_space<vmem>>
      %dma_wait3A_156 = arith.constant 0 : i32
      %dma_wait3A_157 = arith.constant 0 : i32
      %dma_wait3A_158 = tpu.memref_slice %arg13[%dma_wait3A_156, %dma_wait3A_157] : memref<5040x128xf32, #tpu.memory_space<vmem_shared>> -> memref<5040x128xf32, #tpu.memory_space<vmem_shared>>
      tpu.wait_indirect_dma semaphore(%run_scoped3A_138 : memref<!tpu.dma_semaphore, #tpu.memory_space<semaphore_mem>>) src(%dma_wait3A_152 : memref<80x128xf32, #tpu.memory_space<vmem>>) dst(%dma_wait3A_158 : memref<5040x128xf32, #tpu.memory_space<vmem_shared>>)
      tpu.yield
    }) : () -> ()
    %barrier3A_59 = arith.constant 0 : index
    tpu.barrier barrier_id(%barrier3A_59)
    %lt3A_60 = arith.constant 15 : i32
    %lt3A_61 = arith.cmpi slt, %arg1, %lt3A_60 : i32
    %convert_element_type3A_62 = arith.extui %lt3A_61 : i1 to i32
    %cond3A_63 = arith.constant 0 : i32
    %cond3A_64 = arith.cmpi ne, %convert_element_type3A_62, %cond3A_63 : i32
    scf.if %cond3A_64 {
      %add3A = arith.addi %mul3A_0, %multiple_of3A_11 : i32
      "tpu.region"() ({
        %run_scoped3A_138 = tpu.sem_alloc : memref<!tpu.dma_semaphore, #tpu.memory_space<semaphore_mem>>
        %dma_start3A_139 = arith.constant 0 : i32
        %dma_start3A_140 = tpu.memref_slice %arg7[%add3A, %dma_start3A_139] : memref<10000x128xf32, #tpu.memory_space<hbm>> -> memref<312x128xf32, #tpu.memory_space<hbm>>
        %dma_start3A_141 = arith.constant 0 : i32
        %dma_start3A_142 = tpu.memref_slice %arg13[%multiple_of3A_11, %dma_start3A_141] : memref<5040x128xf32, #tpu.memory_space<vmem_shared>> -> memref<312x128xf32, #tpu.memory_space<vmem_shared>>
        tpu.enqueue_dma source(%dma_start3A_142 : memref<312x128xf32, #tpu.memory_space<vmem_shared>>) target(%dma_start3A_140 : memref<312x128xf32, #tpu.memory_space<hbm>>) target_semaphore(%run_scoped3A_138 : memref<!tpu.dma_semaphore, #tpu.memory_space<semaphore_mem>>)
        %dma_wait3A_143 = arith.constant 0 : i32
        %dma_wait3A_144 = tpu.memref_slice %arg7[%add3A, %dma_wait3A_143] : memref<10000x128xf32, #tpu.memory_space<hbm>> -> memref<312x128xf32, #tpu.memory_space<hbm>>
        %dma_wait3A_145 = arith.constant 0 : i32
        %dma_wait3A_146 = tpu.memref_slice %arg13[%multiple_of3A_11, %dma_wait3A_145] : memref<5040x128xf32, #tpu.memory_space<vmem_shared>> -> memref<312x128xf32, #tpu.memory_space<vmem_shared>>
        tpu.wait_dma2 semaphore(%run_scoped3A_138 : memref<!tpu.dma_semaphore, #tpu.memory_space<semaphore_mem>>) src(%dma_wait3A_146 : memref<312x128xf32, #tpu.memory_space<vmem_shared>>) dst(%dma_wait3A_144 : memref<312x128xf32, #tpu.memory_space<hbm>>)
        tpu.yield
      }) : () -> ()
    } else {
    }
    %eq3A_65 = arith.constant 15 : i32
    %eq3A_66 = arith.cmpi eq, %arg1, %eq3A_65 : i32
    %convert_element_type3A_67 = arith.extui %eq3A_66 : i1 to i32
    %cond3A_68 = arith.constant 0 : i32
    %cond3A_69 = arith.cmpi ne, %convert_element_type3A_67, %cond3A_68 : i32
    scf.if %cond3A_69 {
      %add3A = arith.constant 4680 : i32
      %add3A_138 = arith.addi %mul3A_0, %add3A : i32
      "tpu.region"() ({
        %run_scoped3A_139 = tpu.sem_alloc : memref<!tpu.dma_semaphore, #tpu.memory_space<semaphore_mem>>
        %dma_start3A_140 = arith.constant 0 : i32
        %dma_start3A_141 = tpu.memref_slice %arg7[%add3A_138, %dma_start3A_140] : memref<10000x128xf32, #tpu.memory_space<hbm>> -> memref<320x128xf32, #tpu.memory_space<hbm>>
        %dma_start3A_142 = arith.constant 4680 : i32
        %dma_start3A_143 = arith.constant 0 : i32
        %dma_start3A_144 = tpu.memref_slice %arg13[%dma_start3A_142, %dma_start3A_143] : memref<5040x128xf32, #tpu.memory_space<vmem_shared>> -> memref<320x128xf32, #tpu.memory_space<vmem_shared>>
        tpu.enqueue_dma source(%dma_start3A_144 : memref<320x128xf32, #tpu.memory_space<vmem_shared>>) target(%dma_start3A_141 : memref<320x128xf32, #tpu.memory_space<hbm>>) target_semaphore(%run_scoped3A_139 : memref<!tpu.dma_semaphore, #tpu.memory_space<semaphore_mem>>)
        %dma_wait3A_145 = arith.constant 0 : i32
        %dma_wait3A_146 = tpu.memref_slice %arg7[%add3A_138, %dma_wait3A_145] : memref<10000x128xf32, #tpu.memory_space<hbm>> -> memref<320x128xf32, #tpu.memory_space<hbm>>
        %dma_wait3A_147 = arith.constant 4680 : i32
        %dma_wait3A_148 = arith.constant 0 : i32
        %dma_wait3A_149 = tpu.memref_slice %arg13[%dma_wait3A_147, %dma_wait3A_148] : memref<5040x128xf32, #tpu.memory_space<vmem_shared>> -> memref<320x128xf32, #tpu.memory_space<vmem_shared>>
        tpu.wait_dma2 semaphore(%run_scoped3A_139 : memref<!tpu.dma_semaphore, #tpu.memory_space<semaphore_mem>>) src(%dma_wait3A_149 : memref<320x128xf32, #tpu.memory_space<vmem_shared>>) dst(%dma_wait3A_146 : memref<320x128xf32, #tpu.memory_space<hbm>>)
        tpu.yield
      }) : () -> ()
    } else {
    }
    %barrier3A_70 = arith.constant 0 : index
    tpu.barrier barrier_id(%barrier3A_70)
    %lt3A_71 = arith.constant 15 : i32
    %lt3A_72 = arith.cmpi slt, %arg1, %lt3A_71 : i32
    %convert_element_type3A_73 = arith.extui %lt3A_72 : i1 to i32
    %cond3A_74 = arith.constant 0 : i32
    %cond3A_75 = arith.cmpi ne, %convert_element_type3A_73, %cond3A_74 : i32
    scf.if %cond3A_75 {
      "tpu.region"() ({
        %run_scoped3A_138 = tpu.sem_alloc : memref<!tpu.dma_semaphore, #tpu.memory_space<semaphore_mem>>
        %dma_start3A_139 = arith.constant 0 : i32
        %dma_start3A_140 = tpu.memref_slice %arg13[%multiple_of3A, %dma_start3A_139] : memref<5040x128xf32, #tpu.memory_space<vmem_shared>> -> memref<312x128xf32, #tpu.memory_space<vmem_shared>>
        %dma_start3A_141 = arith.constant 0 : i32
        %dma_start3A_142 = arith.constant 0 : i32
        %dma_start3A_143 = tpu.memref_slice %arg4[%dma_start3A_141, %dma_start3A_142] : memref<360x128xf32, #tpu.memory_space<hbm>> -> memref<312x128xf32, #tpu.memory_space<hbm>>
        tpu.enqueue_dma source(%dma_start3A_143 : memref<312x128xf32, #tpu.memory_space<hbm>>) target(%dma_start3A_140 : memref<312x128xf32, #tpu.memory_space<vmem_shared>>) target_semaphore(%run_scoped3A_138 : memref<!tpu.dma_semaphore, #tpu.memory_space<semaphore_mem>>)
        %dma_wait3A_144 = arith.constant 0 : i32
        %dma_wait3A_145 = tpu.memref_slice %arg13[%multiple_of3A, %dma_wait3A_144] : memref<5040x128xf32, #tpu.memory_space<vmem_shared>> -> memref<312x128xf32, #tpu.memory_space<vmem_shared>>
        %dma_wait3A_146 = arith.constant 0 : i32
        %dma_wait3A_147 = arith.constant 0 : i32
        %dma_wait3A_148 = tpu.memref_slice %arg4[%dma_wait3A_146, %dma_wait3A_147] : memref<360x128xf32, #tpu.memory_space<hbm>> -> memref<312x128xf32, #tpu.memory_space<hbm>>
        tpu.wait_dma2 semaphore(%run_scoped3A_138 : memref<!tpu.dma_semaphore, #tpu.memory_space<semaphore_mem>>) src(%dma_wait3A_148 : memref<312x128xf32, #tpu.memory_space<hbm>>) dst(%dma_wait3A_145 : memref<312x128xf32, #tpu.memory_space<vmem_shared>>)
        tpu.yield
      }) : () -> ()
    } else {
    }
    %eq3A_76 = arith.constant 15 : i32
    %eq3A_77 = arith.cmpi eq, %arg1, %eq3A_76 : i32
    %convert_element_type3A_78 = arith.extui %eq3A_77 : i1 to i32
    %cond3A_79 = arith.constant 0 : i32
    %cond3A_80 = arith.cmpi ne, %convert_element_type3A_78, %cond3A_79 : i32
    scf.if %cond3A_80 {
      "tpu.region"() ({
        %run_scoped3A_138 = tpu.sem_alloc : memref<!tpu.dma_semaphore, #tpu.memory_space<semaphore_mem>>
        %dma_start3A_139 = arith.constant 4680 : i32
        %dma_start3A_140 = arith.constant 0 : i32
        %dma_start3A_141 = tpu.memref_slice %arg13[%dma_start3A_139, %dma_start3A_140] : memref<5040x128xf32, #tpu.memory_space<vmem_shared>> -> memref<360x128xf32, #tpu.memory_space<vmem_shared>>
        tpu.enqueue_dma source(%arg4 : memref<360x128xf32, #tpu.memory_space<hbm>>) target(%dma_start3A_141 : memref<360x128xf32, #tpu.memory_space<vmem_shared>>) target_semaphore(%run_scoped3A_138 : memref<!tpu.dma_semaphore, #tpu.memory_space<semaphore_mem>>)
        %dma_wait3A_142 = arith.constant 4680 : i32
        %dma_wait3A_143 = arith.constant 0 : i32
        %dma_wait3A_144 = tpu.memref_slice %arg13[%dma_wait3A_142, %dma_wait3A_143] : memref<5040x128xf32, #tpu.memory_space<vmem_shared>> -> memref<360x128xf32, #tpu.memory_space<vmem_shared>>
        tpu.wait_dma2 semaphore(%run_scoped3A_138 : memref<!tpu.dma_semaphore, #tpu.memory_space<semaphore_mem>>) src(%arg4 : memref<360x128xf32, #tpu.memory_space<hbm>>) dst(%dma_wait3A_144 : memref<360x128xf32, #tpu.memory_space<vmem_shared>>)
        tpu.yield
      }) : () -> ()
    } else {
    }
    %barrier3A_81 = arith.constant 0 : index
    tpu.barrier barrier_id(%barrier3A_81)
    %dma_start3A_82 = arith.constant 0 : i32
    %dma_start3A_83 = arith.constant 0 : i32
    %dma_start3A_84 = arith.constant 0 : i32
    %dma_start3A_85 = arith.constant 0 : i32
    %dma_start3A_86 = arith.constant 0 : i32
    %dma_start3A_87 = tpu.memref_slice %arg12[%dma_start3A_83, %dma_start3A_85, %dma_start3A_86] : memref<2x80x128xf32, #tpu.memory_space<vmem>> -> memref<1x80x128xf32, #tpu.memory_space<vmem>>
    %dma_start3A_88 = tpu.memref_squeeze %dma_start3A_87 : memref<1x80x128xf32, #tpu.memory_space<vmem>> -> memref<80x128xf32, #tpu.memory_space<vmem>>
    %dma_start3A_89 = arith.constant 0 : i32
    %dma_start3A_90 = tpu.memref_slice %arg9[%dma_start3A_82, %dma_start3A_89] : memref<250x80xi32, #tpu.memory_space<vmem>> -> memref<1x80xi32, #tpu.memory_space<vmem>>
    %dma_start3A_91 = tpu.memref_squeeze %dma_start3A_90 : memref<1x80xi32, #tpu.memory_space<vmem>> -> memref<80xi32, #tpu.memory_space<vmem>>
    %dma_start3A_92 = arith.constant 0 : i32
    %dma_start3A_93 = arith.constant 0 : i32
    %dma_start3A_94 = tpu.memref_slice %arg6[%dma_start3A_92, %dma_start3A_93] : memref<10000x128xf32, #tpu.memory_space<hbm>> -> memref<10000x128xf32, #tpu.memory_space<hbm>>
    %dma_start3A_95 = tpu.memref_slice %arg14[%dma_start3A_84] : memref<2x!tpu.dma_semaphore, #tpu.memory_space<semaphore_mem>> -> memref<1x!tpu.dma_semaphore, #tpu.memory_space<semaphore_mem>>
    %dma_start3A_96 = tpu.memref_squeeze %dma_start3A_95 : memref<1x!tpu.dma_semaphore, #tpu.memory_space<semaphore_mem>> -> memref<!tpu.dma_semaphore, #tpu.memory_space<semaphore_mem>>
    tpu.enqueue_indirect_dma source(%dma_start3A_94 : memref<10000x128xf32, #tpu.memory_space<hbm>>) target(%dma_start3A_88 : memref<80x128xf32, #tpu.memory_space<vmem>>) offsets(%dma_start3A_91 : memref<80xi32, #tpu.memory_space<vmem>>) semaphore(%dma_start3A_96 : memref<!tpu.dma_semaphore, #tpu.memory_space<semaphore_mem>>)
    %scan3A_97 = arith.constant 0 : i32
    %scan3A_98 = arith.constant 0 : i32
    %scan3A_99 = arith.constant 249 : i32
    %scan3A_100 = arith.addi %scan3A_98, %scan3A_99 : i32
    %scan3A_101 = arith.constant 1 : i32
    %scan3A_102 = scf.for %scan3A_138 = %scan3A_98 to %scan3A_100 step %scan3A_101 iter_args(%scan3A_139 = %scan3A_97) -> (i32)  : i32 {
      %add3A = arith.constant 1 : i32
      %add3A_140 = arith.addi %scan3A_138, %add3A : i32
      %add3A_141 = arith.constant 1 : i32
      %add3A_142 = arith.addi %scan3A_138, %add3A_141 : i32
      %rem3A_143 = arith.constant 2 : i32
      %rem3A_144 = arith.remsi %add3A_142, %rem3A_143 : i32
      %add3A_145 = arith.constant 1 : i32
      %add3A_146 = arith.addi %scan3A_138, %add3A_145 : i32
      %rem3A_147 = arith.constant 2 : i32
      %rem3A_148 = arith.remsi %add3A_146, %rem3A_147 : i32
      %dma_start3A_149 = arith.constant 0 : i32
      %dma_start3A_150 = arith.constant 0 : i32
      %dma_start3A_151 = tpu.memref_slice %arg12[%rem3A_144, %dma_start3A_149, %dma_start3A_150] : memref<2x80x128xf32, #tpu.memory_space<vmem>> -> memref<1x80x128xf32, #tpu.memory_space<vmem>>
      %dma_start3A_152 = tpu.memref_squeeze %dma_start3A_151 : memref<1x80x128xf32, #tpu.memory_space<vmem>> -> memref<80x128xf32, #tpu.memory_space<vmem>>
      %dma_start3A_153 = arith.constant 0 : i32
      %dma_start3A_154 = tpu.memref_slice %arg9[%add3A_140, %dma_start3A_153] : memref<250x80xi32, #tpu.memory_space<vmem>> -> memref<1x80xi32, #tpu.memory_space<vmem>>
      %dma_start3A_155 = tpu.memref_squeeze %dma_start3A_154 : memref<1x80xi32, #tpu.memory_space<vmem>> -> memref<80xi32, #tpu.memory_space<vmem>>
      %dma_start3A_156 = arith.constant 0 : i32
      %dma_start3A_157 = arith.constant 0 : i32
      %dma_start3A_158 = tpu.memref_slice %arg6[%dma_start3A_156, %dma_start3A_157] : memref<10000x128xf32, #tpu.memory_space<hbm>> -> memref<10000x128xf32, #tpu.memory_space<hbm>>
      %dma_start3A_159 = tpu.memref_slice %arg14[%rem3A_148] : memref<2x!tpu.dma_semaphore, #tpu.memory_space<semaphore_mem>> -> memref<1x!tpu.dma_semaphore, #tpu.memory_space<semaphore_mem>>
      %dma_start3A_160 = tpu.memref_squeeze %dma_start3A_159 : memref<1x!tpu.dma_semaphore, #tpu.memory_space<semaphore_mem>> -> memref<!tpu.dma_semaphore, #tpu.memory_space<semaphore_mem>>
      tpu.enqueue_indirect_dma source(%dma_start3A_158 : memref<10000x128xf32, #tpu.memory_space<hbm>>) target(%dma_start3A_152 : memref<80x128xf32, #tpu.memory_space<vmem>>) offsets(%dma_start3A_155 : memref<80xi32, #tpu.memory_space<vmem>>) semaphore(%dma_start3A_160 : memref<!tpu.dma_semaphore, #tpu.memory_space<semaphore_mem>>)
      %rem3A_161 = arith.constant 2 : i32
      %rem3A_162 = arith.remsi %scan3A_138, %rem3A_161 : i32
      %rem3A_163 = arith.constant 2 : i32
      %rem3A_164 = arith.remsi %scan3A_138, %rem3A_163 : i32
      %dma_wait3A_165 = arith.constant 0 : i32
      %dma_wait3A_166 = arith.constant 0 : i32
      %dma_wait3A_167 = tpu.memref_slice %arg12[%rem3A_162, %dma_wait3A_165, %dma_wait3A_166] : memref<2x80x128xf32, #tpu.memory_space<vmem>> -> memref<1x80x128xf32, #tpu.memory_space<vmem>>
      %dma_wait3A_168 = tpu.memref_squeeze %dma_wait3A_167 : memref<1x80x128xf32, #tpu.memory_space<vmem>> -> memref<80x128xf32, #tpu.memory_space<vmem>>
      %dma_wait3A_169 = arith.constant 0 : i32
      %dma_wait3A_170 = tpu.memref_slice %arg9[%scan3A_138, %dma_wait3A_169] : memref<250x80xi32, #tpu.memory_space<vmem>> -> memref<1x80xi32, #tpu.memory_space<vmem>>
      %dma_wait3A_171 = tpu.memref_squeeze %dma_wait3A_170 : memref<1x80xi32, #tpu.memory_space<vmem>> -> memref<80xi32, #tpu.memory_space<vmem>>
      %dma_wait3A_172 = arith.constant 0 : i32
      %dma_wait3A_173 = arith.constant 0 : i32
      %dma_wait3A_174 = tpu.memref_slice %arg6[%dma_wait3A_172, %dma_wait3A_173] : memref<10000x128xf32, #tpu.memory_space<hbm>> -> memref<10000x128xf32, #tpu.memory_space<hbm>>
      %dma_wait3A_175 = tpu.memref_slice %arg14[%rem3A_164] : memref<2x!tpu.dma_semaphore, #tpu.memory_space<semaphore_mem>> -> memref<1x!tpu.dma_semaphore, #tpu.memory_space<semaphore_mem>>
      %dma_wait3A_176 = tpu.memref_squeeze %dma_wait3A_175 : memref<1x!tpu.dma_semaphore, #tpu.memory_space<semaphore_mem>> -> memref<!tpu.dma_semaphore, #tpu.memory_space<semaphore_mem>>
      tpu.wait_indirect_dma semaphore(%dma_wait3A_176 : memref<!tpu.dma_semaphore, #tpu.memory_space<semaphore_mem>>) src(%dma_wait3A_174 : memref<10000x128xf32, #tpu.memory_space<hbm>>) dst(%dma_wait3A_168 : memref<80x128xf32, #tpu.memory_space<vmem>>)
      %rem3A_177 = arith.constant 2 : i32
      %rem3A_178 = arith.remsi %scan3A_138, %rem3A_177 : i32
      "tpu.region"() ({
        %run_scoped3A_180 = tpu.sem_alloc : memref<!tpu.dma_semaphore, #tpu.memory_space<semaphore_mem>>
        %dma_start3A_181 = arith.constant 0 : i32
        %dma_start3A_182 = arith.constant 0 : i32
        %dma_start3A_183 = tpu.memref_slice %arg12[%rem3A_178, %dma_start3A_181, %dma_start3A_182] : memref<2x80x128xf32, #tpu.memory_space<vmem>> -> memref<1x80x128xf32, #tpu.memory_space<vmem>>
        %dma_start3A_184 = tpu.memref_squeeze %dma_start3A_183 : memref<1x80x128xf32, #tpu.memory_space<vmem>> -> memref<80x128xf32, #tpu.memory_space<vmem>>
        %dma_start3A_185 = arith.constant 0 : i32
        %dma_start3A_186 = tpu.memref_slice %arg10[%scan3A_138, %dma_start3A_185] : memref<250x80xi32, #tpu.memory_space<vmem>> -> memref<1x80xi32, #tpu.memory_space<vmem>>
        %dma_start3A_187 = tpu.memref_squeeze %dma_start3A_186 : memref<1x80xi32, #tpu.memory_space<vmem>> -> memref<80xi32, #tpu.memory_space<vmem>>
        %dma_start3A_188 = arith.constant 0 : i32
        %dma_start3A_189 = arith.constant 0 : i32
        %dma_start3A_190 = tpu.memref_slice %arg13[%dma_start3A_188, %dma_start3A_189] : memref<5040x128xf32, #tpu.memory_space<vmem_shared>> -> memref<5040x128xf32, #tpu.memory_space<vmem_shared>>
        tpu.enqueue_indirect_dma source(%dma_start3A_184 : memref<80x128xf32, #tpu.memory_space<vmem>>) target(%dma_start3A_190 : memref<5040x128xf32, #tpu.memory_space<vmem_shared>>) offsets(%dma_start3A_187 : memref<80xi32, #tpu.memory_space<vmem>>) semaphore(%run_scoped3A_180 : memref<!tpu.dma_semaphore, #tpu.memory_space<semaphore_mem>>) {add = true}
        %dma_wait3A_191 = arith.constant 0 : i32
        %dma_wait3A_192 = arith.constant 0 : i32
        %dma_wait3A_193 = tpu.memref_slice %arg12[%rem3A_178, %dma_wait3A_191, %dma_wait3A_192] : memref<2x80x128xf32, #tpu.memory_space<vmem>> -> memref<1x80x128xf32, #tpu.memory_space<vmem>>
        %dma_wait3A_194 = tpu.memref_squeeze %dma_wait3A_193 : memref<1x80x128xf32, #tpu.memory_space<vmem>> -> memref<80x128xf32, #tpu.memory_space<vmem>>
        %dma_wait3A_195 = arith.constant 0 : i32
        %dma_wait3A_196 = tpu.memref_slice %arg10[%scan3A_138, %dma_wait3A_195] : memref<250x80xi32, #tpu.memory_space<vmem>> -> memref<1x80xi32, #tpu.memory_space<vmem>>
        %dma_wait3A_197 = tpu.memref_squeeze %dma_wait3A_196 : memref<1x80xi32, #tpu.memory_space<vmem>> -> memref<80xi32, #tpu.memory_space<vmem>>
        %dma_wait3A_198 = arith.constant 0 : i32
        %dma_wait3A_199 = arith.constant 0 : i32
        %dma_wait3A_200 = tpu.memref_slice %arg13[%dma_wait3A_198, %dma_wait3A_199] : memref<5040x128xf32, #tpu.memory_space<vmem_shared>> -> memref<5040x128xf32, #tpu.memory_space<vmem_shared>>
        tpu.wait_indirect_dma semaphore(%run_scoped3A_180 : memref<!tpu.dma_semaphore, #tpu.memory_space<semaphore_mem>>) src(%dma_wait3A_194 : memref<80x128xf32, #tpu.memory_space<vmem>>) dst(%dma_wait3A_200 : memref<5040x128xf32, #tpu.memory_space<vmem_shared>>)
        tpu.yield
      }) : () -> ()
      %scan3A_179 = arith.constant 0 : i32
      scf.yield %scan3A_179 : i32
    }
    %scan3A_103 = arith.constant 249 : i32
    %rem3A_104 = arith.constant 249 : i32
    %rem3A_105 = arith.constant 2 : i32
    %rem3A_106 = arith.remsi %rem3A_104, %rem3A_105 : i32
    %rem3A_107 = arith.constant 249 : i32
    %rem3A_108 = arith.constant 2 : i32
    %rem3A_109 = arith.remsi %rem3A_107, %rem3A_108 : i32
    %dma_wait3A_110 = arith.constant 249 : i32
    %dma_wait3A_111 = arith.constant 0 : i32
    %dma_wait3A_112 = arith.constant 0 : i32
    %dma_wait3A_113 = tpu.memref_slice %arg12[%rem3A_106, %dma_wait3A_111, %dma_wait3A_112] : memref<2x80x128xf32, #tpu.memory_space<vmem>> -> memref<1x80x128xf32, #tpu.memory_space<vmem>>
    %dma_wait3A_114 = tpu.memref_squeeze %dma_wait3A_113 : memref<1x80x128xf32, #tpu.memory_space<vmem>> -> memref<80x128xf32, #tpu.memory_space<vmem>>
    %dma_wait3A_115 = arith.constant 0 : i32
    %dma_wait3A_116 = tpu.memref_slice %arg9[%dma_wait3A_110, %dma_wait3A_115] : memref<250x80xi32, #tpu.memory_space<vmem>> -> memref<1x80xi32, #tpu.memory_space<vmem>>
    %dma_wait3A_117 = tpu.memref_squeeze %dma_wait3A_116 : memref<1x80xi32, #tpu.memory_space<vmem>> -> memref<80xi32, #tpu.memory_space<vmem>>
    %dma_wait3A_118 = arith.constant 0 : i32
    %dma_wait3A_119 = arith.constant 0 : i32
    %dma_wait3A_120 = tpu.memref_slice %arg6[%dma_wait3A_118, %dma_wait3A_119] : memref<10000x128xf32, #tpu.memory_space<hbm>> -> memref<10000x128xf32, #tpu.memory_space<hbm>>
    %dma_wait3A_121 = tpu.memref_slice %arg14[%rem3A_109] : memref<2x!tpu.dma_semaphore, #tpu.memory_space<semaphore_mem>> -> memref<1x!tpu.dma_semaphore, #tpu.memory_space<semaphore_mem>>
    %dma_wait3A_122 = tpu.memref_squeeze %dma_wait3A_121 : memref<1x!tpu.dma_semaphore, #tpu.memory_space<semaphore_mem>> -> memref<!tpu.dma_semaphore, #tpu.memory_space<semaphore_mem>>
    tpu.wait_indirect_dma semaphore(%dma_wait3A_122 : memref<!tpu.dma_semaphore, #tpu.memory_space<semaphore_mem>>) src(%dma_wait3A_120 : memref<10000x128xf32, #tpu.memory_space<hbm>>) dst(%dma_wait3A_114 : memref<80x128xf32, #tpu.memory_space<vmem>>)
    %rem3A_123 = arith.constant 249 : i32
    %rem3A_124 = arith.constant 2 : i32
    %rem3A_125 = arith.remsi %rem3A_123, %rem3A_124 : i32
    %run_scoped3A_126 = arith.constant 249 : i32
    "tpu.region"() ({
      %run_scoped3A_138 = tpu.sem_alloc : memref<!tpu.dma_semaphore, #tpu.memory_space<semaphore_mem>>
      %dma_start3A_139 = arith.constant 0 : i32
      %dma_start3A_140 = arith.constant 0 : i32
      %dma_start3A_141 = tpu.memref_slice %arg12[%rem3A_125, %dma_start3A_139, %dma_start3A_140] : memref<2x80x128xf32, #tpu.memory_space<vmem>> -> memref<1x80x128xf32, #tpu.memory_space<vmem>>
      %dma_start3A_142 = tpu.memref_squeeze %dma_start3A_141 : memref<1x80x128xf32, #tpu.memory_space<vmem>> -> memref<80x128xf32, #tpu.memory_space<vmem>>
      %dma_start3A_143 = arith.constant 0 : i32
      %dma_start3A_144 = tpu.memref_slice %arg10[%run_scoped3A_126, %dma_start3A_143] : memref<250x80xi32, #tpu.memory_space<vmem>> -> memref<1x80xi32, #tpu.memory_space<vmem>>
      %dma_start3A_145 = tpu.memref_squeeze %dma_start3A_144 : memref<1x80xi32, #tpu.memory_space<vmem>> -> memref<80xi32, #tpu.memory_space<vmem>>
      %dma_start3A_146 = arith.constant 0 : i32
      %dma_start3A_147 = arith.constant 0 : i32
      %dma_start3A_148 = tpu.memref_slice %arg13[%dma_start3A_146, %dma_start3A_147] : memref<5040x128xf32, #tpu.memory_space<vmem_shared>> -> memref<5040x128xf32, #tpu.memory_space<vmem_shared>>
      tpu.enqueue_indirect_dma source(%dma_start3A_142 : memref<80x128xf32, #tpu.memory_space<vmem>>) target(%dma_start3A_148 : memref<5040x128xf32, #tpu.memory_space<vmem_shared>>) offsets(%dma_start3A_145 : memref<80xi32, #tpu.memory_space<vmem>>) semaphore(%run_scoped3A_138 : memref<!tpu.dma_semaphore, #tpu.memory_space<semaphore_mem>>) {add = true}
      %dma_wait3A_149 = arith.constant 0 : i32
      %dma_wait3A_150 = arith.constant 0 : i32
      %dma_wait3A_151 = tpu.memref_slice %arg12[%rem3A_125, %dma_wait3A_149, %dma_wait3A_150] : memref<2x80x128xf32, #tpu.memory_space<vmem>> -> memref<1x80x128xf32, #tpu.memory_space<vmem>>
      %dma_wait3A_152 = tpu.memref_squeeze %dma_wait3A_151 : memref<1x80x128xf32, #tpu.memory_space<vmem>> -> memref<80x128xf32, #tpu.memory_space<vmem>>
      %dma_wait3A_153 = arith.constant 0 : i32
      %dma_wait3A_154 = tpu.memref_slice %arg10[%run_scoped3A_126, %dma_wait3A_153] : memref<250x80xi32, #tpu.memory_space<vmem>> -> memref<1x80xi32, #tpu.memory_space<vmem>>
      %dma_wait3A_155 = tpu.memref_squeeze %dma_wait3A_154 : memref<1x80xi32, #tpu.memory_space<vmem>> -> memref<80xi32, #tpu.memory_space<vmem>>
      %dma_wait3A_156 = arith.constant 0 : i32
      %dma_wait3A_157 = arith.constant 0 : i32
      %dma_wait3A_158 = tpu.memref_slice %arg13[%dma_wait3A_156, %dma_wait3A_157] : memref<5040x128xf32, #tpu.memory_space<vmem_shared>> -> memref<5040x128xf32, #tpu.memory_space<vmem_shared>>
      tpu.wait_indirect_dma semaphore(%run_scoped3A_138 : memref<!tpu.dma_semaphore, #tpu.memory_space<semaphore_mem>>) src(%dma_wait3A_152 : memref<80x128xf32, #tpu.memory_space<vmem>>) dst(%dma_wait3A_158 : memref<5040x128xf32, #tpu.memory_space<vmem_shared>>)
      tpu.yield
    }) : () -> ()
    %barrier3A_127 = arith.constant 0 : index
    tpu.barrier barrier_id(%barrier3A_127)
    %lt3A_128 = arith.constant 15 : i32
    %lt3A_129 = arith.cmpi slt, %arg1, %lt3A_128 : i32
    %convert_element_type3A_130 = arith.extui %lt3A_129 : i1 to i32
    %cond3A_131 = arith.constant 0 : i32
    %cond3A_132 = arith.cmpi ne, %convert_element_type3A_130, %cond3A_131 : i32
    scf.if %cond3A_132 {
      %add3A = arith.addi %mul3A_0, %multiple_of3A_11 : i32
      "tpu.region"() ({
        %run_scoped3A_138 = tpu.sem_alloc : memref<!tpu.dma_semaphore, #tpu.memory_space<semaphore_mem>>
        %dma_start3A_139 = arith.constant 0 : i32
        %dma_start3A_140 = tpu.memref_slice %arg8[%add3A, %dma_start3A_139] : memref<10000x128xf32, #tpu.memory_space<hbm>> -> memref<312x128xf32, #tpu.memory_space<hbm>>
        %dma_start3A_141 = arith.constant 0 : i32
        %dma_start3A_142 = tpu.memref_slice %arg13[%multiple_of3A_11, %dma_start3A_141] : memref<5040x128xf32, #tpu.memory_space<vmem_shared>> -> memref<312x128xf32, #tpu.memory_space<vmem_shared>>
        tpu.enqueue_dma source(%dma_start3A_142 : memref<312x128xf32, #tpu.memory_space<vmem_shared>>) target(%dma_start3A_140 : memref<312x128xf32, #tpu.memory_space<hbm>>) target_semaphore(%run_scoped3A_138 : memref<!tpu.dma_semaphore, #tpu.memory_space<semaphore_mem>>)
        %dma_wait3A_143 = arith.constant 0 : i32
        %dma_wait3A_144 = tpu.memref_slice %arg8[%add3A, %dma_wait3A_143] : memref<10000x128xf32, #tpu.memory_space<hbm>> -> memref<312x128xf32, #tpu.memory_space<hbm>>
        %dma_wait3A_145 = arith.constant 0 : i32
        %dma_wait3A_146 = tpu.memref_slice %arg13[%multiple_of3A_11, %dma_wait3A_145] : memref<5040x128xf32, #tpu.memory_space<vmem_shared>> -> memref<312x128xf32, #tpu.memory_space<vmem_shared>>
        tpu.wait_dma2 semaphore(%run_scoped3A_138 : memref<!tpu.dma_semaphore, #tpu.memory_space<semaphore_mem>>) src(%dma_wait3A_146 : memref<312x128xf32, #tpu.memory_space<vmem_shared>>) dst(%dma_wait3A_144 : memref<312x128xf32, #tpu.memory_space<hbm>>)
        tpu.yield
      }) : () -> ()
    } else {
    }
    %eq3A_133 = arith.constant 15 : i32
    %eq3A_134 = arith.cmpi eq, %arg1, %eq3A_133 : i32
    %convert_element_type3A_135 = arith.extui %eq3A_134 : i1 to i32
    %cond3A_136 = arith.constant 0 : i32
    %cond3A_137 = arith.cmpi ne, %convert_element_type3A_135, %cond3A_136 : i32
    scf.if %cond3A_137 {
      %add3A = arith.constant 4680 : i32
      %add3A_138 = arith.addi %mul3A_0, %add3A : i32
      "tpu.region"() ({
        %run_scoped3A_139 = tpu.sem_alloc : memref<!tpu.dma_semaphore, #tpu.memory_space<semaphore_mem>>
        %dma_start3A_140 = arith.constant 0 : i32
        %dma_start3A_141 = tpu.memref_slice %arg8[%add3A_138, %dma_start3A_140] : memref<10000x128xf32, #tpu.memory_space<hbm>> -> memref<320x128xf32, #tpu.memory_space<hbm>>
        %dma_start3A_142 = arith.constant 4680 : i32
        %dma_start3A_143 = arith.constant 0 : i32
        %dma_start3A_144 = tpu.memref_slice %arg13[%dma_start3A_142, %dma_start3A_143] : memref<5040x128xf32, #tpu.memory_space<vmem_shared>> -> memref<320x128xf32, #tpu.memory_space<vmem_shared>>
        tpu.enqueue_dma source(%dma_start3A_144 : memref<320x128xf32, #tpu.memory_space<vmem_shared>>) target(%dma_start3A_141 : memref<320x128xf32, #tpu.memory_space<hbm>>) target_semaphore(%run_scoped3A_139 : memref<!tpu.dma_semaphore, #tpu.memory_space<semaphore_mem>>)
        %dma_wait3A_145 = arith.constant 0 : i32
        %dma_wait3A_146 = tpu.memref_slice %arg8[%add3A_138, %dma_wait3A_145] : memref<10000x128xf32, #tpu.memory_space<hbm>> -> memref<320x128xf32, #tpu.memory_space<hbm>>
        %dma_wait3A_147 = arith.constant 4680 : i32
        %dma_wait3A_148 = arith.constant 0 : i32
        %dma_wait3A_149 = tpu.memref_slice %arg13[%dma_wait3A_147, %dma_wait3A_148] : memref<5040x128xf32, #tpu.memory_space<vmem_shared>> -> memref<320x128xf32, #tpu.memory_space<vmem_shared>>
        tpu.wait_dma2 semaphore(%run_scoped3A_139 : memref<!tpu.dma_semaphore, #tpu.memory_space<semaphore_mem>>) src(%dma_wait3A_149 : memref<320x128xf32, #tpu.memory_space<vmem_shared>>) dst(%dma_wait3A_146 : memref<320x128xf32, #tpu.memory_space<hbm>>)
        tpu.yield
      }) : () -> ()
    } else {
    }
    return
  }
}

#map = affine_map<(d0, d1) -> (0, 0, 0)>
#map1 = affine_map<(d0, d1) -> (0, 0)>
module attributes {stable_mosaic.version = 14 : i64} {
  func.func @body(%arg0: i32, %arg1: i32, %arg2: memref<16x250x80xi32, #tpu.memory_space<hbm>>, %arg3: memref<16x250x80xi32, #tpu.memory_space<hbm>>, %arg4: memref<360x128xf32, #tpu.memory_space<hbm>>, %arg5: memref<10000x128xf32, #tpu.memory_space<hbm>>, %arg6: memref<10000x128xf32, #tpu.memory_space<hbm>>, %arg7: memref<250x80xi32, #tpu.memory_space<vmem>>, %arg8: memref<250x80xi32, #tpu.memory_space<vmem>>, %arg9: memref<80xi32, #tpu.memory_space<vmem>>, %arg10: memref<2x80x128xf32, #tpu.memory_space<vmem>>, %arg11: memref<5040x128xf32, #tpu.memory_space<vmem_shared>>, %arg12: memref<2x!tpu.dma_semaphore, #tpu.memory_space<semaphore_mem>>) attributes {dimension_semantics = [#tpu.dimension_semantics<core_parallel>, #tpu.dimension_semantics<subcore_parallel>], iteration_bounds = array<i64: 2, 16>, scalar_prefetch = 0 : i64, scratch_operands = 6 : i64, tpu.core_type = #tpu.core_type<sc_vector_subcore>, window_params = [{transform_indices = #map}, {transform_indices = #map}, {transform_indices = #map1}, {transform_indices = #map1}, {transform_indices = #map1}]} {
    %mul3A = arith.constant 5000 : i32
    %mul3A_0 = arith.muli %arg0, %mul3A : i32
    "tpu.region"() ({
      %run_scoped3A_70 = tpu.sem_alloc : memref<!tpu.dma_semaphore, #tpu.memory_space<semaphore_mem>>
      %dma_start3A_71 = arith.constant 0 : i32
      %dma_start3A_72 = arith.constant 0 : i32
      %dma_start3A_73 = tpu.memref_slice %arg2[%arg1, %dma_start3A_71, %dma_start3A_72] : memref<16x250x80xi32, #tpu.memory_space<hbm>> -> memref<1x250x80xi32, #tpu.memory_space<hbm>>
      %dma_start3A_74 = tpu.memref_squeeze %dma_start3A_73 : memref<1x250x80xi32, #tpu.memory_space<hbm>> -> memref<250x80xi32, #tpu.memory_space<hbm>>
      %dma_start3A_75 = arith.constant 0 : i32
      %dma_start3A_76 = arith.constant 0 : i32
      %dma_start3A_77 = tpu.memref_slice %arg2[%arg1, %dma_start3A_75, %dma_start3A_76] : memref<16x250x80xi32, #tpu.memory_space<hbm>> -> memref<1x250x80xi32, #tpu.memory_space<hbm>>
      %dma_start3A_78 = tpu.memref_squeeze %dma_start3A_77 : memref<1x250x80xi32, #tpu.memory_space<hbm>> -> memref<250x80xi32, #tpu.memory_space<hbm>>
      tpu.enqueue_dma source(%dma_start3A_78 : memref<250x80xi32, #tpu.memory_space<hbm>>) target(%arg7 : memref<250x80xi32, #tpu.memory_space<vmem>>) target_semaphore(%run_scoped3A_70 : memref<!tpu.dma_semaphore, #tpu.memory_space<semaphore_mem>>)
      %dma_wait3A_79 = arith.constant 0 : i32
      %dma_wait3A_80 = arith.constant 0 : i32
      %dma_wait3A_81 = tpu.memref_slice %arg2[%arg1, %dma_wait3A_79, %dma_wait3A_80] : memref<16x250x80xi32, #tpu.memory_space<hbm>> -> memref<1x250x80xi32, #tpu.memory_space<hbm>>
      %dma_wait3A_82 = tpu.memref_squeeze %dma_wait3A_81 : memref<1x250x80xi32, #tpu.memory_space<hbm>> -> memref<250x80xi32, #tpu.memory_space<hbm>>
      %dma_wait3A_83 = arith.constant 0 : i32
      %dma_wait3A_84 = arith.constant 0 : i32
      %dma_wait3A_85 = tpu.memref_slice %arg2[%arg1, %dma_wait3A_83, %dma_wait3A_84] : memref<16x250x80xi32, #tpu.memory_space<hbm>> -> memref<1x250x80xi32, #tpu.memory_space<hbm>>
      %dma_wait3A_86 = tpu.memref_squeeze %dma_wait3A_85 : memref<1x250x80xi32, #tpu.memory_space<hbm>> -> memref<250x80xi32, #tpu.memory_space<hbm>>
      tpu.wait_dma2 semaphore(%run_scoped3A_70 : memref<!tpu.dma_semaphore, #tpu.memory_space<semaphore_mem>>) src(%dma_wait3A_86 : memref<250x80xi32, #tpu.memory_space<hbm>>) dst(%arg7 : memref<250x80xi32, #tpu.memory_space<vmem>>)
      tpu.yield
    }) : () -> ()
    "tpu.region"() ({
      %run_scoped3A_70 = tpu.sem_alloc : memref<!tpu.dma_semaphore, #tpu.memory_space<semaphore_mem>>
      %dma_start3A_71 = arith.constant 0 : i32
      %dma_start3A_72 = arith.constant 0 : i32
      %dma_start3A_73 = tpu.memref_slice %arg3[%arg1, %dma_start3A_71, %dma_start3A_72] : memref<16x250x80xi32, #tpu.memory_space<hbm>> -> memref<1x250x80xi32, #tpu.memory_space<hbm>>
      %dma_start3A_74 = tpu.memref_squeeze %dma_start3A_73 : memref<1x250x80xi32, #tpu.memory_space<hbm>> -> memref<250x80xi32, #tpu.memory_space<hbm>>
      %dma_start3A_75 = arith.constant 0 : i32
      %dma_start3A_76 = arith.constant 0 : i32
      %dma_start3A_77 = tpu.memref_slice %arg3[%arg1, %dma_start3A_75, %dma_start3A_76] : memref<16x250x80xi32, #tpu.memory_space<hbm>> -> memref<1x250x80xi32, #tpu.memory_space<hbm>>
      %dma_start3A_78 = tpu.memref_squeeze %dma_start3A_77 : memref<1x250x80xi32, #tpu.memory_space<hbm>> -> memref<250x80xi32, #tpu.memory_space<hbm>>
      tpu.enqueue_dma source(%dma_start3A_78 : memref<250x80xi32, #tpu.memory_space<hbm>>) target(%arg8 : memref<250x80xi32, #tpu.memory_space<vmem>>) target_semaphore(%run_scoped3A_70 : memref<!tpu.dma_semaphore, #tpu.memory_space<semaphore_mem>>)
      %dma_wait3A_79 = arith.constant 0 : i32
      %dma_wait3A_80 = arith.constant 0 : i32
      %dma_wait3A_81 = tpu.memref_slice %arg3[%arg1, %dma_wait3A_79, %dma_wait3A_80] : memref<16x250x80xi32, #tpu.memory_space<hbm>> -> memref<1x250x80xi32, #tpu.memory_space<hbm>>
      %dma_wait3A_82 = tpu.memref_squeeze %dma_wait3A_81 : memref<1x250x80xi32, #tpu.memory_space<hbm>> -> memref<250x80xi32, #tpu.memory_space<hbm>>
      %dma_wait3A_83 = arith.constant 0 : i32
      %dma_wait3A_84 = arith.constant 0 : i32
      %dma_wait3A_85 = tpu.memref_slice %arg3[%arg1, %dma_wait3A_83, %dma_wait3A_84] : memref<16x250x80xi32, #tpu.memory_space<hbm>> -> memref<1x250x80xi32, #tpu.memory_space<hbm>>
      %dma_wait3A_86 = tpu.memref_squeeze %dma_wait3A_85 : memref<1x250x80xi32, #tpu.memory_space<hbm>> -> memref<250x80xi32, #tpu.memory_space<hbm>>
      tpu.wait_dma2 semaphore(%run_scoped3A_70 : memref<!tpu.dma_semaphore, #tpu.memory_space<semaphore_mem>>) src(%dma_wait3A_86 : memref<250x80xi32, #tpu.memory_space<hbm>>) dst(%arg8 : memref<250x80xi32, #tpu.memory_space<vmem>>)
      tpu.yield
    }) : () -> ()
    %iota3A = tpu.iota {dimensions = array<i32: 0>} : vector<16xi32>
    %scan3A = arith.constant 0 : i32
    %scan3A_1 = arith.constant 0 : i32
    %scan3A_2 = arith.constant 250 : i32
    %scan3A_3 = arith.addi %scan3A_1, %scan3A_2 : i32
    %scan3A_4 = arith.constant 1 : i32
    %scan3A_5 = scf.for %scan3A_70 = %scan3A_1 to %scan3A_3 step %scan3A_4 iter_args(%scan3A_71 = %scan3A) -> (i32)  : i32 {
      %get3A = arith.index_cast %scan3A_70 : i32 to index
      %get3A_72 = arith.constant 0 : index
      %get3A_73 = tpu.vector_load %arg8[%get3A, %get3A_72] {strides = array<i32>} : memref<250x80xi32, #tpu.memory_space<vmem>>, vector<1x16xi32>,
      %get3A_74 = vector.shape_cast %get3A_73 : vector<1x16xi32> to vector<16xi32>
      %sub3A = vector.broadcast %mul3A_0 : i32 to vector<16xi32>
      %sub3A_75 = arith.subi %get3A_74, %sub3A : vector<16xi32>
      %ge3A = arith.constant 0 : i32
      %ge3A_76 = vector.broadcast %ge3A : i32 to vector<16xi32>
      %ge3A_77 = arith.cmpi sge, %sub3A_75, %ge3A_76 : vector<16xi32>
      %lt3A_78 = arith.constant 5000 : i32
      %lt3A_79 = vector.broadcast %lt3A_78 : i32 to vector<16xi32>
      %lt3A_80 = arith.cmpi slt, %sub3A_75, %lt3A_79 : vector<16xi32>
      %and3A = arith.andi %ge3A_77, %lt3A_80 : vector<16xi1>
      %add3A = arith.addi %get3A_74, %iota3A : vector<16xi32>
      %and3A_81 = arith.constant 31 : i32
      %and3A_82 = vector.broadcast %and3A_81 : i32 to vector<16xi32>
      %and3A_83 = arith.andi %add3A, %and3A_82 : vector<16xi32>
      %add3A_84 = arith.constant 5000 : i32
      %add3A_85 = vector.broadcast %add3A_84 : i32 to vector<16xi32>
      %add3A_86 = arith.addi %add3A_85, %and3A_83 : vector<16xi32>
      %select_n3A = arith.select %and3A, %sub3A_75, %add3A_86 : vector<16xi1>, vector<16xi32>
      %swap3A = arith.index_cast %scan3A_70 : i32 to index
      %swap3A_87 = arith.constant 0 : index
      %swap3A_88 = tpu.vector_load %arg8[%swap3A, %swap3A_87] {strides = array<i32>} : memref<250x80xi32, #tpu.memory_space<vmem>>, vector<1x16xi32>,
      %swap3A_89 = vector.shape_cast %swap3A_88 : vector<1x16xi32> to vector<16xi32>
      %swap3A_90 = vector.shape_cast %select_n3A : vector<16xi32> to vector<1x16xi32>
      tpu.vector_store %arg8[%swap3A, %swap3A_87], %swap3A_90 {strides = array<i32>} : memref<250x80xi32, #tpu.memory_space<vmem>>, vector<1x16xi32>,
      %get3A_91 = arith.index_cast %scan3A_70 : i32 to index
      %get3A_92 = arith.constant 16 : index
      %get3A_93 = tpu.vector_load %arg8[%get3A_91, %get3A_92] {strides = array<i32>} : memref<250x80xi32, #tpu.memory_space<vmem>>, vector<1x16xi32>,
      %get3A_94 = vector.shape_cast %get3A_93 : vector<1x16xi32> to vector<16xi32>
      %sub3A_95 = vector.broadcast %mul3A_0 : i32 to vector<16xi32>
      %sub3A_96 = arith.subi %get3A_94, %sub3A_95 : vector<16xi32>
      %ge3A_97 = arith.constant 0 : i32
      %ge3A_98 = vector.broadcast %ge3A_97 : i32 to vector<16xi32>
      %ge3A_99 = arith.cmpi sge, %sub3A_96, %ge3A_98 : vector<16xi32>
      %lt3A_100 = arith.constant 5000 : i32
      %lt3A_101 = vector.broadcast %lt3A_100 : i32 to vector<16xi32>
      %lt3A_102 = arith.cmpi slt, %sub3A_96, %lt3A_101 : vector<16xi32>
      %and3A_103 = arith.andi %ge3A_99, %lt3A_102 : vector<16xi1>
      %add3A_104 = arith.addi %get3A_94, %iota3A : vector<16xi32>
      %and3A_105 = arith.constant 31 : i32
      %and3A_106 = vector.broadcast %and3A_105 : i32 to vector<16xi32>
      %and3A_107 = arith.andi %add3A_104, %and3A_106 : vector<16xi32>
      %add3A_108 = arith.constant 5000 : i32
      %add3A_109 = vector.broadcast %add3A_108 : i32 to vector<16xi32>
      %add3A_110 = arith.addi %add3A_109, %and3A_107 : vector<16xi32>
      %select_n3A_111 = arith.select %and3A_103, %sub3A_96, %add3A_110 : vector<16xi1>, vector<16xi32>
      %swap3A_112 = arith.index_cast %scan3A_70 : i32 to index
      %swap3A_113 = arith.constant 16 : index
      %swap3A_114 = tpu.vector_load %arg8[%swap3A_112, %swap3A_113] {strides = array<i32>} : memref<250x80xi32, #tpu.memory_space<vmem>>, vector<1x16xi32>,
      %swap3A_115 = vector.shape_cast %swap3A_114 : vector<1x16xi32> to vector<16xi32>
      %swap3A_116 = vector.shape_cast %select_n3A_111 : vector<16xi32> to vector<1x16xi32>
      tpu.vector_store %arg8[%swap3A_112, %swap3A_113], %swap3A_116 {strides = array<i32>} : memref<250x80xi32, #tpu.memory_space<vmem>>, vector<1x16xi32>,
      %get3A_117 = arith.index_cast %scan3A_70 : i32 to index
      %get3A_118 = arith.constant 32 : index
      %get3A_119 = tpu.vector_load %arg8[%get3A_117, %get3A_118] {strides = array<i32>} : memref<250x80xi32, #tpu.memory_space<vmem>>, vector<1x16xi32>,
      %get3A_120 = vector.shape_cast %get3A_119 : vector<1x16xi32> to vector<16xi32>
      %sub3A_121 = vector.broadcast %mul3A_0 : i32 to vector<16xi32>
      %sub3A_122 = arith.subi %get3A_120, %sub3A_121 : vector<16xi32>
      %ge3A_123 = arith.constant 0 : i32
      %ge3A_124 = vector.broadcast %ge3A_123 : i32 to vector<16xi32>
      %ge3A_125 = arith.cmpi sge, %sub3A_122, %ge3A_124 : vector<16xi32>
      %lt3A_126 = arith.constant 5000 : i32
      %lt3A_127 = vector.broadcast %lt3A_126 : i32 to vector<16xi32>
      %lt3A_128 = arith.cmpi slt, %sub3A_122, %lt3A_127 : vector<16xi32>
      %and3A_129 = arith.andi %ge3A_125, %lt3A_128 : vector<16xi1>
      %add3A_130 = arith.addi %get3A_120, %iota3A : vector<16xi32>
      %and3A_131 = arith.constant 31 : i32
      %and3A_132 = vector.broadcast %and3A_131 : i32 to vector<16xi32>
      %and3A_133 = arith.andi %add3A_130, %and3A_132 : vector<16xi32>
      %add3A_134 = arith.constant 5000 : i32
      %add3A_135 = vector.broadcast %add3A_134 : i32 to vector<16xi32>
      %add3A_136 = arith.addi %add3A_135, %and3A_133 : vector<16xi32>
      %select_n3A_137 = arith.select %and3A_129, %sub3A_122, %add3A_136 : vector<16xi1>, vector<16xi32>
      %swap3A_138 = arith.index_cast %scan3A_70 : i32 to index
      %swap3A_139 = arith.constant 32 : index
      %swap3A_140 = tpu.vector_load %arg8[%swap3A_138, %swap3A_139] {strides = array<i32>} : memref<250x80xi32, #tpu.memory_space<vmem>>, vector<1x16xi32>,
      %swap3A_141 = vector.shape_cast %swap3A_140 : vector<1x16xi32> to vector<16xi32>
      %swap3A_142 = vector.shape_cast %select_n3A_137 : vector<16xi32> to vector<1x16xi32>
      tpu.vector_store %arg8[%swap3A_138, %swap3A_139], %swap3A_142 {strides = array<i32>} : memref<250x80xi32, #tpu.memory_space<vmem>>, vector<1x16xi32>,
      %get3A_143 = arith.index_cast %scan3A_70 : i32 to index
      %get3A_144 = arith.constant 48 : index
      %get3A_145 = tpu.vector_load %arg8[%get3A_143, %get3A_144] {strides = array<i32>} : memref<250x80xi32, #tpu.memory_space<vmem>>, vector<1x16xi32>,
      %get3A_146 = vector.shape_cast %get3A_145 : vector<1x16xi32> to vector<16xi32>
      %sub3A_147 = vector.broadcast %mul3A_0 : i32 to vector<16xi32>
      %sub3A_148 = arith.subi %get3A_146, %sub3A_147 : vector<16xi32>
      %ge3A_149 = arith.constant 0 : i32
      %ge3A_150 = vector.broadcast %ge3A_149 : i32 to vector<16xi32>
      %ge3A_151 = arith.cmpi sge, %sub3A_148, %ge3A_150 : vector<16xi32>
      %lt3A_152 = arith.constant 5000 : i32
      %lt3A_153 = vector.broadcast %lt3A_152 : i32 to vector<16xi32>
      %lt3A_154 = arith.cmpi slt, %sub3A_148, %lt3A_153 : vector<16xi32>
      %and3A_155 = arith.andi %ge3A_151, %lt3A_154 : vector<16xi1>
      %add3A_156 = arith.addi %get3A_146, %iota3A : vector<16xi32>
      %and3A_157 = arith.constant 31 : i32
      %and3A_158 = vector.broadcast %and3A_157 : i32 to vector<16xi32>
      %and3A_159 = arith.andi %add3A_156, %and3A_158 : vector<16xi32>
      %add3A_160 = arith.constant 5000 : i32
      %add3A_161 = vector.broadcast %add3A_160 : i32 to vector<16xi32>
      %add3A_162 = arith.addi %add3A_161, %and3A_159 : vector<16xi32>
      %select_n3A_163 = arith.select %and3A_155, %sub3A_148, %add3A_162 : vector<16xi1>, vector<16xi32>
      %swap3A_164 = arith.index_cast %scan3A_70 : i32 to index
      %swap3A_165 = arith.constant 48 : index
      %swap3A_166 = tpu.vector_load %arg8[%swap3A_164, %swap3A_165] {strides = array<i32>} : memref<250x80xi32, #tpu.memory_space<vmem>>, vector<1x16xi32>,
      %swap3A_167 = vector.shape_cast %swap3A_166 : vector<1x16xi32> to vector<16xi32>
      %swap3A_168 = vector.shape_cast %select_n3A_163 : vector<16xi32> to vector<1x16xi32>
      tpu.vector_store %arg8[%swap3A_164, %swap3A_165], %swap3A_168 {strides = array<i32>} : memref<250x80xi32, #tpu.memory_space<vmem>>, vector<1x16xi32>,
      %get3A_169 = arith.index_cast %scan3A_70 : i32 to index
      %get3A_170 = arith.constant 64 : index
      %get3A_171 = tpu.vector_load %arg8[%get3A_169, %get3A_170] {strides = array<i32>} : memref<250x80xi32, #tpu.memory_space<vmem>>, vector<1x16xi32>,
      %get3A_172 = vector.shape_cast %get3A_171 : vector<1x16xi32> to vector<16xi32>
      %sub3A_173 = vector.broadcast %mul3A_0 : i32 to vector<16xi32>
      %sub3A_174 = arith.subi %get3A_172, %sub3A_173 : vector<16xi32>
      %ge3A_175 = arith.constant 0 : i32
      %ge3A_176 = vector.broadcast %ge3A_175 : i32 to vector<16xi32>
      %ge3A_177 = arith.cmpi sge, %sub3A_174, %ge3A_176 : vector<16xi32>
      %lt3A_178 = arith.constant 5000 : i32
      %lt3A_179 = vector.broadcast %lt3A_178 : i32 to vector<16xi32>
      %lt3A_180 = arith.cmpi slt, %sub3A_174, %lt3A_179 : vector<16xi32>
      %and3A_181 = arith.andi %ge3A_177, %lt3A_180 : vector<16xi1>
      %add3A_182 = arith.addi %get3A_172, %iota3A : vector<16xi32>
      %and3A_183 = arith.constant 31 : i32
      %and3A_184 = vector.broadcast %and3A_183 : i32 to vector<16xi32>
      %and3A_185 = arith.andi %add3A_182, %and3A_184 : vector<16xi32>
      %add3A_186 = arith.constant 5000 : i32
      %add3A_187 = vector.broadcast %add3A_186 : i32 to vector<16xi32>
      %add3A_188 = arith.addi %add3A_187, %and3A_185 : vector<16xi32>
      %select_n3A_189 = arith.select %and3A_181, %sub3A_174, %add3A_188 : vector<16xi1>, vector<16xi32>
      %swap3A_190 = arith.index_cast %scan3A_70 : i32 to index
      %swap3A_191 = arith.constant 64 : index
      %swap3A_192 = tpu.vector_load %arg8[%swap3A_190, %swap3A_191] {strides = array<i32>} : memref<250x80xi32, #tpu.memory_space<vmem>>, vector<1x16xi32>,
      %swap3A_193 = vector.shape_cast %swap3A_192 : vector<1x16xi32> to vector<16xi32>
      %swap3A_194 = vector.shape_cast %select_n3A_189 : vector<16xi32> to vector<1x16xi32>
      tpu.vector_store %arg8[%swap3A_190, %swap3A_191], %swap3A_194 {strides = array<i32>} : memref<250x80xi32, #tpu.memory_space<vmem>>, vector<1x16xi32>,
      %scan3A_195 = arith.constant 0 : i32
      scf.yield %scan3A_195 : i32
    }
    %scan3A_6 = arith.constant 250 : i32
    %mul3A_7 = arith.constant 312 : i32
    %mul3A_8 = arith.muli %arg1, %mul3A_7 : i32
    %multiple_of3A = tpu.assume_multiple %mul3A_8, 8 : i32
    %mul3A_9 = arith.constant 312 : i32
    %mul3A_10 = arith.muli %arg1, %mul3A_9 : i32
    %multiple_of3A_11 = tpu.assume_multiple %mul3A_10, 8 : i32
    %lt3A = arith.constant 15 : i32
    %lt3A_12 = arith.cmpi slt, %arg1, %lt3A : i32
    %convert_element_type3A = arith.extui %lt3A_12 : i1 to i32
    %cond3A = arith.constant 0 : i32
    %cond3A_13 = arith.cmpi ne, %convert_element_type3A, %cond3A : i32
    scf.if %cond3A_13 {
      "tpu.region"() ({
        %run_scoped3A_70 = tpu.sem_alloc : memref<!tpu.dma_semaphore, #tpu.memory_space<semaphore_mem>>
        %dma_start3A_71 = arith.constant 0 : i32
        %dma_start3A_72 = tpu.memref_slice %arg11[%multiple_of3A, %dma_start3A_71] : memref<5040x128xf32, #tpu.memory_space<vmem_shared>> -> memref<312x128xf32, #tpu.memory_space<vmem_shared>>
        %dma_start3A_73 = arith.constant 0 : i32
        %dma_start3A_74 = arith.constant 0 : i32
        %dma_start3A_75 = tpu.memref_slice %arg4[%dma_start3A_73, %dma_start3A_74] : memref<360x128xf32, #tpu.memory_space<hbm>> -> memref<312x128xf32, #tpu.memory_space<hbm>>
        tpu.enqueue_dma source(%dma_start3A_75 : memref<312x128xf32, #tpu.memory_space<hbm>>) target(%dma_start3A_72 : memref<312x128xf32, #tpu.memory_space<vmem_shared>>) target_semaphore(%run_scoped3A_70 : memref<!tpu.dma_semaphore, #tpu.memory_space<semaphore_mem>>)
        %dma_wait3A_76 = arith.constant 0 : i32
        %dma_wait3A_77 = tpu.memref_slice %arg11[%multiple_of3A, %dma_wait3A_76] : memref<5040x128xf32, #tpu.memory_space<vmem_shared>> -> memref<312x128xf32, #tpu.memory_space<vmem_shared>>
        %dma_wait3A_78 = arith.constant 0 : i32
        %dma_wait3A_79 = arith.constant 0 : i32
        %dma_wait3A_80 = tpu.memref_slice %arg4[%dma_wait3A_78, %dma_wait3A_79] : memref<360x128xf32, #tpu.memory_space<hbm>> -> memref<312x128xf32, #tpu.memory_space<hbm>>
        tpu.wait_dma2 semaphore(%run_scoped3A_70 : memref<!tpu.dma_semaphore, #tpu.memory_space<semaphore_mem>>) src(%dma_wait3A_80 : memref<312x128xf32, #tpu.memory_space<hbm>>) dst(%dma_wait3A_77 : memref<312x128xf32, #tpu.memory_space<vmem_shared>>)
        tpu.yield
      }) : () -> ()
    } else {
    }
    %eq3A = arith.constant 15 : i32
    %eq3A_14 = arith.cmpi eq, %arg1, %eq3A : i32
    %convert_element_type3A_15 = arith.extui %eq3A_14 : i1 to i32
    %cond3A_16 = arith.constant 0 : i32
    %cond3A_17 = arith.cmpi ne, %convert_element_type3A_15, %cond3A_16 : i32
    scf.if %cond3A_17 {
      "tpu.region"() ({
        %run_scoped3A_70 = tpu.sem_alloc : memref<!tpu.dma_semaphore, #tpu.memory_space<semaphore_mem>>
        %dma_start3A_71 = arith.constant 4680 : i32
        %dma_start3A_72 = arith.constant 0 : i32
        %dma_start3A_73 = tpu.memref_slice %arg11[%dma_start3A_71, %dma_start3A_72] : memref<5040x128xf32, #tpu.memory_space<vmem_shared>> -> memref<360x128xf32, #tpu.memory_space<vmem_shared>>
        tpu.enqueue_dma source(%arg4 : memref<360x128xf32, #tpu.memory_space<hbm>>) target(%dma_start3A_73 : memref<360x128xf32, #tpu.memory_space<vmem_shared>>) target_semaphore(%run_scoped3A_70 : memref<!tpu.dma_semaphore, #tpu.memory_space<semaphore_mem>>)
        %dma_wait3A_74 = arith.constant 4680 : i32
        %dma_wait3A_75 = arith.constant 0 : i32
        %dma_wait3A_76 = tpu.memref_slice %arg11[%dma_wait3A_74, %dma_wait3A_75] : memref<5040x128xf32, #tpu.memory_space<vmem_shared>> -> memref<360x128xf32, #tpu.memory_space<vmem_shared>>
        tpu.wait_dma2 semaphore(%run_scoped3A_70 : memref<!tpu.dma_semaphore, #tpu.memory_space<semaphore_mem>>) src(%arg4 : memref<360x128xf32, #tpu.memory_space<hbm>>) dst(%dma_wait3A_76 : memref<360x128xf32, #tpu.memory_space<vmem_shared>>)
        tpu.yield
      }) : () -> ()
    } else {
    }
    %barrier3A = arith.constant 0 : index
    tpu.barrier barrier_id(%barrier3A)
    %dma_start3A = arith.constant 0 : i32
    %dma_start3A_18 = arith.constant 0 : i32
    %dma_start3A_19 = arith.constant 0 : i32
    %dma_start3A_20 = arith.constant 0 : i32
    %dma_start3A_21 = arith.constant 0 : i32
    %dma_start3A_22 = tpu.memref_slice %arg10[%dma_start3A_18, %dma_start3A_20, %dma_start3A_21] : memref<2x80x128xf32, #tpu.memory_space<vmem>> -> memref<1x80x128xf32, #tpu.memory_space<vmem>>
    %dma_start3A_23 = tpu.memref_squeeze %dma_start3A_22 : memref<1x80x128xf32, #tpu.memory_space<vmem>> -> memref<80x128xf32, #tpu.memory_space<vmem>>
    %dma_start3A_24 = arith.constant 0 : i32
    %dma_start3A_25 = tpu.memref_slice %arg7[%dma_start3A, %dma_start3A_24] : memref<250x80xi32, #tpu.memory_space<vmem>> -> memref<1x80xi32, #tpu.memory_space<vmem>>
    %dma_start3A_26 = tpu.memref_squeeze %dma_start3A_25 : memref<1x80xi32, #tpu.memory_space<vmem>> -> memref<80xi32, #tpu.memory_space<vmem>>
    %dma_start3A_27 = arith.constant 0 : i32
    %dma_start3A_28 = arith.constant 0 : i32
    %dma_start3A_29 = tpu.memref_slice %arg5[%dma_start3A_27, %dma_start3A_28] : memref<10000x128xf32, #tpu.memory_space<hbm>> -> memref<10000x128xf32, #tpu.memory_space<hbm>>
    %dma_start3A_30 = tpu.memref_slice %arg12[%dma_start3A_19] : memref<2x!tpu.dma_semaphore, #tpu.memory_space<semaphore_mem>> -> memref<1x!tpu.dma_semaphore, #tpu.memory_space<semaphore_mem>>
    %dma_start3A_31 = tpu.memref_squeeze %dma_start3A_30 : memref<1x!tpu.dma_semaphore, #tpu.memory_space<semaphore_mem>> -> memref<!tpu.dma_semaphore, #tpu.memory_space<semaphore_mem>>
    tpu.enqueue_indirect_dma source(%dma_start3A_29 : memref<10000x128xf32, #tpu.memory_space<hbm>>) target(%dma_start3A_23 : memref<80x128xf32, #tpu.memory_space<vmem>>) offsets(%dma_start3A_26 : memref<80xi32, #tpu.memory_space<vmem>>) semaphore(%dma_start3A_31 : memref<!tpu.dma_semaphore, #tpu.memory_space<semaphore_mem>>)
    %scan3A_32 = arith.constant 0 : i32
    %scan3A_33 = arith.constant 0 : i32
    %scan3A_34 = arith.constant 249 : i32
    %scan3A_35 = arith.addi %scan3A_33, %scan3A_34 : i32
    %scan3A_36 = arith.constant 1 : i32
    %scan3A_37 = scf.for %scan3A_70 = %scan3A_33 to %scan3A_35 step %scan3A_36 iter_args(%scan3A_71 = %scan3A_32) -> (i32)  : i32 {
      %add3A = arith.constant 1 : i32
      %add3A_72 = arith.addi %scan3A_70, %add3A : i32
      %add3A_73 = arith.constant 1 : i32
      %add3A_74 = arith.addi %scan3A_70, %add3A_73 : i32
      %rem3A_75 = arith.constant 2 : i32
      %rem3A_76 = arith.remsi %add3A_74, %rem3A_75 : i32
      %add3A_77 = arith.constant 1 : i32
      %add3A_78 = arith.addi %scan3A_70, %add3A_77 : i32
      %rem3A_79 = arith.constant 2 : i32
      %rem3A_80 = arith.remsi %add3A_78, %rem3A_79 : i32
      %dma_start3A_81 = arith.constant 0 : i32
      %dma_start3A_82 = arith.constant 0 : i32
      %dma_start3A_83 = tpu.memref_slice %arg10[%rem3A_76, %dma_start3A_81, %dma_start3A_82] : memref<2x80x128xf32, #tpu.memory_space<vmem>> -> memref<1x80x128xf32, #tpu.memory_space<vmem>>
      %dma_start3A_84 = tpu.memref_squeeze %dma_start3A_83 : memref<1x80x128xf32, #tpu.memory_space<vmem>> -> memref<80x128xf32, #tpu.memory_space<vmem>>
      %dma_start3A_85 = arith.constant 0 : i32
      %dma_start3A_86 = tpu.memref_slice %arg7[%add3A_72, %dma_start3A_85] : memref<250x80xi32, #tpu.memory_space<vmem>> -> memref<1x80xi32, #tpu.memory_space<vmem>>
      %dma_start3A_87 = tpu.memref_squeeze %dma_start3A_86 : memref<1x80xi32, #tpu.memory_space<vmem>> -> memref<80xi32, #tpu.memory_space<vmem>>
      %dma_start3A_88 = arith.constant 0 : i32
      %dma_start3A_89 = arith.constant 0 : i32
      %dma_start3A_90 = tpu.memref_slice %arg5[%dma_start3A_88, %dma_start3A_89] : memref<10000x128xf32, #tpu.memory_space<hbm>> -> memref<10000x128xf32, #tpu.memory_space<hbm>>
      %dma_start3A_91 = tpu.memref_slice %arg12[%rem3A_80] : memref<2x!tpu.dma_semaphore, #tpu.memory_space<semaphore_mem>> -> memref<1x!tpu.dma_semaphore, #tpu.memory_space<semaphore_mem>>
      %dma_start3A_92 = tpu.memref_squeeze %dma_start3A_91 : memref<1x!tpu.dma_semaphore, #tpu.memory_space<semaphore_mem>> -> memref<!tpu.dma_semaphore, #tpu.memory_space<semaphore_mem>>
      tpu.enqueue_indirect_dma source(%dma_start3A_90 : memref<10000x128xf32, #tpu.memory_space<hbm>>) target(%dma_start3A_84 : memref<80x128xf32, #tpu.memory_space<vmem>>) offsets(%dma_start3A_87 : memref<80xi32, #tpu.memory_space<vmem>>) semaphore(%dma_start3A_92 : memref<!tpu.dma_semaphore, #tpu.memory_space<semaphore_mem>>)
      %rem3A_93 = arith.constant 2 : i32
      %rem3A_94 = arith.remsi %scan3A_70, %rem3A_93 : i32
      %rem3A_95 = arith.constant 2 : i32
      %rem3A_96 = arith.remsi %scan3A_70, %rem3A_95 : i32
      %dma_wait3A_97 = arith.constant 0 : i32
      %dma_wait3A_98 = arith.constant 0 : i32
      %dma_wait3A_99 = tpu.memref_slice %arg10[%rem3A_94, %dma_wait3A_97, %dma_wait3A_98] : memref<2x80x128xf32, #tpu.memory_space<vmem>> -> memref<1x80x128xf32, #tpu.memory_space<vmem>>
      %dma_wait3A_100 = tpu.memref_squeeze %dma_wait3A_99 : memref<1x80x128xf32, #tpu.memory_space<vmem>> -> memref<80x128xf32, #tpu.memory_space<vmem>>
      %dma_wait3A_101 = arith.constant 0 : i32
      %dma_wait3A_102 = tpu.memref_slice %arg7[%scan3A_70, %dma_wait3A_101] : memref<250x80xi32, #tpu.memory_space<vmem>> -> memref<1x80xi32, #tpu.memory_space<vmem>>
      %dma_wait3A_103 = tpu.memref_squeeze %dma_wait3A_102 : memref<1x80xi32, #tpu.memory_space<vmem>> -> memref<80xi32, #tpu.memory_space<vmem>>
      %dma_wait3A_104 = arith.constant 0 : i32
      %dma_wait3A_105 = arith.constant 0 : i32
      %dma_wait3A_106 = tpu.memref_slice %arg5[%dma_wait3A_104, %dma_wait3A_105] : memref<10000x128xf32, #tpu.memory_space<hbm>> -> memref<10000x128xf32, #tpu.memory_space<hbm>>
      %dma_wait3A_107 = tpu.memref_slice %arg12[%rem3A_96] : memref<2x!tpu.dma_semaphore, #tpu.memory_space<semaphore_mem>> -> memref<1x!tpu.dma_semaphore, #tpu.memory_space<semaphore_mem>>
      %dma_wait3A_108 = tpu.memref_squeeze %dma_wait3A_107 : memref<1x!tpu.dma_semaphore, #tpu.memory_space<semaphore_mem>> -> memref<!tpu.dma_semaphore, #tpu.memory_space<semaphore_mem>>
      tpu.wait_indirect_dma semaphore(%dma_wait3A_108 : memref<!tpu.dma_semaphore, #tpu.memory_space<semaphore_mem>>) src(%dma_wait3A_106 : memref<10000x128xf32, #tpu.memory_space<hbm>>) dst(%dma_wait3A_100 : memref<80x128xf32, #tpu.memory_space<vmem>>)
      %rem3A_109 = arith.constant 2 : i32
      %rem3A_110 = arith.remsi %scan3A_70, %rem3A_109 : i32
      "tpu.region"() ({
        %run_scoped3A_112 = tpu.sem_alloc : memref<!tpu.dma_semaphore, #tpu.memory_space<semaphore_mem>>
        %dma_start3A_113 = arith.constant 0 : i32
        %dma_start3A_114 = arith.constant 0 : i32
        %dma_start3A_115 = tpu.memref_slice %arg10[%rem3A_110, %dma_start3A_113, %dma_start3A_114] : memref<2x80x128xf32, #tpu.memory_space<vmem>> -> memref<1x80x128xf32, #tpu.memory_space<vmem>>
        %dma_start3A_116 = tpu.memref_squeeze %dma_start3A_115 : memref<1x80x128xf32, #tpu.memory_space<vmem>> -> memref<80x128xf32, #tpu.memory_space<vmem>>
        %dma_start3A_117 = arith.constant 0 : i32
        %dma_start3A_118 = tpu.memref_slice %arg8[%scan3A_70, %dma_start3A_117] : memref<250x80xi32, #tpu.memory_space<vmem>> -> memref<1x80xi32, #tpu.memory_space<vmem>>
        %dma_start3A_119 = tpu.memref_squeeze %dma_start3A_118 : memref<1x80xi32, #tpu.memory_space<vmem>> -> memref<80xi32, #tpu.memory_space<vmem>>
        %dma_start3A_120 = arith.constant 0 : i32
        %dma_start3A_121 = arith.constant 0 : i32
        %dma_start3A_122 = tpu.memref_slice %arg11[%dma_start3A_120, %dma_start3A_121] : memref<5040x128xf32, #tpu.memory_space<vmem_shared>> -> memref<5040x128xf32, #tpu.memory_space<vmem_shared>>
        tpu.enqueue_indirect_dma source(%dma_start3A_116 : memref<80x128xf32, #tpu.memory_space<vmem>>) target(%dma_start3A_122 : memref<5040x128xf32, #tpu.memory_space<vmem_shared>>) offsets(%dma_start3A_119 : memref<80xi32, #tpu.memory_space<vmem>>) semaphore(%run_scoped3A_112 : memref<!tpu.dma_semaphore, #tpu.memory_space<semaphore_mem>>) {add = true}
        %dma_wait3A_123 = arith.constant 0 : i32
        %dma_wait3A_124 = arith.constant 0 : i32
        %dma_wait3A_125 = tpu.memref_slice %arg10[%rem3A_110, %dma_wait3A_123, %dma_wait3A_124] : memref<2x80x128xf32, #tpu.memory_space<vmem>> -> memref<1x80x128xf32, #tpu.memory_space<vmem>>
        %dma_wait3A_126 = tpu.memref_squeeze %dma_wait3A_125 : memref<1x80x128xf32, #tpu.memory_space<vmem>> -> memref<80x128xf32, #tpu.memory_space<vmem>>
        %dma_wait3A_127 = arith.constant 0 : i32
        %dma_wait3A_128 = tpu.memref_slice %arg8[%scan3A_70, %dma_wait3A_127] : memref<250x80xi32, #tpu.memory_space<vmem>> -> memref<1x80xi32, #tpu.memory_space<vmem>>
        %dma_wait3A_129 = tpu.memref_squeeze %dma_wait3A_128 : memref<1x80xi32, #tpu.memory_space<vmem>> -> memref<80xi32, #tpu.memory_space<vmem>>
        %dma_wait3A_130 = arith.constant 0 : i32
        %dma_wait3A_131 = arith.constant 0 : i32
        %dma_wait3A_132 = tpu.memref_slice %arg11[%dma_wait3A_130, %dma_wait3A_131] : memref<5040x128xf32, #tpu.memory_space<vmem_shared>> -> memref<5040x128xf32, #tpu.memory_space<vmem_shared>>
        tpu.wait_indirect_dma semaphore(%run_scoped3A_112 : memref<!tpu.dma_semaphore, #tpu.memory_space<semaphore_mem>>) src(%dma_wait3A_126 : memref<80x128xf32, #tpu.memory_space<vmem>>) dst(%dma_wait3A_132 : memref<5040x128xf32, #tpu.memory_space<vmem_shared>>)
        tpu.yield
      }) : () -> ()
      %scan3A_111 = arith.constant 0 : i32
      scf.yield %scan3A_111 : i32
    }
    %scan3A_38 = arith.constant 249 : i32
    %rem3A = arith.constant 249 : i32
    %rem3A_39 = arith.constant 2 : i32
    %rem3A_40 = arith.remsi %rem3A, %rem3A_39 : i32
    %rem3A_41 = arith.constant 249 : i32
    %rem3A_42 = arith.constant 2 : i32
    %rem3A_43 = arith.remsi %rem3A_41, %rem3A_42 : i32
    %dma_wait3A = arith.constant 249 : i32
    %dma_wait3A_44 = arith.constant 0 : i32
    %dma_wait3A_45 = arith.constant 0 : i32
    %dma_wait3A_46 = tpu.memref_slice %arg10[%rem3A_40, %dma_wait3A_44, %dma_wait3A_45] : memref<2x80x128xf32, #tpu.memory_space<vmem>> -> memref<1x80x128xf32, #tpu.memory_space<vmem>>
    %dma_wait3A_47 = tpu.memref_squeeze %dma_wait3A_46 : memref<1x80x128xf32, #tpu.memory_space<vmem>> -> memref<80x128xf32, #tpu.memory_space<vmem>>
    %dma_wait3A_48 = arith.constant 0 : i32
    %dma_wait3A_49 = tpu.memref_slice %arg7[%dma_wait3A, %dma_wait3A_48] : memref<250x80xi32, #tpu.memory_space<vmem>> -> memref<1x80xi32, #tpu.memory_space<vmem>>
    %dma_wait3A_50 = tpu.memref_squeeze %dma_wait3A_49 : memref<1x80xi32, #tpu.memory_space<vmem>> -> memref<80xi32, #tpu.memory_space<vmem>>
    %dma_wait3A_51 = arith.constant 0 : i32
    %dma_wait3A_52 = arith.constant 0 : i32
    %dma_wait3A_53 = tpu.memref_slice %arg5[%dma_wait3A_51, %dma_wait3A_52] : memref<10000x128xf32, #tpu.memory_space<hbm>> -> memref<10000x128xf32, #tpu.memory_space<hbm>>
    %dma_wait3A_54 = tpu.memref_slice %arg12[%rem3A_43] : memref<2x!tpu.dma_semaphore, #tpu.memory_space<semaphore_mem>> -> memref<1x!tpu.dma_semaphore, #tpu.memory_space<semaphore_mem>>
    %dma_wait3A_55 = tpu.memref_squeeze %dma_wait3A_54 : memref<1x!tpu.dma_semaphore, #tpu.memory_space<semaphore_mem>> -> memref<!tpu.dma_semaphore, #tpu.memory_space<semaphore_mem>>
    tpu.wait_indirect_dma semaphore(%dma_wait3A_55 : memref<!tpu.dma_semaphore, #tpu.memory_space<semaphore_mem>>) src(%dma_wait3A_53 : memref<10000x128xf32, #tpu.memory_space<hbm>>) dst(%dma_wait3A_47 : memref<80x128xf32, #tpu.memory_space<vmem>>)
    %rem3A_56 = arith.constant 249 : i32
    %rem3A_57 = arith.constant 2 : i32
    %rem3A_58 = arith.remsi %rem3A_56, %rem3A_57 : i32
    %run_scoped3A = arith.constant 249 : i32
    "tpu.region"() ({
      %run_scoped3A_70 = tpu.sem_alloc : memref<!tpu.dma_semaphore, #tpu.memory_space<semaphore_mem>>
      %dma_start3A_71 = arith.constant 0 : i32
      %dma_start3A_72 = arith.constant 0 : i32
      %dma_start3A_73 = tpu.memref_slice %arg10[%rem3A_58, %dma_start3A_71, %dma_start3A_72] : memref<2x80x128xf32, #tpu.memory_space<vmem>> -> memref<1x80x128xf32, #tpu.memory_space<vmem>>
      %dma_start3A_74 = tpu.memref_squeeze %dma_start3A_73 : memref<1x80x128xf32, #tpu.memory_space<vmem>> -> memref<80x128xf32, #tpu.memory_space<vmem>>
      %dma_start3A_75 = arith.constant 0 : i32
      %dma_start3A_76 = tpu.memref_slice %arg8[%run_scoped3A, %dma_start3A_75] : memref<250x80xi32, #tpu.memory_space<vmem>> -> memref<1x80xi32, #tpu.memory_space<vmem>>
      %dma_start3A_77 = tpu.memref_squeeze %dma_start3A_76 : memref<1x80xi32, #tpu.memory_space<vmem>> -> memref<80xi32, #tpu.memory_space<vmem>>
      %dma_start3A_78 = arith.constant 0 : i32
      %dma_start3A_79 = arith.constant 0 : i32
      %dma_start3A_80 = tpu.memref_slice %arg11[%dma_start3A_78, %dma_start3A_79] : memref<5040x128xf32, #tpu.memory_space<vmem_shared>> -> memref<5040x128xf32, #tpu.memory_space<vmem_shared>>
      tpu.enqueue_indirect_dma source(%dma_start3A_74 : memref<80x128xf32, #tpu.memory_space<vmem>>) target(%dma_start3A_80 : memref<5040x128xf32, #tpu.memory_space<vmem_shared>>) offsets(%dma_start3A_77 : memref<80xi32, #tpu.memory_space<vmem>>) semaphore(%run_scoped3A_70 : memref<!tpu.dma_semaphore, #tpu.memory_space<semaphore_mem>>) {add = true}
      %dma_wait3A_81 = arith.constant 0 : i32
      %dma_wait3A_82 = arith.constant 0 : i32
      %dma_wait3A_83 = tpu.memref_slice %arg10[%rem3A_58, %dma_wait3A_81, %dma_wait3A_82] : memref<2x80x128xf32, #tpu.memory_space<vmem>> -> memref<1x80x128xf32, #tpu.memory_space<vmem>>
      %dma_wait3A_84 = tpu.memref_squeeze %dma_wait3A_83 : memref<1x80x128xf32, #tpu.memory_space<vmem>> -> memref<80x128xf32, #tpu.memory_space<vmem>>
      %dma_wait3A_85 = arith.constant 0 : i32
      %dma_wait3A_86 = tpu.memref_slice %arg8[%run_scoped3A, %dma_wait3A_85] : memref<250x80xi32, #tpu.memory_space<vmem>> -> memref<1x80xi32, #tpu.memory_space<vmem>>
      %dma_wait3A_87 = tpu.memref_squeeze %dma_wait3A_86 : memref<1x80xi32, #tpu.memory_space<vmem>> -> memref<80xi32, #tpu.memory_space<vmem>>
      %dma_wait3A_88 = arith.constant 0 : i32
      %dma_wait3A_89 = arith.constant 0 : i32
      %dma_wait3A_90 = tpu.memref_slice %arg11[%dma_wait3A_88, %dma_wait3A_89] : memref<5040x128xf32, #tpu.memory_space<vmem_shared>> -> memref<5040x128xf32, #tpu.memory_space<vmem_shared>>
      tpu.wait_indirect_dma semaphore(%run_scoped3A_70 : memref<!tpu.dma_semaphore, #tpu.memory_space<semaphore_mem>>) src(%dma_wait3A_84 : memref<80x128xf32, #tpu.memory_space<vmem>>) dst(%dma_wait3A_90 : memref<5040x128xf32, #tpu.memory_space<vmem_shared>>)
      tpu.yield
    }) : () -> ()
    %barrier3A_59 = arith.constant 0 : index
    tpu.barrier barrier_id(%barrier3A_59)
    %lt3A_60 = arith.constant 15 : i32
    %lt3A_61 = arith.cmpi slt, %arg1, %lt3A_60 : i32
    %convert_element_type3A_62 = arith.extui %lt3A_61 : i1 to i32
    %cond3A_63 = arith.constant 0 : i32
    %cond3A_64 = arith.cmpi ne, %convert_element_type3A_62, %cond3A_63 : i32
    scf.if %cond3A_64 {
      %add3A = arith.addi %mul3A_0, %multiple_of3A_11 : i32
      "tpu.region"() ({
        %run_scoped3A_70 = tpu.sem_alloc : memref<!tpu.dma_semaphore, #tpu.memory_space<semaphore_mem>>
        %dma_start3A_71 = arith.constant 0 : i32
        %dma_start3A_72 = tpu.memref_slice %arg6[%add3A, %dma_start3A_71] : memref<10000x128xf32, #tpu.memory_space<hbm>> -> memref<312x128xf32, #tpu.memory_space<hbm>>
        %dma_start3A_73 = arith.constant 0 : i32
        %dma_start3A_74 = tpu.memref_slice %arg11[%multiple_of3A_11, %dma_start3A_73] : memref<5040x128xf32, #tpu.memory_space<vmem_shared>> -> memref<312x128xf32, #tpu.memory_space<vmem_shared>>
        tpu.enqueue_dma source(%dma_start3A_74 : memref<312x128xf32, #tpu.memory_space<vmem_shared>>) target(%dma_start3A_72 : memref<312x128xf32, #tpu.memory_space<hbm>>) target_semaphore(%run_scoped3A_70 : memref<!tpu.dma_semaphore, #tpu.memory_space<semaphore_mem>>)
        %dma_wait3A_75 = arith.constant 0 : i32
        %dma_wait3A_76 = tpu.memref_slice %arg6[%add3A, %dma_wait3A_75] : memref<10000x128xf32, #tpu.memory_space<hbm>> -> memref<312x128xf32, #tpu.memory_space<hbm>>
        %dma_wait3A_77 = arith.constant 0 : i32
        %dma_wait3A_78 = tpu.memref_slice %arg11[%multiple_of3A_11, %dma_wait3A_77] : memref<5040x128xf32, #tpu.memory_space<vmem_shared>> -> memref<312x128xf32, #tpu.memory_space<vmem_shared>>
        tpu.wait_dma2 semaphore(%run_scoped3A_70 : memref<!tpu.dma_semaphore, #tpu.memory_space<semaphore_mem>>) src(%dma_wait3A_78 : memref<312x128xf32, #tpu.memory_space<vmem_shared>>) dst(%dma_wait3A_76 : memref<312x128xf32, #tpu.memory_space<hbm>>)
        tpu.yield
      }) : () -> ()
    } else {
    }
    %eq3A_65 = arith.constant 15 : i32
    %eq3A_66 = arith.cmpi eq, %arg1, %eq3A_65 : i32
    %convert_element_type3A_67 = arith.extui %eq3A_66 : i1 to i32
    %cond3A_68 = arith.constant 0 : i32
    %cond3A_69 = arith.cmpi ne, %convert_element_type3A_67, %cond3A_68 : i32
    scf.if %cond3A_69 {
      %add3A = arith.constant 4680 : i32
      %add3A_70 = arith.addi %mul3A_0, %add3A : i32
      "tpu.region"() ({
        %run_scoped3A_71 = tpu.sem_alloc : memref<!tpu.dma_semaphore, #tpu.memory_space<semaphore_mem>>
        %dma_start3A_72 = arith.constant 0 : i32
        %dma_start3A_73 = tpu.memref_slice %arg6[%add3A_70, %dma_start3A_72] : memref<10000x128xf32, #tpu.memory_space<hbm>> -> memref<320x128xf32, #tpu.memory_space<hbm>>
        %dma_start3A_74 = arith.constant 4680 : i32
        %dma_start3A_75 = arith.constant 0 : i32
        %dma_start3A_76 = tpu.memref_slice %arg11[%dma_start3A_74, %dma_start3A_75] : memref<5040x128xf32, #tpu.memory_space<vmem_shared>> -> memref<320x128xf32, #tpu.memory_space<vmem_shared>>
        tpu.enqueue_dma source(%dma_start3A_76 : memref<320x128xf32, #tpu.memory_space<vmem_shared>>) target(%dma_start3A_73 : memref<320x128xf32, #tpu.memory_space<hbm>>) target_semaphore(%run_scoped3A_71 : memref<!tpu.dma_semaphore, #tpu.memory_space<semaphore_mem>>)
        %dma_wait3A_77 = arith.constant 0 : i32
        %dma_wait3A_78 = tpu.memref_slice %arg6[%add3A_70, %dma_wait3A_77] : memref<10000x128xf32, #tpu.memory_space<hbm>> -> memref<320x128xf32, #tpu.memory_space<hbm>>
        %dma_wait3A_79 = arith.constant 4680 : i32
        %dma_wait3A_80 = arith.constant 0 : i32
        %dma_wait3A_81 = tpu.memref_slice %arg11[%dma_wait3A_79, %dma_wait3A_80] : memref<5040x128xf32, #tpu.memory_space<vmem_shared>> -> memref<320x128xf32, #tpu.memory_space<vmem_shared>>
        tpu.wait_dma2 semaphore(%run_scoped3A_71 : memref<!tpu.dma_semaphore, #tpu.memory_space<semaphore_mem>>) src(%dma_wait3A_81 : memref<320x128xf32, #tpu.memory_space<vmem_shared>>) dst(%dma_wait3A_78 : memref<320x128xf32, #tpu.memory_space<hbm>>)
        tpu.yield
      }) : () -> ()
    } else {
    }
    return
  }
}

#map = affine_map<(d0, d1) -> (0, 0, 0)>
#map1 = affine_map<(d0, d1) -> (0, 0)>
module attributes {stable_mosaic.version = 14 : i64} {
  func.func @body(%arg0: i32, %arg1: i32, %arg2: memref<16x250x80xi32, #tpu.memory_space<hbm>>, %arg3: memref<16x250x80xi32, #tpu.memory_space<hbm>>, %arg4: memref<360x128xf32, #tpu.memory_space<hbm>>, %arg5: memref<10000x128xf32, #tpu.memory_space<hbm>>, %arg6: memref<10000x128xf32, #tpu.memory_space<hbm>>, %arg7: memref<10000x128xf32, #tpu.memory_space<hbm>>, %arg8: memref<10000x128xf32, #tpu.memory_space<hbm>>, %arg9: memref<250x80xi32, #tpu.memory_space<vmem>>, %arg10: memref<250x80xi32, #tpu.memory_space<vmem>>, %arg11: memref<80xi32, #tpu.memory_space<vmem>>, %arg12: memref<2x80x128xf32, #tpu.memory_space<vmem>>, %arg13: memref<5040x128xf32, #tpu.memory_space<vmem_shared>>, %arg14: memref<2x!tpu.dma_semaphore, #tpu.memory_space<semaphore_mem>>) attributes {dimension_semantics = [#tpu.dimension_semantics<core_parallel>, #tpu.dimension_semantics<subcore_parallel>], iteration_bounds = array<i64: 2, 16>, scalar_prefetch = 0 : i64, scratch_operands = 6 : i64, tpu.core_type = #tpu.core_type<sc_vector_subcore>, window_params = [{transform_indices = #map}, {transform_indices = #map}, {transform_indices = #map1}, {transform_indices = #map1}, {transform_indices = #map1}, {transform_indices = #map1}, {transform_indices = #map1}]} {
    %mul3A = arith.constant 5000 : i32
    %mul3A_0 = arith.muli %arg0, %mul3A : i32
    "tpu.region"() ({
      %run_scoped3A_138 = tpu.sem_alloc : memref<!tpu.dma_semaphore, #tpu.memory_space<semaphore_mem>>
      %dma_start3A_139 = arith.constant 0 : i32
      %dma_start3A_140 = arith.constant 0 : i32
      %dma_start3A_141 = tpu.memref_slice %arg2[%arg1, %dma_start3A_139, %dma_start3A_140] : memref<16x250x80xi32, #tpu.memory_space<hbm>> -> memref<1x250x80xi32, #tpu.memory_space<hbm>>
      %dma_start3A_142 = tpu.memref_squeeze %dma_start3A_141 : memref<1x250x80xi32, #tpu.memory_space<hbm>> -> memref<250x80xi32, #tpu.memory_space<hbm>>
      %dma_start3A_143 = arith.constant 0 : i32
      %dma_start3A_144 = arith.constant 0 : i32
      %dma_start3A_145 = tpu.memref_slice %arg2[%arg1, %dma_start3A_143, %dma_start3A_144] : memref<16x250x80xi32, #tpu.memory_space<hbm>> -> memref<1x250x80xi32, #tpu.memory_space<hbm>>
      %dma_start3A_146 = tpu.memref_squeeze %dma_start3A_145 : memref<1x250x80xi32, #tpu.memory_space<hbm>> -> memref<250x80xi32, #tpu.memory_space<hbm>>
      tpu.enqueue_dma source(%dma_start3A_146 : memref<250x80xi32, #tpu.memory_space<hbm>>) target(%arg9 : memref<250x80xi32, #tpu.memory_space<vmem>>) target_semaphore(%run_scoped3A_138 : memref<!tpu.dma_semaphore, #tpu.memory_space<semaphore_mem>>)
      %dma_wait3A_147 = arith.constant 0 : i32
      %dma_wait3A_148 = arith.constant 0 : i32
      %dma_wait3A_149 = tpu.memref_slice %arg2[%arg1, %dma_wait3A_147, %dma_wait3A_148] : memref<16x250x80xi32, #tpu.memory_space<hbm>> -> memref<1x250x80xi32, #tpu.memory_space<hbm>>
      %dma_wait3A_150 = tpu.memref_squeeze %dma_wait3A_149 : memref<1x250x80xi32, #tpu.memory_space<hbm>> -> memref<250x80xi32, #tpu.memory_space<hbm>>
      %dma_wait3A_151 = arith.constant 0 : i32
      %dma_wait3A_152 = arith.constant 0 : i32
      %dma_wait3A_153 = tpu.memref_slice %arg2[%arg1, %dma_wait3A_151, %dma_wait3A_152] : memref<16x250x80xi32, #tpu.memory_space<hbm>> -> memref<1x250x80xi32, #tpu.memory_space<hbm>>
      %dma_wait3A_154 = tpu.memref_squeeze %dma_wait3A_153 : memref<1x250x80xi32, #tpu.memory_space<hbm>> -> memref<250x80xi32, #tpu.memory_space<hbm>>
      tpu.wait_dma2 semaphore(%run_scoped3A_138 : memref<!tpu.dma_semaphore, #tpu.memory_space<semaphore_mem>>) src(%dma_wait3A_154 : memref<250x80xi32, #tpu.memory_space<hbm>>) dst(%arg9 : memref<250x80xi32, #tpu.memory_space<vmem>>)
      tpu.yield
    }) : () -> ()
    "tpu.region"() ({
      %run_scoped3A_138 = tpu.sem_alloc : memref<!tpu.dma_semaphore, #tpu.memory_space<semaphore_mem>>
      %dma_start3A_139 = arith.constant 0 : i32
      %dma_start3A_140 = arith.constant 0 : i32
      %dma_start3A_141 = tpu.memref_slice %arg3[%arg1, %dma_start3A_139, %dma_start3A_140] : memref<16x250x80xi32, #tpu.memory_space<hbm>> -> memref<1x250x80xi32, #tpu.memory_space<hbm>>
      %dma_start3A_142 = tpu.memref_squeeze %dma_start3A_141 : memref<1x250x80xi32, #tpu.memory_space<hbm>> -> memref<250x80xi32, #tpu.memory_space<hbm>>
      %dma_start3A_143 = arith.constant 0 : i32
      %dma_start3A_144 = arith.constant 0 : i32
      %dma_start3A_145 = tpu.memref_slice %arg3[%arg1, %dma_start3A_143, %dma_start3A_144] : memref<16x250x80xi32, #tpu.memory_space<hbm>> -> memref<1x250x80xi32, #tpu.memory_space<hbm>>
      %dma_start3A_146 = tpu.memref_squeeze %dma_start3A_145 : memref<1x250x80xi32, #tpu.memory_space<hbm>> -> memref<250x80xi32, #tpu.memory_space<hbm>>
      tpu.enqueue_dma source(%dma_start3A_146 : memref<250x80xi32, #tpu.memory_space<hbm>>) target(%arg10 : memref<250x80xi32, #tpu.memory_space<vmem>>) target_semaphore(%run_scoped3A_138 : memref<!tpu.dma_semaphore, #tpu.memory_space<semaphore_mem>>)
      %dma_wait3A_147 = arith.constant 0 : i32
      %dma_wait3A_148 = arith.constant 0 : i32
      %dma_wait3A_149 = tpu.memref_slice %arg3[%arg1, %dma_wait3A_147, %dma_wait3A_148] : memref<16x250x80xi32, #tpu.memory_space<hbm>> -> memref<1x250x80xi32, #tpu.memory_space<hbm>>
      %dma_wait3A_150 = tpu.memref_squeeze %dma_wait3A_149 : memref<1x250x80xi32, #tpu.memory_space<hbm>> -> memref<250x80xi32, #tpu.memory_space<hbm>>
      %dma_wait3A_151 = arith.constant 0 : i32
      %dma_wait3A_152 = arith.constant 0 : i32
      %dma_wait3A_153 = tpu.memref_slice %arg3[%arg1, %dma_wait3A_151, %dma_wait3A_152] : memref<16x250x80xi32, #tpu.memory_space<hbm>> -> memref<1x250x80xi32, #tpu.memory_space<hbm>>
      %dma_wait3A_154 = tpu.memref_squeeze %dma_wait3A_153 : memref<1x250x80xi32, #tpu.memory_space<hbm>> -> memref<250x80xi32, #tpu.memory_space<hbm>>
      tpu.wait_dma2 semaphore(%run_scoped3A_138 : memref<!tpu.dma_semaphore, #tpu.memory_space<semaphore_mem>>) src(%dma_wait3A_154 : memref<250x80xi32, #tpu.memory_space<hbm>>) dst(%arg10 : memref<250x80xi32, #tpu.memory_space<vmem>>)
      tpu.yield
    }) : () -> ()
    %iota3A = tpu.iota {dimensions = array<i32: 0>} : vector<16xi32>
    %scan3A = arith.constant 0 : i32
    %scan3A_1 = arith.constant 0 : i32
    %scan3A_2 = arith.constant 250 : i32
    %scan3A_3 = arith.addi %scan3A_1, %scan3A_2 : i32
    %scan3A_4 = arith.constant 1 : i32
    %scan3A_5 = scf.for %scan3A_138 = %scan3A_1 to %scan3A_3 step %scan3A_4 iter_args(%scan3A_139 = %scan3A) -> (i32)  : i32 {
      %get3A = arith.index_cast %scan3A_138 : i32 to index
      %get3A_140 = arith.constant 0 : index
      %get3A_141 = tpu.vector_load %arg10[%get3A, %get3A_140] {strides = array<i32>} : memref<250x80xi32, #tpu.memory_space<vmem>>, vector<1x16xi32>,
      %get3A_142 = vector.shape_cast %get3A_141 : vector<1x16xi32> to vector<16xi32>
      %sub3A = vector.broadcast %mul3A_0 : i32 to vector<16xi32>
      %sub3A_143 = arith.subi %get3A_142, %sub3A : vector<16xi32>
      %ge3A = arith.constant 0 : i32
      %ge3A_144 = vector.broadcast %ge3A : i32 to vector<16xi32>
      %ge3A_145 = arith.cmpi sge, %sub3A_143, %ge3A_144 : vector<16xi32>
      %lt3A_146 = arith.constant 5000 : i32
      %lt3A_147 = vector.broadcast %lt3A_146 : i32 to vector<16xi32>
      %lt3A_148 = arith.cmpi slt, %sub3A_143, %lt3A_147 : vector<16xi32>
      %and3A = arith.andi %ge3A_145, %lt3A_148 : vector<16xi1>
      %add3A = arith.addi %get3A_142, %iota3A : vector<16xi32>
      %and3A_149 = arith.constant 31 : i32
      %and3A_150 = vector.broadcast %and3A_149 : i32 to vector<16xi32>
      %and3A_151 = arith.andi %add3A, %and3A_150 : vector<16xi32>
      %add3A_152 = arith.constant 5000 : i32
      %add3A_153 = vector.broadcast %add3A_152 : i32 to vector<16xi32>
      %add3A_154 = arith.addi %add3A_153, %and3A_151 : vector<16xi32>
      %select_n3A = arith.select %and3A, %sub3A_143, %add3A_154 : vector<16xi1>, vector<16xi32>
      %swap3A = arith.index_cast %scan3A_138 : i32 to index
      %swap3A_155 = arith.constant 0 : index
      %swap3A_156 = tpu.vector_load %arg10[%swap3A, %swap3A_155] {strides = array<i32>} : memref<250x80xi32, #tpu.memory_space<vmem>>, vector<1x16xi32>,
      %swap3A_157 = vector.shape_cast %swap3A_156 : vector<1x16xi32> to vector<16xi32>
      %swap3A_158 = vector.shape_cast %select_n3A : vector<16xi32> to vector<1x16xi32>
      tpu.vector_store %arg10[%swap3A, %swap3A_155], %swap3A_158 {strides = array<i32>} : memref<250x80xi32, #tpu.memory_space<vmem>>, vector<1x16xi32>,
      %get3A_159 = arith.index_cast %scan3A_138 : i32 to index
      %get3A_160 = arith.constant 16 : index
      %get3A_161 = tpu.vector_load %arg10[%get3A_159, %get3A_160] {strides = array<i32>} : memref<250x80xi32, #tpu.memory_space<vmem>>, vector<1x16xi32>,
      %get3A_162 = vector.shape_cast %get3A_161 : vector<1x16xi32> to vector<16xi32>
      %sub3A_163 = vector.broadcast %mul3A_0 : i32 to vector<16xi32>
      %sub3A_164 = arith.subi %get3A_162, %sub3A_163 : vector<16xi32>
      %ge3A_165 = arith.constant 0 : i32
      %ge3A_166 = vector.broadcast %ge3A_165 : i32 to vector<16xi32>
      %ge3A_167 = arith.cmpi sge, %sub3A_164, %ge3A_166 : vector<16xi32>
      %lt3A_168 = arith.constant 5000 : i32
      %lt3A_169 = vector.broadcast %lt3A_168 : i32 to vector<16xi32>
      %lt3A_170 = arith.cmpi slt, %sub3A_164, %lt3A_169 : vector<16xi32>
      %and3A_171 = arith.andi %ge3A_167, %lt3A_170 : vector<16xi1>
      %add3A_172 = arith.addi %get3A_162, %iota3A : vector<16xi32>
      %and3A_173 = arith.constant 31 : i32
      %and3A_174 = vector.broadcast %and3A_173 : i32 to vector<16xi32>
      %and3A_175 = arith.andi %add3A_172, %and3A_174 : vector<16xi32>
      %add3A_176 = arith.constant 5000 : i32
      %add3A_177 = vector.broadcast %add3A_176 : i32 to vector<16xi32>
      %add3A_178 = arith.addi %add3A_177, %and3A_175 : vector<16xi32>
      %select_n3A_179 = arith.select %and3A_171, %sub3A_164, %add3A_178 : vector<16xi1>, vector<16xi32>
      %swap3A_180 = arith.index_cast %scan3A_138 : i32 to index
      %swap3A_181 = arith.constant 16 : index
      %swap3A_182 = tpu.vector_load %arg10[%swap3A_180, %swap3A_181] {strides = array<i32>} : memref<250x80xi32, #tpu.memory_space<vmem>>, vector<1x16xi32>,
      %swap3A_183 = vector.shape_cast %swap3A_182 : vector<1x16xi32> to vector<16xi32>
      %swap3A_184 = vector.shape_cast %select_n3A_179 : vector<16xi32> to vector<1x16xi32>
      tpu.vector_store %arg10[%swap3A_180, %swap3A_181], %swap3A_184 {strides = array<i32>} : memref<250x80xi32, #tpu.memory_space<vmem>>, vector<1x16xi32>,
      %get3A_185 = arith.index_cast %scan3A_138 : i32 to index
      %get3A_186 = arith.constant 32 : index
      %get3A_187 = tpu.vector_load %arg10[%get3A_185, %get3A_186] {strides = array<i32>} : memref<250x80xi32, #tpu.memory_space<vmem>>, vector<1x16xi32>,
      %get3A_188 = vector.shape_cast %get3A_187 : vector<1x16xi32> to vector<16xi32>
      %sub3A_189 = vector.broadcast %mul3A_0 : i32 to vector<16xi32>
      %sub3A_190 = arith.subi %get3A_188, %sub3A_189 : vector<16xi32>
      %ge3A_191 = arith.constant 0 : i32
      %ge3A_192 = vector.broadcast %ge3A_191 : i32 to vector<16xi32>
      %ge3A_193 = arith.cmpi sge, %sub3A_190, %ge3A_192 : vector<16xi32>
      %lt3A_194 = arith.constant 5000 : i32
      %lt3A_195 = vector.broadcast %lt3A_194 : i32 to vector<16xi32>
      %lt3A_196 = arith.cmpi slt, %sub3A_190, %lt3A_195 : vector<16xi32>
      %and3A_197 = arith.andi %ge3A_193, %lt3A_196 : vector<16xi1>
      %add3A_198 = arith.addi %get3A_188, %iota3A : vector<16xi32>
      %and3A_199 = arith.constant 31 : i32
      %and3A_200 = vector.broadcast %and3A_199 : i32 to vector<16xi32>
      %and3A_201 = arith.andi %add3A_198, %and3A_200 : vector<16xi32>
      %add3A_202 = arith.constant 5000 : i32
      %add3A_203 = vector.broadcast %add3A_202 : i32 to vector<16xi32>
      %add3A_204 = arith.addi %add3A_203, %and3A_201 : vector<16xi32>
      %select_n3A_205 = arith.select %and3A_197, %sub3A_190, %add3A_204 : vector<16xi1>, vector<16xi32>
      %swap3A_206 = arith.index_cast %scan3A_138 : i32 to index
      %swap3A_207 = arith.constant 32 : index
      %swap3A_208 = tpu.vector_load %arg10[%swap3A_206, %swap3A_207] {strides = array<i32>} : memref<250x80xi32, #tpu.memory_space<vmem>>, vector<1x16xi32>,
      %swap3A_209 = vector.shape_cast %swap3A_208 : vector<1x16xi32> to vector<16xi32>
      %swap3A_210 = vector.shape_cast %select_n3A_205 : vector<16xi32> to vector<1x16xi32>
      tpu.vector_store %arg10[%swap3A_206, %swap3A_207], %swap3A_210 {strides = array<i32>} : memref<250x80xi32, #tpu.memory_space<vmem>>, vector<1x16xi32>,
      %get3A_211 = arith.index_cast %scan3A_138 : i32 to index
      %get3A_212 = arith.constant 48 : index
      %get3A_213 = tpu.vector_load %arg10[%get3A_211, %get3A_212] {strides = array<i32>} : memref<250x80xi32, #tpu.memory_space<vmem>>, vector<1x16xi32>,
      %get3A_214 = vector.shape_cast %get3A_213 : vector<1x16xi32> to vector<16xi32>
      %sub3A_215 = vector.broadcast %mul3A_0 : i32 to vector<16xi32>
      %sub3A_216 = arith.subi %get3A_214, %sub3A_215 : vector<16xi32>
      %ge3A_217 = arith.constant 0 : i32
      %ge3A_218 = vector.broadcast %ge3A_217 : i32 to vector<16xi32>
      %ge3A_219 = arith.cmpi sge, %sub3A_216, %ge3A_218 : vector<16xi32>
      %lt3A_220 = arith.constant 5000 : i32
      %lt3A_221 = vector.broadcast %lt3A_220 : i32 to vector<16xi32>
      %lt3A_222 = arith.cmpi slt, %sub3A_216, %lt3A_221 : vector<16xi32>
      %and3A_223 = arith.andi %ge3A_219, %lt3A_222 : vector<16xi1>
      %add3A_224 = arith.addi %get3A_214, %iota3A : vector<16xi32>
      %and3A_225 = arith.constant 31 : i32
      %and3A_226 = vector.broadcast %and3A_225 : i32 to vector<16xi32>
      %and3A_227 = arith.andi %add3A_224, %and3A_226 : vector<16xi32>
      %add3A_228 = arith.constant 5000 : i32
      %add3A_229 = vector.broadcast %add3A_228 : i32 to vector<16xi32>
      %add3A_230 = arith.addi %add3A_229, %and3A_227 : vector<16xi32>
      %select_n3A_231 = arith.select %and3A_223, %sub3A_216, %add3A_230 : vector<16xi1>, vector<16xi32>
      %swap3A_232 = arith.index_cast %scan3A_138 : i32 to index
      %swap3A_233 = arith.constant 48 : index
      %swap3A_234 = tpu.vector_load %arg10[%swap3A_232, %swap3A_233] {strides = array<i32>} : memref<250x80xi32, #tpu.memory_space<vmem>>, vector<1x16xi32>,
      %swap3A_235 = vector.shape_cast %swap3A_234 : vector<1x16xi32> to vector<16xi32>
      %swap3A_236 = vector.shape_cast %select_n3A_231 : vector<16xi32> to vector<1x16xi32>
      tpu.vector_store %arg10[%swap3A_232, %swap3A_233], %swap3A_236 {strides = array<i32>} : memref<250x80xi32, #tpu.memory_space<vmem>>, vector<1x16xi32>,
      %get3A_237 = arith.index_cast %scan3A_138 : i32 to index
      %get3A_238 = arith.constant 64 : index
      %get3A_239 = tpu.vector_load %arg10[%get3A_237, %get3A_238] {strides = array<i32>} : memref<250x80xi32, #tpu.memory_space<vmem>>, vector<1x16xi32>,
      %get3A_240 = vector.shape_cast %get3A_239 : vector<1x16xi32> to vector<16xi32>
      %sub3A_241 = vector.broadcast %mul3A_0 : i32 to vector<16xi32>
      %sub3A_242 = arith.subi %get3A_240, %sub3A_241 : vector<16xi32>
      %ge3A_243 = arith.constant 0 : i32
      %ge3A_244 = vector.broadcast %ge3A_243 : i32 to vector<16xi32>
      %ge3A_245 = arith.cmpi sge, %sub3A_242, %ge3A_244 : vector<16xi32>
      %lt3A_246 = arith.constant 5000 : i32
      %lt3A_247 = vector.broadcast %lt3A_246 : i32 to vector<16xi32>
      %lt3A_248 = arith.cmpi slt, %sub3A_242, %lt3A_247 : vector<16xi32>
      %and3A_249 = arith.andi %ge3A_245, %lt3A_248 : vector<16xi1>
      %add3A_250 = arith.addi %get3A_240, %iota3A : vector<16xi32>
      %and3A_251 = arith.constant 31 : i32
      %and3A_252 = vector.broadcast %and3A_251 : i32 to vector<16xi32>
      %and3A_253 = arith.andi %add3A_250, %and3A_252 : vector<16xi32>
      %add3A_254 = arith.constant 5000 : i32
      %add3A_255 = vector.broadcast %add3A_254 : i32 to vector<16xi32>
      %add3A_256 = arith.addi %add3A_255, %and3A_253 : vector<16xi32>
      %select_n3A_257 = arith.select %and3A_249, %sub3A_242, %add3A_256 : vector<16xi1>, vector<16xi32>
      %swap3A_258 = arith.index_cast %scan3A_138 : i32 to index
      %swap3A_259 = arith.constant 64 : index
      %swap3A_260 = tpu.vector_load %arg10[%swap3A_258, %swap3A_259] {strides = array<i32>} : memref<250x80xi32, #tpu.memory_space<vmem>>, vector<1x16xi32>,
      %swap3A_261 = vector.shape_cast %swap3A_260 : vector<1x16xi32> to vector<16xi32>
      %swap3A_262 = vector.shape_cast %select_n3A_257 : vector<16xi32> to vector<1x16xi32>
      tpu.vector_store %arg10[%swap3A_258, %swap3A_259], %swap3A_262 {strides = array<i32>} : memref<250x80xi32, #tpu.memory_space<vmem>>, vector<1x16xi32>,
      %scan3A_263 = arith.constant 0 : i32
      scf.yield %scan3A_263 : i32
    }
    %scan3A_6 = arith.constant 250 : i32
    %mul3A_7 = arith.constant 312 : i32
    %mul3A_8 = arith.muli %arg1, %mul3A_7 : i32
    %multiple_of3A = tpu.assume_multiple %mul3A_8, 8 : i32
    %mul3A_9 = arith.constant 312 : i32
    %mul3A_10 = arith.muli %arg1, %mul3A_9 : i32
    %multiple_of3A_11 = tpu.assume_multiple %mul3A_10, 8 : i32
    %lt3A = arith.constant 15 : i32
    %lt3A_12 = arith.cmpi slt, %arg1, %lt3A : i32
    %convert_element_type3A = arith.extui %lt3A_12 : i1 to i32
    %cond3A = arith.constant 0 : i32
    %cond3A_13 = arith.cmpi ne, %convert_element_type3A, %cond3A : i32
    scf.if %cond3A_13 {
      "tpu.region"() ({
        %run_scoped3A_138 = tpu.sem_alloc : memref<!tpu.dma_semaphore, #tpu.memory_space<semaphore_mem>>
        %dma_start3A_139 = arith.constant 0 : i32
        %dma_start3A_140 = tpu.memref_slice %arg13[%multiple_of3A, %dma_start3A_139] : memref<5040x128xf32, #tpu.memory_space<vmem_shared>> -> memref<312x128xf32, #tpu.memory_space<vmem_shared>>
        %dma_start3A_141 = arith.constant 0 : i32
        %dma_start3A_142 = arith.constant 0 : i32
        %dma_start3A_143 = tpu.memref_slice %arg4[%dma_start3A_141, %dma_start3A_142] : memref<360x128xf32, #tpu.memory_space<hbm>> -> memref<312x128xf32, #tpu.memory_space<hbm>>
        tpu.enqueue_dma source(%dma_start3A_143 : memref<312x128xf32, #tpu.memory_space<hbm>>) target(%dma_start3A_140 : memref<312x128xf32, #tpu.memory_space<vmem_shared>>) target_semaphore(%run_scoped3A_138 : memref<!tpu.dma_semaphore, #tpu.memory_space<semaphore_mem>>)
        %dma_wait3A_144 = arith.constant 0 : i32
        %dma_wait3A_145 = tpu.memref_slice %arg13[%multiple_of3A, %dma_wait3A_144] : memref<5040x128xf32, #tpu.memory_space<vmem_shared>> -> memref<312x128xf32, #tpu.memory_space<vmem_shared>>
        %dma_wait3A_146 = arith.constant 0 : i32
        %dma_wait3A_147 = arith.constant 0 : i32
        %dma_wait3A_148 = tpu.memref_slice %arg4[%dma_wait3A_146, %dma_wait3A_147] : memref<360x128xf32, #tpu.memory_space<hbm>> -> memref<312x128xf32, #tpu.memory_space<hbm>>
        tpu.wait_dma2 semaphore(%run_scoped3A_138 : memref<!tpu.dma_semaphore, #tpu.memory_space<semaphore_mem>>) src(%dma_wait3A_148 : memref<312x128xf32, #tpu.memory_space<hbm>>) dst(%dma_wait3A_145 : memref<312x128xf32, #tpu.memory_space<vmem_shared>>)
        tpu.yield
      }) : () -> ()
    } else {
    }
    %eq3A = arith.constant 15 : i32
    %eq3A_14 = arith.cmpi eq, %arg1, %eq3A : i32
    %convert_element_type3A_15 = arith.extui %eq3A_14 : i1 to i32
    %cond3A_16 = arith.constant 0 : i32
    %cond3A_17 = arith.cmpi ne, %convert_element_type3A_15, %cond3A_16 : i32
    scf.if %cond3A_17 {
      "tpu.region"() ({
        %run_scoped3A_138 = tpu.sem_alloc : memref<!tpu.dma_semaphore, #tpu.memory_space<semaphore_mem>>
        %dma_start3A_139 = arith.constant 4680 : i32
        %dma_start3A_140 = arith.constant 0 : i32
        %dma_start3A_141 = tpu.memref_slice %arg13[%dma_start3A_139, %dma_start3A_140] : memref<5040x128xf32, #tpu.memory_space<vmem_shared>> -> memref<360x128xf32, #tpu.memory_space<vmem_shared>>
        tpu.enqueue_dma source(%arg4 : memref<360x128xf32, #tpu.memory_space<hbm>>) target(%dma_start3A_141 : memref<360x128xf32, #tpu.memory_space<vmem_shared>>) target_semaphore(%run_scoped3A_138 : memref<!tpu.dma_semaphore, #tpu.memory_space<semaphore_mem>>)
        %dma_wait3A_142 = arith.constant 4680 : i32
        %dma_wait3A_143 = arith.constant 0 : i32
        %dma_wait3A_144 = tpu.memref_slice %arg13[%dma_wait3A_142, %dma_wait3A_143] : memref<5040x128xf32, #tpu.memory_space<vmem_shared>> -> memref<360x128xf32, #tpu.memory_space<vmem_shared>>
        tpu.wait_dma2 semaphore(%run_scoped3A_138 : memref<!tpu.dma_semaphore, #tpu.memory_space<semaphore_mem>>) src(%arg4 : memref<360x128xf32, #tpu.memory_space<hbm>>) dst(%dma_wait3A_144 : memref<360x128xf32, #tpu.memory_space<vmem_shared>>)
        tpu.yield
      }) : () -> ()
    } else {
    }
    %barrier3A = arith.constant 0 : index
    tpu.barrier barrier_id(%barrier3A)
    %dma_start3A = arith.constant 0 : i32
    %dma_start3A_18 = arith.constant 0 : i32
    %dma_start3A_19 = arith.constant 0 : i32
    %dma_start3A_20 = arith.constant 0 : i32
    %dma_start3A_21 = arith.constant 0 : i32
    %dma_start3A_22 = tpu.memref_slice %arg12[%dma_start3A_18, %dma_start3A_20, %dma_start3A_21] : memref<2x80x128xf32, #tpu.memory_space<vmem>> -> memref<1x80x128xf32, #tpu.memory_space<vmem>>
    %dma_start3A_23 = tpu.memref_squeeze %dma_start3A_22 : memref<1x80x128xf32, #tpu.memory_space<vmem>> -> memref<80x128xf32, #tpu.memory_space<vmem>>
    %dma_start3A_24 = arith.constant 0 : i32
    %dma_start3A_25 = tpu.memref_slice %arg9[%dma_start3A, %dma_start3A_24] : memref<250x80xi32, #tpu.memory_space<vmem>> -> memref<1x80xi32, #tpu.memory_space<vmem>>
    %dma_start3A_26 = tpu.memref_squeeze %dma_start3A_25 : memref<1x80xi32, #tpu.memory_space<vmem>> -> memref<80xi32, #tpu.memory_space<vmem>>
    %dma_start3A_27 = arith.constant 0 : i32
    %dma_start3A_28 = arith.constant 0 : i32
    %dma_start3A_29 = tpu.memref_slice %arg5[%dma_start3A_27, %dma_start3A_28] : memref<10000x128xf32, #tpu.memory_space<hbm>> -> memref<10000x128xf32, #tpu.memory_space<hbm>>
    %dma_start3A_30 = tpu.memref_slice %arg14[%dma_start3A_19] : memref<2x!tpu.dma_semaphore, #tpu.memory_space<semaphore_mem>> -> memref<1x!tpu.dma_semaphore, #tpu.memory_space<semaphore_mem>>
    %dma_start3A_31 = tpu.memref_squeeze %dma_start3A_30 : memref<1x!tpu.dma_semaphore, #tpu.memory_space<semaphore_mem>> -> memref<!tpu.dma_semaphore, #tpu.memory_space<semaphore_mem>>
    tpu.enqueue_indirect_dma source(%dma_start3A_29 : memref<10000x128xf32, #tpu.memory_space<hbm>>) target(%dma_start3A_23 : memref<80x128xf32, #tpu.memory_space<vmem>>) offsets(%dma_start3A_26 : memref<80xi32, #tpu.memory_space<vmem>>) semaphore(%dma_start3A_31 : memref<!tpu.dma_semaphore, #tpu.memory_space<semaphore_mem>>)
    %scan3A_32 = arith.constant 0 : i32
    %scan3A_33 = arith.constant 0 : i32
    %scan3A_34 = arith.constant 249 : i32
    %scan3A_35 = arith.addi %scan3A_33, %scan3A_34 : i32
    %scan3A_36 = arith.constant 1 : i32
    %scan3A_37 = scf.for %scan3A_138 = %scan3A_33 to %scan3A_35 step %scan3A_36 iter_args(%scan3A_139 = %scan3A_32) -> (i32)  : i32 {
      %add3A = arith.constant 1 : i32
      %add3A_140 = arith.addi %scan3A_138, %add3A : i32
      %add3A_141 = arith.constant 1 : i32
      %add3A_142 = arith.addi %scan3A_138, %add3A_141 : i32
      %rem3A_143 = arith.constant 2 : i32
      %rem3A_144 = arith.remsi %add3A_142, %rem3A_143 : i32
      %add3A_145 = arith.constant 1 : i32
      %add3A_146 = arith.addi %scan3A_138, %add3A_145 : i32
      %rem3A_147 = arith.constant 2 : i32
      %rem3A_148 = arith.remsi %add3A_146, %rem3A_147 : i32
      %dma_start3A_149 = arith.constant 0 : i32
      %dma_start3A_150 = arith.constant 0 : i32
      %dma_start3A_151 = tpu.memref_slice %arg12[%rem3A_144, %dma_start3A_149, %dma_start3A_150] : memref<2x80x128xf32, #tpu.memory_space<vmem>> -> memref<1x80x128xf32, #tpu.memory_space<vmem>>
      %dma_start3A_152 = tpu.memref_squeeze %dma_start3A_151 : memref<1x80x128xf32, #tpu.memory_space<vmem>> -> memref<80x128xf32, #tpu.memory_space<vmem>>
      %dma_start3A_153 = arith.constant 0 : i32
      %dma_start3A_154 = tpu.memref_slice %arg9[%add3A_140, %dma_start3A_153] : memref<250x80xi32, #tpu.memory_space<vmem>> -> memref<1x80xi32, #tpu.memory_space<vmem>>
      %dma_start3A_155 = tpu.memref_squeeze %dma_start3A_154 : memref<1x80xi32, #tpu.memory_space<vmem>> -> memref<80xi32, #tpu.memory_space<vmem>>
      %dma_start3A_156 = arith.constant 0 : i32
      %dma_start3A_157 = arith.constant 0 : i32
      %dma_start3A_158 = tpu.memref_slice %arg5[%dma_start3A_156, %dma_start3A_157] : memref<10000x128xf32, #tpu.memory_space<hbm>> -> memref<10000x128xf32, #tpu.memory_space<hbm>>
      %dma_start3A_159 = tpu.memref_slice %arg14[%rem3A_148] : memref<2x!tpu.dma_semaphore, #tpu.memory_space<semaphore_mem>> -> memref<1x!tpu.dma_semaphore, #tpu.memory_space<semaphore_mem>>
      %dma_start3A_160 = tpu.memref_squeeze %dma_start3A_159 : memref<1x!tpu.dma_semaphore, #tpu.memory_space<semaphore_mem>> -> memref<!tpu.dma_semaphore, #tpu.memory_space<semaphore_mem>>
      tpu.enqueue_indirect_dma source(%dma_start3A_158 : memref<10000x128xf32, #tpu.memory_space<hbm>>) target(%dma_start3A_152 : memref<80x128xf32, #tpu.memory_space<vmem>>) offsets(%dma_start3A_155 : memref<80xi32, #tpu.memory_space<vmem>>) semaphore(%dma_start3A_160 : memref<!tpu.dma_semaphore, #tpu.memory_space<semaphore_mem>>)
      %rem3A_161 = arith.constant 2 : i32
      %rem3A_162 = arith.remsi %scan3A_138, %rem3A_161 : i32
      %rem3A_163 = arith.constant 2 : i32
      %rem3A_164 = arith.remsi %scan3A_138, %rem3A_163 : i32
      %dma_wait3A_165 = arith.constant 0 : i32
      %dma_wait3A_166 = arith.constant 0 : i32
      %dma_wait3A_167 = tpu.memref_slice %arg12[%rem3A_162, %dma_wait3A_165, %dma_wait3A_166] : memref<2x80x128xf32, #tpu.memory_space<vmem>> -> memref<1x80x128xf32, #tpu.memory_space<vmem>>
      %dma_wait3A_168 = tpu.memref_squeeze %dma_wait3A_167 : memref<1x80x128xf32, #tpu.memory_space<vmem>> -> memref<80x128xf32, #tpu.memory_space<vmem>>
      %dma_wait3A_169 = arith.constant 0 : i32
      %dma_wait3A_170 = tpu.memref_slice %arg9[%scan3A_138, %dma_wait3A_169] : memref<250x80xi32, #tpu.memory_space<vmem>> -> memref<1x80xi32, #tpu.memory_space<vmem>>
      %dma_wait3A_171 = tpu.memref_squeeze %dma_wait3A_170 : memref<1x80xi32, #tpu.memory_space<vmem>> -> memref<80xi32, #tpu.memory_space<vmem>>
      %dma_wait3A_172 = arith.constant 0 : i32
      %dma_wait3A_173 = arith.constant 0 : i32
      %dma_wait3A_174 = tpu.memref_slice %arg5[%dma_wait3A_172, %dma_wait3A_173] : memref<10000x128xf32, #tpu.memory_space<hbm>> -> memref<10000x128xf32, #tpu.memory_space<hbm>>
      %dma_wait3A_175 = tpu.memref_slice %arg14[%rem3A_164] : memref<2x!tpu.dma_semaphore, #tpu.memory_space<semaphore_mem>> -> memref<1x!tpu.dma_semaphore, #tpu.memory_space<semaphore_mem>>
      %dma_wait3A_176 = tpu.memref_squeeze %dma_wait3A_175 : memref<1x!tpu.dma_semaphore, #tpu.memory_space<semaphore_mem>> -> memref<!tpu.dma_semaphore, #tpu.memory_space<semaphore_mem>>
      tpu.wait_indirect_dma semaphore(%dma_wait3A_176 : memref<!tpu.dma_semaphore, #tpu.memory_space<semaphore_mem>>) src(%dma_wait3A_174 : memref<10000x128xf32, #tpu.memory_space<hbm>>) dst(%dma_wait3A_168 : memref<80x128xf32, #tpu.memory_space<vmem>>)
      %rem3A_177 = arith.constant 2 : i32
      %rem3A_178 = arith.remsi %scan3A_138, %rem3A_177 : i32
      "tpu.region"() ({
        %run_scoped3A_180 = tpu.sem_alloc : memref<!tpu.dma_semaphore, #tpu.memory_space<semaphore_mem>>
        %dma_start3A_181 = arith.constant 0 : i32
        %dma_start3A_182 = arith.constant 0 : i32
        %dma_start3A_183 = tpu.memref_slice %arg12[%rem3A_178, %dma_start3A_181, %dma_start3A_182] : memref<2x80x128xf32, #tpu.memory_space<vmem>> -> memref<1x80x128xf32, #tpu.memory_space<vmem>>
        %dma_start3A_184 = tpu.memref_squeeze %dma_start3A_183 : memref<1x80x128xf32, #tpu.memory_space<vmem>> -> memref<80x128xf32, #tpu.memory_space<vmem>>
        %dma_start3A_185 = arith.constant 0 : i32
        %dma_start3A_186 = tpu.memref_slice %arg10[%scan3A_138, %dma_start3A_185] : memref<250x80xi32, #tpu.memory_space<vmem>> -> memref<1x80xi32, #tpu.memory_space<vmem>>
        %dma_start3A_187 = tpu.memref_squeeze %dma_start3A_186 : memref<1x80xi32, #tpu.memory_space<vmem>> -> memref<80xi32, #tpu.memory_space<vmem>>
        %dma_start3A_188 = arith.constant 0 : i32
        %dma_start3A_189 = arith.constant 0 : i32
        %dma_start3A_190 = tpu.memref_slice %arg13[%dma_start3A_188, %dma_start3A_189] : memref<5040x128xf32, #tpu.memory_space<vmem_shared>> -> memref<5040x128xf32, #tpu.memory_space<vmem_shared>>
        tpu.enqueue_indirect_dma source(%dma_start3A_184 : memref<80x128xf32, #tpu.memory_space<vmem>>) target(%dma_start3A_190 : memref<5040x128xf32, #tpu.memory_space<vmem_shared>>) offsets(%dma_start3A_187 : memref<80xi32, #tpu.memory_space<vmem>>) semaphore(%run_scoped3A_180 : memref<!tpu.dma_semaphore, #tpu.memory_space<semaphore_mem>>) {add = true}
        %dma_wait3A_191 = arith.constant 0 : i32
        %dma_wait3A_192 = arith.constant 0 : i32
        %dma_wait3A_193 = tpu.memref_slice %arg12[%rem3A_178, %dma_wait3A_191, %dma_wait3A_192] : memref<2x80x128xf32, #tpu.memory_space<vmem>> -> memref<1x80x128xf32, #tpu.memory_space<vmem>>
        %dma_wait3A_194 = tpu.memref_squeeze %dma_wait3A_193 : memref<1x80x128xf32, #tpu.memory_space<vmem>> -> memref<80x128xf32, #tpu.memory_space<vmem>>
        %dma_wait3A_195 = arith.constant 0 : i32
        %dma_wait3A_196 = tpu.memref_slice %arg10[%scan3A_138, %dma_wait3A_195] : memref<250x80xi32, #tpu.memory_space<vmem>> -> memref<1x80xi32, #tpu.memory_space<vmem>>
        %dma_wait3A_197 = tpu.memref_squeeze %dma_wait3A_196 : memref<1x80xi32, #tpu.memory_space<vmem>> -> memref<80xi32, #tpu.memory_space<vmem>>
        %dma_wait3A_198 = arith.constant 0 : i32
        %dma_wait3A_199 = arith.constant 0 : i32
        %dma_wait3A_200 = tpu.memref_slice %arg13[%dma_wait3A_198, %dma_wait3A_199] : memref<5040x128xf32, #tpu.memory_space<vmem_shared>> -> memref<5040x128xf32, #tpu.memory_space<vmem_shared>>
        tpu.wait_indirect_dma semaphore(%run_scoped3A_180 : memref<!tpu.dma_semaphore, #tpu.memory_space<semaphore_mem>>) src(%dma_wait3A_194 : memref<80x128xf32, #tpu.memory_space<vmem>>) dst(%dma_wait3A_200 : memref<5040x128xf32, #tpu.memory_space<vmem_shared>>)
        tpu.yield
      }) : () -> ()
      %scan3A_179 = arith.constant 0 : i32
      scf.yield %scan3A_179 : i32
    }
    %scan3A_38 = arith.constant 249 : i32
    %rem3A = arith.constant 249 : i32
    %rem3A_39 = arith.constant 2 : i32
    %rem3A_40 = arith.remsi %rem3A, %rem3A_39 : i32
    %rem3A_41 = arith.constant 249 : i32
    %rem3A_42 = arith.constant 2 : i32
    %rem3A_43 = arith.remsi %rem3A_41, %rem3A_42 : i32
    %dma_wait3A = arith.constant 249 : i32
    %dma_wait3A_44 = arith.constant 0 : i32
    %dma_wait3A_45 = arith.constant 0 : i32
    %dma_wait3A_46 = tpu.memref_slice %arg12[%rem3A_40, %dma_wait3A_44, %dma_wait3A_45] : memref<2x80x128xf32, #tpu.memory_space<vmem>> -> memref<1x80x128xf32, #tpu.memory_space<vmem>>
    %dma_wait3A_47 = tpu.memref_squeeze %dma_wait3A_46 : memref<1x80x128xf32, #tpu.memory_space<vmem>> -> memref<80x128xf32, #tpu.memory_space<vmem>>
    %dma_wait3A_48 = arith.constant 0 : i32
    %dma_wait3A_49 = tpu.memref_slice %arg9[%dma_wait3A, %dma_wait3A_48] : memref<250x80xi32, #tpu.memory_space<vmem>> -> memref<1x80xi32, #tpu.memory_space<vmem>>
    %dma_wait3A_50 = tpu.memref_squeeze %dma_wait3A_49 : memref<1x80xi32, #tpu.memory_space<vmem>> -> memref<80xi32, #tpu.memory_space<vmem>>
    %dma_wait3A_51 = arith.constant 0 : i32
    %dma_wait3A_52 = arith.constant 0 : i32
    %dma_wait3A_53 = tpu.memref_slice %arg5[%dma_wait3A_51, %dma_wait3A_52] : memref<10000x128xf32, #tpu.memory_space<hbm>> -> memref<10000x128xf32, #tpu.memory_space<hbm>>
    %dma_wait3A_54 = tpu.memref_slice %arg14[%rem3A_43] : memref<2x!tpu.dma_semaphore, #tpu.memory_space<semaphore_mem>> -> memref<1x!tpu.dma_semaphore, #tpu.memory_space<semaphore_mem>>
    %dma_wait3A_55 = tpu.memref_squeeze %dma_wait3A_54 : memref<1x!tpu.dma_semaphore, #tpu.memory_space<semaphore_mem>> -> memref<!tpu.dma_semaphore, #tpu.memory_space<semaphore_mem>>
    tpu.wait_indirect_dma semaphore(%dma_wait3A_55 : memref<!tpu.dma_semaphore, #tpu.memory_space<semaphore_mem>>) src(%dma_wait3A_53 : memref<10000x128xf32, #tpu.memory_space<hbm>>) dst(%dma_wait3A_47 : memref<80x128xf32, #tpu.memory_space<vmem>>)
    %rem3A_56 = arith.constant 249 : i32
    %rem3A_57 = arith.constant 2 : i32
    %rem3A_58 = arith.remsi %rem3A_56, %rem3A_57 : i32
    %run_scoped3A = arith.constant 249 : i32
    "tpu.region"() ({
      %run_scoped3A_138 = tpu.sem_alloc : memref<!tpu.dma_semaphore, #tpu.memory_space<semaphore_mem>>
      %dma_start3A_139 = arith.constant 0 : i32
      %dma_start3A_140 = arith.constant 0 : i32
      %dma_start3A_141 = tpu.memref_slice %arg12[%rem3A_58, %dma_start3A_139, %dma_start3A_140] : memref<2x80x128xf32, #tpu.memory_space<vmem>> -> memref<1x80x128xf32, #tpu.memory_space<vmem>>
      %dma_start3A_142 = tpu.memref_squeeze %dma_start3A_141 : memref<1x80x128xf32, #tpu.memory_space<vmem>> -> memref<80x128xf32, #tpu.memory_space<vmem>>
      %dma_start3A_143 = arith.constant 0 : i32
      %dma_start3A_144 = tpu.memref_slice %arg10[%run_scoped3A, %dma_start3A_143] : memref<250x80xi32, #tpu.memory_space<vmem>> -> memref<1x80xi32, #tpu.memory_space<vmem>>
      %dma_start3A_145 = tpu.memref_squeeze %dma_start3A_144 : memref<1x80xi32, #tpu.memory_space<vmem>> -> memref<80xi32, #tpu.memory_space<vmem>>
      %dma_start3A_146 = arith.constant 0 : i32
      %dma_start3A_147 = arith.constant 0 : i32
      %dma_start3A_148 = tpu.memref_slice %arg13[%dma_start3A_146, %dma_start3A_147] : memref<5040x128xf32, #tpu.memory_space<vmem_shared>> -> memref<5040x128xf32, #tpu.memory_space<vmem_shared>>
      tpu.enqueue_indirect_dma source(%dma_start3A_142 : memref<80x128xf32, #tpu.memory_space<vmem>>) target(%dma_start3A_148 : memref<5040x128xf32, #tpu.memory_space<vmem_shared>>) offsets(%dma_start3A_145 : memref<80xi32, #tpu.memory_space<vmem>>) semaphore(%run_scoped3A_138 : memref<!tpu.dma_semaphore, #tpu.memory_space<semaphore_mem>>) {add = true}
      %dma_wait3A_149 = arith.constant 0 : i32
      %dma_wait3A_150 = arith.constant 0 : i32
      %dma_wait3A_151 = tpu.memref_slice %arg12[%rem3A_58, %dma_wait3A_149, %dma_wait3A_150] : memref<2x80x128xf32, #tpu.memory_space<vmem>> -> memref<1x80x128xf32, #tpu.memory_space<vmem>>
      %dma_wait3A_152 = tpu.memref_squeeze %dma_wait3A_151 : memref<1x80x128xf32, #tpu.memory_space<vmem>> -> memref<80x128xf32, #tpu.memory_space<vmem>>
      %dma_wait3A_153 = arith.constant 0 : i32
      %dma_wait3A_154 = tpu.memref_slice %arg10[%run_scoped3A, %dma_wait3A_153] : memref<250x80xi32, #tpu.memory_space<vmem>> -> memref<1x80xi32, #tpu.memory_space<vmem>>
      %dma_wait3A_155 = tpu.memref_squeeze %dma_wait3A_154 : memref<1x80xi32, #tpu.memory_space<vmem>> -> memref<80xi32, #tpu.memory_space<vmem>>
      %dma_wait3A_156 = arith.constant 0 : i32
      %dma_wait3A_157 = arith.constant 0 : i32
      %dma_wait3A_158 = tpu.memref_slice %arg13[%dma_wait3A_156, %dma_wait3A_157] : memref<5040x128xf32, #tpu.memory_space<vmem_shared>> -> memref<5040x128xf32, #tpu.memory_space<vmem_shared>>
      tpu.wait_indirect_dma semaphore(%run_scoped3A_138 : memref<!tpu.dma_semaphore, #tpu.memory_space<semaphore_mem>>) src(%dma_wait3A_152 : memref<80x128xf32, #tpu.memory_space<vmem>>) dst(%dma_wait3A_158 : memref<5040x128xf32, #tpu.memory_space<vmem_shared>>)
      tpu.yield
    }) : () -> ()
    %barrier3A_59 = arith.constant 0 : index
    tpu.barrier barrier_id(%barrier3A_59)
    %lt3A_60 = arith.constant 15 : i32
    %lt3A_61 = arith.cmpi slt, %arg1, %lt3A_60 : i32
    %convert_element_type3A_62 = arith.extui %lt3A_61 : i1 to i32
    %cond3A_63 = arith.constant 0 : i32
    %cond3A_64 = arith.cmpi ne, %convert_element_type3A_62, %cond3A_63 : i32
    scf.if %cond3A_64 {
      %add3A = arith.addi %mul3A_0, %multiple_of3A_11 : i32
      "tpu.region"() ({
        %run_scoped3A_138 = tpu.sem_alloc : memref<!tpu.dma_semaphore, #tpu.memory_space<semaphore_mem>>
        %dma_start3A_139 = arith.constant 0 : i32
        %dma_start3A_140 = tpu.memref_slice %arg7[%add3A, %dma_start3A_139] : memref<10000x128xf32, #tpu.memory_space<hbm>> -> memref<312x128xf32, #tpu.memory_space<hbm>>
        %dma_start3A_141 = arith.constant 0 : i32
        %dma_start3A_142 = tpu.memref_slice %arg13[%multiple_of3A_11, %dma_start3A_141] : memref<5040x128xf32, #tpu.memory_space<vmem_shared>> -> memref<312x128xf32, #tpu.memory_space<vmem_shared>>
        tpu.enqueue_dma source(%dma_start3A_142 : memref<312x128xf32, #tpu.memory_space<vmem_shared>>) target(%dma_start3A_140 : memref<312x128xf32, #tpu.memory_space<hbm>>) target_semaphore(%run_scoped3A_138 : memref<!tpu.dma_semaphore, #tpu.memory_space<semaphore_mem>>)
        %dma_wait3A_143 = arith.constant 0 : i32
        %dma_wait3A_144 = tpu.memref_slice %arg7[%add3A, %dma_wait3A_143] : memref<10000x128xf32, #tpu.memory_space<hbm>> -> memref<312x128xf32, #tpu.memory_space<hbm>>
        %dma_wait3A_145 = arith.constant 0 : i32
        %dma_wait3A_146 = tpu.memref_slice %arg13[%multiple_of3A_11, %dma_wait3A_145] : memref<5040x128xf32, #tpu.memory_space<vmem_shared>> -> memref<312x128xf32, #tpu.memory_space<vmem_shared>>
        tpu.wait_dma2 semaphore(%run_scoped3A_138 : memref<!tpu.dma_semaphore, #tpu.memory_space<semaphore_mem>>) src(%dma_wait3A_146 : memref<312x128xf32, #tpu.memory_space<vmem_shared>>) dst(%dma_wait3A_144 : memref<312x128xf32, #tpu.memory_space<hbm>>)
        tpu.yield
      }) : () -> ()
    } else {
    }
    %eq3A_65 = arith.constant 15 : i32
    %eq3A_66 = arith.cmpi eq, %arg1, %eq3A_65 : i32
    %convert_element_type3A_67 = arith.extui %eq3A_66 : i1 to i32
    %cond3A_68 = arith.constant 0 : i32
    %cond3A_69 = arith.cmpi ne, %convert_element_type3A_67, %cond3A_68 : i32
    scf.if %cond3A_69 {
      %add3A = arith.constant 4680 : i32
      %add3A_138 = arith.addi %mul3A_0, %add3A : i32
      "tpu.region"() ({
        %run_scoped3A_139 = tpu.sem_alloc : memref<!tpu.dma_semaphore, #tpu.memory_space<semaphore_mem>>
        %dma_start3A_140 = arith.constant 0 : i32
        %dma_start3A_141 = tpu.memref_slice %arg7[%add3A_138, %dma_start3A_140] : memref<10000x128xf32, #tpu.memory_space<hbm>> -> memref<320x128xf32, #tpu.memory_space<hbm>>
        %dma_start3A_142 = arith.constant 4680 : i32
        %dma_start3A_143 = arith.constant 0 : i32
        %dma_start3A_144 = tpu.memref_slice %arg13[%dma_start3A_142, %dma_start3A_143] : memref<5040x128xf32, #tpu.memory_space<vmem_shared>> -> memref<320x128xf32, #tpu.memory_space<vmem_shared>>
        tpu.enqueue_dma source(%dma_start3A_144 : memref<320x128xf32, #tpu.memory_space<vmem_shared>>) target(%dma_start3A_141 : memref<320x128xf32, #tpu.memory_space<hbm>>) target_semaphore(%run_scoped3A_139 : memref<!tpu.dma_semaphore, #tpu.memory_space<semaphore_mem>>)
        %dma_wait3A_145 = arith.constant 0 : i32
        %dma_wait3A_146 = tpu.memref_slice %arg7[%add3A_138, %dma_wait3A_145] : memref<10000x128xf32, #tpu.memory_space<hbm>> -> memref<320x128xf32, #tpu.memory_space<hbm>>
        %dma_wait3A_147 = arith.constant 4680 : i32
        %dma_wait3A_148 = arith.constant 0 : i32
        %dma_wait3A_149 = tpu.memref_slice %arg13[%dma_wait3A_147, %dma_wait3A_148] : memref<5040x128xf32, #tpu.memory_space<vmem_shared>> -> memref<320x128xf32, #tpu.memory_space<vmem_shared>>
        tpu.wait_dma2 semaphore(%run_scoped3A_139 : memref<!tpu.dma_semaphore, #tpu.memory_space<semaphore_mem>>) src(%dma_wait3A_149 : memref<320x128xf32, #tpu.memory_space<vmem_shared>>) dst(%dma_wait3A_146 : memref<320x128xf32, #tpu.memory_space<hbm>>)
        tpu.yield
      }) : () -> ()
    } else {
    }
    %barrier3A_70 = arith.constant 0 : index
    tpu.barrier barrier_id(%barrier3A_70)
    %lt3A_71 = arith.constant 15 : i32
    %lt3A_72 = arith.cmpi slt, %arg1, %lt3A_71 : i32
    %convert_element_type3A_73 = arith.extui %lt3A_72 : i1 to i32
    %cond3A_74 = arith.constant 0 : i32
    %cond3A_75 = arith.cmpi ne, %convert_element_type3A_73, %cond3A_74 : i32
    scf.if %cond3A_75 {
      "tpu.region"() ({
        %run_scoped3A_138 = tpu.sem_alloc : memref<!tpu.dma_semaphore, #tpu.memory_space<semaphore_mem>>
        %dma_start3A_139 = arith.constant 0 : i32
        %dma_start3A_140 = tpu.memref_slice %arg13[%multiple_of3A, %dma_start3A_139] : memref<5040x128xf32, #tpu.memory_space<vmem_shared>> -> memref<312x128xf32, #tpu.memory_space<vmem_shared>>
        %dma_start3A_141 = arith.constant 0 : i32
        %dma_start3A_142 = arith.constant 0 : i32
        %dma_start3A_143 = tpu.memref_slice %arg4[%dma_start3A_141, %dma_start3A_142] : memref<360x128xf32, #tpu.memory_space<hbm>> -> memref<312x128xf32, #tpu.memory_space<hbm>>
        tpu.enqueue_dma source(%dma_start3A_143 : memref<312x128xf32, #tpu.memory_space<hbm>>) target(%dma_start3A_140 : memref<312x128xf32, #tpu.memory_space<vmem_shared>>) target_semaphore(%run_scoped3A_138 : memref<!tpu.dma_semaphore, #tpu.memory_space<semaphore_mem>>)
        %dma_wait3A_144 = arith.constant 0 : i32
        %dma_wait3A_145 = tpu.memref_slice %arg13[%multiple_of3A, %dma_wait3A_144] : memref<5040x128xf32, #tpu.memory_space<vmem_shared>> -> memref<312x128xf32, #tpu.memory_space<vmem_shared>>
        %dma_wait3A_146 = arith.constant 0 : i32
        %dma_wait3A_147 = arith.constant 0 : i32
        %dma_wait3A_148 = tpu.memref_slice %arg4[%dma_wait3A_146, %dma_wait3A_147] : memref<360x128xf32, #tpu.memory_space<hbm>> -> memref<312x128xf32, #tpu.memory_space<hbm>>
        tpu.wait_dma2 semaphore(%run_scoped3A_138 : memref<!tpu.dma_semaphore, #tpu.memory_space<semaphore_mem>>) src(%dma_wait3A_148 : memref<312x128xf32, #tpu.memory_space<hbm>>) dst(%dma_wait3A_145 : memref<312x128xf32, #tpu.memory_space<vmem_shared>>)
        tpu.yield
      }) : () -> ()
    } else {
    }
    %eq3A_76 = arith.constant 15 : i32
    %eq3A_77 = arith.cmpi eq, %arg1, %eq3A_76 : i32
    %convert_element_type3A_78 = arith.extui %eq3A_77 : i1 to i32
    %cond3A_79 = arith.constant 0 : i32
    %cond3A_80 = arith.cmpi ne, %convert_element_type3A_78, %cond3A_79 : i32
    scf.if %cond3A_80 {
      "tpu.region"() ({
        %run_scoped3A_138 = tpu.sem_alloc : memref<!tpu.dma_semaphore, #tpu.memory_space<semaphore_mem>>
        %dma_start3A_139 = arith.constant 4680 : i32
        %dma_start3A_140 = arith.constant 0 : i32
        %dma_start3A_141 = tpu.memref_slice %arg13[%dma_start3A_139, %dma_start3A_140] : memref<5040x128xf32, #tpu.memory_space<vmem_shared>> -> memref<360x128xf32, #tpu.memory_space<vmem_shared>>
        tpu.enqueue_dma source(%arg4 : memref<360x128xf32, #tpu.memory_space<hbm>>) target(%dma_start3A_141 : memref<360x128xf32, #tpu.memory_space<vmem_shared>>) target_semaphore(%run_scoped3A_138 : memref<!tpu.dma_semaphore, #tpu.memory_space<semaphore_mem>>)
        %dma_wait3A_142 = arith.constant 4680 : i32
        %dma_wait3A_143 = arith.constant 0 : i32
        %dma_wait3A_144 = tpu.memref_slice %arg13[%dma_wait3A_142, %dma_wait3A_143] : memref<5040x128xf32, #tpu.memory_space<vmem_shared>> -> memref<360x128xf32, #tpu.memory_space<vmem_shared>>
        tpu.wait_dma2 semaphore(%run_scoped3A_138 : memref<!tpu.dma_semaphore, #tpu.memory_space<semaphore_mem>>) src(%arg4 : memref<360x128xf32, #tpu.memory_space<hbm>>) dst(%dma_wait3A_144 : memref<360x128xf32, #tpu.memory_space<vmem_shared>>)
        tpu.yield
      }) : () -> ()
    } else {
    }
    %barrier3A_81 = arith.constant 0 : index
    tpu.barrier barrier_id(%barrier3A_81)
    %dma_start3A_82 = arith.constant 0 : i32
    %dma_start3A_83 = arith.constant 0 : i32
    %dma_start3A_84 = arith.constant 0 : i32
    %dma_start3A_85 = arith.constant 0 : i32
    %dma_start3A_86 = arith.constant 0 : i32
    %dma_start3A_87 = tpu.memref_slice %arg12[%dma_start3A_83, %dma_start3A_85, %dma_start3A_86] : memref<2x80x128xf32, #tpu.memory_space<vmem>> -> memref<1x80x128xf32, #tpu.memory_space<vmem>>
    %dma_start3A_88 = tpu.memref_squeeze %dma_start3A_87 : memref<1x80x128xf32, #tpu.memory_space<vmem>> -> memref<80x128xf32, #tpu.memory_space<vmem>>
    %dma_start3A_89 = arith.constant 0 : i32
    %dma_start3A_90 = tpu.memref_slice %arg9[%dma_start3A_82, %dma_start3A_89] : memref<250x80xi32, #tpu.memory_space<vmem>> -> memref<1x80xi32, #tpu.memory_space<vmem>>
    %dma_start3A_91 = tpu.memref_squeeze %dma_start3A_90 : memref<1x80xi32, #tpu.memory_space<vmem>> -> memref<80xi32, #tpu.memory_space<vmem>>
    %dma_start3A_92 = arith.constant 0 : i32
    %dma_start3A_93 = arith.constant 0 : i32
    %dma_start3A_94 = tpu.memref_slice %arg6[%dma_start3A_92, %dma_start3A_93] : memref<10000x128xf32, #tpu.memory_space<hbm>> -> memref<10000x128xf32, #tpu.memory_space<hbm>>
    %dma_start3A_95 = tpu.memref_slice %arg14[%dma_start3A_84] : memref<2x!tpu.dma_semaphore, #tpu.memory_space<semaphore_mem>> -> memref<1x!tpu.dma_semaphore, #tpu.memory_space<semaphore_mem>>
    %dma_start3A_96 = tpu.memref_squeeze %dma_start3A_95 : memref<1x!tpu.dma_semaphore, #tpu.memory_space<semaphore_mem>> -> memref<!tpu.dma_semaphore, #tpu.memory_space<semaphore_mem>>
    tpu.enqueue_indirect_dma source(%dma_start3A_94 : memref<10000x128xf32, #tpu.memory_space<hbm>>) target(%dma_start3A_88 : memref<80x128xf32, #tpu.memory_space<vmem>>) offsets(%dma_start3A_91 : memref<80xi32, #tpu.memory_space<vmem>>) semaphore(%dma_start3A_96 : memref<!tpu.dma_semaphore, #tpu.memory_space<semaphore_mem>>)
    %scan3A_97 = arith.constant 0 : i32
    %scan3A_98 = arith.constant 0 : i32
    %scan3A_99 = arith.constant 249 : i32
    %scan3A_100 = arith.addi %scan3A_98, %scan3A_99 : i32
    %scan3A_101 = arith.constant 1 : i32
    %scan3A_102 = scf.for %scan3A_138 = %scan3A_98 to %scan3A_100 step %scan3A_101 iter_args(%scan3A_139 = %scan3A_97) -> (i32)  : i32 {
      %add3A = arith.constant 1 : i32
      %add3A_140 = arith.addi %scan3A_138, %add3A : i32
      %add3A_141 = arith.constant 1 : i32
      %add3A_142 = arith.addi %scan3A_138, %add3A_141 : i32
      %rem3A_143 = arith.constant 2 : i32
      %rem3A_144 = arith.remsi %add3A_142, %rem3A_143 : i32
      %add3A_145 = arith.constant 1 : i32
      %add3A_146 = arith.addi %scan3A_138, %add3A_145 : i32
      %rem3A_147 = arith.constant 2 : i32
      %rem3A_148 = arith.remsi %add3A_146, %rem3A_147 : i32
      %dma_start3A_149 = arith.constant 0 : i32
      %dma_start3A_150 = arith.constant 0 : i32
      %dma_start3A_151 = tpu.memref_slice %arg12[%rem3A_144, %dma_start3A_149, %dma_start3A_150] : memref<2x80x128xf32, #tpu.memory_space<vmem>> -> memref<1x80x128xf32, #tpu.memory_space<vmem>>
      %dma_start3A_152 = tpu.memref_squeeze %dma_start3A_151 : memref<1x80x128xf32, #tpu.memory_space<vmem>> -> memref<80x128xf32, #tpu.memory_space<vmem>>
      %dma_start3A_153 = arith.constant 0 : i32
      %dma_start3A_154 = tpu.memref_slice %arg9[%add3A_140, %dma_start3A_153] : memref<250x80xi32, #tpu.memory_space<vmem>> -> memref<1x80xi32, #tpu.memory_space<vmem>>
      %dma_start3A_155 = tpu.memref_squeeze %dma_start3A_154 : memref<1x80xi32, #tpu.memory_space<vmem>> -> memref<80xi32, #tpu.memory_space<vmem>>
      %dma_start3A_156 = arith.constant 0 : i32
      %dma_start3A_157 = arith.constant 0 : i32
      %dma_start3A_158 = tpu.memref_slice %arg6[%dma_start3A_156, %dma_start3A_157] : memref<10000x128xf32, #tpu.memory_space<hbm>> -> memref<10000x128xf32, #tpu.memory_space<hbm>>
      %dma_start3A_159 = tpu.memref_slice %arg14[%rem3A_148] : memref<2x!tpu.dma_semaphore, #tpu.memory_space<semaphore_mem>> -> memref<1x!tpu.dma_semaphore, #tpu.memory_space<semaphore_mem>>
      %dma_start3A_160 = tpu.memref_squeeze %dma_start3A_159 : memref<1x!tpu.dma_semaphore, #tpu.memory_space<semaphore_mem>> -> memref<!tpu.dma_semaphore, #tpu.memory_space<semaphore_mem>>
      tpu.enqueue_indirect_dma source(%dma_start3A_158 : memref<10000x128xf32, #tpu.memory_space<hbm>>) target(%dma_start3A_152 : memref<80x128xf32, #tpu.memory_space<vmem>>) offsets(%dma_start3A_155 : memref<80xi32, #tpu.memory_space<vmem>>) semaphore(%dma_start3A_160 : memref<!tpu.dma_semaphore, #tpu.memory_space<semaphore_mem>>)
      %rem3A_161 = arith.constant 2 : i32
      %rem3A_162 = arith.remsi %scan3A_138, %rem3A_161 : i32
      %rem3A_163 = arith.constant 2 : i32
      %rem3A_164 = arith.remsi %scan3A_138, %rem3A_163 : i32
      %dma_wait3A_165 = arith.constant 0 : i32
      %dma_wait3A_166 = arith.constant 0 : i32
      %dma_wait3A_167 = tpu.memref_slice %arg12[%rem3A_162, %dma_wait3A_165, %dma_wait3A_166] : memref<2x80x128xf32, #tpu.memory_space<vmem>> -> memref<1x80x128xf32, #tpu.memory_space<vmem>>
      %dma_wait3A_168 = tpu.memref_squeeze %dma_wait3A_167 : memref<1x80x128xf32, #tpu.memory_space<vmem>> -> memref<80x128xf32, #tpu.memory_space<vmem>>
      %dma_wait3A_169 = arith.constant 0 : i32
      %dma_wait3A_170 = tpu.memref_slice %arg9[%scan3A_138, %dma_wait3A_169] : memref<250x80xi32, #tpu.memory_space<vmem>> -> memref<1x80xi32, #tpu.memory_space<vmem>>
      %dma_wait3A_171 = tpu.memref_squeeze %dma_wait3A_170 : memref<1x80xi32, #tpu.memory_space<vmem>> -> memref<80xi32, #tpu.memory_space<vmem>>
      %dma_wait3A_172 = arith.constant 0 : i32
      %dma_wait3A_173 = arith.constant 0 : i32
      %dma_wait3A_174 = tpu.memref_slice %arg6[%dma_wait3A_172, %dma_wait3A_173] : memref<10000x128xf32, #tpu.memory_space<hbm>> -> memref<10000x128xf32, #tpu.memory_space<hbm>>
      %dma_wait3A_175 = tpu.memref_slice %arg14[%rem3A_164] : memref<2x!tpu.dma_semaphore, #tpu.memory_space<semaphore_mem>> -> memref<1x!tpu.dma_semaphore, #tpu.memory_space<semaphore_mem>>
      %dma_wait3A_176 = tpu.memref_squeeze %dma_wait3A_175 : memref<1x!tpu.dma_semaphore, #tpu.memory_space<semaphore_mem>> -> memref<!tpu.dma_semaphore, #tpu.memory_space<semaphore_mem>>
      tpu.wait_indirect_dma semaphore(%dma_wait3A_176 : memref<!tpu.dma_semaphore, #tpu.memory_space<semaphore_mem>>) src(%dma_wait3A_174 : memref<10000x128xf32, #tpu.memory_space<hbm>>) dst(%dma_wait3A_168 : memref<80x128xf32, #tpu.memory_space<vmem>>)
      %rem3A_177 = arith.constant 2 : i32
      %rem3A_178 = arith.remsi %scan3A_138, %rem3A_177 : i32
      "tpu.region"() ({
        %run_scoped3A_180 = tpu.sem_alloc : memref<!tpu.dma_semaphore, #tpu.memory_space<semaphore_mem>>
        %dma_start3A_181 = arith.constant 0 : i32
        %dma_start3A_182 = arith.constant 0 : i32
        %dma_start3A_183 = tpu.memref_slice %arg12[%rem3A_178, %dma_start3A_181, %dma_start3A_182] : memref<2x80x128xf32, #tpu.memory_space<vmem>> -> memref<1x80x128xf32, #tpu.memory_space<vmem>>
        %dma_start3A_184 = tpu.memref_squeeze %dma_start3A_183 : memref<1x80x128xf32, #tpu.memory_space<vmem>> -> memref<80x128xf32, #tpu.memory_space<vmem>>
        %dma_start3A_185 = arith.constant 0 : i32
        %dma_start3A_186 = tpu.memref_slice %arg10[%scan3A_138, %dma_start3A_185] : memref<250x80xi32, #tpu.memory_space<vmem>> -> memref<1x80xi32, #tpu.memory_space<vmem>>
        %dma_start3A_187 = tpu.memref_squeeze %dma_start3A_186 : memref<1x80xi32, #tpu.memory_space<vmem>> -> memref<80xi32, #tpu.memory_space<vmem>>
        %dma_start3A_188 = arith.constant 0 : i32
        %dma_start3A_189 = arith.constant 0 : i32
        %dma_start3A_190 = tpu.memref_slice %arg13[%dma_start3A_188, %dma_start3A_189] : memref<5040x128xf32, #tpu.memory_space<vmem_shared>> -> memref<5040x128xf32, #tpu.memory_space<vmem_shared>>
        tpu.enqueue_indirect_dma source(%dma_start3A_184 : memref<80x128xf32, #tpu.memory_space<vmem>>) target(%dma_start3A_190 : memref<5040x128xf32, #tpu.memory_space<vmem_shared>>) offsets(%dma_start3A_187 : memref<80xi32, #tpu.memory_space<vmem>>) semaphore(%run_scoped3A_180 : memref<!tpu.dma_semaphore, #tpu.memory_space<semaphore_mem>>) {add = true}
        %dma_wait3A_191 = arith.constant 0 : i32
        %dma_wait3A_192 = arith.constant 0 : i32
        %dma_wait3A_193 = tpu.memref_slice %arg12[%rem3A_178, %dma_wait3A_191, %dma_wait3A_192] : memref<2x80x128xf32, #tpu.memory_space<vmem>> -> memref<1x80x128xf32, #tpu.memory_space<vmem>>
        %dma_wait3A_194 = tpu.memref_squeeze %dma_wait3A_193 : memref<1x80x128xf32, #tpu.memory_space<vmem>> -> memref<80x128xf32, #tpu.memory_space<vmem>>
        %dma_wait3A_195 = arith.constant 0 : i32
        %dma_wait3A_196 = tpu.memref_slice %arg10[%scan3A_138, %dma_wait3A_195] : memref<250x80xi32, #tpu.memory_space<vmem>> -> memref<1x80xi32, #tpu.memory_space<vmem>>
        %dma_wait3A_197 = tpu.memref_squeeze %dma_wait3A_196 : memref<1x80xi32, #tpu.memory_space<vmem>> -> memref<80xi32, #tpu.memory_space<vmem>>
        %dma_wait3A_198 = arith.constant 0 : i32
        %dma_wait3A_199 = arith.constant 0 : i32
        %dma_wait3A_200 = tpu.memref_slice %arg13[%dma_wait3A_198, %dma_wait3A_199] : memref<5040x128xf32, #tpu.memory_space<vmem_shared>> -> memref<5040x128xf32, #tpu.memory_space<vmem_shared>>
        tpu.wait_indirect_dma semaphore(%run_scoped3A_180 : memref<!tpu.dma_semaphore, #tpu.memory_space<semaphore_mem>>) src(%dma_wait3A_194 : memref<80x128xf32, #tpu.memory_space<vmem>>) dst(%dma_wait3A_200 : memref<5040x128xf32, #tpu.memory_space<vmem_shared>>)
        tpu.yield
      }) : () -> ()
      %scan3A_179 = arith.constant 0 : i32
      scf.yield %scan3A_179 : i32
    }
    %scan3A_103 = arith.constant 249 : i32
    %rem3A_104 = arith.constant 249 : i32
    %rem3A_105 = arith.constant 2 : i32
    %rem3A_106 = arith.remsi %rem3A_104, %rem3A_105 : i32
    %rem3A_107 = arith.constant 249 : i32
    %rem3A_108 = arith.constant 2 : i32
    %rem3A_109 = arith.remsi %rem3A_107, %rem3A_108 : i32
    %dma_wait3A_110 = arith.constant 249 : i32
    %dma_wait3A_111 = arith.constant 0 : i32
    %dma_wait3A_112 = arith.constant 0 : i32
    %dma_wait3A_113 = tpu.memref_slice %arg12[%rem3A_106, %dma_wait3A_111, %dma_wait3A_112] : memref<2x80x128xf32, #tpu.memory_space<vmem>> -> memref<1x80x128xf32, #tpu.memory_space<vmem>>
    %dma_wait3A_114 = tpu.memref_squeeze %dma_wait3A_113 : memref<1x80x128xf32, #tpu.memory_space<vmem>> -> memref<80x128xf32, #tpu.memory_space<vmem>>
    %dma_wait3A_115 = arith.constant 0 : i32
    %dma_wait3A_116 = tpu.memref_slice %arg9[%dma_wait3A_110, %dma_wait3A_115] : memref<250x80xi32, #tpu.memory_space<vmem>> -> memref<1x80xi32, #tpu.memory_space<vmem>>
    %dma_wait3A_117 = tpu.memref_squeeze %dma_wait3A_116 : memref<1x80xi32, #tpu.memory_space<vmem>> -> memref<80xi32, #tpu.memory_space<vmem>>
    %dma_wait3A_118 = arith.constant 0 : i32
    %dma_wait3A_119 = arith.constant 0 : i32
    %dma_wait3A_120 = tpu.memref_slice %arg6[%dma_wait3A_118, %dma_wait3A_119] : memref<10000x128xf32, #tpu.memory_space<hbm>> -> memref<10000x128xf32, #tpu.memory_space<hbm>>
    %dma_wait3A_121 = tpu.memref_slice %arg14[%rem3A_109] : memref<2x!tpu.dma_semaphore, #tpu.memory_space<semaphore_mem>> -> memref<1x!tpu.dma_semaphore, #tpu.memory_space<semaphore_mem>>
    %dma_wait3A_122 = tpu.memref_squeeze %dma_wait3A_121 : memref<1x!tpu.dma_semaphore, #tpu.memory_space<semaphore_mem>> -> memref<!tpu.dma_semaphore, #tpu.memory_space<semaphore_mem>>
    tpu.wait_indirect_dma semaphore(%dma_wait3A_122 : memref<!tpu.dma_semaphore, #tpu.memory_space<semaphore_mem>>) src(%dma_wait3A_120 : memref<10000x128xf32, #tpu.memory_space<hbm>>) dst(%dma_wait3A_114 : memref<80x128xf32, #tpu.memory_space<vmem>>)
    %rem3A_123 = arith.constant 249 : i32
    %rem3A_124 = arith.constant 2 : i32
    %rem3A_125 = arith.remsi %rem3A_123, %rem3A_124 : i32
    %run_scoped3A_126 = arith.constant 249 : i32
    "tpu.region"() ({
      %run_scoped3A_138 = tpu.sem_alloc : memref<!tpu.dma_semaphore, #tpu.memory_space<semaphore_mem>>
      %dma_start3A_139 = arith.constant 0 : i32
      %dma_start3A_140 = arith.constant 0 : i32
      %dma_start3A_141 = tpu.memref_slice %arg12[%rem3A_125, %dma_start3A_139, %dma_start3A_140] : memref<2x80x128xf32, #tpu.memory_space<vmem>> -> memref<1x80x128xf32, #tpu.memory_space<vmem>>
      %dma_start3A_142 = tpu.memref_squeeze %dma_start3A_141 : memref<1x80x128xf32, #tpu.memory_space<vmem>> -> memref<80x128xf32, #tpu.memory_space<vmem>>
      %dma_start3A_143 = arith.constant 0 : i32
      %dma_start3A_144 = tpu.memref_slice %arg10[%run_scoped3A_126, %dma_start3A_143] : memref<250x80xi32, #tpu.memory_space<vmem>> -> memref<1x80xi32, #tpu.memory_space<vmem>>
      %dma_start3A_145 = tpu.memref_squeeze %dma_start3A_144 : memref<1x80xi32, #tpu.memory_space<vmem>> -> memref<80xi32, #tpu.memory_space<vmem>>
      %dma_start3A_146 = arith.constant 0 : i32
      %dma_start3A_147 = arith.constant 0 : i32
      %dma_start3A_148 = tpu.memref_slice %arg13[%dma_start3A_146, %dma_start3A_147] : memref<5040x128xf32, #tpu.memory_space<vmem_shared>> -> memref<5040x128xf32, #tpu.memory_space<vmem_shared>>
      tpu.enqueue_indirect_dma source(%dma_start3A_142 : memref<80x128xf32, #tpu.memory_space<vmem>>) target(%dma_start3A_148 : memref<5040x128xf32, #tpu.memory_space<vmem_shared>>) offsets(%dma_start3A_145 : memref<80xi32, #tpu.memory_space<vmem>>) semaphore(%run_scoped3A_138 : memref<!tpu.dma_semaphore, #tpu.memory_space<semaphore_mem>>) {add = true}
      %dma_wait3A_149 = arith.constant 0 : i32
      %dma_wait3A_150 = arith.constant 0 : i32
      %dma_wait3A_151 = tpu.memref_slice %arg12[%rem3A_125, %dma_wait3A_149, %dma_wait3A_150] : memref<2x80x128xf32, #tpu.memory_space<vmem>> -> memref<1x80x128xf32, #tpu.memory_space<vmem>>
      %dma_wait3A_152 = tpu.memref_squeeze %dma_wait3A_151 : memref<1x80x128xf32, #tpu.memory_space<vmem>> -> memref<80x128xf32, #tpu.memory_space<vmem>>
      %dma_wait3A_153 = arith.constant 0 : i32
      %dma_wait3A_154 = tpu.memref_slice %arg10[%run_scoped3A_126, %dma_wait3A_153] : memref<250x80xi32, #tpu.memory_space<vmem>> -> memref<1x80xi32, #tpu.memory_space<vmem>>
      %dma_wait3A_155 = tpu.memref_squeeze %dma_wait3A_154 : memref<1x80xi32, #tpu.memory_space<vmem>> -> memref<80xi32, #tpu.memory_space<vmem>>
      %dma_wait3A_156 = arith.constant 0 : i32
      %dma_wait3A_157 = arith.constant 0 : i32
      %dma_wait3A_158 = tpu.memref_slice %arg13[%dma_wait3A_156, %dma_wait3A_157] : memref<5040x128xf32, #tpu.memory_space<vmem_shared>> -> memref<5040x128xf32, #tpu.memory_space<vmem_shared>>
      tpu.wait_indirect_dma semaphore(%run_scoped3A_138 : memref<!tpu.dma_semaphore, #tpu.memory_space<semaphore_mem>>) src(%dma_wait3A_152 : memref<80x128xf32, #tpu.memory_space<vmem>>) dst(%dma_wait3A_158 : memref<5040x128xf32, #tpu.memory_space<vmem_shared>>)
      tpu.yield
    }) : () -> ()
    %barrier3A_127 = arith.constant 0 : index
    tpu.barrier barrier_id(%barrier3A_127)
    %lt3A_128 = arith.constant 15 : i32
    %lt3A_129 = arith.cmpi slt, %arg1, %lt3A_128 : i32
    %convert_element_type3A_130 = arith.extui %lt3A_129 : i1 to i32
    %cond3A_131 = arith.constant 0 : i32
    %cond3A_132 = arith.cmpi ne, %convert_element_type3A_130, %cond3A_131 : i32
    scf.if %cond3A_132 {
      %add3A = arith.addi %mul3A_0, %multiple_of3A_11 : i32
      "tpu.region"() ({
        %run_scoped3A_138 = tpu.sem_alloc : memref<!tpu.dma_semaphore, #tpu.memory_space<semaphore_mem>>
        %dma_start3A_139 = arith.constant 0 : i32
        %dma_start3A_140 = tpu.memref_slice %arg8[%add3A, %dma_start3A_139] : memref<10000x128xf32, #tpu.memory_space<hbm>> -> memref<312x128xf32, #tpu.memory_space<hbm>>
        %dma_start3A_141 = arith.constant 0 : i32
        %dma_start3A_142 = tpu.memref_slice %arg13[%multiple_of3A_11, %dma_start3A_141] : memref<5040x128xf32, #tpu.memory_space<vmem_shared>> -> memref<312x128xf32, #tpu.memory_space<vmem_shared>>
        tpu.enqueue_dma source(%dma_start3A_142 : memref<312x128xf32, #tpu.memory_space<vmem_shared>>) target(%dma_start3A_140 : memref<312x128xf32, #tpu.memory_space<hbm>>) target_semaphore(%run_scoped3A_138 : memref<!tpu.dma_semaphore, #tpu.memory_space<semaphore_mem>>)
        %dma_wait3A_143 = arith.constant 0 : i32
        %dma_wait3A_144 = tpu.memref_slice %arg8[%add3A, %dma_wait3A_143] : memref<10000x128xf32, #tpu.memory_space<hbm>> -> memref<312x128xf32, #tpu.memory_space<hbm>>
        %dma_wait3A_145 = arith.constant 0 : i32
        %dma_wait3A_146 = tpu.memref_slice %arg13[%multiple_of3A_11, %dma_wait3A_145] : memref<5040x128xf32, #tpu.memory_space<vmem_shared>> -> memref<312x128xf32, #tpu.memory_space<vmem_shared>>
        tpu.wait_dma2 semaphore(%run_scoped3A_138 : memref<!tpu.dma_semaphore, #tpu.memory_space<semaphore_mem>>) src(%dma_wait3A_146 : memref<312x128xf32, #tpu.memory_space<vmem_shared>>) dst(%dma_wait3A_144 : memref<312x128xf32, #tpu.memory_space<hbm>>)
        tpu.yield
      }) : () -> ()
    } else {
    }
    %eq3A_133 = arith.constant 15 : i32
    %eq3A_134 = arith.cmpi eq, %arg1, %eq3A_133 : i32
    %convert_element_type3A_135 = arith.extui %eq3A_134 : i1 to i32
    %cond3A_136 = arith.constant 0 : i32
    %cond3A_137 = arith.cmpi ne, %convert_element_type3A_135, %cond3A_136 : i32
    scf.if %cond3A_137 {
      %add3A = arith.constant 4680 : i32
      %add3A_138 = arith.addi %mul3A_0, %add3A : i32
      "tpu.region"() ({
        %run_scoped3A_139 = tpu.sem_alloc : memref<!tpu.dma_semaphore, #tpu.memory_space<semaphore_mem>>
        %dma_start3A_140 = arith.constant 0 : i32
        %dma_start3A_141 = tpu.memref_slice %arg8[%add3A_138, %dma_start3A_140] : memref<10000x128xf32, #tpu.memory_space<hbm>> -> memref<320x128xf32, #tpu.memory_space<hbm>>
        %dma_start3A_142 = arith.constant 4680 : i32
        %dma_start3A_143 = arith.constant 0 : i32
        %dma_start3A_144 = tpu.memref_slice %arg13[%dma_start3A_142, %dma_start3A_143] : memref<5040x128xf32, #tpu.memory_space<vmem_shared>> -> memref<320x128xf32, #tpu.memory_space<vmem_shared>>
        tpu.enqueue_dma source(%dma_start3A_144 : memref<320x128xf32, #tpu.memory_space<vmem_shared>>) target(%dma_start3A_141 : memref<320x128xf32, #tpu.memory_space<hbm>>) target_semaphore(%run_scoped3A_139 : memref<!tpu.dma_semaphore, #tpu.memory_space<semaphore_mem>>)
        %dma_wait3A_145 = arith.constant 0 : i32
        %dma_wait3A_146 = tpu.memref_slice %arg8[%add3A_138, %dma_wait3A_145] : memref<10000x128xf32, #tpu.memory_space<hbm>> -> memref<320x128xf32, #tpu.memory_space<hbm>>
        %dma_wait3A_147 = arith.constant 4680 : i32
        %dma_wait3A_148 = arith.constant 0 : i32
        %dma_wait3A_149 = tpu.memref_slice %arg13[%dma_wait3A_147, %dma_wait3A_148] : memref<5040x128xf32, #tpu.memory_space<vmem_shared>> -> memref<320x128xf32, #tpu.memory_space<vmem_shared>>
        tpu.wait_dma2 semaphore(%run_scoped3A_139 : memref<!tpu.dma_semaphore, #tpu.memory_space<semaphore_mem>>) src(%dma_wait3A_149 : memref<320x128xf32, #tpu.memory_space<vmem_shared>>) dst(%dma_wait3A_146 : memref<320x128xf32, #tpu.memory_space<hbm>>)
        tpu.yield
      }) : () -> ()
    } else {
    }
    return
  }
}

#map = affine_map<(d0, d1) -> (0, 0, 0)>
#map1 = affine_map<(d0, d1) -> (0, 0)>
module attributes {stable_mosaic.version = 14 : i64} {
  func.func @body(%arg0: i32, %arg1: i32, %arg2: memref<16x250x80xi32, #tpu.memory_space<hbm>>, %arg3: memref<16x250x80xi32, #tpu.memory_space<hbm>>, %arg4: memref<360x128xf32, #tpu.memory_space<hbm>>, %arg5: memref<10000x128xf32, #tpu.memory_space<hbm>>, %arg6: memref<10000x128xf32, #tpu.memory_space<hbm>>, %arg7: memref<250x80xi32, #tpu.memory_space<vmem>>, %arg8: memref<250x80xi32, #tpu.memory_space<vmem>>, %arg9: memref<80xi32, #tpu.memory_space<vmem>>, %arg10: memref<2x80x128xf32, #tpu.memory_space<vmem>>, %arg11: memref<5040x128xf32, #tpu.memory_space<vmem_shared>>, %arg12: memref<2x!tpu.dma_semaphore, #tpu.memory_space<semaphore_mem>>) attributes {dimension_semantics = [#tpu.dimension_semantics<core_parallel>, #tpu.dimension_semantics<subcore_parallel>], iteration_bounds = array<i64: 2, 16>, scalar_prefetch = 0 : i64, scratch_operands = 6 : i64, tpu.core_type = #tpu.core_type<sc_vector_subcore>, window_params = [{transform_indices = #map}, {transform_indices = #map}, {transform_indices = #map1}, {transform_indices = #map1}, {transform_indices = #map1}]} {
    %mul3A = arith.constant 5000 : i32
    %mul3A_0 = arith.muli %arg0, %mul3A : i32
    "tpu.region"() ({
      %run_scoped3A_70 = tpu.sem_alloc : memref<!tpu.dma_semaphore, #tpu.memory_space<semaphore_mem>>
      %dma_start3A_71 = arith.constant 0 : i32
      %dma_start3A_72 = arith.constant 0 : i32
      %dma_start3A_73 = tpu.memref_slice %arg2[%arg1, %dma_start3A_71, %dma_start3A_72] : memref<16x250x80xi32, #tpu.memory_space<hbm>> -> memref<1x250x80xi32, #tpu.memory_space<hbm>>
      %dma_start3A_74 = tpu.memref_squeeze %dma_start3A_73 : memref<1x250x80xi32, #tpu.memory_space<hbm>> -> memref<250x80xi32, #tpu.memory_space<hbm>>
      %dma_start3A_75 = arith.constant 0 : i32
      %dma_start3A_76 = arith.constant 0 : i32
      %dma_start3A_77 = tpu.memref_slice %arg2[%arg1, %dma_start3A_75, %dma_start3A_76] : memref<16x250x80xi32, #tpu.memory_space<hbm>> -> memref<1x250x80xi32, #tpu.memory_space<hbm>>
      %dma_start3A_78 = tpu.memref_squeeze %dma_start3A_77 : memref<1x250x80xi32, #tpu.memory_space<hbm>> -> memref<250x80xi32, #tpu.memory_space<hbm>>
      tpu.enqueue_dma source(%dma_start3A_78 : memref<250x80xi32, #tpu.memory_space<hbm>>) target(%arg7 : memref<250x80xi32, #tpu.memory_space<vmem>>) target_semaphore(%run_scoped3A_70 : memref<!tpu.dma_semaphore, #tpu.memory_space<semaphore_mem>>)
      %dma_wait3A_79 = arith.constant 0 : i32
      %dma_wait3A_80 = arith.constant 0 : i32
      %dma_wait3A_81 = tpu.memref_slice %arg2[%arg1, %dma_wait3A_79, %dma_wait3A_80] : memref<16x250x80xi32, #tpu.memory_space<hbm>> -> memref<1x250x80xi32, #tpu.memory_space<hbm>>
      %dma_wait3A_82 = tpu.memref_squeeze %dma_wait3A_81 : memref<1x250x80xi32, #tpu.memory_space<hbm>> -> memref<250x80xi32, #tpu.memory_space<hbm>>
      %dma_wait3A_83 = arith.constant 0 : i32
      %dma_wait3A_84 = arith.constant 0 : i32
      %dma_wait3A_85 = tpu.memref_slice %arg2[%arg1, %dma_wait3A_83, %dma_wait3A_84] : memref<16x250x80xi32, #tpu.memory_space<hbm>> -> memref<1x250x80xi32, #tpu.memory_space<hbm>>
      %dma_wait3A_86 = tpu.memref_squeeze %dma_wait3A_85 : memref<1x250x80xi32, #tpu.memory_space<hbm>> -> memref<250x80xi32, #tpu.memory_space<hbm>>
      tpu.wait_dma2 semaphore(%run_scoped3A_70 : memref<!tpu.dma_semaphore, #tpu.memory_space<semaphore_mem>>) src(%dma_wait3A_86 : memref<250x80xi32, #tpu.memory_space<hbm>>) dst(%arg7 : memref<250x80xi32, #tpu.memory_space<vmem>>)
      tpu.yield
    }) : () -> ()
    "tpu.region"() ({
      %run_scoped3A_70 = tpu.sem_alloc : memref<!tpu.dma_semaphore, #tpu.memory_space<semaphore_mem>>
      %dma_start3A_71 = arith.constant 0 : i32
      %dma_start3A_72 = arith.constant 0 : i32
      %dma_start3A_73 = tpu.memref_slice %arg3[%arg1, %dma_start3A_71, %dma_start3A_72] : memref<16x250x80xi32, #tpu.memory_space<hbm>> -> memref<1x250x80xi32, #tpu.memory_space<hbm>>
      %dma_start3A_74 = tpu.memref_squeeze %dma_start3A_73 : memref<1x250x80xi32, #tpu.memory_space<hbm>> -> memref<250x80xi32, #tpu.memory_space<hbm>>
      %dma_start3A_75 = arith.constant 0 : i32
      %dma_start3A_76 = arith.constant 0 : i32
      %dma_start3A_77 = tpu.memref_slice %arg3[%arg1, %dma_start3A_75, %dma_start3A_76] : memref<16x250x80xi32, #tpu.memory_space<hbm>> -> memref<1x250x80xi32, #tpu.memory_space<hbm>>
      %dma_start3A_78 = tpu.memref_squeeze %dma_start3A_77 : memref<1x250x80xi32, #tpu.memory_space<hbm>> -> memref<250x80xi32, #tpu.memory_space<hbm>>
      tpu.enqueue_dma source(%dma_start3A_78 : memref<250x80xi32, #tpu.memory_space<hbm>>) target(%arg8 : memref<250x80xi32, #tpu.memory_space<vmem>>) target_semaphore(%run_scoped3A_70 : memref<!tpu.dma_semaphore, #tpu.memory_space<semaphore_mem>>)
      %dma_wait3A_79 = arith.constant 0 : i32
      %dma_wait3A_80 = arith.constant 0 : i32
      %dma_wait3A_81 = tpu.memref_slice %arg3[%arg1, %dma_wait3A_79, %dma_wait3A_80] : memref<16x250x80xi32, #tpu.memory_space<hbm>> -> memref<1x250x80xi32, #tpu.memory_space<hbm>>
      %dma_wait3A_82 = tpu.memref_squeeze %dma_wait3A_81 : memref<1x250x80xi32, #tpu.memory_space<hbm>> -> memref<250x80xi32, #tpu.memory_space<hbm>>
      %dma_wait3A_83 = arith.constant 0 : i32
      %dma_wait3A_84 = arith.constant 0 : i32
      %dma_wait3A_85 = tpu.memref_slice %arg3[%arg1, %dma_wait3A_83, %dma_wait3A_84] : memref<16x250x80xi32, #tpu.memory_space<hbm>> -> memref<1x250x80xi32, #tpu.memory_space<hbm>>
      %dma_wait3A_86 = tpu.memref_squeeze %dma_wait3A_85 : memref<1x250x80xi32, #tpu.memory_space<hbm>> -> memref<250x80xi32, #tpu.memory_space<hbm>>
      tpu.wait_dma2 semaphore(%run_scoped3A_70 : memref<!tpu.dma_semaphore, #tpu.memory_space<semaphore_mem>>) src(%dma_wait3A_86 : memref<250x80xi32, #tpu.memory_space<hbm>>) dst(%arg8 : memref<250x80xi32, #tpu.memory_space<vmem>>)
      tpu.yield
    }) : () -> ()
    %iota3A = tpu.iota {dimensions = array<i32: 0>} : vector<16xi32>
    %scan3A = arith.constant 0 : i32
    %scan3A_1 = arith.constant 0 : i32
    %scan3A_2 = arith.constant 250 : i32
    %scan3A_3 = arith.addi %scan3A_1, %scan3A_2 : i32
    %scan3A_4 = arith.constant 1 : i32
    %scan3A_5 = scf.for %scan3A_70 = %scan3A_1 to %scan3A_3 step %scan3A_4 iter_args(%scan3A_71 = %scan3A) -> (i32)  : i32 {
      %get3A = arith.index_cast %scan3A_70 : i32 to index
      %get3A_72 = arith.constant 0 : index
      %get3A_73 = tpu.vector_load %arg8[%get3A, %get3A_72] {strides = array<i32>} : memref<250x80xi32, #tpu.memory_space<vmem>>, vector<1x16xi32>,
      %get3A_74 = vector.shape_cast %get3A_73 : vector<1x16xi32> to vector<16xi32>
      %sub3A = vector.broadcast %mul3A_0 : i32 to vector<16xi32>
      %sub3A_75 = arith.subi %get3A_74, %sub3A : vector<16xi32>
      %ge3A = arith.constant 0 : i32
      %ge3A_76 = vector.broadcast %ge3A : i32 to vector<16xi32>
      %ge3A_77 = arith.cmpi sge, %sub3A_75, %ge3A_76 : vector<16xi32>
      %lt3A_78 = arith.constant 5000 : i32
      %lt3A_79 = vector.broadcast %lt3A_78 : i32 to vector<16xi32>
      %lt3A_80 = arith.cmpi slt, %sub3A_75, %lt3A_79 : vector<16xi32>
      %and3A = arith.andi %ge3A_77, %lt3A_80 : vector<16xi1>
      %add3A = arith.addi %get3A_74, %iota3A : vector<16xi32>
      %and3A_81 = arith.constant 31 : i32
      %and3A_82 = vector.broadcast %and3A_81 : i32 to vector<16xi32>
      %and3A_83 = arith.andi %add3A, %and3A_82 : vector<16xi32>
      %add3A_84 = arith.constant 5000 : i32
      %add3A_85 = vector.broadcast %add3A_84 : i32 to vector<16xi32>
      %add3A_86 = arith.addi %add3A_85, %and3A_83 : vector<16xi32>
      %select_n3A = arith.select %and3A, %sub3A_75, %add3A_86 : vector<16xi1>, vector<16xi32>
      %swap3A = arith.index_cast %scan3A_70 : i32 to index
      %swap3A_87 = arith.constant 0 : index
      %swap3A_88 = tpu.vector_load %arg8[%swap3A, %swap3A_87] {strides = array<i32>} : memref<250x80xi32, #tpu.memory_space<vmem>>, vector<1x16xi32>,
      %swap3A_89 = vector.shape_cast %swap3A_88 : vector<1x16xi32> to vector<16xi32>
      %swap3A_90 = vector.shape_cast %select_n3A : vector<16xi32> to vector<1x16xi32>
      tpu.vector_store %arg8[%swap3A, %swap3A_87], %swap3A_90 {strides = array<i32>} : memref<250x80xi32, #tpu.memory_space<vmem>>, vector<1x16xi32>,
      %get3A_91 = arith.index_cast %scan3A_70 : i32 to index
      %get3A_92 = arith.constant 16 : index
      %get3A_93 = tpu.vector_load %arg8[%get3A_91, %get3A_92] {strides = array<i32>} : memref<250x80xi32, #tpu.memory_space<vmem>>, vector<1x16xi32>,
      %get3A_94 = vector.shape_cast %get3A_93 : vector<1x16xi32> to vector<16xi32>
      %sub3A_95 = vector.broadcast %mul3A_0 : i32 to vector<16xi32>
      %sub3A_96 = arith.subi %get3A_94, %sub3A_95 : vector<16xi32>
      %ge3A_97 = arith.constant 0 : i32
      %ge3A_98 = vector.broadcast %ge3A_97 : i32 to vector<16xi32>
      %ge3A_99 = arith.cmpi sge, %sub3A_96, %ge3A_98 : vector<16xi32>
      %lt3A_100 = arith.constant 5000 : i32
      %lt3A_101 = vector.broadcast %lt3A_100 : i32 to vector<16xi32>
      %lt3A_102 = arith.cmpi slt, %sub3A_96, %lt3A_101 : vector<16xi32>
      %and3A_103 = arith.andi %ge3A_99, %lt3A_102 : vector<16xi1>
      %add3A_104 = arith.addi %get3A_94, %iota3A : vector<16xi32>
      %and3A_105 = arith.constant 31 : i32
      %and3A_106 = vector.broadcast %and3A_105 : i32 to vector<16xi32>
      %and3A_107 = arith.andi %add3A_104, %and3A_106 : vector<16xi32>
      %add3A_108 = arith.constant 5000 : i32
      %add3A_109 = vector.broadcast %add3A_108 : i32 to vector<16xi32>
      %add3A_110 = arith.addi %add3A_109, %and3A_107 : vector<16xi32>
      %select_n3A_111 = arith.select %and3A_103, %sub3A_96, %add3A_110 : vector<16xi1>, vector<16xi32>
      %swap3A_112 = arith.index_cast %scan3A_70 : i32 to index
      %swap3A_113 = arith.constant 16 : index
      %swap3A_114 = tpu.vector_load %arg8[%swap3A_112, %swap3A_113] {strides = array<i32>} : memref<250x80xi32, #tpu.memory_space<vmem>>, vector<1x16xi32>,
      %swap3A_115 = vector.shape_cast %swap3A_114 : vector<1x16xi32> to vector<16xi32>
      %swap3A_116 = vector.shape_cast %select_n3A_111 : vector<16xi32> to vector<1x16xi32>
      tpu.vector_store %arg8[%swap3A_112, %swap3A_113], %swap3A_116 {strides = array<i32>} : memref<250x80xi32, #tpu.memory_space<vmem>>, vector<1x16xi32>,
      %get3A_117 = arith.index_cast %scan3A_70 : i32 to index
      %get3A_118 = arith.constant 32 : index
      %get3A_119 = tpu.vector_load %arg8[%get3A_117, %get3A_118] {strides = array<i32>} : memref<250x80xi32, #tpu.memory_space<vmem>>, vector<1x16xi32>,
      %get3A_120 = vector.shape_cast %get3A_119 : vector<1x16xi32> to vector<16xi32>
      %sub3A_121 = vector.broadcast %mul3A_0 : i32 to vector<16xi32>
      %sub3A_122 = arith.subi %get3A_120, %sub3A_121 : vector<16xi32>
      %ge3A_123 = arith.constant 0 : i32
      %ge3A_124 = vector.broadcast %ge3A_123 : i32 to vector<16xi32>
      %ge3A_125 = arith.cmpi sge, %sub3A_122, %ge3A_124 : vector<16xi32>
      %lt3A_126 = arith.constant 5000 : i32
      %lt3A_127 = vector.broadcast %lt3A_126 : i32 to vector<16xi32>
      %lt3A_128 = arith.cmpi slt, %sub3A_122, %lt3A_127 : vector<16xi32>
      %and3A_129 = arith.andi %ge3A_125, %lt3A_128 : vector<16xi1>
      %add3A_130 = arith.addi %get3A_120, %iota3A : vector<16xi32>
      %and3A_131 = arith.constant 31 : i32
      %and3A_132 = vector.broadcast %and3A_131 : i32 to vector<16xi32>
      %and3A_133 = arith.andi %add3A_130, %and3A_132 : vector<16xi32>
      %add3A_134 = arith.constant 5000 : i32
      %add3A_135 = vector.broadcast %add3A_134 : i32 to vector<16xi32>
      %add3A_136 = arith.addi %add3A_135, %and3A_133 : vector<16xi32>
      %select_n3A_137 = arith.select %and3A_129, %sub3A_122, %add3A_136 : vector<16xi1>, vector<16xi32>
      %swap3A_138 = arith.index_cast %scan3A_70 : i32 to index
      %swap3A_139 = arith.constant 32 : index
      %swap3A_140 = tpu.vector_load %arg8[%swap3A_138, %swap3A_139] {strides = array<i32>} : memref<250x80xi32, #tpu.memory_space<vmem>>, vector<1x16xi32>,
      %swap3A_141 = vector.shape_cast %swap3A_140 : vector<1x16xi32> to vector<16xi32>
      %swap3A_142 = vector.shape_cast %select_n3A_137 : vector<16xi32> to vector<1x16xi32>
      tpu.vector_store %arg8[%swap3A_138, %swap3A_139], %swap3A_142 {strides = array<i32>} : memref<250x80xi32, #tpu.memory_space<vmem>>, vector<1x16xi32>,
      %get3A_143 = arith.index_cast %scan3A_70 : i32 to index
      %get3A_144 = arith.constant 48 : index
      %get3A_145 = tpu.vector_load %arg8[%get3A_143, %get3A_144] {strides = array<i32>} : memref<250x80xi32, #tpu.memory_space<vmem>>, vector<1x16xi32>,
      %get3A_146 = vector.shape_cast %get3A_145 : vector<1x16xi32> to vector<16xi32>
      %sub3A_147 = vector.broadcast %mul3A_0 : i32 to vector<16xi32>
      %sub3A_148 = arith.subi %get3A_146, %sub3A_147 : vector<16xi32>
      %ge3A_149 = arith.constant 0 : i32
      %ge3A_150 = vector.broadcast %ge3A_149 : i32 to vector<16xi32>
      %ge3A_151 = arith.cmpi sge, %sub3A_148, %ge3A_150 : vector<16xi32>
      %lt3A_152 = arith.constant 5000 : i32
      %lt3A_153 = vector.broadcast %lt3A_152 : i32 to vector<16xi32>
      %lt3A_154 = arith.cmpi slt, %sub3A_148, %lt3A_153 : vector<16xi32>
      %and3A_155 = arith.andi %ge3A_151, %lt3A_154 : vector<16xi1>
      %add3A_156 = arith.addi %get3A_146, %iota3A : vector<16xi32>
      %and3A_157 = arith.constant 31 : i32
      %and3A_158 = vector.broadcast %and3A_157 : i32 to vector<16xi32>
      %and3A_159 = arith.andi %add3A_156, %and3A_158 : vector<16xi32>
      %add3A_160 = arith.constant 5000 : i32
      %add3A_161 = vector.broadcast %add3A_160 : i32 to vector<16xi32>
      %add3A_162 = arith.addi %add3A_161, %and3A_159 : vector<16xi32>
      %select_n3A_163 = arith.select %and3A_155, %sub3A_148, %add3A_162 : vector<16xi1>, vector<16xi32>
      %swap3A_164 = arith.index_cast %scan3A_70 : i32 to index
      %swap3A_165 = arith.constant 48 : index
      %swap3A_166 = tpu.vector_load %arg8[%swap3A_164, %swap3A_165] {strides = array<i32>} : memref<250x80xi32, #tpu.memory_space<vmem>>, vector<1x16xi32>,
      %swap3A_167 = vector.shape_cast %swap3A_166 : vector<1x16xi32> to vector<16xi32>
      %swap3A_168 = vector.shape_cast %select_n3A_163 : vector<16xi32> to vector<1x16xi32>
      tpu.vector_store %arg8[%swap3A_164, %swap3A_165], %swap3A_168 {strides = array<i32>} : memref<250x80xi32, #tpu.memory_space<vmem>>, vector<1x16xi32>,
      %get3A_169 = arith.index_cast %scan3A_70 : i32 to index
      %get3A_170 = arith.constant 64 : index
      %get3A_171 = tpu.vector_load %arg8[%get3A_169, %get3A_170] {strides = array<i32>} : memref<250x80xi32, #tpu.memory_space<vmem>>, vector<1x16xi32>,
      %get3A_172 = vector.shape_cast %get3A_171 : vector<1x16xi32> to vector<16xi32>
      %sub3A_173 = vector.broadcast %mul3A_0 : i32 to vector<16xi32>
      %sub3A_174 = arith.subi %get3A_172, %sub3A_173 : vector<16xi32>
      %ge3A_175 = arith.constant 0 : i32
      %ge3A_176 = vector.broadcast %ge3A_175 : i32 to vector<16xi32>
      %ge3A_177 = arith.cmpi sge, %sub3A_174, %ge3A_176 : vector<16xi32>
      %lt3A_178 = arith.constant 5000 : i32
      %lt3A_179 = vector.broadcast %lt3A_178 : i32 to vector<16xi32>
      %lt3A_180 = arith.cmpi slt, %sub3A_174, %lt3A_179 : vector<16xi32>
      %and3A_181 = arith.andi %ge3A_177, %lt3A_180 : vector<16xi1>
      %add3A_182 = arith.addi %get3A_172, %iota3A : vector<16xi32>
      %and3A_183 = arith.constant 31 : i32
      %and3A_184 = vector.broadcast %and3A_183 : i32 to vector<16xi32>
      %and3A_185 = arith.andi %add3A_182, %and3A_184 : vector<16xi32>
      %add3A_186 = arith.constant 5000 : i32
      %add3A_187 = vector.broadcast %add3A_186 : i32 to vector<16xi32>
      %add3A_188 = arith.addi %add3A_187, %and3A_185 : vector<16xi32>
      %select_n3A_189 = arith.select %and3A_181, %sub3A_174, %add3A_188 : vector<16xi1>, vector<16xi32>
      %swap3A_190 = arith.index_cast %scan3A_70 : i32 to index
      %swap3A_191 = arith.constant 64 : index
      %swap3A_192 = tpu.vector_load %arg8[%swap3A_190, %swap3A_191] {strides = array<i32>} : memref<250x80xi32, #tpu.memory_space<vmem>>, vector<1x16xi32>,
      %swap3A_193 = vector.shape_cast %swap3A_192 : vector<1x16xi32> to vector<16xi32>
      %swap3A_194 = vector.shape_cast %select_n3A_189 : vector<16xi32> to vector<1x16xi32>
      tpu.vector_store %arg8[%swap3A_190, %swap3A_191], %swap3A_194 {strides = array<i32>} : memref<250x80xi32, #tpu.memory_space<vmem>>, vector<1x16xi32>,
      %scan3A_195 = arith.constant 0 : i32
      scf.yield %scan3A_195 : i32
    }
    %scan3A_6 = arith.constant 250 : i32
    %mul3A_7 = arith.constant 312 : i32
    %mul3A_8 = arith.muli %arg1, %mul3A_7 : i32
    %multiple_of3A = tpu.assume_multiple %mul3A_8, 8 : i32
    %mul3A_9 = arith.constant 312 : i32
    %mul3A_10 = arith.muli %arg1, %mul3A_9 : i32
    %multiple_of3A_11 = tpu.assume_multiple %mul3A_10, 8 : i32
    %lt3A = arith.constant 15 : i32
    %lt3A_12 = arith.cmpi slt, %arg1, %lt3A : i32
    %convert_element_type3A = arith.extui %lt3A_12 : i1 to i32
    %cond3A = arith.constant 0 : i32
    %cond3A_13 = arith.cmpi ne, %convert_element_type3A, %cond3A : i32
    scf.if %cond3A_13 {
      "tpu.region"() ({
        %run_scoped3A_70 = tpu.sem_alloc : memref<!tpu.dma_semaphore, #tpu.memory_space<semaphore_mem>>
        %dma_start3A_71 = arith.constant 0 : i32
        %dma_start3A_72 = tpu.memref_slice %arg11[%multiple_of3A, %dma_start3A_71] : memref<5040x128xf32, #tpu.memory_space<vmem_shared>> -> memref<312x128xf32, #tpu.memory_space<vmem_shared>>
        %dma_start3A_73 = arith.constant 0 : i32
        %dma_start3A_74 = arith.constant 0 : i32
        %dma_start3A_75 = tpu.memref_slice %arg4[%dma_start3A_73, %dma_start3A_74] : memref<360x128xf32, #tpu.memory_space<hbm>> -> memref<312x128xf32, #tpu.memory_space<hbm>>
        tpu.enqueue_dma source(%dma_start3A_75 : memref<312x128xf32, #tpu.memory_space<hbm>>) target(%dma_start3A_72 : memref<312x128xf32, #tpu.memory_space<vmem_shared>>) target_semaphore(%run_scoped3A_70 : memref<!tpu.dma_semaphore, #tpu.memory_space<semaphore_mem>>)
        %dma_wait3A_76 = arith.constant 0 : i32
        %dma_wait3A_77 = tpu.memref_slice %arg11[%multiple_of3A, %dma_wait3A_76] : memref<5040x128xf32, #tpu.memory_space<vmem_shared>> -> memref<312x128xf32, #tpu.memory_space<vmem_shared>>
        %dma_wait3A_78 = arith.constant 0 : i32
        %dma_wait3A_79 = arith.constant 0 : i32
        %dma_wait3A_80 = tpu.memref_slice %arg4[%dma_wait3A_78, %dma_wait3A_79] : memref<360x128xf32, #tpu.memory_space<hbm>> -> memref<312x128xf32, #tpu.memory_space<hbm>>
        tpu.wait_dma2 semaphore(%run_scoped3A_70 : memref<!tpu.dma_semaphore, #tpu.memory_space<semaphore_mem>>) src(%dma_wait3A_80 : memref<312x128xf32, #tpu.memory_space<hbm>>) dst(%dma_wait3A_77 : memref<312x128xf32, #tpu.memory_space<vmem_shared>>)
        tpu.yield
      }) : () -> ()
    } else {
    }
    %eq3A = arith.constant 15 : i32
    %eq3A_14 = arith.cmpi eq, %arg1, %eq3A : i32
    %convert_element_type3A_15 = arith.extui %eq3A_14 : i1 to i32
    %cond3A_16 = arith.constant 0 : i32
    %cond3A_17 = arith.cmpi ne, %convert_element_type3A_15, %cond3A_16 : i32
    scf.if %cond3A_17 {
      "tpu.region"() ({
        %run_scoped3A_70 = tpu.sem_alloc : memref<!tpu.dma_semaphore, #tpu.memory_space<semaphore_mem>>
        %dma_start3A_71 = arith.constant 4680 : i32
        %dma_start3A_72 = arith.constant 0 : i32
        %dma_start3A_73 = tpu.memref_slice %arg11[%dma_start3A_71, %dma_start3A_72] : memref<5040x128xf32, #tpu.memory_space<vmem_shared>> -> memref<360x128xf32, #tpu.memory_space<vmem_shared>>
        tpu.enqueue_dma source(%arg4 : memref<360x128xf32, #tpu.memory_space<hbm>>) target(%dma_start3A_73 : memref<360x128xf32, #tpu.memory_space<vmem_shared>>) target_semaphore(%run_scoped3A_70 : memref<!tpu.dma_semaphore, #tpu.memory_space<semaphore_mem>>)
        %dma_wait3A_74 = arith.constant 4680 : i32
        %dma_wait3A_75 = arith.constant 0 : i32
        %dma_wait3A_76 = tpu.memref_slice %arg11[%dma_wait3A_74, %dma_wait3A_75] : memref<5040x128xf32, #tpu.memory_space<vmem_shared>> -> memref<360x128xf32, #tpu.memory_space<vmem_shared>>
        tpu.wait_dma2 semaphore(%run_scoped3A_70 : memref<!tpu.dma_semaphore, #tpu.memory_space<semaphore_mem>>) src(%arg4 : memref<360x128xf32, #tpu.memory_space<hbm>>) dst(%dma_wait3A_76 : memref<360x128xf32, #tpu.memory_space<vmem_shared>>)
        tpu.yield
      }) : () -> ()
    } else {
    }
    %barrier3A = arith.constant 0 : index
    tpu.barrier barrier_id(%barrier3A)
    %dma_start3A = arith.constant 0 : i32
    %dma_start3A_18 = arith.constant 0 : i32
    %dma_start3A_19 = arith.constant 0 : i32
    %dma_start3A_20 = arith.constant 0 : i32
    %dma_start3A_21 = arith.constant 0 : i32
    %dma_start3A_22 = tpu.memref_slice %arg10[%dma_start3A_18, %dma_start3A_20, %dma_start3A_21] : memref<2x80x128xf32, #tpu.memory_space<vmem>> -> memref<1x80x128xf32, #tpu.memory_space<vmem>>
    %dma_start3A_23 = tpu.memref_squeeze %dma_start3A_22 : memref<1x80x128xf32, #tpu.memory_space<vmem>> -> memref<80x128xf32, #tpu.memory_space<vmem>>
    %dma_start3A_24 = arith.constant 0 : i32
    %dma_start3A_25 = tpu.memref_slice %arg7[%dma_start3A, %dma_start3A_24] : memref<250x80xi32, #tpu.memory_space<vmem>> -> memref<1x80xi32, #tpu.memory_space<vmem>>
    %dma_start3A_26 = tpu.memref_squeeze %dma_start3A_25 : memref<1x80xi32, #tpu.memory_space<vmem>> -> memref<80xi32, #tpu.memory_space<vmem>>
    %dma_start3A_27 = arith.constant 0 : i32
    %dma_start3A_28 = arith.constant 0 : i32
    %dma_start3A_29 = tpu.memref_slice %arg5[%dma_start3A_27, %dma_start3A_28] : memref<10000x128xf32, #tpu.memory_space<hbm>> -> memref<10000x128xf32, #tpu.memory_space<hbm>>
    %dma_start3A_30 = tpu.memref_slice %arg12[%dma_start3A_19] : memref<2x!tpu.dma_semaphore, #tpu.memory_space<semaphore_mem>> -> memref<1x!tpu.dma_semaphore, #tpu.memory_space<semaphore_mem>>
    %dma_start3A_31 = tpu.memref_squeeze %dma_start3A_30 : memref<1x!tpu.dma_semaphore, #tpu.memory_space<semaphore_mem>> -> memref<!tpu.dma_semaphore, #tpu.memory_space<semaphore_mem>>
    tpu.enqueue_indirect_dma source(%dma_start3A_29 : memref<10000x128xf32, #tpu.memory_space<hbm>>) target(%dma_start3A_23 : memref<80x128xf32, #tpu.memory_space<vmem>>) offsets(%dma_start3A_26 : memref<80xi32, #tpu.memory_space<vmem>>) semaphore(%dma_start3A_31 : memref<!tpu.dma_semaphore, #tpu.memory_space<semaphore_mem>>)
    %scan3A_32 = arith.constant 0 : i32
    %scan3A_33 = arith.constant 0 : i32
    %scan3A_34 = arith.constant 249 : i32
    %scan3A_35 = arith.addi %scan3A_33, %scan3A_34 : i32
    %scan3A_36 = arith.constant 1 : i32
    %scan3A_37 = scf.for %scan3A_70 = %scan3A_33 to %scan3A_35 step %scan3A_36 iter_args(%scan3A_71 = %scan3A_32) -> (i32)  : i32 {
      %add3A = arith.constant 1 : i32
      %add3A_72 = arith.addi %scan3A_70, %add3A : i32
      %add3A_73 = arith.constant 1 : i32
      %add3A_74 = arith.addi %scan3A_70, %add3A_73 : i32
      %rem3A_75 = arith.constant 2 : i32
      %rem3A_76 = arith.remsi %add3A_74, %rem3A_75 : i32
      %add3A_77 = arith.constant 1 : i32
      %add3A_78 = arith.addi %scan3A_70, %add3A_77 : i32
      %rem3A_79 = arith.constant 2 : i32
      %rem3A_80 = arith.remsi %add3A_78, %rem3A_79 : i32
      %dma_start3A_81 = arith.constant 0 : i32
      %dma_start3A_82 = arith.constant 0 : i32
      %dma_start3A_83 = tpu.memref_slice %arg10[%rem3A_76, %dma_start3A_81, %dma_start3A_82] : memref<2x80x128xf32, #tpu.memory_space<vmem>> -> memref<1x80x128xf32, #tpu.memory_space<vmem>>
      %dma_start3A_84 = tpu.memref_squeeze %dma_start3A_83 : memref<1x80x128xf32, #tpu.memory_space<vmem>> -> memref<80x128xf32, #tpu.memory_space<vmem>>
      %dma_start3A_85 = arith.constant 0 : i32
      %dma_start3A_86 = tpu.memref_slice %arg7[%add3A_72, %dma_start3A_85] : memref<250x80xi32, #tpu.memory_space<vmem>> -> memref<1x80xi32, #tpu.memory_space<vmem>>
      %dma_start3A_87 = tpu.memref_squeeze %dma_start3A_86 : memref<1x80xi32, #tpu.memory_space<vmem>> -> memref<80xi32, #tpu.memory_space<vmem>>
      %dma_start3A_88 = arith.constant 0 : i32
      %dma_start3A_89 = arith.constant 0 : i32
      %dma_start3A_90 = tpu.memref_slice %arg5[%dma_start3A_88, %dma_start3A_89] : memref<10000x128xf32, #tpu.memory_space<hbm>> -> memref<10000x128xf32, #tpu.memory_space<hbm>>
      %dma_start3A_91 = tpu.memref_slice %arg12[%rem3A_80] : memref<2x!tpu.dma_semaphore, #tpu.memory_space<semaphore_mem>> -> memref<1x!tpu.dma_semaphore, #tpu.memory_space<semaphore_mem>>
      %dma_start3A_92 = tpu.memref_squeeze %dma_start3A_91 : memref<1x!tpu.dma_semaphore, #tpu.memory_space<semaphore_mem>> -> memref<!tpu.dma_semaphore, #tpu.memory_space<semaphore_mem>>
      tpu.enqueue_indirect_dma source(%dma_start3A_90 : memref<10000x128xf32, #tpu.memory_space<hbm>>) target(%dma_start3A_84 : memref<80x128xf32, #tpu.memory_space<vmem>>) offsets(%dma_start3A_87 : memref<80xi32, #tpu.memory_space<vmem>>) semaphore(%dma_start3A_92 : memref<!tpu.dma_semaphore, #tpu.memory_space<semaphore_mem>>)
      %rem3A_93 = arith.constant 2 : i32
      %rem3A_94 = arith.remsi %scan3A_70, %rem3A_93 : i32
      %rem3A_95 = arith.constant 2 : i32
      %rem3A_96 = arith.remsi %scan3A_70, %rem3A_95 : i32
      %dma_wait3A_97 = arith.constant 0 : i32
      %dma_wait3A_98 = arith.constant 0 : i32
      %dma_wait3A_99 = tpu.memref_slice %arg10[%rem3A_94, %dma_wait3A_97, %dma_wait3A_98] : memref<2x80x128xf32, #tpu.memory_space<vmem>> -> memref<1x80x128xf32, #tpu.memory_space<vmem>>
      %dma_wait3A_100 = tpu.memref_squeeze %dma_wait3A_99 : memref<1x80x128xf32, #tpu.memory_space<vmem>> -> memref<80x128xf32, #tpu.memory_space<vmem>>
      %dma_wait3A_101 = arith.constant 0 : i32
      %dma_wait3A_102 = tpu.memref_slice %arg7[%scan3A_70, %dma_wait3A_101] : memref<250x80xi32, #tpu.memory_space<vmem>> -> memref<1x80xi32, #tpu.memory_space<vmem>>
      %dma_wait3A_103 = tpu.memref_squeeze %dma_wait3A_102 : memref<1x80xi32, #tpu.memory_space<vmem>> -> memref<80xi32, #tpu.memory_space<vmem>>
      %dma_wait3A_104 = arith.constant 0 : i32
      %dma_wait3A_105 = arith.constant 0 : i32
      %dma_wait3A_106 = tpu.memref_slice %arg5[%dma_wait3A_104, %dma_wait3A_105] : memref<10000x128xf32, #tpu.memory_space<hbm>> -> memref<10000x128xf32, #tpu.memory_space<hbm>>
      %dma_wait3A_107 = tpu.memref_slice %arg12[%rem3A_96] : memref<2x!tpu.dma_semaphore, #tpu.memory_space<semaphore_mem>> -> memref<1x!tpu.dma_semaphore, #tpu.memory_space<semaphore_mem>>
      %dma_wait3A_108 = tpu.memref_squeeze %dma_wait3A_107 : memref<1x!tpu.dma_semaphore, #tpu.memory_space<semaphore_mem>> -> memref<!tpu.dma_semaphore, #tpu.memory_space<semaphore_mem>>
      tpu.wait_indirect_dma semaphore(%dma_wait3A_108 : memref<!tpu.dma_semaphore, #tpu.memory_space<semaphore_mem>>) src(%dma_wait3A_106 : memref<10000x128xf32, #tpu.memory_space<hbm>>) dst(%dma_wait3A_100 : memref<80x128xf32, #tpu.memory_space<vmem>>)
      %rem3A_109 = arith.constant 2 : i32
      %rem3A_110 = arith.remsi %scan3A_70, %rem3A_109 : i32
      "tpu.region"() ({
        %run_scoped3A_112 = tpu.sem_alloc : memref<!tpu.dma_semaphore, #tpu.memory_space<semaphore_mem>>
        %dma_start3A_113 = arith.constant 0 : i32
        %dma_start3A_114 = arith.constant 0 : i32
        %dma_start3A_115 = tpu.memref_slice %arg10[%rem3A_110, %dma_start3A_113, %dma_start3A_114] : memref<2x80x128xf32, #tpu.memory_space<vmem>> -> memref<1x80x128xf32, #tpu.memory_space<vmem>>
        %dma_start3A_116 = tpu.memref_squeeze %dma_start3A_115 : memref<1x80x128xf32, #tpu.memory_space<vmem>> -> memref<80x128xf32, #tpu.memory_space<vmem>>
        %dma_start3A_117 = arith.constant 0 : i32
        %dma_start3A_118 = tpu.memref_slice %arg8[%scan3A_70, %dma_start3A_117] : memref<250x80xi32, #tpu.memory_space<vmem>> -> memref<1x80xi32, #tpu.memory_space<vmem>>
        %dma_start3A_119 = tpu.memref_squeeze %dma_start3A_118 : memref<1x80xi32, #tpu.memory_space<vmem>> -> memref<80xi32, #tpu.memory_space<vmem>>
        %dma_start3A_120 = arith.constant 0 : i32
        %dma_start3A_121 = arith.constant 0 : i32
        %dma_start3A_122 = tpu.memref_slice %arg11[%dma_start3A_120, %dma_start3A_121] : memref<5040x128xf32, #tpu.memory_space<vmem_shared>> -> memref<5040x128xf32, #tpu.memory_space<vmem_shared>>
        tpu.enqueue_indirect_dma source(%dma_start3A_116 : memref<80x128xf32, #tpu.memory_space<vmem>>) target(%dma_start3A_122 : memref<5040x128xf32, #tpu.memory_space<vmem_shared>>) offsets(%dma_start3A_119 : memref<80xi32, #tpu.memory_space<vmem>>) semaphore(%run_scoped3A_112 : memref<!tpu.dma_semaphore, #tpu.memory_space<semaphore_mem>>) {add = true}
        %dma_wait3A_123 = arith.constant 0 : i32
        %dma_wait3A_124 = arith.constant 0 : i32
        %dma_wait3A_125 = tpu.memref_slice %arg10[%rem3A_110, %dma_wait3A_123, %dma_wait3A_124] : memref<2x80x128xf32, #tpu.memory_space<vmem>> -> memref<1x80x128xf32, #tpu.memory_space<vmem>>
        %dma_wait3A_126 = tpu.memref_squeeze %dma_wait3A_125 : memref<1x80x128xf32, #tpu.memory_space<vmem>> -> memref<80x128xf32, #tpu.memory_space<vmem>>
        %dma_wait3A_127 = arith.constant 0 : i32
        %dma_wait3A_128 = tpu.memref_slice %arg8[%scan3A_70, %dma_wait3A_127] : memref<250x80xi32, #tpu.memory_space<vmem>> -> memref<1x80xi32, #tpu.memory_space<vmem>>
        %dma_wait3A_129 = tpu.memref_squeeze %dma_wait3A_128 : memref<1x80xi32, #tpu.memory_space<vmem>> -> memref<80xi32, #tpu.memory_space<vmem>>
        %dma_wait3A_130 = arith.constant 0 : i32
        %dma_wait3A_131 = arith.constant 0 : i32
        %dma_wait3A_132 = tpu.memref_slice %arg11[%dma_wait3A_130, %dma_wait3A_131] : memref<5040x128xf32, #tpu.memory_space<vmem_shared>> -> memref<5040x128xf32, #tpu.memory_space<vmem_shared>>
        tpu.wait_indirect_dma semaphore(%run_scoped3A_112 : memref<!tpu.dma_semaphore, #tpu.memory_space<semaphore_mem>>) src(%dma_wait3A_126 : memref<80x128xf32, #tpu.memory_space<vmem>>) dst(%dma_wait3A_132 : memref<5040x128xf32, #tpu.memory_space<vmem_shared>>)
        tpu.yield
      }) : () -> ()
      %scan3A_111 = arith.constant 0 : i32
      scf.yield %scan3A_111 : i32
    }
    %scan3A_38 = arith.constant 249 : i32
    %rem3A = arith.constant 249 : i32
    %rem3A_39 = arith.constant 2 : i32
    %rem3A_40 = arith.remsi %rem3A, %rem3A_39 : i32
    %rem3A_41 = arith.constant 249 : i32
    %rem3A_42 = arith.constant 2 : i32
    %rem3A_43 = arith.remsi %rem3A_41, %rem3A_42 : i32
    %dma_wait3A = arith.constant 249 : i32
    %dma_wait3A_44 = arith.constant 0 : i32
    %dma_wait3A_45 = arith.constant 0 : i32
    %dma_wait3A_46 = tpu.memref_slice %arg10[%rem3A_40, %dma_wait3A_44, %dma_wait3A_45] : memref<2x80x128xf32, #tpu.memory_space<vmem>> -> memref<1x80x128xf32, #tpu.memory_space<vmem>>
    %dma_wait3A_47 = tpu.memref_squeeze %dma_wait3A_46 : memref<1x80x128xf32, #tpu.memory_space<vmem>> -> memref<80x128xf32, #tpu.memory_space<vmem>>
    %dma_wait3A_48 = arith.constant 0 : i32
    %dma_wait3A_49 = tpu.memref_slice %arg7[%dma_wait3A, %dma_wait3A_48] : memref<250x80xi32, #tpu.memory_space<vmem>> -> memref<1x80xi32, #tpu.memory_space<vmem>>
    %dma_wait3A_50 = tpu.memref_squeeze %dma_wait3A_49 : memref<1x80xi32, #tpu.memory_space<vmem>> -> memref<80xi32, #tpu.memory_space<vmem>>
    %dma_wait3A_51 = arith.constant 0 : i32
    %dma_wait3A_52 = arith.constant 0 : i32
    %dma_wait3A_53 = tpu.memref_slice %arg5[%dma_wait3A_51, %dma_wait3A_52] : memref<10000x128xf32, #tpu.memory_space<hbm>> -> memref<10000x128xf32, #tpu.memory_space<hbm>>
    %dma_wait3A_54 = tpu.memref_slice %arg12[%rem3A_43] : memref<2x!tpu.dma_semaphore, #tpu.memory_space<semaphore_mem>> -> memref<1x!tpu.dma_semaphore, #tpu.memory_space<semaphore_mem>>
    %dma_wait3A_55 = tpu.memref_squeeze %dma_wait3A_54 : memref<1x!tpu.dma_semaphore, #tpu.memory_space<semaphore_mem>> -> memref<!tpu.dma_semaphore, #tpu.memory_space<semaphore_mem>>
    tpu.wait_indirect_dma semaphore(%dma_wait3A_55 : memref<!tpu.dma_semaphore, #tpu.memory_space<semaphore_mem>>) src(%dma_wait3A_53 : memref<10000x128xf32, #tpu.memory_space<hbm>>) dst(%dma_wait3A_47 : memref<80x128xf32, #tpu.memory_space<vmem>>)
    %rem3A_56 = arith.constant 249 : i32
    %rem3A_57 = arith.constant 2 : i32
    %rem3A_58 = arith.remsi %rem3A_56, %rem3A_57 : i32
    %run_scoped3A = arith.constant 249 : i32
    "tpu.region"() ({
      %run_scoped3A_70 = tpu.sem_alloc : memref<!tpu.dma_semaphore, #tpu.memory_space<semaphore_mem>>
      %dma_start3A_71 = arith.constant 0 : i32
      %dma_start3A_72 = arith.constant 0 : i32
      %dma_start3A_73 = tpu.memref_slice %arg10[%rem3A_58, %dma_start3A_71, %dma_start3A_72] : memref<2x80x128xf32, #tpu.memory_space<vmem>> -> memref<1x80x128xf32, #tpu.memory_space<vmem>>
      %dma_start3A_74 = tpu.memref_squeeze %dma_start3A_73 : memref<1x80x128xf32, #tpu.memory_space<vmem>> -> memref<80x128xf32, #tpu.memory_space<vmem>>
      %dma_start3A_75 = arith.constant 0 : i32
      %dma_start3A_76 = tpu.memref_slice %arg8[%run_scoped3A, %dma_start3A_75] : memref<250x80xi32, #tpu.memory_space<vmem>> -> memref<1x80xi32, #tpu.memory_space<vmem>>
      %dma_start3A_77 = tpu.memref_squeeze %dma_start3A_76 : memref<1x80xi32, #tpu.memory_space<vmem>> -> memref<80xi32, #tpu.memory_space<vmem>>
      %dma_start3A_78 = arith.constant 0 : i32
      %dma_start3A_79 = arith.constant 0 : i32
      %dma_start3A_80 = tpu.memref_slice %arg11[%dma_start3A_78, %dma_start3A_79] : memref<5040x128xf32, #tpu.memory_space<vmem_shared>> -> memref<5040x128xf32, #tpu.memory_space<vmem_shared>>
      tpu.enqueue_indirect_dma source(%dma_start3A_74 : memref<80x128xf32, #tpu.memory_space<vmem>>) target(%dma_start3A_80 : memref<5040x128xf32, #tpu.memory_space<vmem_shared>>) offsets(%dma_start3A_77 : memref<80xi32, #tpu.memory_space<vmem>>) semaphore(%run_scoped3A_70 : memref<!tpu.dma_semaphore, #tpu.memory_space<semaphore_mem>>) {add = true}
      %dma_wait3A_81 = arith.constant 0 : i32
      %dma_wait3A_82 = arith.constant 0 : i32
      %dma_wait3A_83 = tpu.memref_slice %arg10[%rem3A_58, %dma_wait3A_81, %dma_wait3A_82] : memref<2x80x128xf32, #tpu.memory_space<vmem>> -> memref<1x80x128xf32, #tpu.memory_space<vmem>>
      %dma_wait3A_84 = tpu.memref_squeeze %dma_wait3A_83 : memref<1x80x128xf32, #tpu.memory_space<vmem>> -> memref<80x128xf32, #tpu.memory_space<vmem>>
      %dma_wait3A_85 = arith.constant 0 : i32
      %dma_wait3A_86 = tpu.memref_slice %arg8[%run_scoped3A, %dma_wait3A_85] : memref<250x80xi32, #tpu.memory_space<vmem>> -> memref<1x80xi32, #tpu.memory_space<vmem>>
      %dma_wait3A_87 = tpu.memref_squeeze %dma_wait3A_86 : memref<1x80xi32, #tpu.memory_space<vmem>> -> memref<80xi32, #tpu.memory_space<vmem>>
      %dma_wait3A_88 = arith.constant 0 : i32
      %dma_wait3A_89 = arith.constant 0 : i32
      %dma_wait3A_90 = tpu.memref_slice %arg11[%dma_wait3A_88, %dma_wait3A_89] : memref<5040x128xf32, #tpu.memory_space<vmem_shared>> -> memref<5040x128xf32, #tpu.memory_space<vmem_shared>>
      tpu.wait_indirect_dma semaphore(%run_scoped3A_70 : memref<!tpu.dma_semaphore, #tpu.memory_space<semaphore_mem>>) src(%dma_wait3A_84 : memref<80x128xf32, #tpu.memory_space<vmem>>) dst(%dma_wait3A_90 : memref<5040x128xf32, #tpu.memory_space<vmem_shared>>)
      tpu.yield
    }) : () -> ()
    %barrier3A_59 = arith.constant 0 : index
    tpu.barrier barrier_id(%barrier3A_59)
    %lt3A_60 = arith.constant 15 : i32
    %lt3A_61 = arith.cmpi slt, %arg1, %lt3A_60 : i32
    %convert_element_type3A_62 = arith.extui %lt3A_61 : i1 to i32
    %cond3A_63 = arith.constant 0 : i32
    %cond3A_64 = arith.cmpi ne, %convert_element_type3A_62, %cond3A_63 : i32
    scf.if %cond3A_64 {
      %add3A = arith.addi %mul3A_0, %multiple_of3A_11 : i32
      "tpu.region"() ({
        %run_scoped3A_70 = tpu.sem_alloc : memref<!tpu.dma_semaphore, #tpu.memory_space<semaphore_mem>>
        %dma_start3A_71 = arith.constant 0 : i32
        %dma_start3A_72 = tpu.memref_slice %arg6[%add3A, %dma_start3A_71] : memref<10000x128xf32, #tpu.memory_space<hbm>> -> memref<312x128xf32, #tpu.memory_space<hbm>>
        %dma_start3A_73 = arith.constant 0 : i32
        %dma_start3A_74 = tpu.memref_slice %arg11[%multiple_of3A_11, %dma_start3A_73] : memref<5040x128xf32, #tpu.memory_space<vmem_shared>> -> memref<312x128xf32, #tpu.memory_space<vmem_shared>>
        tpu.enqueue_dma source(%dma_start3A_74 : memref<312x128xf32, #tpu.memory_space<vmem_shared>>) target(%dma_start3A_72 : memref<312x128xf32, #tpu.memory_space<hbm>>) target_semaphore(%run_scoped3A_70 : memref<!tpu.dma_semaphore, #tpu.memory_space<semaphore_mem>>)
        %dma_wait3A_75 = arith.constant 0 : i32
        %dma_wait3A_76 = tpu.memref_slice %arg6[%add3A, %dma_wait3A_75] : memref<10000x128xf32, #tpu.memory_space<hbm>> -> memref<312x128xf32, #tpu.memory_space<hbm>>
        %dma_wait3A_77 = arith.constant 0 : i32
        %dma_wait3A_78 = tpu.memref_slice %arg11[%multiple_of3A_11, %dma_wait3A_77] : memref<5040x128xf32, #tpu.memory_space<vmem_shared>> -> memref<312x128xf32, #tpu.memory_space<vmem_shared>>
        tpu.wait_dma2 semaphore(%run_scoped3A_70 : memref<!tpu.dma_semaphore, #tpu.memory_space<semaphore_mem>>) src(%dma_wait3A_78 : memref<312x128xf32, #tpu.memory_space<vmem_shared>>) dst(%dma_wait3A_76 : memref<312x128xf32, #tpu.memory_space<hbm>>)
        tpu.yield
      }) : () -> ()
    } else {
    }
    %eq3A_65 = arith.constant 15 : i32
    %eq3A_66 = arith.cmpi eq, %arg1, %eq3A_65 : i32
    %convert_element_type3A_67 = arith.extui %eq3A_66 : i1 to i32
    %cond3A_68 = arith.constant 0 : i32
    %cond3A_69 = arith.cmpi ne, %convert_element_type3A_67, %cond3A_68 : i32
    scf.if %cond3A_69 {
      %add3A = arith.constant 4680 : i32
      %add3A_70 = arith.addi %mul3A_0, %add3A : i32
      "tpu.region"() ({
        %run_scoped3A_71 = tpu.sem_alloc : memref<!tpu.dma_semaphore, #tpu.memory_space<semaphore_mem>>
        %dma_start3A_72 = arith.constant 0 : i32
        %dma_start3A_73 = tpu.memref_slice %arg6[%add3A_70, %dma_start3A_72] : memref<10000x128xf32, #tpu.memory_space<hbm>> -> memref<320x128xf32, #tpu.memory_space<hbm>>
        %dma_start3A_74 = arith.constant 4680 : i32
        %dma_start3A_75 = arith.constant 0 : i32
        %dma_start3A_76 = tpu.memref_slice %arg11[%dma_start3A_74, %dma_start3A_75] : memref<5040x128xf32, #tpu.memory_space<vmem_shared>> -> memref<320x128xf32, #tpu.memory_space<vmem_shared>>
        tpu.enqueue_dma source(%dma_start3A_76 : memref<320x128xf32, #tpu.memory_space<vmem_shared>>) target(%dma_start3A_73 : memref<320x128xf32, #tpu.memory_space<hbm>>) target_semaphore(%run_scoped3A_71 : memref<!tpu.dma_semaphore, #tpu.memory_space<semaphore_mem>>)
        %dma_wait3A_77 = arith.constant 0 : i32
        %dma_wait3A_78 = tpu.memref_slice %arg6[%add3A_70, %dma_wait3A_77] : memref<10000x128xf32, #tpu.memory_space<hbm>> -> memref<320x128xf32, #tpu.memory_space<hbm>>
        %dma_wait3A_79 = arith.constant 4680 : i32
        %dma_wait3A_80 = arith.constant 0 : i32
        %dma_wait3A_81 = tpu.memref_slice %arg11[%dma_wait3A_79, %dma_wait3A_80] : memref<5040x128xf32, #tpu.memory_space<vmem_shared>> -> memref<320x128xf32, #tpu.memory_space<vmem_shared>>
        tpu.wait_dma2 semaphore(%run_scoped3A_71 : memref<!tpu.dma_semaphore, #tpu.memory_space<semaphore_mem>>) src(%dma_wait3A_81 : memref<320x128xf32, #tpu.memory_space<vmem_shared>>) dst(%dma_wait3A_78 : memref<320x128xf32, #tpu.memory_space<hbm>>)
        tpu.yield
      }) : () -> ()
    } else {
    }
    return
  }
}

#map = affine_map<(d0, d1) -> (0, 0)>
#map1 = affine_map<(d0, d1) -> (0, 0, 0)>
#map2 = affine_map<(d0, d1) -> (0, 0, 0, 0)>
module attributes {stable_mosaic.version = 14 : i64} {
  func.func @_pool_body(%arg0: i32, %arg1: i32, %arg2: memref<125x80xi32, #tpu.memory_space<hbm>>, %arg3: memref<3x104x128xf32, #tpu.memory_space<hbm>>, %arg4: memref<80x128xf32, #tpu.memory_space<hbm>>, %arg5: memref<10000x128xf32, #tpu.memory_space<hbm>>, %arg6: memref<10000x128xf32, #tpu.memory_space<hbm>>, %arg7: memref<3x2x104x128xf32, #tpu.memory_space<hbm>>, %arg8: memref<125x80xi32, #tpu.memory_space<vmem>>, %arg9: memref<80x128xf32, #tpu.memory_space<vmem>>, %arg10: memref<80x128xf32, #tpu.memory_space<vmem>>, %arg11: memref<104x128xf32, #tpu.memory_space<vmem_shared>>, %arg12: memref<104x128xf32, #tpu.memory_space<vmem_shared>>, %arg13: memref<104x128xf32, #tpu.memory_space<vmem_shared>>, %arg14: memref<!tpu.dma_semaphore, #tpu.memory_space<semaphore_mem>>) attributes {dimension_semantics = [#tpu.dimension_semantics<core_parallel>, #tpu.dimension_semantics<subcore_parallel>], iteration_bounds = array<i64: 2, 16>, scalar_prefetch = 0 : i64, scratch_operands = 7 : i64, tpu.core_type = #tpu.core_type<sc_vector_subcore>, window_params = [{transform_indices = #map}, {transform_indices = #map1}, {transform_indices = #map}, {transform_indices = #map}, {transform_indices = #map}, {transform_indices = #map2}]} {
    %mul3A = arith.constant 16 : i32
    %mul3A_0 = arith.muli %arg0, %mul3A : i32
    %add3A = arith.addi %mul3A_0, %arg1 : i32
    "tpu.region"() ({
      %run_scoped3A = tpu.sem_alloc : memref<!tpu.dma_semaphore, #tpu.memory_space<semaphore_mem>>
      tpu.enqueue_dma source(%arg4 : memref<80x128xf32, #tpu.memory_space<hbm>>) target(%arg10 : memref<80x128xf32, #tpu.memory_space<vmem>>) target_semaphore(%run_scoped3A : memref<!tpu.dma_semaphore, #tpu.memory_space<semaphore_mem>>)
      tpu.wait_dma2 semaphore(%run_scoped3A : memref<!tpu.dma_semaphore, #tpu.memory_space<semaphore_mem>>) src(%arg4 : memref<80x128xf32, #tpu.memory_space<hbm>>) dst(%arg10 : memref<80x128xf32, #tpu.memory_space<vmem>>)
      tpu.yield
    }) : () -> ()
    "tpu.region"() ({
      %run_scoped3A = tpu.sem_alloc : memref<!tpu.dma_semaphore, #tpu.memory_space<semaphore_mem>>
      tpu.enqueue_dma source(%arg2 : memref<125x80xi32, #tpu.memory_space<hbm>>) target(%arg8 : memref<125x80xi32, #tpu.memory_space<vmem>>) target_semaphore(%run_scoped3A : memref<!tpu.dma_semaphore, #tpu.memory_space<semaphore_mem>>)
      tpu.wait_dma2 semaphore(%run_scoped3A : memref<!tpu.dma_semaphore, #tpu.memory_space<semaphore_mem>>) src(%arg2 : memref<125x80xi32, #tpu.memory_space<hbm>>) dst(%arg8 : memref<125x80xi32, #tpu.memory_space<vmem>>)
      tpu.yield
    }) : () -> ()
    %eq3A = arith.constant 0 : i32
    %eq3A_1 = arith.cmpi eq, %arg1, %eq3A : i32
    %convert_element_type3A = arith.extui %eq3A_1 : i1 to i32
    %cond3A = arith.constant 0 : i32
    %cond3A_2 = arith.cmpi ne, %convert_element_type3A, %cond3A : i32
    scf.if %cond3A_2 {
      %run_scoped3A = arith.constant 0 : i32
      "tpu.region"() ({
        %run_scoped3A_39 = tpu.sem_alloc : memref<!tpu.dma_semaphore, #tpu.memory_space<semaphore_mem>>
        %dma_start3A = arith.constant 0 : i32
        %dma_start3A_40 = arith.constant 0 : i32
        %dma_start3A_41 = tpu.memref_slice %arg3[%run_scoped3A, %dma_start3A, %dma_start3A_40] : memref<3x104x128xf32, #tpu.memory_space<hbm>> -> memref<1x104x128xf32, #tpu.memory_space<hbm>>
        %dma_start3A_42 = tpu.memref_squeeze %dma_start3A_41 : memref<1x104x128xf32, #tpu.memory_space<hbm>> -> memref<104x128xf32, #tpu.memory_space<hbm>>
        tpu.enqueue_dma source(%dma_start3A_42 : memref<104x128xf32, #tpu.memory_space<hbm>>) target(%arg11 : memref<104x128xf32, #tpu.memory_space<vmem_shared>>) target_semaphore(%run_scoped3A_39 : memref<!tpu.dma_semaphore, #tpu.memory_space<semaphore_mem>>)
        %dma_wait3A = arith.constant 0 : i32
        %dma_wait3A_43 = arith.constant 0 : i32
        %dma_wait3A_44 = tpu.memref_slice %arg3[%run_scoped3A, %dma_wait3A, %dma_wait3A_43] : memref<3x104x128xf32, #tpu.memory_space<hbm>> -> memref<1x104x128xf32, #tpu.memory_space<hbm>>
        %dma_wait3A_45 = tpu.memref_squeeze %dma_wait3A_44 : memref<1x104x128xf32, #tpu.memory_space<hbm>> -> memref<104x128xf32, #tpu.memory_space<hbm>>
        tpu.wait_dma2 semaphore(%run_scoped3A_39 : memref<!tpu.dma_semaphore, #tpu.memory_space<semaphore_mem>>) src(%dma_wait3A_45 : memref<104x128xf32, #tpu.memory_space<hbm>>) dst(%arg11 : memref<104x128xf32, #tpu.memory_space<vmem_shared>>)
        tpu.yield
      }) : () -> ()
      %run_scoped3A_37 = arith.constant 1 : i32
      "tpu.region"() ({
        %run_scoped3A_39 = tpu.sem_alloc : memref<!tpu.dma_semaphore, #tpu.memory_space<semaphore_mem>>
        %dma_start3A = arith.constant 0 : i32
        %dma_start3A_40 = arith.constant 0 : i32
        %dma_start3A_41 = tpu.memref_slice %arg3[%run_scoped3A_37, %dma_start3A, %dma_start3A_40] : memref<3x104x128xf32, #tpu.memory_space<hbm>> -> memref<1x104x128xf32, #tpu.memory_space<hbm>>
        %dma_start3A_42 = tpu.memref_squeeze %dma_start3A_41 : memref<1x104x128xf32, #tpu.memory_space<hbm>> -> memref<104x128xf32, #tpu.memory_space<hbm>>
        tpu.enqueue_dma source(%dma_start3A_42 : memref<104x128xf32, #tpu.memory_space<hbm>>) target(%arg12 : memref<104x128xf32, #tpu.memory_space<vmem_shared>>) target_semaphore(%run_scoped3A_39 : memref<!tpu.dma_semaphore, #tpu.memory_space<semaphore_mem>>)
        %dma_wait3A = arith.constant 0 : i32
        %dma_wait3A_43 = arith.constant 0 : i32
        %dma_wait3A_44 = tpu.memref_slice %arg3[%run_scoped3A_37, %dma_wait3A, %dma_wait3A_43] : memref<3x104x128xf32, #tpu.memory_space<hbm>> -> memref<1x104x128xf32, #tpu.memory_space<hbm>>
        %dma_wait3A_45 = tpu.memref_squeeze %dma_wait3A_44 : memref<1x104x128xf32, #tpu.memory_space<hbm>> -> memref<104x128xf32, #tpu.memory_space<hbm>>
        tpu.wait_dma2 semaphore(%run_scoped3A_39 : memref<!tpu.dma_semaphore, #tpu.memory_space<semaphore_mem>>) src(%dma_wait3A_45 : memref<104x128xf32, #tpu.memory_space<hbm>>) dst(%arg12 : memref<104x128xf32, #tpu.memory_space<vmem_shared>>)
        tpu.yield
      }) : () -> ()
      %run_scoped3A_38 = arith.constant 2 : i32
      "tpu.region"() ({
        %run_scoped3A_39 = tpu.sem_alloc : memref<!tpu.dma_semaphore, #tpu.memory_space<semaphore_mem>>
        %dma_start3A = arith.constant 0 : i32
        %dma_start3A_40 = arith.constant 0 : i32
        %dma_start3A_41 = tpu.memref_slice %arg3[%run_scoped3A_38, %dma_start3A, %dma_start3A_40] : memref<3x104x128xf32, #tpu.memory_space<hbm>> -> memref<1x104x128xf32, #tpu.memory_space<hbm>>
        %dma_start3A_42 = tpu.memref_squeeze %dma_start3A_41 : memref<1x104x128xf32, #tpu.memory_space<hbm>> -> memref<104x128xf32, #tpu.memory_space<hbm>>
        tpu.enqueue_dma source(%dma_start3A_42 : memref<104x128xf32, #tpu.memory_space<hbm>>) target(%arg13 : memref<104x128xf32, #tpu.memory_space<vmem_shared>>) target_semaphore(%run_scoped3A_39 : memref<!tpu.dma_semaphore, #tpu.memory_space<semaphore_mem>>)
        %dma_wait3A = arith.constant 0 : i32
        %dma_wait3A_43 = arith.constant 0 : i32
        %dma_wait3A_44 = tpu.memref_slice %arg3[%run_scoped3A_38, %dma_wait3A, %dma_wait3A_43] : memref<3x104x128xf32, #tpu.memory_space<hbm>> -> memref<1x104x128xf32, #tpu.memory_space<hbm>>
        %dma_wait3A_45 = tpu.memref_squeeze %dma_wait3A_44 : memref<1x104x128xf32, #tpu.memory_space<hbm>> -> memref<104x128xf32, #tpu.memory_space<hbm>>
        tpu.wait_dma2 semaphore(%run_scoped3A_39 : memref<!tpu.dma_semaphore, #tpu.memory_space<semaphore_mem>>) src(%dma_wait3A_45 : memref<104x128xf32, #tpu.memory_space<hbm>>) dst(%arg13 : memref<104x128xf32, #tpu.memory_space<vmem_shared>>)
        tpu.yield
      }) : () -> ()
    } else {
    }
    %barrier3A = arith.constant 0 : index
    tpu.barrier barrier_id(%barrier3A)
    %mul3A_3 = arith.constant 3 : i32
    %mul3A_4 = arith.muli %add3A, %mul3A_3 : i32
    %add3A_5 = arith.constant 0 : i32
    %add3A_6 = arith.addi %mul3A_4, %add3A_5 : i32
    %mul3A_7 = arith.constant 80 : i32
    %mul3A_8 = arith.muli %add3A_6, %mul3A_7 : i32
    "tpu.region"() ({
      %run_scoped3A = tpu.sem_alloc : memref<!tpu.dma_semaphore, #tpu.memory_space<semaphore_mem>>
      %dma_start3A = arith.constant 0 : i32
      %dma_start3A_37 = tpu.memref_slice %arg5[%mul3A_8, %dma_start3A] : memref<10000x128xf32, #tpu.memory_space<hbm>> -> memref<80x128xf32, #tpu.memory_space<hbm>>
      %dma_start3A_38 = arith.constant 0 : i32
      %dma_start3A_39 = tpu.memref_slice %arg5[%mul3A_8, %dma_start3A_38] : memref<10000x128xf32, #tpu.memory_space<hbm>> -> memref<80x128xf32, #tpu.memory_space<hbm>>
      tpu.enqueue_dma source(%dma_start3A_39 : memref<80x128xf32, #tpu.memory_space<hbm>>) target(%arg9 : memref<80x128xf32, #tpu.memory_space<vmem>>) target_semaphore(%run_scoped3A : memref<!tpu.dma_semaphore, #tpu.memory_space<semaphore_mem>>)
      %dma_wait3A = arith.constant 0 : i32
      %dma_wait3A_40 = tpu.memref_slice %arg5[%mul3A_8, %dma_wait3A] : memref<10000x128xf32, #tpu.memory_space<hbm>> -> memref<80x128xf32, #tpu.memory_space<hbm>>
      %dma_wait3A_41 = arith.constant 0 : i32
      %dma_wait3A_42 = tpu.memref_slice %arg5[%mul3A_8, %dma_wait3A_41] : memref<10000x128xf32, #tpu.memory_space<hbm>> -> memref<80x128xf32, #tpu.memory_space<hbm>>
      tpu.wait_dma2 semaphore(%run_scoped3A : memref<!tpu.dma_semaphore, #tpu.memory_space<semaphore_mem>>) src(%dma_wait3A_42 : memref<80x128xf32, #tpu.memory_space<hbm>>) dst(%arg9 : memref<80x128xf32, #tpu.memory_space<vmem>>)
      tpu.yield
    }) : () -> ()
    "tpu.region"() ({
      %run_scoped3A = tpu.sem_alloc : memref<!tpu.dma_semaphore, #tpu.memory_space<semaphore_mem>>
      %dma_start3A = arith.constant 0 : i32
      %dma_start3A_37 = tpu.memref_slice %arg8[%add3A_6, %dma_start3A] : memref<125x80xi32, #tpu.memory_space<vmem>> -> memref<1x80xi32, #tpu.memory_space<vmem>>
      %dma_start3A_38 = tpu.memref_squeeze %dma_start3A_37 : memref<1x80xi32, #tpu.memory_space<vmem>> -> memref<80xi32, #tpu.memory_space<vmem>>
      %dma_start3A_39 = arith.constant 0 : i32
      %dma_start3A_40 = arith.constant 0 : i32
      %dma_start3A_41 = tpu.memref_slice %arg11[%dma_start3A_39, %dma_start3A_40] : memref<104x128xf32, #tpu.memory_space<vmem_shared>> -> memref<104x128xf32, #tpu.memory_space<vmem_shared>>
      tpu.enqueue_indirect_dma source(%arg9 : memref<80x128xf32, #tpu.memory_space<vmem>>) target(%dma_start3A_41 : memref<104x128xf32, #tpu.memory_space<vmem_shared>>) offsets(%dma_start3A_38 : memref<80xi32, #tpu.memory_space<vmem>>) semaphore(%run_scoped3A : memref<!tpu.dma_semaphore, #tpu.memory_space<semaphore_mem>>) {add = true}
      %dma_wait3A = arith.constant 0 : i32
      %dma_wait3A_42 = tpu.memref_slice %arg8[%add3A_6, %dma_wait3A] : memref<125x80xi32, #tpu.memory_space<vmem>> -> memref<1x80xi32, #tpu.memory_space<vmem>>
      %dma_wait3A_43 = tpu.memref_squeeze %dma_wait3A_42 : memref<1x80xi32, #tpu.memory_space<vmem>> -> memref<80xi32, #tpu.memory_space<vmem>>
      %dma_wait3A_44 = arith.constant 0 : i32
      %dma_wait3A_45 = arith.constant 0 : i32
      %dma_wait3A_46 = tpu.memref_slice %arg11[%dma_wait3A_44, %dma_wait3A_45] : memref<104x128xf32, #tpu.memory_space<vmem_shared>> -> memref<104x128xf32, #tpu.memory_space<vmem_shared>>
      tpu.wait_indirect_dma semaphore(%run_scoped3A : memref<!tpu.dma_semaphore, #tpu.memory_space<semaphore_mem>>) src(%arg9 : memref<80x128xf32, #tpu.memory_space<vmem>>) dst(%dma_wait3A_46 : memref<104x128xf32, #tpu.memory_space<vmem_shared>>)
      tpu.yield
    }) : () -> ()
    %mul3A_9 = arith.constant 80 : i32
    %mul3A_10 = arith.muli %add3A_6, %mul3A_9 : i32
    "tpu.region"() ({
      %run_scoped3A = tpu.sem_alloc : memref<!tpu.dma_semaphore, #tpu.memory_space<semaphore_mem>>
      %dma_start3A = arith.constant 0 : i32
      %dma_start3A_37 = tpu.memref_slice %arg6[%mul3A_10, %dma_start3A] : memref<10000x128xf32, #tpu.memory_space<hbm>> -> memref<80x128xf32, #tpu.memory_space<hbm>>
      %dma_start3A_38 = arith.constant 0 : i32
      %dma_start3A_39 = tpu.memref_slice %arg6[%mul3A_10, %dma_start3A_38] : memref<10000x128xf32, #tpu.memory_space<hbm>> -> memref<80x128xf32, #tpu.memory_space<hbm>>
      tpu.enqueue_dma source(%dma_start3A_39 : memref<80x128xf32, #tpu.memory_space<hbm>>) target(%arg9 : memref<80x128xf32, #tpu.memory_space<vmem>>) target_semaphore(%run_scoped3A : memref<!tpu.dma_semaphore, #tpu.memory_space<semaphore_mem>>)
      %dma_wait3A = arith.constant 0 : i32
      %dma_wait3A_40 = tpu.memref_slice %arg6[%mul3A_10, %dma_wait3A] : memref<10000x128xf32, #tpu.memory_space<hbm>> -> memref<80x128xf32, #tpu.memory_space<hbm>>
      %dma_wait3A_41 = arith.constant 0 : i32
      %dma_wait3A_42 = tpu.memref_slice %arg6[%mul3A_10, %dma_wait3A_41] : memref<10000x128xf32, #tpu.memory_space<hbm>> -> memref<80x128xf32, #tpu.memory_space<hbm>>
      tpu.wait_dma2 semaphore(%run_scoped3A : memref<!tpu.dma_semaphore, #tpu.memory_space<semaphore_mem>>) src(%dma_wait3A_42 : memref<80x128xf32, #tpu.memory_space<hbm>>) dst(%arg9 : memref<80x128xf32, #tpu.memory_space<vmem>>)
      tpu.yield
    }) : () -> ()
    "tpu.region"() ({
      %run_scoped3A = tpu.sem_alloc : memref<!tpu.dma_semaphore, #tpu.memory_space<semaphore_mem>>
      %dma_start3A = arith.constant 0 : i32
      %dma_start3A_37 = tpu.memref_slice %arg8[%add3A_6, %dma_start3A] : memref<125x80xi32, #tpu.memory_space<vmem>> -> memref<1x80xi32, #tpu.memory_space<vmem>>
      %dma_start3A_38 = tpu.memref_squeeze %dma_start3A_37 : memref<1x80xi32, #tpu.memory_space<vmem>> -> memref<80xi32, #tpu.memory_space<vmem>>
      %dma_start3A_39 = arith.constant 0 : i32
      %dma_start3A_40 = arith.constant 0 : i32
      %dma_start3A_41 = tpu.memref_slice %arg12[%dma_start3A_39, %dma_start3A_40] : memref<104x128xf32, #tpu.memory_space<vmem_shared>> -> memref<104x128xf32, #tpu.memory_space<vmem_shared>>
      tpu.enqueue_indirect_dma source(%arg9 : memref<80x128xf32, #tpu.memory_space<vmem>>) target(%dma_start3A_41 : memref<104x128xf32, #tpu.memory_space<vmem_shared>>) offsets(%dma_start3A_38 : memref<80xi32, #tpu.memory_space<vmem>>) semaphore(%run_scoped3A : memref<!tpu.dma_semaphore, #tpu.memory_space<semaphore_mem>>) {add = true}
      %dma_wait3A = arith.constant 0 : i32
      %dma_wait3A_42 = tpu.memref_slice %arg8[%add3A_6, %dma_wait3A] : memref<125x80xi32, #tpu.memory_space<vmem>> -> memref<1x80xi32, #tpu.memory_space<vmem>>
      %dma_wait3A_43 = tpu.memref_squeeze %dma_wait3A_42 : memref<1x80xi32, #tpu.memory_space<vmem>> -> memref<80xi32, #tpu.memory_space<vmem>>
      %dma_wait3A_44 = arith.constant 0 : i32
      %dma_wait3A_45 = arith.constant 0 : i32
      %dma_wait3A_46 = tpu.memref_slice %arg12[%dma_wait3A_44, %dma_wait3A_45] : memref<104x128xf32, #tpu.memory_space<vmem_shared>> -> memref<104x128xf32, #tpu.memory_space<vmem_shared>>
      tpu.wait_indirect_dma semaphore(%run_scoped3A : memref<!tpu.dma_semaphore, #tpu.memory_space<semaphore_mem>>) src(%arg9 : memref<80x128xf32, #tpu.memory_space<vmem>>) dst(%dma_wait3A_46 : memref<104x128xf32, #tpu.memory_space<vmem_shared>>)
      tpu.yield
    }) : () -> ()
    "tpu.region"() ({
      %run_scoped3A = tpu.sem_alloc : memref<!tpu.dma_semaphore, #tpu.memory_space<semaphore_mem>>
      %dma_start3A = arith.constant 0 : i32
      %dma_start3A_37 = tpu.memref_slice %arg8[%add3A_6, %dma_start3A] : memref<125x80xi32, #tpu.memory_space<vmem>> -> memref<1x80xi32, #tpu.memory_space<vmem>>
      %dma_start3A_38 = tpu.memref_squeeze %dma_start3A_37 : memref<1x80xi32, #tpu.memory_space<vmem>> -> memref<80xi32, #tpu.memory_space<vmem>>
      %dma_start3A_39 = arith.constant 0 : i32
      %dma_start3A_40 = arith.constant 0 : i32
      %dma_start3A_41 = tpu.memref_slice %arg13[%dma_start3A_39, %dma_start3A_40] : memref<104x128xf32, #tpu.memory_space<vmem_shared>> -> memref<104x128xf32, #tpu.memory_space<vmem_shared>>
      tpu.enqueue_indirect_dma source(%arg10 : memref<80x128xf32, #tpu.memory_space<vmem>>) target(%dma_start3A_41 : memref<104x128xf32, #tpu.memory_space<vmem_shared>>) offsets(%dma_start3A_38 : memref<80xi32, #tpu.memory_space<vmem>>) semaphore(%run_scoped3A : memref<!tpu.dma_semaphore, #tpu.memory_space<semaphore_mem>>) {add = true}
      %dma_wait3A = arith.constant 0 : i32
      %dma_wait3A_42 = tpu.memref_slice %arg8[%add3A_6, %dma_wait3A] : memref<125x80xi32, #tpu.memory_space<vmem>> -> memref<1x80xi32, #tpu.memory_space<vmem>>
      %dma_wait3A_43 = tpu.memref_squeeze %dma_wait3A_42 : memref<1x80xi32, #tpu.memory_space<vmem>> -> memref<80xi32, #tpu.memory_space<vmem>>
      %dma_wait3A_44 = arith.constant 0 : i32
      %dma_wait3A_45 = arith.constant 0 : i32
      %dma_wait3A_46 = tpu.memref_slice %arg13[%dma_wait3A_44, %dma_wait3A_45] : memref<104x128xf32, #tpu.memory_space<vmem_shared>> -> memref<104x128xf32, #tpu.memory_space<vmem_shared>>
      tpu.wait_indirect_dma semaphore(%run_scoped3A : memref<!tpu.dma_semaphore, #tpu.memory_space<semaphore_mem>>) src(%arg10 : memref<80x128xf32, #tpu.memory_space<vmem>>) dst(%dma_wait3A_46 : memref<104x128xf32, #tpu.memory_space<vmem_shared>>)
      tpu.yield
    }) : () -> ()
    %mul3A_11 = arith.constant 3 : i32
    %mul3A_12 = arith.muli %add3A, %mul3A_11 : i32
    %add3A_13 = arith.constant 1 : i32
    %add3A_14 = arith.addi %mul3A_12, %add3A_13 : i32
    %mul3A_15 = arith.constant 80 : i32
    %mul3A_16 = arith.muli %add3A_14, %mul3A_15 : i32
    "tpu.region"() ({
      %run_scoped3A = tpu.sem_alloc : memref<!tpu.dma_semaphore, #tpu.memory_space<semaphore_mem>>
      %dma_start3A = arith.constant 0 : i32
      %dma_start3A_37 = tpu.memref_slice %arg5[%mul3A_16, %dma_start3A] : memref<10000x128xf32, #tpu.memory_space<hbm>> -> memref<80x128xf32, #tpu.memory_space<hbm>>
      %dma_start3A_38 = arith.constant 0 : i32
      %dma_start3A_39 = tpu.memref_slice %arg5[%mul3A_16, %dma_start3A_38] : memref<10000x128xf32, #tpu.memory_space<hbm>> -> memref<80x128xf32, #tpu.memory_space<hbm>>
      tpu.enqueue_dma source(%dma_start3A_39 : memref<80x128xf32, #tpu.memory_space<hbm>>) target(%arg9 : memref<80x128xf32, #tpu.memory_space<vmem>>) target_semaphore(%run_scoped3A : memref<!tpu.dma_semaphore, #tpu.memory_space<semaphore_mem>>)
      %dma_wait3A = arith.constant 0 : i32
      %dma_wait3A_40 = tpu.memref_slice %arg5[%mul3A_16, %dma_wait3A] : memref<10000x128xf32, #tpu.memory_space<hbm>> -> memref<80x128xf32, #tpu.memory_space<hbm>>
      %dma_wait3A_41 = arith.constant 0 : i32
      %dma_wait3A_42 = tpu.memref_slice %arg5[%mul3A_16, %dma_wait3A_41] : memref<10000x128xf32, #tpu.memory_space<hbm>> -> memref<80x128xf32, #tpu.memory_space<hbm>>
      tpu.wait_dma2 semaphore(%run_scoped3A : memref<!tpu.dma_semaphore, #tpu.memory_space<semaphore_mem>>) src(%dma_wait3A_42 : memref<80x128xf32, #tpu.memory_space<hbm>>) dst(%arg9 : memref<80x128xf32, #tpu.memory_space<vmem>>)
      tpu.yield
    }) : () -> ()
    "tpu.region"() ({
      %run_scoped3A = tpu.sem_alloc : memref<!tpu.dma_semaphore, #tpu.memory_space<semaphore_mem>>
      %dma_start3A = arith.constant 0 : i32
      %dma_start3A_37 = tpu.memref_slice %arg8[%add3A_14, %dma_start3A] : memref<125x80xi32, #tpu.memory_space<vmem>> -> memref<1x80xi32, #tpu.memory_space<vmem>>
      %dma_start3A_38 = tpu.memref_squeeze %dma_start3A_37 : memref<1x80xi32, #tpu.memory_space<vmem>> -> memref<80xi32, #tpu.memory_space<vmem>>
      %dma_start3A_39 = arith.constant 0 : i32
      %dma_start3A_40 = arith.constant 0 : i32
      %dma_start3A_41 = tpu.memref_slice %arg11[%dma_start3A_39, %dma_start3A_40] : memref<104x128xf32, #tpu.memory_space<vmem_shared>> -> memref<104x128xf32, #tpu.memory_space<vmem_shared>>
      tpu.enqueue_indirect_dma source(%arg9 : memref<80x128xf32, #tpu.memory_space<vmem>>) target(%dma_start3A_41 : memref<104x128xf32, #tpu.memory_space<vmem_shared>>) offsets(%dma_start3A_38 : memref<80xi32, #tpu.memory_space<vmem>>) semaphore(%run_scoped3A : memref<!tpu.dma_semaphore, #tpu.memory_space<semaphore_mem>>) {add = true}
      %dma_wait3A = arith.constant 0 : i32
      %dma_wait3A_42 = tpu.memref_slice %arg8[%add3A_14, %dma_wait3A] : memref<125x80xi32, #tpu.memory_space<vmem>> -> memref<1x80xi32, #tpu.memory_space<vmem>>
      %dma_wait3A_43 = tpu.memref_squeeze %dma_wait3A_42 : memref<1x80xi32, #tpu.memory_space<vmem>> -> memref<80xi32, #tpu.memory_space<vmem>>
      %dma_wait3A_44 = arith.constant 0 : i32
      %dma_wait3A_45 = arith.constant 0 : i32
      %dma_wait3A_46 = tpu.memref_slice %arg11[%dma_wait3A_44, %dma_wait3A_45] : memref<104x128xf32, #tpu.memory_space<vmem_shared>> -> memref<104x128xf32, #tpu.memory_space<vmem_shared>>
      tpu.wait_indirect_dma semaphore(%run_scoped3A : memref<!tpu.dma_semaphore, #tpu.memory_space<semaphore_mem>>) src(%arg9 : memref<80x128xf32, #tpu.memory_space<vmem>>) dst(%dma_wait3A_46 : memref<104x128xf32, #tpu.memory_space<vmem_shared>>)
      tpu.yield
    }) : () -> ()
    %mul3A_17 = arith.constant 80 : i32
    %mul3A_18 = arith.muli %add3A_14, %mul3A_17 : i32
    "tpu.region"() ({
      %run_scoped3A = tpu.sem_alloc : memref<!tpu.dma_semaphore, #tpu.memory_space<semaphore_mem>>
      %dma_start3A = arith.constant 0 : i32
      %dma_start3A_37 = tpu.memref_slice %arg6[%mul3A_18, %dma_start3A] : memref<10000x128xf32, #tpu.memory_space<hbm>> -> memref<80x128xf32, #tpu.memory_space<hbm>>
      %dma_start3A_38 = arith.constant 0 : i32
      %dma_start3A_39 = tpu.memref_slice %arg6[%mul3A_18, %dma_start3A_38] : memref<10000x128xf32, #tpu.memory_space<hbm>> -> memref<80x128xf32, #tpu.memory_space<hbm>>
      tpu.enqueue_dma source(%dma_start3A_39 : memref<80x128xf32, #tpu.memory_space<hbm>>) target(%arg9 : memref<80x128xf32, #tpu.memory_space<vmem>>) target_semaphore(%run_scoped3A : memref<!tpu.dma_semaphore, #tpu.memory_space<semaphore_mem>>)
      %dma_wait3A = arith.constant 0 : i32
      %dma_wait3A_40 = tpu.memref_slice %arg6[%mul3A_18, %dma_wait3A] : memref<10000x128xf32, #tpu.memory_space<hbm>> -> memref<80x128xf32, #tpu.memory_space<hbm>>
      %dma_wait3A_41 = arith.constant 0 : i32
      %dma_wait3A_42 = tpu.memref_slice %arg6[%mul3A_18, %dma_wait3A_41] : memref<10000x128xf32, #tpu.memory_space<hbm>> -> memref<80x128xf32, #tpu.memory_space<hbm>>
      tpu.wait_dma2 semaphore(%run_scoped3A : memref<!tpu.dma_semaphore, #tpu.memory_space<semaphore_mem>>) src(%dma_wait3A_42 : memref<80x128xf32, #tpu.memory_space<hbm>>) dst(%arg9 : memref<80x128xf32, #tpu.memory_space<vmem>>)
      tpu.yield
    }) : () -> ()
    "tpu.region"() ({
      %run_scoped3A = tpu.sem_alloc : memref<!tpu.dma_semaphore, #tpu.memory_space<semaphore_mem>>
      %dma_start3A = arith.constant 0 : i32
      %dma_start3A_37 = tpu.memref_slice %arg8[%add3A_14, %dma_start3A] : memref<125x80xi32, #tpu.memory_space<vmem>> -> memref<1x80xi32, #tpu.memory_space<vmem>>
      %dma_start3A_38 = tpu.memref_squeeze %dma_start3A_37 : memref<1x80xi32, #tpu.memory_space<vmem>> -> memref<80xi32, #tpu.memory_space<vmem>>
      %dma_start3A_39 = arith.constant 0 : i32
      %dma_start3A_40 = arith.constant 0 : i32
      %dma_start3A_41 = tpu.memref_slice %arg12[%dma_start3A_39, %dma_start3A_40] : memref<104x128xf32, #tpu.memory_space<vmem_shared>> -> memref<104x128xf32, #tpu.memory_space<vmem_shared>>
      tpu.enqueue_indirect_dma source(%arg9 : memref<80x128xf32, #tpu.memory_space<vmem>>) target(%dma_start3A_41 : memref<104x128xf32, #tpu.memory_space<vmem_shared>>) offsets(%dma_start3A_38 : memref<80xi32, #tpu.memory_space<vmem>>) semaphore(%run_scoped3A : memref<!tpu.dma_semaphore, #tpu.memory_space<semaphore_mem>>) {add = true}
      %dma_wait3A = arith.constant 0 : i32
      %dma_wait3A_42 = tpu.memref_slice %arg8[%add3A_14, %dma_wait3A] : memref<125x80xi32, #tpu.memory_space<vmem>> -> memref<1x80xi32, #tpu.memory_space<vmem>>
      %dma_wait3A_43 = tpu.memref_squeeze %dma_wait3A_42 : memref<1x80xi32, #tpu.memory_space<vmem>> -> memref<80xi32, #tpu.memory_space<vmem>>
      %dma_wait3A_44 = arith.constant 0 : i32
      %dma_wait3A_45 = arith.constant 0 : i32
      %dma_wait3A_46 = tpu.memref_slice %arg12[%dma_wait3A_44, %dma_wait3A_45] : memref<104x128xf32, #tpu.memory_space<vmem_shared>> -> memref<104x128xf32, #tpu.memory_space<vmem_shared>>
      tpu.wait_indirect_dma semaphore(%run_scoped3A : memref<!tpu.dma_semaphore, #tpu.memory_space<semaphore_mem>>) src(%arg9 : memref<80x128xf32, #tpu.memory_space<vmem>>) dst(%dma_wait3A_46 : memref<104x128xf32, #tpu.memory_space<vmem_shared>>)
      tpu.yield
    }) : () -> ()
    "tpu.region"() ({
      %run_scoped3A = tpu.sem_alloc : memref<!tpu.dma_semaphore, #tpu.memory_space<semaphore_mem>>
      %dma_start3A = arith.constant 0 : i32
      %dma_start3A_37 = tpu.memref_slice %arg8[%add3A_14, %dma_start3A] : memref<125x80xi32, #tpu.memory_space<vmem>> -> memref<1x80xi32, #tpu.memory_space<vmem>>
      %dma_start3A_38 = tpu.memref_squeeze %dma_start3A_37 : memref<1x80xi32, #tpu.memory_space<vmem>> -> memref<80xi32, #tpu.memory_space<vmem>>
      %dma_start3A_39 = arith.constant 0 : i32
      %dma_start3A_40 = arith.constant 0 : i32
      %dma_start3A_41 = tpu.memref_slice %arg13[%dma_start3A_39, %dma_start3A_40] : memref<104x128xf32, #tpu.memory_space<vmem_shared>> -> memref<104x128xf32, #tpu.memory_space<vmem_shared>>
      tpu.enqueue_indirect_dma source(%arg10 : memref<80x128xf32, #tpu.memory_space<vmem>>) target(%dma_start3A_41 : memref<104x128xf32, #tpu.memory_space<vmem_shared>>) offsets(%dma_start3A_38 : memref<80xi32, #tpu.memory_space<vmem>>) semaphore(%run_scoped3A : memref<!tpu.dma_semaphore, #tpu.memory_space<semaphore_mem>>) {add = true}
      %dma_wait3A = arith.constant 0 : i32
      %dma_wait3A_42 = tpu.memref_slice %arg8[%add3A_14, %dma_wait3A] : memref<125x80xi32, #tpu.memory_space<vmem>> -> memref<1x80xi32, #tpu.memory_space<vmem>>
      %dma_wait3A_43 = tpu.memref_squeeze %dma_wait3A_42 : memref<1x80xi32, #tpu.memory_space<vmem>> -> memref<80xi32, #tpu.memory_space<vmem>>
      %dma_wait3A_44 = arith.constant 0 : i32
      %dma_wait3A_45 = arith.constant 0 : i32
      %dma_wait3A_46 = tpu.memref_slice %arg13[%dma_wait3A_44, %dma_wait3A_45] : memref<104x128xf32, #tpu.memory_space<vmem_shared>> -> memref<104x128xf32, #tpu.memory_space<vmem_shared>>
      tpu.wait_indirect_dma semaphore(%run_scoped3A : memref<!tpu.dma_semaphore, #tpu.memory_space<semaphore_mem>>) src(%arg10 : memref<80x128xf32, #tpu.memory_space<vmem>>) dst(%dma_wait3A_46 : memref<104x128xf32, #tpu.memory_space<vmem_shared>>)
      tpu.yield
    }) : () -> ()
    %mul3A_19 = arith.constant 3 : i32
    %mul3A_20 = arith.muli %add3A, %mul3A_19 : i32
    %add3A_21 = arith.constant 2 : i32
    %add3A_22 = arith.addi %mul3A_20, %add3A_21 : i32
    %mul3A_23 = arith.constant 80 : i32
    %mul3A_24 = arith.muli %add3A_22, %mul3A_23 : i32
    "tpu.region"() ({
      %run_scoped3A = tpu.sem_alloc : memref<!tpu.dma_semaphore, #tpu.memory_space<semaphore_mem>>
      %dma_start3A = arith.constant 0 : i32
      %dma_start3A_37 = tpu.memref_slice %arg5[%mul3A_24, %dma_start3A] : memref<10000x128xf32, #tpu.memory_space<hbm>> -> memref<80x128xf32, #tpu.memory_space<hbm>>
      %dma_start3A_38 = arith.constant 0 : i32
      %dma_start3A_39 = tpu.memref_slice %arg5[%mul3A_24, %dma_start3A_38] : memref<10000x128xf32, #tpu.memory_space<hbm>> -> memref<80x128xf32, #tpu.memory_space<hbm>>
      tpu.enqueue_dma source(%dma_start3A_39 : memref<80x128xf32, #tpu.memory_space<hbm>>) target(%arg9 : memref<80x128xf32, #tpu.memory_space<vmem>>) target_semaphore(%run_scoped3A : memref<!tpu.dma_semaphore, #tpu.memory_space<semaphore_mem>>)
      %dma_wait3A = arith.constant 0 : i32
      %dma_wait3A_40 = tpu.memref_slice %arg5[%mul3A_24, %dma_wait3A] : memref<10000x128xf32, #tpu.memory_space<hbm>> -> memref<80x128xf32, #tpu.memory_space<hbm>>
      %dma_wait3A_41 = arith.constant 0 : i32
      %dma_wait3A_42 = tpu.memref_slice %arg5[%mul3A_24, %dma_wait3A_41] : memref<10000x128xf32, #tpu.memory_space<hbm>> -> memref<80x128xf32, #tpu.memory_space<hbm>>
      tpu.wait_dma2 semaphore(%run_scoped3A : memref<!tpu.dma_semaphore, #tpu.memory_space<semaphore_mem>>) src(%dma_wait3A_42 : memref<80x128xf32, #tpu.memory_space<hbm>>) dst(%arg9 : memref<80x128xf32, #tpu.memory_space<vmem>>)
      tpu.yield
    }) : () -> ()
    "tpu.region"() ({
      %run_scoped3A = tpu.sem_alloc : memref<!tpu.dma_semaphore, #tpu.memory_space<semaphore_mem>>
      %dma_start3A = arith.constant 0 : i32
      %dma_start3A_37 = tpu.memref_slice %arg8[%add3A_22, %dma_start3A] : memref<125x80xi32, #tpu.memory_space<vmem>> -> memref<1x80xi32, #tpu.memory_space<vmem>>
      %dma_start3A_38 = tpu.memref_squeeze %dma_start3A_37 : memref<1x80xi32, #tpu.memory_space<vmem>> -> memref<80xi32, #tpu.memory_space<vmem>>
      %dma_start3A_39 = arith.constant 0 : i32
      %dma_start3A_40 = arith.constant 0 : i32
      %dma_start3A_41 = tpu.memref_slice %arg11[%dma_start3A_39, %dma_start3A_40] : memref<104x128xf32, #tpu.memory_space<vmem_shared>> -> memref<104x128xf32, #tpu.memory_space<vmem_shared>>
      tpu.enqueue_indirect_dma source(%arg9 : memref<80x128xf32, #tpu.memory_space<vmem>>) target(%dma_start3A_41 : memref<104x128xf32, #tpu.memory_space<vmem_shared>>) offsets(%dma_start3A_38 : memref<80xi32, #tpu.memory_space<vmem>>) semaphore(%run_scoped3A : memref<!tpu.dma_semaphore, #tpu.memory_space<semaphore_mem>>) {add = true}
      %dma_wait3A = arith.constant 0 : i32
      %dma_wait3A_42 = tpu.memref_slice %arg8[%add3A_22, %dma_wait3A] : memref<125x80xi32, #tpu.memory_space<vmem>> -> memref<1x80xi32, #tpu.memory_space<vmem>>
      %dma_wait3A_43 = tpu.memref_squeeze %dma_wait3A_42 : memref<1x80xi32, #tpu.memory_space<vmem>> -> memref<80xi32, #tpu.memory_space<vmem>>
      %dma_wait3A_44 = arith.constant 0 : i32
      %dma_wait3A_45 = arith.constant 0 : i32
      %dma_wait3A_46 = tpu.memref_slice %arg11[%dma_wait3A_44, %dma_wait3A_45] : memref<104x128xf32, #tpu.memory_space<vmem_shared>> -> memref<104x128xf32, #tpu.memory_space<vmem_shared>>
      tpu.wait_indirect_dma semaphore(%run_scoped3A : memref<!tpu.dma_semaphore, #tpu.memory_space<semaphore_mem>>) src(%arg9 : memref<80x128xf32, #tpu.memory_space<vmem>>) dst(%dma_wait3A_46 : memref<104x128xf32, #tpu.memory_space<vmem_shared>>)
      tpu.yield
    }) : () -> ()
    %mul3A_25 = arith.constant 80 : i32
    %mul3A_26 = arith.muli %add3A_22, %mul3A_25 : i32
    "tpu.region"() ({
      %run_scoped3A = tpu.sem_alloc : memref<!tpu.dma_semaphore, #tpu.memory_space<semaphore_mem>>
      %dma_start3A = arith.constant 0 : i32
      %dma_start3A_37 = tpu.memref_slice %arg6[%mul3A_26, %dma_start3A] : memref<10000x128xf32, #tpu.memory_space<hbm>> -> memref<80x128xf32, #tpu.memory_space<hbm>>
      %dma_start3A_38 = arith.constant 0 : i32
      %dma_start3A_39 = tpu.memref_slice %arg6[%mul3A_26, %dma_start3A_38] : memref<10000x128xf32, #tpu.memory_space<hbm>> -> memref<80x128xf32, #tpu.memory_space<hbm>>
      tpu.enqueue_dma source(%dma_start3A_39 : memref<80x128xf32, #tpu.memory_space<hbm>>) target(%arg9 : memref<80x128xf32, #tpu.memory_space<vmem>>) target_semaphore(%run_scoped3A : memref<!tpu.dma_semaphore, #tpu.memory_space<semaphore_mem>>)
      %dma_wait3A = arith.constant 0 : i32
      %dma_wait3A_40 = tpu.memref_slice %arg6[%mul3A_26, %dma_wait3A] : memref<10000x128xf32, #tpu.memory_space<hbm>> -> memref<80x128xf32, #tpu.memory_space<hbm>>
      %dma_wait3A_41 = arith.constant 0 : i32
      %dma_wait3A_42 = tpu.memref_slice %arg6[%mul3A_26, %dma_wait3A_41] : memref<10000x128xf32, #tpu.memory_space<hbm>> -> memref<80x128xf32, #tpu.memory_space<hbm>>
      tpu.wait_dma2 semaphore(%run_scoped3A : memref<!tpu.dma_semaphore, #tpu.memory_space<semaphore_mem>>) src(%dma_wait3A_42 : memref<80x128xf32, #tpu.memory_space<hbm>>) dst(%arg9 : memref<80x128xf32, #tpu.memory_space<vmem>>)
      tpu.yield
    }) : () -> ()
    "tpu.region"() ({
      %run_scoped3A = tpu.sem_alloc : memref<!tpu.dma_semaphore, #tpu.memory_space<semaphore_mem>>
      %dma_start3A = arith.constant 0 : i32
      %dma_start3A_37 = tpu.memref_slice %arg8[%add3A_22, %dma_start3A] : memref<125x80xi32, #tpu.memory_space<vmem>> -> memref<1x80xi32, #tpu.memory_space<vmem>>
      %dma_start3A_38 = tpu.memref_squeeze %dma_start3A_37 : memref<1x80xi32, #tpu.memory_space<vmem>> -> memref<80xi32, #tpu.memory_space<vmem>>
      %dma_start3A_39 = arith.constant 0 : i32
      %dma_start3A_40 = arith.constant 0 : i32
      %dma_start3A_41 = tpu.memref_slice %arg12[%dma_start3A_39, %dma_start3A_40] : memref<104x128xf32, #tpu.memory_space<vmem_shared>> -> memref<104x128xf32, #tpu.memory_space<vmem_shared>>
      tpu.enqueue_indirect_dma source(%arg9 : memref<80x128xf32, #tpu.memory_space<vmem>>) target(%dma_start3A_41 : memref<104x128xf32, #tpu.memory_space<vmem_shared>>) offsets(%dma_start3A_38 : memref<80xi32, #tpu.memory_space<vmem>>) semaphore(%run_scoped3A : memref<!tpu.dma_semaphore, #tpu.memory_space<semaphore_mem>>) {add = true}
      %dma_wait3A = arith.constant 0 : i32
      %dma_wait3A_42 = tpu.memref_slice %arg8[%add3A_22, %dma_wait3A] : memref<125x80xi32, #tpu.memory_space<vmem>> -> memref<1x80xi32, #tpu.memory_space<vmem>>
      %dma_wait3A_43 = tpu.memref_squeeze %dma_wait3A_42 : memref<1x80xi32, #tpu.memory_space<vmem>> -> memref<80xi32, #tpu.memory_space<vmem>>
      %dma_wait3A_44 = arith.constant 0 : i32
      %dma_wait3A_45 = arith.constant 0 : i32
      %dma_wait3A_46 = tpu.memref_slice %arg12[%dma_wait3A_44, %dma_wait3A_45] : memref<104x128xf32, #tpu.memory_space<vmem_shared>> -> memref<104x128xf32, #tpu.memory_space<vmem_shared>>
      tpu.wait_indirect_dma semaphore(%run_scoped3A : memref<!tpu.dma_semaphore, #tpu.memory_space<semaphore_mem>>) src(%arg9 : memref<80x128xf32, #tpu.memory_space<vmem>>) dst(%dma_wait3A_46 : memref<104x128xf32, #tpu.memory_space<vmem_shared>>)
      tpu.yield
    }) : () -> ()
    "tpu.region"() ({
      %run_scoped3A = tpu.sem_alloc : memref<!tpu.dma_semaphore, #tpu.memory_space<semaphore_mem>>
      %dma_start3A = arith.constant 0 : i32
      %dma_start3A_37 = tpu.memref_slice %arg8[%add3A_22, %dma_start3A] : memref<125x80xi32, #tpu.memory_space<vmem>> -> memref<1x80xi32, #tpu.memory_space<vmem>>
      %dma_start3A_38 = tpu.memref_squeeze %dma_start3A_37 : memref<1x80xi32, #tpu.memory_space<vmem>> -> memref<80xi32, #tpu.memory_space<vmem>>
      %dma_start3A_39 = arith.constant 0 : i32
      %dma_start3A_40 = arith.constant 0 : i32
      %dma_start3A_41 = tpu.memref_slice %arg13[%dma_start3A_39, %dma_start3A_40] : memref<104x128xf32, #tpu.memory_space<vmem_shared>> -> memref<104x128xf32, #tpu.memory_space<vmem_shared>>
      tpu.enqueue_indirect_dma source(%arg10 : memref<80x128xf32, #tpu.memory_space<vmem>>) target(%dma_start3A_41 : memref<104x128xf32, #tpu.memory_space<vmem_shared>>) offsets(%dma_start3A_38 : memref<80xi32, #tpu.memory_space<vmem>>) semaphore(%run_scoped3A : memref<!tpu.dma_semaphore, #tpu.memory_space<semaphore_mem>>) {add = true}
      %dma_wait3A = arith.constant 0 : i32
      %dma_wait3A_42 = tpu.memref_slice %arg8[%add3A_22, %dma_wait3A] : memref<125x80xi32, #tpu.memory_space<vmem>> -> memref<1x80xi32, #tpu.memory_space<vmem>>
      %dma_wait3A_43 = tpu.memref_squeeze %dma_wait3A_42 : memref<1x80xi32, #tpu.memory_space<vmem>> -> memref<80xi32, #tpu.memory_space<vmem>>
      %dma_wait3A_44 = arith.constant 0 : i32
      %dma_wait3A_45 = arith.constant 0 : i32
      %dma_wait3A_46 = tpu.memref_slice %arg13[%dma_wait3A_44, %dma_wait3A_45] : memref<104x128xf32, #tpu.memory_space<vmem_shared>> -> memref<104x128xf32, #tpu.memory_space<vmem_shared>>
      tpu.wait_indirect_dma semaphore(%run_scoped3A : memref<!tpu.dma_semaphore, #tpu.memory_space<semaphore_mem>>) src(%arg10 : memref<80x128xf32, #tpu.memory_space<vmem>>) dst(%dma_wait3A_46 : memref<104x128xf32, #tpu.memory_space<vmem_shared>>)
      tpu.yield
    }) : () -> ()
    %lt3A = arith.constant 29 : i32
    %lt3A_27 = arith.cmpi slt, %add3A, %lt3A : i32
    %convert_element_type3A_28 = arith.extui %lt3A_27 : i1 to i32
    %cond3A_29 = arith.constant 0 : i32
    %cond3A_30 = arith.cmpi ne, %convert_element_type3A_28, %cond3A_29 : i32
    scf.if %cond3A_30 {
      %add3A_37 = arith.constant 96 : i32
      %add3A_38 = arith.addi %add3A_37, %add3A : i32
      %mul3A_39 = arith.constant 80 : i32
      %mul3A_40 = arith.muli %add3A_38, %mul3A_39 : i32
      "tpu.region"() ({
        %run_scoped3A = tpu.sem_alloc : memref<!tpu.dma_semaphore, #tpu.memory_space<semaphore_mem>>
        %dma_start3A = arith.constant 0 : i32
        %dma_start3A_43 = tpu.memref_slice %arg5[%mul3A_40, %dma_start3A] : memref<10000x128xf32, #tpu.memory_space<hbm>> -> memref<80x128xf32, #tpu.memory_space<hbm>>
        %dma_start3A_44 = arith.constant 0 : i32
        %dma_start3A_45 = tpu.memref_slice %arg5[%mul3A_40, %dma_start3A_44] : memref<10000x128xf32, #tpu.memory_space<hbm>> -> memref<80x128xf32, #tpu.memory_space<hbm>>
        tpu.enqueue_dma source(%dma_start3A_45 : memref<80x128xf32, #tpu.memory_space<hbm>>) target(%arg9 : memref<80x128xf32, #tpu.memory_space<vmem>>) target_semaphore(%run_scoped3A : memref<!tpu.dma_semaphore, #tpu.memory_space<semaphore_mem>>)
        %dma_wait3A = arith.constant 0 : i32
        %dma_wait3A_46 = tpu.memref_slice %arg5[%mul3A_40, %dma_wait3A] : memref<10000x128xf32, #tpu.memory_space<hbm>> -> memref<80x128xf32, #tpu.memory_space<hbm>>
        %dma_wait3A_47 = arith.constant 0 : i32
        %dma_wait3A_48 = tpu.memref_slice %arg5[%mul3A_40, %dma_wait3A_47] : memref<10000x128xf32, #tpu.memory_space<hbm>> -> memref<80x128xf32, #tpu.memory_space<hbm>>
        tpu.wait_dma2 semaphore(%run_scoped3A : memref<!tpu.dma_semaphore, #tpu.memory_space<semaphore_mem>>) src(%dma_wait3A_48 : memref<80x128xf32, #tpu.memory_space<hbm>>) dst(%arg9 : memref<80x128xf32, #tpu.memory_space<vmem>>)
        tpu.yield
      }) : () -> ()
      "tpu.region"() ({
        %run_scoped3A = tpu.sem_alloc : memref<!tpu.dma_semaphore, #tpu.memory_space<semaphore_mem>>
        %dma_start3A = arith.constant 0 : i32
        %dma_start3A_43 = tpu.memref_slice %arg8[%add3A_38, %dma_start3A] : memref<125x80xi32, #tpu.memory_space<vmem>> -> memref<1x80xi32, #tpu.memory_space<vmem>>
        %dma_start3A_44 = tpu.memref_squeeze %dma_start3A_43 : memref<1x80xi32, #tpu.memory_space<vmem>> -> memref<80xi32, #tpu.memory_space<vmem>>
        %dma_start3A_45 = arith.constant 0 : i32
        %dma_start3A_46 = arith.constant 0 : i32
        %dma_start3A_47 = tpu.memref_slice %arg11[%dma_start3A_45, %dma_start3A_46] : memref<104x128xf32, #tpu.memory_space<vmem_shared>> -> memref<104x128xf32, #tpu.memory_space<vmem_shared>>
        tpu.enqueue_indirect_dma source(%arg9 : memref<80x128xf32, #tpu.memory_space<vmem>>) target(%dma_start3A_47 : memref<104x128xf32, #tpu.memory_space<vmem_shared>>) offsets(%dma_start3A_44 : memref<80xi32, #tpu.memory_space<vmem>>) semaphore(%run_scoped3A : memref<!tpu.dma_semaphore, #tpu.memory_space<semaphore_mem>>) {add = true}
        %dma_wait3A = arith.constant 0 : i32
        %dma_wait3A_48 = tpu.memref_slice %arg8[%add3A_38, %dma_wait3A] : memref<125x80xi32, #tpu.memory_space<vmem>> -> memref<1x80xi32, #tpu.memory_space<vmem>>
        %dma_wait3A_49 = tpu.memref_squeeze %dma_wait3A_48 : memref<1x80xi32, #tpu.memory_space<vmem>> -> memref<80xi32, #tpu.memory_space<vmem>>
        %dma_wait3A_50 = arith.constant 0 : i32
        %dma_wait3A_51 = arith.constant 0 : i32
        %dma_wait3A_52 = tpu.memref_slice %arg11[%dma_wait3A_50, %dma_wait3A_51] : memref<104x128xf32, #tpu.memory_space<vmem_shared>> -> memref<104x128xf32, #tpu.memory_space<vmem_shared>>
        tpu.wait_indirect_dma semaphore(%run_scoped3A : memref<!tpu.dma_semaphore, #tpu.memory_space<semaphore_mem>>) src(%arg9 : memref<80x128xf32, #tpu.memory_space<vmem>>) dst(%dma_wait3A_52 : memref<104x128xf32, #tpu.memory_space<vmem_shared>>)
        tpu.yield
      }) : () -> ()
      %mul3A_41 = arith.constant 80 : i32
      %mul3A_42 = arith.muli %add3A_38, %mul3A_41 : i32
      "tpu.region"() ({
        %run_scoped3A = tpu.sem_alloc : memref<!tpu.dma_semaphore, #tpu.memory_space<semaphore_mem>>
        %dma_start3A = arith.constant 0 : i32
        %dma_start3A_43 = tpu.memref_slice %arg6[%mul3A_42, %dma_start3A] : memref<10000x128xf32, #tpu.memory_space<hbm>> -> memref<80x128xf32, #tpu.memory_space<hbm>>
        %dma_start3A_44 = arith.constant 0 : i32
        %dma_start3A_45 = tpu.memref_slice %arg6[%mul3A_42, %dma_start3A_44] : memref<10000x128xf32, #tpu.memory_space<hbm>> -> memref<80x128xf32, #tpu.memory_space<hbm>>
        tpu.enqueue_dma source(%dma_start3A_45 : memref<80x128xf32, #tpu.memory_space<hbm>>) target(%arg9 : memref<80x128xf32, #tpu.memory_space<vmem>>) target_semaphore(%run_scoped3A : memref<!tpu.dma_semaphore, #tpu.memory_space<semaphore_mem>>)
        %dma_wait3A = arith.constant 0 : i32
        %dma_wait3A_46 = tpu.memref_slice %arg6[%mul3A_42, %dma_wait3A] : memref<10000x128xf32, #tpu.memory_space<hbm>> -> memref<80x128xf32, #tpu.memory_space<hbm>>
        %dma_wait3A_47 = arith.constant 0 : i32
        %dma_wait3A_48 = tpu.memref_slice %arg6[%mul3A_42, %dma_wait3A_47] : memref<10000x128xf32, #tpu.memory_space<hbm>> -> memref<80x128xf32, #tpu.memory_space<hbm>>
        tpu.wait_dma2 semaphore(%run_scoped3A : memref<!tpu.dma_semaphore, #tpu.memory_space<semaphore_mem>>) src(%dma_wait3A_48 : memref<80x128xf32, #tpu.memory_space<hbm>>) dst(%arg9 : memref<80x128xf32, #tpu.memory_space<vmem>>)
        tpu.yield
      }) : () -> ()
      "tpu.region"() ({
        %run_scoped3A = tpu.sem_alloc : memref<!tpu.dma_semaphore, #tpu.memory_space<semaphore_mem>>
        %dma_start3A = arith.constant 0 : i32
        %dma_start3A_43 = tpu.memref_slice %arg8[%add3A_38, %dma_start3A] : memref<125x80xi32, #tpu.memory_space<vmem>> -> memref<1x80xi32, #tpu.memory_space<vmem>>
        %dma_start3A_44 = tpu.memref_squeeze %dma_start3A_43 : memref<1x80xi32, #tpu.memory_space<vmem>> -> memref<80xi32, #tpu.memory_space<vmem>>
        %dma_start3A_45 = arith.constant 0 : i32
        %dma_start3A_46 = arith.constant 0 : i32
        %dma_start3A_47 = tpu.memref_slice %arg12[%dma_start3A_45, %dma_start3A_46] : memref<104x128xf32, #tpu.memory_space<vmem_shared>> -> memref<104x128xf32, #tpu.memory_space<vmem_shared>>
        tpu.enqueue_indirect_dma source(%arg9 : memref<80x128xf32, #tpu.memory_space<vmem>>) target(%dma_start3A_47 : memref<104x128xf32, #tpu.memory_space<vmem_shared>>) offsets(%dma_start3A_44 : memref<80xi32, #tpu.memory_space<vmem>>) semaphore(%run_scoped3A : memref<!tpu.dma_semaphore, #tpu.memory_space<semaphore_mem>>) {add = true}
        %dma_wait3A = arith.constant 0 : i32
        %dma_wait3A_48 = tpu.memref_slice %arg8[%add3A_38, %dma_wait3A] : memref<125x80xi32, #tpu.memory_space<vmem>> -> memref<1x80xi32, #tpu.memory_space<vmem>>
        %dma_wait3A_49 = tpu.memref_squeeze %dma_wait3A_48 : memref<1x80xi32, #tpu.memory_space<vmem>> -> memref<80xi32, #tpu.memory_space<vmem>>
        %dma_wait3A_50 = arith.constant 0 : i32
        %dma_wait3A_51 = arith.constant 0 : i32
        %dma_wait3A_52 = tpu.memref_slice %arg12[%dma_wait3A_50, %dma_wait3A_51] : memref<104x128xf32, #tpu.memory_space<vmem_shared>> -> memref<104x128xf32, #tpu.memory_space<vmem_shared>>
        tpu.wait_indirect_dma semaphore(%run_scoped3A : memref<!tpu.dma_semaphore, #tpu.memory_space<semaphore_mem>>) src(%arg9 : memref<80x128xf32, #tpu.memory_space<vmem>>) dst(%dma_wait3A_52 : memref<104x128xf32, #tpu.memory_space<vmem_shared>>)
        tpu.yield
      }) : () -> ()
      "tpu.region"() ({
        %run_scoped3A = tpu.sem_alloc : memref<!tpu.dma_semaphore, #tpu.memory_space<semaphore_mem>>
        %dma_start3A = arith.constant 0 : i32
        %dma_start3A_43 = tpu.memref_slice %arg8[%add3A_38, %dma_start3A] : memref<125x80xi32, #tpu.memory_space<vmem>> -> memref<1x80xi32, #tpu.memory_space<vmem>>
        %dma_start3A_44 = tpu.memref_squeeze %dma_start3A_43 : memref<1x80xi32, #tpu.memory_space<vmem>> -> memref<80xi32, #tpu.memory_space<vmem>>
        %dma_start3A_45 = arith.constant 0 : i32
        %dma_start3A_46 = arith.constant 0 : i32
        %dma_start3A_47 = tpu.memref_slice %arg13[%dma_start3A_45, %dma_start3A_46] : memref<104x128xf32, #tpu.memory_space<vmem_shared>> -> memref<104x128xf32, #tpu.memory_space<vmem_shared>>
        tpu.enqueue_indirect_dma source(%arg10 : memref<80x128xf32, #tpu.memory_space<vmem>>) target(%dma_start3A_47 : memref<104x128xf32, #tpu.memory_space<vmem_shared>>) offsets(%dma_start3A_44 : memref<80xi32, #tpu.memory_space<vmem>>) semaphore(%run_scoped3A : memref<!tpu.dma_semaphore, #tpu.memory_space<semaphore_mem>>) {add = true}
        %dma_wait3A = arith.constant 0 : i32
        %dma_wait3A_48 = tpu.memref_slice %arg8[%add3A_38, %dma_wait3A] : memref<125x80xi32, #tpu.memory_space<vmem>> -> memref<1x80xi32, #tpu.memory_space<vmem>>
        %dma_wait3A_49 = tpu.memref_squeeze %dma_wait3A_48 : memref<1x80xi32, #tpu.memory_space<vmem>> -> memref<80xi32, #tpu.memory_space<vmem>>
        %dma_wait3A_50 = arith.constant 0 : i32
        %dma_wait3A_51 = arith.constant 0 : i32
        %dma_wait3A_52 = tpu.memref_slice %arg13[%dma_wait3A_50, %dma_wait3A_51] : memref<104x128xf32, #tpu.memory_space<vmem_shared>> -> memref<104x128xf32, #tpu.memory_space<vmem_shared>>
        tpu.wait_indirect_dma semaphore(%run_scoped3A : memref<!tpu.dma_semaphore, #tpu.memory_space<semaphore_mem>>) src(%arg10 : memref<80x128xf32, #tpu.memory_space<vmem>>) dst(%dma_wait3A_52 : memref<104x128xf32, #tpu.memory_space<vmem_shared>>)
        tpu.yield
      }) : () -> ()
    } else {
    }
    %barrier3A_31 = arith.constant 0 : index
    tpu.barrier barrier_id(%barrier3A_31)
    %eq3A_32 = arith.constant 0 : i32
    %eq3A_33 = arith.cmpi eq, %arg1, %eq3A_32 : i32
    %convert_element_type3A_34 = arith.extui %eq3A_33 : i1 to i32
    %cond3A_35 = arith.constant 0 : i32
    %cond3A_36 = arith.cmpi ne, %convert_element_type3A_34, %cond3A_35 : i32
    scf.if %cond3A_36 {
      %eq3A_37 = arith.constant 0 : i32
      %eq3A_38 = arith.cmpi eq, %arg0, %eq3A_37 : i32
      %convert_element_type3A_39 = arith.extui %eq3A_38 : i1 to i32
      %cond3A_40 = arith.constant 0 : i32
      %cond3A_41 = arith.cmpi ne, %convert_element_type3A_39, %cond3A_40 : i32
      scf.if %cond3A_41 {
        %run_scoped3A = arith.constant 0 : i32
        %run_scoped3A_47 = arith.constant 0 : i32
        "tpu.region"() ({
          %run_scoped3A_52 = tpu.sem_alloc : memref<!tpu.dma_semaphore, #tpu.memory_space<semaphore_mem>>
          %dma_start3A = arith.constant 0 : i32
          %dma_start3A_53 = arith.constant 0 : i32
          %dma_start3A_54 = tpu.memref_slice %arg7[%run_scoped3A, %run_scoped3A_47, %dma_start3A, %dma_start3A_53] : memref<3x2x104x128xf32, #tpu.memory_space<hbm>> -> memref<1x1x104x128xf32, #tpu.memory_space<hbm>>
          %dma_start3A_55 = tpu.memref_squeeze %dma_start3A_54 : memref<1x1x104x128xf32, #tpu.memory_space<hbm>> -> memref<104x128xf32, #tpu.memory_space<hbm>>
          tpu.enqueue_dma source(%arg11 : memref<104x128xf32, #tpu.memory_space<vmem_shared>>) target(%dma_start3A_55 : memref<104x128xf32, #tpu.memory_space<hbm>>) target_semaphore(%run_scoped3A_52 : memref<!tpu.dma_semaphore, #tpu.memory_space<semaphore_mem>>)
          %dma_wait3A = arith.constant 0 : i32
          %dma_wait3A_56 = arith.constant 0 : i32
          %dma_wait3A_57 = tpu.memref_slice %arg7[%run_scoped3A, %run_scoped3A_47, %dma_wait3A, %dma_wait3A_56] : memref<3x2x104x128xf32, #tpu.memory_space<hbm>> -> memref<1x1x104x128xf32, #tpu.memory_space<hbm>>
          %dma_wait3A_58 = tpu.memref_squeeze %dma_wait3A_57 : memref<1x1x104x128xf32, #tpu.memory_space<hbm>> -> memref<104x128xf32, #tpu.memory_space<hbm>>
          tpu.wait_dma2 semaphore(%run_scoped3A_52 : memref<!tpu.dma_semaphore, #tpu.memory_space<semaphore_mem>>) src(%arg11 : memref<104x128xf32, #tpu.memory_space<vmem_shared>>) dst(%dma_wait3A_58 : memref<104x128xf32, #tpu.memory_space<hbm>>)
          tpu.yield
        }) : () -> ()
        %run_scoped3A_48 = arith.constant 1 : i32
        %run_scoped3A_49 = arith.constant 0 : i32
        "tpu.region"() ({
          %run_scoped3A_52 = tpu.sem_alloc : memref<!tpu.dma_semaphore, #tpu.memory_space<semaphore_mem>>
          %dma_start3A = arith.constant 0 : i32
          %dma_start3A_53 = arith.constant 0 : i32
          %dma_start3A_54 = tpu.memref_slice %arg7[%run_scoped3A_48, %run_scoped3A_49, %dma_start3A, %dma_start3A_53] : memref<3x2x104x128xf32, #tpu.memory_space<hbm>> -> memref<1x1x104x128xf32, #tpu.memory_space<hbm>>
          %dma_start3A_55 = tpu.memref_squeeze %dma_start3A_54 : memref<1x1x104x128xf32, #tpu.memory_space<hbm>> -> memref<104x128xf32, #tpu.memory_space<hbm>>
          tpu.enqueue_dma source(%arg12 : memref<104x128xf32, #tpu.memory_space<vmem_shared>>) target(%dma_start3A_55 : memref<104x128xf32, #tpu.memory_space<hbm>>) target_semaphore(%run_scoped3A_52 : memref<!tpu.dma_semaphore, #tpu.memory_space<semaphore_mem>>)
          %dma_wait3A = arith.constant 0 : i32
          %dma_wait3A_56 = arith.constant 0 : i32
          %dma_wait3A_57 = tpu.memref_slice %arg7[%run_scoped3A_48, %run_scoped3A_49, %dma_wait3A, %dma_wait3A_56] : memref<3x2x104x128xf32, #tpu.memory_space<hbm>> -> memref<1x1x104x128xf32, #tpu.memory_space<hbm>>
          %dma_wait3A_58 = tpu.memref_squeeze %dma_wait3A_57 : memref<1x1x104x128xf32, #tpu.memory_space<hbm>> -> memref<104x128xf32, #tpu.memory_space<hbm>>
          tpu.wait_dma2 semaphore(%run_scoped3A_52 : memref<!tpu.dma_semaphore, #tpu.memory_space<semaphore_mem>>) src(%arg12 : memref<104x128xf32, #tpu.memory_space<vmem_shared>>) dst(%dma_wait3A_58 : memref<104x128xf32, #tpu.memory_space<hbm>>)
          tpu.yield
        }) : () -> ()
        %run_scoped3A_50 = arith.constant 2 : i32
        %run_scoped3A_51 = arith.constant 0 : i32
        "tpu.region"() ({
          %run_scoped3A_52 = tpu.sem_alloc : memref<!tpu.dma_semaphore, #tpu.memory_space<semaphore_mem>>
          %dma_start3A = arith.constant 0 : i32
          %dma_start3A_53 = arith.constant 0 : i32
          %dma_start3A_54 = tpu.memref_slice %arg7[%run_scoped3A_50, %run_scoped3A_51, %dma_start3A, %dma_start3A_53] : memref<3x2x104x128xf32, #tpu.memory_space<hbm>> -> memref<1x1x104x128xf32, #tpu.memory_space<hbm>>
          %dma_start3A_55 = tpu.memref_squeeze %dma_start3A_54 : memref<1x1x104x128xf32, #tpu.memory_space<hbm>> -> memref<104x128xf32, #tpu.memory_space<hbm>>
          tpu.enqueue_dma source(%arg13 : memref<104x128xf32, #tpu.memory_space<vmem_shared>>) target(%dma_start3A_55 : memref<104x128xf32, #tpu.memory_space<hbm>>) target_semaphore(%run_scoped3A_52 : memref<!tpu.dma_semaphore, #tpu.memory_space<semaphore_mem>>)
          %dma_wait3A = arith.constant 0 : i32
          %dma_wait3A_56 = arith.constant 0 : i32
          %dma_wait3A_57 = tpu.memref_slice %arg7[%run_scoped3A_50, %run_scoped3A_51, %dma_wait3A, %dma_wait3A_56] : memref<3x2x104x128xf32, #tpu.memory_space<hbm>> -> memref<1x1x104x128xf32, #tpu.memory_space<hbm>>
          %dma_wait3A_58 = tpu.memref_squeeze %dma_wait3A_57 : memref<1x1x104x128xf32, #tpu.memory_space<hbm>> -> memref<104x128xf32, #tpu.memory_space<hbm>>
          tpu.wait_dma2 semaphore(%run_scoped3A_52 : memref<!tpu.dma_semaphore, #tpu.memory_space<semaphore_mem>>) src(%arg13 : memref<104x128xf32, #tpu.memory_space<vmem_shared>>) dst(%dma_wait3A_58 : memref<104x128xf32, #tpu.memory_space<hbm>>)
          tpu.yield
        }) : () -> ()
      } else {
      }
      %eq3A_42 = arith.constant 1 : i32
      %eq3A_43 = arith.cmpi eq, %arg0, %eq3A_42 : i32
      %convert_element_type3A_44 = arith.extui %eq3A_43 : i1 to i32
      %cond3A_45 = arith.constant 0 : i32
      %cond3A_46 = arith.cmpi ne, %convert_element_type3A_44, %cond3A_45 : i32
      scf.if %cond3A_46 {
        %run_scoped3A = arith.constant 0 : i32
        %run_scoped3A_47 = arith.constant 1 : i32
        "tpu.region"() ({
          %run_scoped3A_52 = tpu.sem_alloc : memref<!tpu.dma_semaphore, #tpu.memory_space<semaphore_mem>>
          %dma_start3A = arith.constant 0 : i32
          %dma_start3A_53 = arith.constant 0 : i32
          %dma_start3A_54 = tpu.memref_slice %arg7[%run_scoped3A, %run_scoped3A_47, %dma_start3A, %dma_start3A_53] : memref<3x2x104x128xf32, #tpu.memory_space<hbm>> -> memref<1x1x104x128xf32, #tpu.memory_space<hbm>>
          %dma_start3A_55 = tpu.memref_squeeze %dma_start3A_54 : memref<1x1x104x128xf32, #tpu.memory_space<hbm>> -> memref<104x128xf32, #tpu.memory_space<hbm>>
          tpu.enqueue_dma source(%arg11 : memref<104x128xf32, #tpu.memory_space<vmem_shared>>) target(%dma_start3A_55 : memref<104x128xf32, #tpu.memory_space<hbm>>) target_semaphore(%run_scoped3A_52 : memref<!tpu.dma_semaphore, #tpu.memory_space<semaphore_mem>>)
          %dma_wait3A = arith.constant 0 : i32
          %dma_wait3A_56 = arith.constant 0 : i32
          %dma_wait3A_57 = tpu.memref_slice %arg7[%run_scoped3A, %run_scoped3A_47, %dma_wait3A, %dma_wait3A_56] : memref<3x2x104x128xf32, #tpu.memory_space<hbm>> -> memref<1x1x104x128xf32, #tpu.memory_space<hbm>>
          %dma_wait3A_58 = tpu.memref_squeeze %dma_wait3A_57 : memref<1x1x104x128xf32, #tpu.memory_space<hbm>> -> memref<104x128xf32, #tpu.memory_space<hbm>>
          tpu.wait_dma2 semaphore(%run_scoped3A_52 : memref<!tpu.dma_semaphore, #tpu.memory_space<semaphore_mem>>) src(%arg11 : memref<104x128xf32, #tpu.memory_space<vmem_shared>>) dst(%dma_wait3A_58 : memref<104x128xf32, #tpu.memory_space<hbm>>)
          tpu.yield
        }) : () -> ()
        %run_scoped3A_48 = arith.constant 1 : i32
        %run_scoped3A_49 = arith.constant 1 : i32
        "tpu.region"() ({
          %run_scoped3A_52 = tpu.sem_alloc : memref<!tpu.dma_semaphore, #tpu.memory_space<semaphore_mem>>
          %dma_start3A = arith.constant 0 : i32
          %dma_start3A_53 = arith.constant 0 : i32
          %dma_start3A_54 = tpu.memref_slice %arg7[%run_scoped3A_48, %run_scoped3A_49, %dma_start3A, %dma_start3A_53] : memref<3x2x104x128xf32, #tpu.memory_space<hbm>> -> memref<1x1x104x128xf32, #tpu.memory_space<hbm>>
          %dma_start3A_55 = tpu.memref_squeeze %dma_start3A_54 : memref<1x1x104x128xf32, #tpu.memory_space<hbm>> -> memref<104x128xf32, #tpu.memory_space<hbm>>
          tpu.enqueue_dma source(%arg12 : memref<104x128xf32, #tpu.memory_space<vmem_shared>>) target(%dma_start3A_55 : memref<104x128xf32, #tpu.memory_space<hbm>>) target_semaphore(%run_scoped3A_52 : memref<!tpu.dma_semaphore, #tpu.memory_space<semaphore_mem>>)
          %dma_wait3A = arith.constant 0 : i32
          %dma_wait3A_56 = arith.constant 0 : i32
          %dma_wait3A_57 = tpu.memref_slice %arg7[%run_scoped3A_48, %run_scoped3A_49, %dma_wait3A, %dma_wait3A_56] : memref<3x2x104x128xf32, #tpu.memory_space<hbm>> -> memref<1x1x104x128xf32, #tpu.memory_space<hbm>>
          %dma_wait3A_58 = tpu.memref_squeeze %dma_wait3A_57 : memref<1x1x104x128xf32, #tpu.memory_space<hbm>> -> memref<104x128xf32, #tpu.memory_space<hbm>>
          tpu.wait_dma2 semaphore(%run_scoped3A_52 : memref<!tpu.dma_semaphore, #tpu.memory_space<semaphore_mem>>) src(%arg12 : memref<104x128xf32, #tpu.memory_space<vmem_shared>>) dst(%dma_wait3A_58 : memref<104x128xf32, #tpu.memory_space<hbm>>)
          tpu.yield
        }) : () -> ()
        %run_scoped3A_50 = arith.constant 2 : i32
        %run_scoped3A_51 = arith.constant 1 : i32
        "tpu.region"() ({
          %run_scoped3A_52 = tpu.sem_alloc : memref<!tpu.dma_semaphore, #tpu.memory_space<semaphore_mem>>
          %dma_start3A = arith.constant 0 : i32
          %dma_start3A_53 = arith.constant 0 : i32
          %dma_start3A_54 = tpu.memref_slice %arg7[%run_scoped3A_50, %run_scoped3A_51, %dma_start3A, %dma_start3A_53] : memref<3x2x104x128xf32, #tpu.memory_space<hbm>> -> memref<1x1x104x128xf32, #tpu.memory_space<hbm>>
          %dma_start3A_55 = tpu.memref_squeeze %dma_start3A_54 : memref<1x1x104x128xf32, #tpu.memory_space<hbm>> -> memref<104x128xf32, #tpu.memory_space<hbm>>
          tpu.enqueue_dma source(%arg13 : memref<104x128xf32, #tpu.memory_space<vmem_shared>>) target(%dma_start3A_55 : memref<104x128xf32, #tpu.memory_space<hbm>>) target_semaphore(%run_scoped3A_52 : memref<!tpu.dma_semaphore, #tpu.memory_space<semaphore_mem>>)
          %dma_wait3A = arith.constant 0 : i32
          %dma_wait3A_56 = arith.constant 0 : i32
          %dma_wait3A_57 = tpu.memref_slice %arg7[%run_scoped3A_50, %run_scoped3A_51, %dma_wait3A, %dma_wait3A_56] : memref<3x2x104x128xf32, #tpu.memory_space<hbm>> -> memref<1x1x104x128xf32, #tpu.memory_space<hbm>>
          %dma_wait3A_58 = tpu.memref_squeeze %dma_wait3A_57 : memref<1x1x104x128xf32, #tpu.memory_space<hbm>> -> memref<104x128xf32, #tpu.memory_space<hbm>>
          tpu.wait_dma2 semaphore(%run_scoped3A_52 : memref<!tpu.dma_semaphore, #tpu.memory_space<semaphore_mem>>) src(%arg13 : memref<104x128xf32, #tpu.memory_space<vmem_shared>>) dst(%dma_wait3A_58 : memref<104x128xf32, #tpu.memory_space<hbm>>)
          tpu.yield
        }) : () -> ()
      } else {
      }
    } else {
    }
    return
  }
}

module attributes {stable_mosaic.version = 14 : i64} {
  func.func @_single_body(%arg0: i32, %arg1: memref<2000x128xf32, #tpu.memory_space<vmem>>, %arg2: memref<2000x128xf32, #tpu.memory_space<vmem>>, %arg3: memref<128x128xf32, #tpu.memory_space<vmem>>, %arg4: memref<128x128xf32, #tpu.memory_space<vmem>>, %arg5: memref<1x128xf32, #tpu.memory_space<vmem>>, %arg6: memref<2000x128xf32, #tpu.memory_space<vmem>>) attributes {dimension_semantics = [#tpu.dimension_semantics<arbitrary>], iteration_bounds = array<i64: 5>, scalar_prefetch = 0 : i64, scratch_operands = 0 : i64, tpu.core_type = #tpu.core_type<tc>, window_params = [{transform_indices = @transform_0, window_bounds = array<i64: 2000, 128>}, {transform_indices = @transform_1, window_bounds = array<i64: 2000, 128>}, {pipeline_mode = #tpu.pipeline_mode<synchronous>, transform_indices = @transform_2, window_bounds = array<i64: 128, 128>}, {pipeline_mode = #tpu.pipeline_mode<synchronous>, transform_indices = @transform_3, window_bounds = array<i64: 128, 128>}, {pipeline_mode = #tpu.pipeline_mode<synchronous>, transform_indices = @transform_4, window_bounds = array<i64: 1, 128>}, {transform_indices = @transform_5, window_bounds = array<i64: 2000, 128>}]} {
    %get3A = arith.constant 0 : index
    %get3A_0 = arith.constant 0 : index
    %get3A_1 = vector.load %arg1[%get3A, %get3A_0] : memref<2000x128xf32, #tpu.memory_space<vmem>>, vector<2000x128xf32>
    %get3A_2 = arith.constant 0 : index
    %get3A_3 = arith.constant 0 : index
    %get3A_4 = vector.load %arg3[%get3A_2, %get3A_3] : memref<128x128xf32, #tpu.memory_space<vmem>>, vector<128x128xf32>
    %dot_general3A = arith.constant dense<0.000000e+00> : vector<2000x128xf32>
    %dot_general3A_5 = tpu.matmul %get3A_1, %get3A_4, %dot_general3A {dimension_numbers = #tpu.dot_dimension_numbers<[1], [0], [0], [1], [0, 0, 1, 1], [], []>, transpose_lhs_hint = false} : vector<2000x128xf32>, vector<128x128xf32>, vector<2000x128xf32> -> vector<2000x128xf32>
    %get3A_6 = arith.constant 0 : index
    %get3A_7 = arith.constant 0 : index
    %get3A_8 = vector.load %arg2[%get3A_6, %get3A_7] : memref<2000x128xf32, #tpu.memory_space<vmem>>, vector<2000x128xf32>
    %get3A_9 = arith.constant 0 : index
    %get3A_10 = arith.constant 0 : index
    %get3A_11 = vector.load %arg4[%get3A_9, %get3A_10] : memref<128x128xf32, #tpu.memory_space<vmem>>, vector<128x128xf32>
    %dot_general3A_12 = arith.constant dense<0.000000e+00> : vector<2000x128xf32>
    %dot_general3A_13 = tpu.matmul %get3A_8, %get3A_11, %dot_general3A_12 {dimension_numbers = #tpu.dot_dimension_numbers<[1], [0], [0], [1], [0, 0, 1, 1], [], []>, transpose_lhs_hint = false} : vector<2000x128xf32>, vector<128x128xf32>, vector<2000x128xf32> -> vector<2000x128xf32>
    %add3A = arith.addf %dot_general3A_5, %dot_general3A_13 : vector<2000x128xf32>
    %get3A_14 = arith.constant 0 : index
    %get3A_15 = arith.constant 0 : index
    %get3A_16 = vector.load %arg5[%get3A_14, %get3A_15] : memref<1x128xf32, #tpu.memory_space<vmem>>, vector<1x128xf32>
    %add3A_17 = vector.broadcast %get3A_16 : vector<1x128xf32> to vector<2000x128xf32>
    %add3A_18 = arith.addf %add3A, %add3A_17 : vector<2000x128xf32>
    %max3A = arith.constant 0.000000e+00 : f32
    %max3A_19 = vector.broadcast %max3A : f32 to vector<2000x128xf32>
    %max3A_20 = arith.maximumf %add3A_18, %max3A_19 : vector<2000x128xf32>
    %swap3A = arith.constant 0 : index
    %swap3A_21 = arith.constant 0 : index
    %swap3A_22 = vector.load %arg6[%swap3A, %swap3A_21] : memref<2000x128xf32, #tpu.memory_space<vmem>>, vector<2000x128xf32>
    tpu.vector_store %arg6[%swap3A, %swap3A_21], %max3A_20 {strides = array<i32>} : memref<2000x128xf32, #tpu.memory_space<vmem>>, vector<2000x128xf32>,
    return
  }
  func.func @transform_0(%arg0: i32) -> (i32, i32) {
    %c0_i32 = arith.constant 0 : i32
    %c0_i32_0 = arith.constant 0 : i32
    return %arg0, %c0_i32 : i32, i32
  }
  func.func @transform_1(%arg0: i32) -> (i32, i32) {
    %c0_i32 = arith.constant 0 : i32
    %c0_i32_0 = arith.constant 0 : i32
    return %arg0, %c0_i32 : i32, i32
  }
  func.func @transform_2(%arg0: i32) -> (i32, i32) {
    %c0_i32 = arith.constant 0 : i32
    %c0_i32_0 = arith.constant 0 : i32
    %c0_i32_1 = arith.constant 0 : i32
    return %c0_i32, %c0_i32_0 : i32, i32
  }
  func.func @transform_3(%arg0: i32) -> (i32, i32) {
    %c0_i32 = arith.constant 0 : i32
    %c0_i32_0 = arith.constant 0 : i32
    %c0_i32_1 = arith.constant 0 : i32
    return %c0_i32, %c0_i32_0 : i32, i32
  }
  func.func @transform_4(%arg0: i32) -> (i32, i32) {
    %c0_i32 = arith.constant 0 : i32
    %c0_i32_0 = arith.constant 0 : i32
    %c0_i32_1 = arith.constant 0 : i32
    return %c0_i32, %c0_i32_0 : i32, i32
  }
  func.func @transform_5(%arg0: i32) -> (i32, i32) {
    %c0_i32 = arith.constant 0 : i32
    %c0_i32_0 = arith.constant 0 : i32
    return %arg0, %c0_i32 : i32, i32
  }
}

module attributes {stable_mosaic.version = 14 : i64} {
  func.func @_dual_body(%arg0: i32, %arg1: memref<2000x128xf32, #tpu.memory_space<vmem>>, %arg2: memref<2000x128xf32, #tpu.memory_space<vmem>>, %arg3: memref<2000x128xf32, #tpu.memory_space<vmem>>, %arg4: memref<2000x128xf32, #tpu.memory_space<vmem>>, %arg5: memref<128x128xf32, #tpu.memory_space<vmem>>, %arg6: memref<128x128xf32, #tpu.memory_space<vmem>>, %arg7: memref<128x128xf32, #tpu.memory_space<vmem>>, %arg8: memref<128x128xf32, #tpu.memory_space<vmem>>, %arg9: memref<128x128xf32, #tpu.memory_space<vmem>>, %arg10: memref<128x128xf32, #tpu.memory_space<vmem>>, %arg11: memref<1x128xf32, #tpu.memory_space<vmem>>, %arg12: memref<1x128xf32, #tpu.memory_space<vmem>>, %arg13: memref<2000x128xf32, #tpu.memory_space<vmem>>, %arg14: memref<2000x128xf32, #tpu.memory_space<vmem>>) attributes {dimension_semantics = [#tpu.dimension_semantics<arbitrary>], iteration_bounds = array<i64: 5>, scalar_prefetch = 0 : i64, scratch_operands = 0 : i64, tpu.core_type = #tpu.core_type<tc>, window_params = [{transform_indices = @transform_0, window_bounds = array<i64: 2000, 128>}, {transform_indices = @transform_1, window_bounds = array<i64: 2000, 128>}, {transform_indices = @transform_2, window_bounds = array<i64: 2000, 128>}, {transform_indices = @transform_3, window_bounds = array<i64: 2000, 128>}, {pipeline_mode = #tpu.pipeline_mode<synchronous>, transform_indices = @transform_4, window_bounds = array<i64: 128, 128>}, {pipeline_mode = #tpu.pipeline_mode<synchronous>, transform_indices = @transform_5, window_bounds = array<i64: 128, 128>}, {pipeline_mode = #tpu.pipeline_mode<synchronous>, transform_indices = @transform_6, window_bounds = array<i64: 128, 128>}, {pipeline_mode = #tpu.pipeline_mode<synchronous>, transform_indices = @transform_7, window_bounds = array<i64: 128, 128>}, {pipeline_mode = #tpu.pipeline_mode<synchronous>, transform_indices = @transform_8, window_bounds = array<i64: 128, 128>}, {pipeline_mode = #tpu.pipeline_mode<synchronous>, transform_indices = @transform_9, window_bounds = array<i64: 128, 128>}, {pipeline_mode = #tpu.pipeline_mode<synchronous>, transform_indices = @transform_10, window_bounds = array<i64: 1, 128>}, {pipeline_mode = #tpu.pipeline_mode<synchronous>, transform_indices = @transform_11, window_bounds = array<i64: 1, 128>}, {transform_indices = @transform_12, window_bounds = array<i64: 2000, 128>}, {transform_indices = @transform_13, window_bounds = array<i64: 2000, 128>}]} {
    %get3A = arith.constant 0 : index
    %get3A_0 = arith.constant 0 : index
    %get3A_1 = vector.load %arg1[%get3A, %get3A_0] : memref<2000x128xf32, #tpu.memory_space<vmem>>, vector<2000x128xf32>
    %get3A_2 = arith.constant 0 : index
    %get3A_3 = arith.constant 0 : index
    %get3A_4 = vector.load %arg5[%get3A_2, %get3A_3] : memref<128x128xf32, #tpu.memory_space<vmem>>, vector<128x128xf32>
    %dot_general3A = arith.constant dense<0.000000e+00> : vector<2000x128xf32>
    %dot_general3A_5 = tpu.matmul %get3A_1, %get3A_4, %dot_general3A {dimension_numbers = #tpu.dot_dimension_numbers<[1], [0], [0], [1], [0, 0, 1, 1], [], []>, transpose_lhs_hint = false} : vector<2000x128xf32>, vector<128x128xf32>, vector<2000x128xf32> -> vector<2000x128xf32>
    %get3A_6 = arith.constant 0 : index
    %get3A_7 = arith.constant 0 : index
    %get3A_8 = vector.load %arg3[%get3A_6, %get3A_7] : memref<2000x128xf32, #tpu.memory_space<vmem>>, vector<2000x128xf32>
    %get3A_9 = arith.constant 0 : index
    %get3A_10 = arith.constant 0 : index
    %get3A_11 = vector.load %arg6[%get3A_9, %get3A_10] : memref<128x128xf32, #tpu.memory_space<vmem>>, vector<128x128xf32>
    %dot_general3A_12 = arith.constant dense<0.000000e+00> : vector<2000x128xf32>
    %dot_general3A_13 = tpu.matmul %get3A_8, %get3A_11, %dot_general3A_12 {dimension_numbers = #tpu.dot_dimension_numbers<[1], [0], [0], [1], [0, 0, 1, 1], [], []>, transpose_lhs_hint = false} : vector<2000x128xf32>, vector<128x128xf32>, vector<2000x128xf32> -> vector<2000x128xf32>
    %add3A = arith.addf %dot_general3A_5, %dot_general3A_13 : vector<2000x128xf32>
    %get3A_14 = arith.constant 0 : index
    %get3A_15 = arith.constant 0 : index
    %get3A_16 = vector.load %arg11[%get3A_14, %get3A_15] : memref<1x128xf32, #tpu.memory_space<vmem>>, vector<1x128xf32>
    %add3A_17 = vector.broadcast %get3A_16 : vector<1x128xf32> to vector<2000x128xf32>
    %add3A_18 = arith.addf %add3A, %add3A_17 : vector<2000x128xf32>
    %max3A = arith.constant 0.000000e+00 : f32
    %max3A_19 = vector.broadcast %max3A : f32 to vector<2000x128xf32>
    %max3A_20 = arith.maximumf %add3A_18, %max3A_19 : vector<2000x128xf32>
    %swap3A = arith.constant 0 : index
    %swap3A_21 = arith.constant 0 : index
    %swap3A_22 = vector.load %arg13[%swap3A, %swap3A_21] : memref<2000x128xf32, #tpu.memory_space<vmem>>, vector<2000x128xf32>
    tpu.vector_store %arg13[%swap3A, %swap3A_21], %max3A_20 {strides = array<i32>} : memref<2000x128xf32, #tpu.memory_space<vmem>>, vector<2000x128xf32>,
    %get3A_23 = arith.constant 0 : index
    %get3A_24 = arith.constant 0 : index
    %get3A_25 = vector.load %arg1[%get3A_23, %get3A_24] : memref<2000x128xf32, #tpu.memory_space<vmem>>, vector<2000x128xf32>
    %get3A_26 = arith.constant 0 : index
    %get3A_27 = arith.constant 0 : index
    %get3A_28 = vector.load %arg7[%get3A_26, %get3A_27] : memref<128x128xf32, #tpu.memory_space<vmem>>, vector<128x128xf32>
    %dot_general3A_29 = arith.constant dense<0.000000e+00> : vector<2000x128xf32>
    %dot_general3A_30 = tpu.matmul %get3A_25, %get3A_28, %dot_general3A_29 {dimension_numbers = #tpu.dot_dimension_numbers<[1], [0], [0], [1], [0, 0, 1, 1], [], []>, transpose_lhs_hint = false} : vector<2000x128xf32>, vector<128x128xf32>, vector<2000x128xf32> -> vector<2000x128xf32>
    %get3A_31 = arith.constant 0 : index
    %get3A_32 = arith.constant 0 : index
    %get3A_33 = vector.load %arg2[%get3A_31, %get3A_32] : memref<2000x128xf32, #tpu.memory_space<vmem>>, vector<2000x128xf32>
    %get3A_34 = arith.constant 0 : index
    %get3A_35 = arith.constant 0 : index
    %get3A_36 = vector.load %arg8[%get3A_34, %get3A_35] : memref<128x128xf32, #tpu.memory_space<vmem>>, vector<128x128xf32>
    %dot_general3A_37 = arith.constant dense<0.000000e+00> : vector<2000x128xf32>
    %dot_general3A_38 = tpu.matmul %get3A_33, %get3A_36, %dot_general3A_37 {dimension_numbers = #tpu.dot_dimension_numbers<[1], [0], [0], [1], [0, 0, 1, 1], [], []>, transpose_lhs_hint = false} : vector<2000x128xf32>, vector<128x128xf32>, vector<2000x128xf32> -> vector<2000x128xf32>
    %add3A_39 = arith.addf %dot_general3A_30, %dot_general3A_38 : vector<2000x128xf32>
    %get3A_40 = arith.constant 0 : index
    %get3A_41 = arith.constant 0 : index
    %get3A_42 = vector.load %arg3[%get3A_40, %get3A_41] : memref<2000x128xf32, #tpu.memory_space<vmem>>, vector<2000x128xf32>
    %get3A_43 = arith.constant 0 : index
    %get3A_44 = arith.constant 0 : index
    %get3A_45 = vector.load %arg9[%get3A_43, %get3A_44] : memref<128x128xf32, #tpu.memory_space<vmem>>, vector<128x128xf32>
    %dot_general3A_46 = arith.constant dense<0.000000e+00> : vector<2000x128xf32>
    %dot_general3A_47 = tpu.matmul %get3A_42, %get3A_45, %dot_general3A_46 {dimension_numbers = #tpu.dot_dimension_numbers<[1], [0], [0], [1], [0, 0, 1, 1], [], []>, transpose_lhs_hint = false} : vector<2000x128xf32>, vector<128x128xf32>, vector<2000x128xf32> -> vector<2000x128xf32>
    %add3A_48 = arith.addf %add3A_39, %dot_general3A_47 : vector<2000x128xf32>
    %get3A_49 = arith.constant 0 : index
    %get3A_50 = arith.constant 0 : index
    %get3A_51 = vector.load %arg4[%get3A_49, %get3A_50] : memref<2000x128xf32, #tpu.memory_space<vmem>>, vector<2000x128xf32>
    %get3A_52 = arith.constant 0 : index
    %get3A_53 = arith.constant 0 : index
    %get3A_54 = vector.load %arg10[%get3A_52, %get3A_53] : memref<128x128xf32, #tpu.memory_space<vmem>>, vector<128x128xf32>
    %dot_general3A_55 = arith.constant dense<0.000000e+00> : vector<2000x128xf32>
    %dot_general3A_56 = tpu.matmul %get3A_51, %get3A_54, %dot_general3A_55 {dimension_numbers = #tpu.dot_dimension_numbers<[1], [0], [0], [1], [0, 0, 1, 1], [], []>, transpose_lhs_hint = false} : vector<2000x128xf32>, vector<128x128xf32>, vector<2000x128xf32> -> vector<2000x128xf32>
    %add3A_57 = arith.addf %add3A_48, %dot_general3A_56 : vector<2000x128xf32>
    %get3A_58 = arith.constant 0 : index
    %get3A_59 = arith.constant 0 : index
    %get3A_60 = vector.load %arg12[%get3A_58, %get3A_59] : memref<1x128xf32, #tpu.memory_space<vmem>>, vector<1x128xf32>
    %add3A_61 = vector.broadcast %get3A_60 : vector<1x128xf32> to vector<2000x128xf32>
    %add3A_62 = arith.addf %add3A_57, %add3A_61 : vector<2000x128xf32>
    %max3A_63 = arith.constant 0.000000e+00 : f32
    %max3A_64 = vector.broadcast %max3A_63 : f32 to vector<2000x128xf32>
    %max3A_65 = arith.maximumf %add3A_62, %max3A_64 : vector<2000x128xf32>
    %swap3A_66 = arith.constant 0 : index
    %swap3A_67 = arith.constant 0 : index
    %swap3A_68 = vector.load %arg14[%swap3A_66, %swap3A_67] : memref<2000x128xf32, #tpu.memory_space<vmem>>, vector<2000x128xf32>
    tpu.vector_store %arg14[%swap3A_66, %swap3A_67], %max3A_65 {strides = array<i32>} : memref<2000x128xf32, #tpu.memory_space<vmem>>, vector<2000x128xf32>,
    return
  }
  func.func @transform_0(%arg0: i32) -> (i32, i32) {
    %c0_i32 = arith.constant 0 : i32
    %c0_i32_0 = arith.constant 0 : i32
    return %arg0, %c0_i32 : i32, i32
  }
  func.func @transform_1(%arg0: i32) -> (i32, i32) {
    %c0_i32 = arith.constant 0 : i32
    %c0_i32_0 = arith.constant 0 : i32
    return %arg0, %c0_i32 : i32, i32
  }
  func.func @transform_2(%arg0: i32) -> (i32, i32) {
    %c0_i32 = arith.constant 0 : i32
    %c0_i32_0 = arith.constant 0 : i32
    return %arg0, %c0_i32 : i32, i32
  }
  func.func @transform_3(%arg0: i32) -> (i32, i32) {
    %c0_i32 = arith.constant 0 : i32
    %c0_i32_0 = arith.constant 0 : i32
    return %arg0, %c0_i32 : i32, i32
  }
  func.func @transform_4(%arg0: i32) -> (i32, i32) {
    %c0_i32 = arith.constant 0 : i32
    %c0_i32_0 = arith.constant 0 : i32
    %c0_i32_1 = arith.constant 0 : i32
    return %c0_i32, %c0_i32_0 : i32, i32
  }
  func.func @transform_5(%arg0: i32) -> (i32, i32) {
    %c0_i32 = arith.constant 0 : i32
    %c0_i32_0 = arith.constant 0 : i32
    %c0_i32_1 = arith.constant 0 : i32
    return %c0_i32, %c0_i32_0 : i32, i32
  }
  func.func @transform_6(%arg0: i32) -> (i32, i32) {
    %c0_i32 = arith.constant 0 : i32
    %c0_i32_0 = arith.constant 0 : i32
    %c0_i32_1 = arith.constant 0 : i32
    return %c0_i32, %c0_i32_0 : i32, i32
  }
  func.func @transform_7(%arg0: i32) -> (i32, i32) {
    %c0_i32 = arith.constant 0 : i32
    %c0_i32_0 = arith.constant 0 : i32
    %c0_i32_1 = arith.constant 0 : i32
    return %c0_i32, %c0_i32_0 : i32, i32
  }
  func.func @transform_8(%arg0: i32) -> (i32, i32) {
    %c0_i32 = arith.constant 0 : i32
    %c0_i32_0 = arith.constant 0 : i32
    %c0_i32_1 = arith.constant 0 : i32
    return %c0_i32, %c0_i32_0 : i32, i32
  }
  func.func @transform_9(%arg0: i32) -> (i32, i32) {
    %c0_i32 = arith.constant 0 : i32
    %c0_i32_0 = arith.constant 0 : i32
    %c0_i32_1 = arith.constant 0 : i32
    return %c0_i32, %c0_i32_0 : i32, i32
  }
  func.func @transform_10(%arg0: i32) -> (i32, i32) {
    %c0_i32 = arith.constant 0 : i32
    %c0_i32_0 = arith.constant 0 : i32
    %c0_i32_1 = arith.constant 0 : i32
    return %c0_i32, %c0_i32_0 : i32, i32
  }
  func.func @transform_11(%arg0: i32) -> (i32, i32) {
    %c0_i32 = arith.constant 0 : i32
    %c0_i32_0 = arith.constant 0 : i32
    %c0_i32_1 = arith.constant 0 : i32
    return %c0_i32, %c0_i32_0 : i32, i32
  }
  func.func @transform_12(%arg0: i32) -> (i32, i32) {
    %c0_i32 = arith.constant 0 : i32
    %c0_i32_0 = arith.constant 0 : i32
    return %arg0, %c0_i32 : i32, i32
  }
  func.func @transform_13(%arg0: i32) -> (i32, i32) {
    %c0_i32 = arith.constant 0 : i32
    %c0_i32_0 = arith.constant 0 : i32
    return %arg0, %c0_i32 : i32, i32
  }
}

module attributes {stable_mosaic.version = 14 : i64} {
  func.func @_quad_body(%arg0: i32, %arg1: memref<2000x128xf32, #tpu.memory_space<vmem>>, %arg2: memref<2000x128xf32, #tpu.memory_space<vmem>>, %arg3: memref<2000x128xf32, #tpu.memory_space<vmem>>, %arg4: memref<2000x128xf32, #tpu.memory_space<vmem>>, %arg5: memref<128x128xf32, #tpu.memory_space<vmem>>, %arg6: memref<128x128xf32, #tpu.memory_space<vmem>>, %arg7: memref<128x128xf32, #tpu.memory_space<vmem>>, %arg8: memref<128x128xf32, #tpu.memory_space<vmem>>, %arg9: memref<1x128xf32, #tpu.memory_space<vmem>>, %arg10: memref<2000x128xf32, #tpu.memory_space<vmem>>) attributes {dimension_semantics = [#tpu.dimension_semantics<arbitrary>], iteration_bounds = array<i64: 5>, scalar_prefetch = 0 : i64, scratch_operands = 0 : i64, tpu.core_type = #tpu.core_type<tc>, window_params = [{transform_indices = @transform_0, window_bounds = array<i64: 2000, 128>}, {transform_indices = @transform_1, window_bounds = array<i64: 2000, 128>}, {transform_indices = @transform_2, window_bounds = array<i64: 2000, 128>}, {transform_indices = @transform_3, window_bounds = array<i64: 2000, 128>}, {pipeline_mode = #tpu.pipeline_mode<synchronous>, transform_indices = @transform_4, window_bounds = array<i64: 128, 128>}, {pipeline_mode = #tpu.pipeline_mode<synchronous>, transform_indices = @transform_5, window_bounds = array<i64: 128, 128>}, {pipeline_mode = #tpu.pipeline_mode<synchronous>, transform_indices = @transform_6, window_bounds = array<i64: 128, 128>}, {pipeline_mode = #tpu.pipeline_mode<synchronous>, transform_indices = @transform_7, window_bounds = array<i64: 128, 128>}, {pipeline_mode = #tpu.pipeline_mode<synchronous>, transform_indices = @transform_8, window_bounds = array<i64: 1, 128>}, {transform_indices = @transform_9, window_bounds = array<i64: 2000, 128>}]} {
    %get3A = arith.constant 0 : index
    %get3A_0 = arith.constant 0 : index
    %get3A_1 = vector.load %arg1[%get3A, %get3A_0] : memref<2000x128xf32, #tpu.memory_space<vmem>>, vector<2000x128xf32>
    %get3A_2 = arith.constant 0 : index
    %get3A_3 = arith.constant 0 : index
    %get3A_4 = vector.load %arg5[%get3A_2, %get3A_3] : memref<128x128xf32, #tpu.memory_space<vmem>>, vector<128x128xf32>
    %dot_general3A = arith.constant dense<0.000000e+00> : vector<2000x128xf32>
    %dot_general3A_5 = tpu.matmul %get3A_1, %get3A_4, %dot_general3A {dimension_numbers = #tpu.dot_dimension_numbers<[1], [0], [0], [1], [0, 0, 1, 1], [], []>, transpose_lhs_hint = false} : vector<2000x128xf32>, vector<128x128xf32>, vector<2000x128xf32> -> vector<2000x128xf32>
    %get3A_6 = arith.constant 0 : index
    %get3A_7 = arith.constant 0 : index
    %get3A_8 = vector.load %arg2[%get3A_6, %get3A_7] : memref<2000x128xf32, #tpu.memory_space<vmem>>, vector<2000x128xf32>
    %get3A_9 = arith.constant 0 : index
    %get3A_10 = arith.constant 0 : index
    %get3A_11 = vector.load %arg6[%get3A_9, %get3A_10] : memref<128x128xf32, #tpu.memory_space<vmem>>, vector<128x128xf32>
    %dot_general3A_12 = arith.constant dense<0.000000e+00> : vector<2000x128xf32>
    %dot_general3A_13 = tpu.matmul %get3A_8, %get3A_11, %dot_general3A_12 {dimension_numbers = #tpu.dot_dimension_numbers<[1], [0], [0], [1], [0, 0, 1, 1], [], []>, transpose_lhs_hint = false} : vector<2000x128xf32>, vector<128x128xf32>, vector<2000x128xf32> -> vector<2000x128xf32>
    %add3A = arith.addf %dot_general3A_5, %dot_general3A_13 : vector<2000x128xf32>
    %get3A_14 = arith.constant 0 : index
    %get3A_15 = arith.constant 0 : index
    %get3A_16 = vector.load %arg3[%get3A_14, %get3A_15] : memref<2000x128xf32, #tpu.memory_space<vmem>>, vector<2000x128xf32>
    %get3A_17 = arith.constant 0 : index
    %get3A_18 = arith.constant 0 : index
    %get3A_19 = vector.load %arg7[%get3A_17, %get3A_18] : memref<128x128xf32, #tpu.memory_space<vmem>>, vector<128x128xf32>
    %dot_general3A_20 = arith.constant dense<0.000000e+00> : vector<2000x128xf32>
    %dot_general3A_21 = tpu.matmul %get3A_16, %get3A_19, %dot_general3A_20 {dimension_numbers = #tpu.dot_dimension_numbers<[1], [0], [0], [1], [0, 0, 1, 1], [], []>, transpose_lhs_hint = false} : vector<2000x128xf32>, vector<128x128xf32>, vector<2000x128xf32> -> vector<2000x128xf32>
    %add3A_22 = arith.addf %add3A, %dot_general3A_21 : vector<2000x128xf32>
    %get3A_23 = arith.constant 0 : index
    %get3A_24 = arith.constant 0 : index
    %get3A_25 = vector.load %arg4[%get3A_23, %get3A_24] : memref<2000x128xf32, #tpu.memory_space<vmem>>, vector<2000x128xf32>
    %get3A_26 = arith.constant 0 : index
    %get3A_27 = arith.constant 0 : index
    %get3A_28 = vector.load %arg8[%get3A_26, %get3A_27] : memref<128x128xf32, #tpu.memory_space<vmem>>, vector<128x128xf32>
    %dot_general3A_29 = arith.constant dense<0.000000e+00> : vector<2000x128xf32>
    %dot_general3A_30 = tpu.matmul %get3A_25, %get3A_28, %dot_general3A_29 {dimension_numbers = #tpu.dot_dimension_numbers<[1], [0], [0], [1], [0, 0, 1, 1], [], []>, transpose_lhs_hint = false} : vector<2000x128xf32>, vector<128x128xf32>, vector<2000x128xf32> -> vector<2000x128xf32>
    %add3A_31 = arith.addf %add3A_22, %dot_general3A_30 : vector<2000x128xf32>
    %get3A_32 = arith.constant 0 : index
    %get3A_33 = arith.constant 0 : index
    %get3A_34 = vector.load %arg9[%get3A_32, %get3A_33] : memref<1x128xf32, #tpu.memory_space<vmem>>, vector<1x128xf32>
    %add3A_35 = vector.broadcast %get3A_34 : vector<1x128xf32> to vector<2000x128xf32>
    %add3A_36 = arith.addf %add3A_31, %add3A_35 : vector<2000x128xf32>
    %max3A = arith.constant 0.000000e+00 : f32
    %max3A_37 = vector.broadcast %max3A : f32 to vector<2000x128xf32>
    %max3A_38 = arith.maximumf %add3A_36, %max3A_37 : vector<2000x128xf32>
    %swap3A = arith.constant 0 : index
    %swap3A_39 = arith.constant 0 : index
    %swap3A_40 = vector.load %arg10[%swap3A, %swap3A_39] : memref<2000x128xf32, #tpu.memory_space<vmem>>, vector<2000x128xf32>
    tpu.vector_store %arg10[%swap3A, %swap3A_39], %max3A_38 {strides = array<i32>} : memref<2000x128xf32, #tpu.memory_space<vmem>>, vector<2000x128xf32>,
    return
  }
  func.func @transform_0(%arg0: i32) -> (i32, i32) {
    %c0_i32 = arith.constant 0 : i32
    %c0_i32_0 = arith.constant 0 : i32
    return %arg0, %c0_i32 : i32, i32
  }
  func.func @transform_1(%arg0: i32) -> (i32, i32) {
    %c0_i32 = arith.constant 0 : i32
    %c0_i32_0 = arith.constant 0 : i32
    return %arg0, %c0_i32 : i32, i32
  }
  func.func @transform_2(%arg0: i32) -> (i32, i32) {
    %c0_i32 = arith.constant 0 : i32
    %c0_i32_0 = arith.constant 0 : i32
    return %arg0, %c0_i32 : i32, i32
  }
  func.func @transform_3(%arg0: i32) -> (i32, i32) {
    %c0_i32 = arith.constant 0 : i32
    %c0_i32_0 = arith.constant 0 : i32
    return %arg0, %c0_i32 : i32, i32
  }
  func.func @transform_4(%arg0: i32) -> (i32, i32) {
    %c0_i32 = arith.constant 0 : i32
    %c0_i32_0 = arith.constant 0 : i32
    %c0_i32_1 = arith.constant 0 : i32
    return %c0_i32, %c0_i32_0 : i32, i32
  }
  func.func @transform_5(%arg0: i32) -> (i32, i32) {
    %c0_i32 = arith.constant 0 : i32
    %c0_i32_0 = arith.constant 0 : i32
    %c0_i32_1 = arith.constant 0 : i32
    return %c0_i32, %c0_i32_0 : i32, i32
  }
  func.func @transform_6(%arg0: i32) -> (i32, i32) {
    %c0_i32 = arith.constant 0 : i32
    %c0_i32_0 = arith.constant 0 : i32
    %c0_i32_1 = arith.constant 0 : i32
    return %c0_i32, %c0_i32_0 : i32, i32
  }
  func.func @transform_7(%arg0: i32) -> (i32, i32) {
    %c0_i32 = arith.constant 0 : i32
    %c0_i32_0 = arith.constant 0 : i32
    %c0_i32_1 = arith.constant 0 : i32
    return %c0_i32, %c0_i32_0 : i32, i32
  }
  func.func @transform_8(%arg0: i32) -> (i32, i32) {
    %c0_i32 = arith.constant 0 : i32
    %c0_i32_0 = arith.constant 0 : i32
    %c0_i32_1 = arith.constant 0 : i32
    return %c0_i32, %c0_i32_0 : i32, i32
  }
  func.func @transform_9(%arg0: i32) -> (i32, i32) {
    %c0_i32 = arith.constant 0 : i32
    %c0_i32_0 = arith.constant 0 : i32
    return %arg0, %c0_i32 : i32, i32
  }
}

module attributes {stable_mosaic.version = 14 : i64} {
  func.func @_head_body(%arg0: memref<3x2x104x128xf32, #tpu.memory_space<vmem>>, %arg1: memref<128x128xf32, #tpu.memory_space<vmem>>, %arg2: memref<128x128xf32, #tpu.memory_space<vmem>>, %arg3: memref<128x128xf32, #tpu.memory_space<vmem>>, %arg4: memref<128x128xf32, #tpu.memory_space<vmem>>, %arg5: memref<128x128xf32, #tpu.memory_space<vmem>>, %arg6: memref<128x8xf32, #tpu.memory_space<vmem>>, %arg7: memref<1x128xf32, #tpu.memory_space<vmem>>, %arg8: memref<1x128xf32, #tpu.memory_space<vmem>>, %arg9: memref<1x128xf32, #tpu.memory_space<vmem>>, %arg10: memref<1x128xf32, #tpu.memory_space<vmem>>, %arg11: memref<1x8xf32, #tpu.memory_space<vmem>>, %arg12: memref<104x8xf32, #tpu.memory_space<vmem>>) attributes {dimension_semantics = [], scalar_prefetch = 0 : i64, scratch_operands = 0 : i64, tpu.core_type = #tpu.core_type<tc>} {
    %get3A = arith.constant 2 : index
    %get3A_0 = arith.constant 0 : index
    %get3A_1 = arith.constant 0 : index
    %get3A_2 = arith.constant 0 : index
    %get3A_3 = vector.load %arg0[%get3A, %get3A_0, %get3A_1, %get3A_2] : memref<3x2x104x128xf32, #tpu.memory_space<vmem>>, vector<1x1x104x128xf32>
    %get3A_4 = vector.shape_cast %get3A_3 : vector<1x1x104x128xf32> to vector<104x128xf32>
    %get3A_5 = arith.constant 2 : index
    %get3A_6 = arith.constant 1 : index
    %get3A_7 = arith.constant 0 : index
    %get3A_8 = arith.constant 0 : index
    %get3A_9 = vector.load %arg0[%get3A_5, %get3A_6, %get3A_7, %get3A_8] : memref<3x2x104x128xf32, #tpu.memory_space<vmem>>, vector<1x1x104x128xf32>
    %get3A_10 = vector.shape_cast %get3A_9 : vector<1x1x104x128xf32> to vector<104x128xf32>
    %add3A = arith.addf %get3A_4, %get3A_10 : vector<104x128xf32>
    %max3A = arith.constant 1.000000e+00 : f32
    %max3A_11 = vector.broadcast %max3A : f32 to vector<104x128xf32>
    %max3A_12 = arith.maximumf %add3A, %max3A_11 : vector<104x128xf32>
    %get3A_13 = arith.constant 0 : index
    %get3A_14 = arith.constant 0 : index
    %get3A_15 = arith.constant 0 : index
    %get3A_16 = arith.constant 0 : index
    %get3A_17 = vector.load %arg0[%get3A_13, %get3A_14, %get3A_15, %get3A_16] : memref<3x2x104x128xf32, #tpu.memory_space<vmem>>, vector<1x1x104x128xf32>
    %get3A_18 = vector.shape_cast %get3A_17 : vector<1x1x104x128xf32> to vector<104x128xf32>
    %get3A_19 = arith.constant 0 : index
    %get3A_20 = arith.constant 1 : index
    %get3A_21 = arith.constant 0 : index
    %get3A_22 = arith.constant 0 : index
    %get3A_23 = vector.load %arg0[%get3A_19, %get3A_20, %get3A_21, %get3A_22] : memref<3x2x104x128xf32, #tpu.memory_space<vmem>>, vector<1x1x104x128xf32>
    %get3A_24 = vector.shape_cast %get3A_23 : vector<1x1x104x128xf32> to vector<104x128xf32>
    %add3A_25 = arith.addf %get3A_18, %get3A_24 : vector<104x128xf32>
    %div3A = arith.divf %add3A_25, %max3A_12 : vector<104x128xf32>
    %get3A_26 = arith.constant 1 : index
    %get3A_27 = arith.constant 0 : index
    %get3A_28 = arith.constant 0 : index
    %get3A_29 = arith.constant 0 : index
    %get3A_30 = vector.load %arg0[%get3A_26, %get3A_27, %get3A_28, %get3A_29] : memref<3x2x104x128xf32, #tpu.memory_space<vmem>>, vector<1x1x104x128xf32>
    %get3A_31 = vector.shape_cast %get3A_30 : vector<1x1x104x128xf32> to vector<104x128xf32>
    %get3A_32 = arith.constant 1 : index
    %get3A_33 = arith.constant 1 : index
    %get3A_34 = arith.constant 0 : index
    %get3A_35 = arith.constant 0 : index
    %get3A_36 = vector.load %arg0[%get3A_32, %get3A_33, %get3A_34, %get3A_35] : memref<3x2x104x128xf32, #tpu.memory_space<vmem>>, vector<1x1x104x128xf32>
    %get3A_37 = vector.shape_cast %get3A_36 : vector<1x1x104x128xf32> to vector<104x128xf32>
    %add3A_38 = arith.addf %get3A_31, %get3A_37 : vector<104x128xf32>
    %div3A_39 = arith.divf %add3A_38, %max3A_12 : vector<104x128xf32>
    %get3A_40 = arith.constant 0 : index
    %get3A_41 = arith.constant 0 : index
    %get3A_42 = vector.load %arg1[%get3A_40, %get3A_41] : memref<128x128xf32, #tpu.memory_space<vmem>>, vector<128x128xf32>
    %dot_general3A = arith.constant dense<0.000000e+00> : vector<104x128xf32>
    %dot_general3A_43 = tpu.matmul %div3A, %get3A_42, %dot_general3A {dimension_numbers = #tpu.dot_dimension_numbers<[1], [0], [0], [1], [0, 0, 1, 1], [], []>, transpose_lhs_hint = false} : vector<104x128xf32>, vector<128x128xf32>, vector<104x128xf32> -> vector<104x128xf32>
    %get3A_44 = arith.constant 0 : index
    %get3A_45 = arith.constant 0 : index
    %get3A_46 = vector.load %arg2[%get3A_44, %get3A_45] : memref<128x128xf32, #tpu.memory_space<vmem>>, vector<128x128xf32>
    %dot_general3A_47 = arith.constant dense<0.000000e+00> : vector<104x128xf32>
    %dot_general3A_48 = tpu.matmul %div3A_39, %get3A_46, %dot_general3A_47 {dimension_numbers = #tpu.dot_dimension_numbers<[1], [0], [0], [1], [0, 0, 1, 1], [], []>, transpose_lhs_hint = false} : vector<104x128xf32>, vector<128x128xf32>, vector<104x128xf32> -> vector<104x128xf32>
    %add3A_49 = arith.addf %dot_general3A_43, %dot_general3A_48 : vector<104x128xf32>
    %get3A_50 = arith.constant 0 : index
    %get3A_51 = arith.constant 0 : index
    %get3A_52 = vector.load %arg7[%get3A_50, %get3A_51] : memref<1x128xf32, #tpu.memory_space<vmem>>, vector<1x128xf32>
    %add3A_53 = vector.broadcast %get3A_52 : vector<1x128xf32> to vector<104x128xf32>
    %add3A_54 = arith.addf %add3A_49, %add3A_53 : vector<104x128xf32>
    %get3A_55 = arith.constant 0 : index
    %get3A_56 = arith.constant 0 : index
    %get3A_57 = vector.load %arg3[%get3A_55, %get3A_56] : memref<128x128xf32, #tpu.memory_space<vmem>>, vector<128x128xf32>
    %dot_general3A_58 = arith.constant dense<0.000000e+00> : vector<104x128xf32>
    %dot_general3A_59 = tpu.matmul %add3A_54, %get3A_57, %dot_general3A_58 {dimension_numbers = #tpu.dot_dimension_numbers<[1], [0], [0], [1], [0, 0, 1, 1], [], []>, transpose_lhs_hint = false} : vector<104x128xf32>, vector<128x128xf32>, vector<104x128xf32> -> vector<104x128xf32>
    %get3A_60 = arith.constant 0 : index
    %get3A_61 = arith.constant 0 : index
    %get3A_62 = vector.load %arg8[%get3A_60, %get3A_61] : memref<1x128xf32, #tpu.memory_space<vmem>>, vector<1x128xf32>
    %add3A_63 = vector.broadcast %get3A_62 : vector<1x128xf32> to vector<104x128xf32>
    %add3A_64 = arith.addf %dot_general3A_59, %add3A_63 : vector<104x128xf32>
    %max3A_65 = arith.constant 0.000000e+00 : f32
    %max3A_66 = vector.broadcast %max3A_65 : f32 to vector<104x128xf32>
    %max3A_67 = arith.maximumf %add3A_64, %max3A_66 : vector<104x128xf32>
    %get3A_68 = arith.constant 0 : index
    %get3A_69 = arith.constant 0 : index
    %get3A_70 = vector.load %arg4[%get3A_68, %get3A_69] : memref<128x128xf32, #tpu.memory_space<vmem>>, vector<128x128xf32>
    %dot_general3A_71 = arith.constant dense<0.000000e+00> : vector<104x128xf32>
    %dot_general3A_72 = tpu.matmul %max3A_67, %get3A_70, %dot_general3A_71 {dimension_numbers = #tpu.dot_dimension_numbers<[1], [0], [0], [1], [0, 0, 1, 1], [], []>, transpose_lhs_hint = false} : vector<104x128xf32>, vector<128x128xf32>, vector<104x128xf32> -> vector<104x128xf32>
    %get3A_73 = arith.constant 0 : index
    %get3A_74 = arith.constant 0 : index
    %get3A_75 = vector.load %arg9[%get3A_73, %get3A_74] : memref<1x128xf32, #tpu.memory_space<vmem>>, vector<1x128xf32>
    %add3A_76 = vector.broadcast %get3A_75 : vector<1x128xf32> to vector<104x128xf32>
    %add3A_77 = arith.addf %dot_general3A_72, %add3A_76 : vector<104x128xf32>
    %get3A_78 = arith.constant 0 : index
    %get3A_79 = arith.constant 0 : index
    %get3A_80 = vector.load %arg5[%get3A_78, %get3A_79] : memref<128x128xf32, #tpu.memory_space<vmem>>, vector<128x128xf32>
    %dot_general3A_81 = arith.constant dense<0.000000e+00> : vector<104x128xf32>
    %dot_general3A_82 = tpu.matmul %add3A_77, %get3A_80, %dot_general3A_81 {dimension_numbers = #tpu.dot_dimension_numbers<[1], [0], [0], [1], [0, 0, 1, 1], [], []>, transpose_lhs_hint = false} : vector<104x128xf32>, vector<128x128xf32>, vector<104x128xf32> -> vector<104x128xf32>
    %get3A_83 = arith.constant 0 : index
    %get3A_84 = arith.constant 0 : index
    %get3A_85 = vector.load %arg10[%get3A_83, %get3A_84] : memref<1x128xf32, #tpu.memory_space<vmem>>, vector<1x128xf32>
    %add3A_86 = vector.broadcast %get3A_85 : vector<1x128xf32> to vector<104x128xf32>
    %add3A_87 = arith.addf %dot_general3A_82, %add3A_86 : vector<104x128xf32>
    %max3A_88 = arith.constant 0.000000e+00 : f32
    %max3A_89 = vector.broadcast %max3A_88 : f32 to vector<104x128xf32>
    %max3A_90 = arith.maximumf %add3A_87, %max3A_89 : vector<104x128xf32>
    %get3A_91 = arith.constant 0 : index
    %get3A_92 = arith.constant 0 : index
    %get3A_93 = vector.load %arg6[%get3A_91, %get3A_92] : memref<128x8xf32, #tpu.memory_space<vmem>>, vector<128x8xf32>
    %dot_general3A_94 = arith.constant dense<0.000000e+00> : vector<104x8xf32>
    %dot_general3A_95 = tpu.matmul %max3A_90, %get3A_93, %dot_general3A_94 {dimension_numbers = #tpu.dot_dimension_numbers<[1], [0], [0], [1], [0, 0, 1, 1], [], []>, transpose_lhs_hint = false} : vector<104x128xf32>, vector<128x8xf32>, vector<104x8xf32> -> vector<104x8xf32>
    %get3A_96 = arith.constant 0 : index
    %get3A_97 = arith.constant 0 : index
    %get3A_98 = vector.load %arg11[%get3A_96, %get3A_97] : memref<1x8xf32, #tpu.memory_space<vmem>>, vector<1x8xf32>
    %add3A_99 = vector.broadcast %get3A_98 : vector<1x8xf32> to vector<104x8xf32>
    %add3A_100 = arith.addf %dot_general3A_95, %add3A_99 : vector<104x8xf32>
    %swap3A = arith.constant 0 : index
    %swap3A_101 = arith.constant 0 : index
    %swap3A_102 = vector.load %arg12[%swap3A, %swap3A_101] : memref<104x8xf32, #tpu.memory_space<vmem>>, vector<104x8xf32>
    tpu.vector_store %arg12[%swap3A, %swap3A_101], %add3A_100 {strides = array<i32>} : memref<104x8xf32, #tpu.memory_space<vmem>>, vector<104x8xf32>,
    return
  }
}

</mosaic_0001>

<sc_bundles>
// kernel: kernel.12.cloned.1.call-start
scs
__scs_entry_jumppad:
0x0: {  	(pc) =	sbr.rel $0x88, $3  }
0x1: {  	(tag) =	ssettag $0x0;
	lr =	simm.s32 $0x1  }
0x2: {  	[smem:$0x3F8E] =	sst lr;
	_ =	strace $0xD0000000  }
0x3: {  	_ = 	snop  }
0x4: {  	_ = 	snop  }
0x5: {  	_ = 	snop  }
0x6: {  	_ = 	snop  }
0x7: {  	_ = 	snop  }
__scs_overlays_trampoline_lowered:
0x8: {  	[smem:$0x3F9D] =	sst s0  }
0x9: {  	[smem:$0x3F9E] =	sst s1  }
0xa: {  	[smem:$0x3F9F] =	sst s2  }
0xb: {  	[smem:$0x3FA0] =	sst s3  }
0xc: {  	[smem:$0x3FA1] =	sst s4  }
0xd: {  	[smem:$0x3FA2] =	sst s5  }
0xe: {  	[smem:$0x3FA3] =	sst s6  }
0xf: {  	[smem:$0x3FA4] =	sst s7  }
0x10: {  	[smem:$0x3FA5] =	sst s8  }
0x11: {  	[smem:$0x3FA6] =	sst s9;
	s0 =	simm.s32 @!p0 $0x0  }
0x12: {  	s1 =	sld [smem:$0x3F8C];
	s0 =	simm.s32 @p0 $0x1  }
0x13: {  	[smem:$0x3FA7] =	sst s0;
	s0 =	simm.s32 @!p1 $0x0  }
0x14: {  	s2 =	sld [smem:$0x3F8B];
	s0 =	simm.s32 @p1 $0x1  }
0x15: {  	[smem:$0x3FA8] =	sst s0;
	s0 =	simm.s32 @!p2 $0x0  }
0x16: {  	s3 =	sld [smem:$0x3FDB];
	s0 =	simm.s32 @p2 $0x1  }
0x17: {  	s4 =	simm.s32 $0x1BF5;
	[smem:$0x3FAA] =	sst s0  }
0x18: {  	s0 =	sld [smem:$0x3F8D];
	_ =	swait.ge [sflag:s4], $0x0  }
0x19: {  	s7 =	sld [smem:$0x3F8E]  }
0x1a: {  	s8 =	sadd.s32 $0xFFFFE003, lr  }
0x1b: {  	s9 =	sadd.s32 $0xFFFFFEF7, lr;
	s5 =	simm.s32 $0xFFFFFFFF;
	p2 =	slt.u32 s8, $0xFFFFF086  }
0x1c: {  	p1 =	slt.u32 s9, $0xF7A;
	s5 =	simm.s32 @!p2 $0x0  }
0x1d: {  	s5 =	simm.s32 @p1 $0x1;
	p0 =	seq.s32 s7, s2  }
0x1e: {  	s7 =	smul.u32 @!p0 $0xF7A, s2;
	p2 =	seq.s32 @!p0 s5, $0x0  }
0x1f: {  	s9 =	smul.u32 $0xF7A, s1;
	s8 =	simm.s32 @!p0 $0x1BF5;
	p2 =	por !p2, p0  }
0x20: {  	[sflag:s8] =	ssyncset.s32 @!p0 $0xFFFFF086;
	s6 =	sadd.s32 @!p0 s3, s7;
	s7 =	simm.s32 @!p0 $0x108  }
0x21: {  	s3 =	sadd.s32 s3, s9;
	s6 =	sadd.s32 @!p0 $0x88, s6;
	s7 =	simm.s32 @p2 $0x1082  }
0x22: {  	[simem:s7], [sflag:s8] =	dma.local @!p0 [hbm:s6], $0xF7A  }
0x23: {  	s9 =	sor.u32 $0xD0000000, s2;
	s6 =	simm.s32 $0x108;
	_ =	swait.ge @!p0 [sflag:s8], $0x0  }
0x24: {  	s3 =	sadd.s32 $0x88, s3;
	s6 =	simm.s32 @!p1 $0x1082;
	[sflag:s4] =	ssyncset.s32 $0xFFFFF086  }
0x25: {  	[simem:s6], [sflag:s4] =	dma.local [hbm:s3], $0xF7A  }
0x26: {  	[smem:$0x3F8E] =	sst s1;
	(tag) =	ssettag s2;
	_ =	strace s9  }
0x27: {  	s1 =	sld [smem:$0x3F9E]  }
0x28: {  	s2 =	sld [smem:$0x3F9F]  }
0x29: {  	s4 =	sld [smem:$0x3FA1]  }
0x2a: {  	p0 =	seq.s32 s5, $0x0;
	s5 =	sld [smem:$0x3FA2]  }
0x2b: {  	s6 =	sld [smem:$0x3FA3]  }
0x2c: {  	s7 =	sld [smem:$0x3FA4]  }
0x2d: {  	s3 =	simm.s32 $0x108;
	s8 =	sld [smem:$0x3FA5]  }
0x2e: {  	s3 =	simm.s32 @!p0 $0x1082;
	s9 =	sld [smem:$0x3FA6]  }
0x2f: {  	lr =	sadd.s32 s0, s3;
	s0 =	sld [smem:$0x3F9D]  }
0x30: {  	s3 =	sld [smem:$0x3FA0]  }
0x31: {  	[smem:$0x3FA9] =	sst s10  }
0x32: {  	s10 =	sld [smem:$0x3FA7];
	_ =	sdelay $0x3  }
0x33: {  	p0 =	seq.s32 s10, $0x1;
	s10 =	sld [smem:$0x3FA9];
	_ =	sdelay $0x3  }
0x34: {  	[smem:$0x3FA9] =	sst s10  }
0x35: {  	s10 =	sld [smem:$0x3FA8];
	_ =	sdelay $0x3  }
0x36: {  	p1 =	seq.s32 s10, $0x1;
	s10 =	sld [smem:$0x3FA9];
	_ =	sdelay $0x3  }
0x37: {  	[smem:$0x3FA9] =	sst s10  }
0x38: {  	s10 =	sld [smem:$0x3FAA]  }
0x39: {  	_ = 	snop;
	(pc) =	sbr.ind lr, $3  }
0x3a: {  	_ = 	snop  }
0x3b: {  	_ = 	snop  }
0x3c: {  	p2 =	seq.s32 s10, $0x1;
	s10 =	sld [smem:$0x3FA9]  }
0x3d: {  	_ =	shalt  }
0x3e: {  	_ =	shalt  }
0x3f: {  	_ =	shalt  }
0x40: {  	_ =	shalt  }
0x41: {  	_ =	shalt  }
0x42: {  	_ =	shalt  }
0x43: {  	_ =	shalt  }
0x44: {  	_ =	shalt  }
0x45: {  	_ =	shalt  }
0x46: {  	_ =	shalt  }
0x47: {  	_ =	shalt  }
0x48: {  	_ =	shalt  }
0x49: {  	_ =	shalt  }
0x4a: {  	_ =	shalt  }
0x4b: {  	_ =	shalt  }
0x4c: {  	_ =	shalt  }
0x4d: {  	_ =	shalt  }
0x4e: {  	_ =	shalt  }
0x4f: {  	_ =	shalt  }
0x50: {  	_ =	shalt  }
0x51: {  	_ =	shalt  }
0x52: {  	_ =	shalt  }
0x53: {  	_ =	shalt  }
0x54: {  	_ =	shalt  }
0x55: {  	_ =	shalt  }
0x56: {  	_ =	shalt  }
0x57: {  	_ =	shalt  }
0x58: {  	_ =	shalt  }
0x59: {  	_ =	shalt  }
0x5a: {  	_ =	shalt  }
0x5b: {  	_ =	shalt  }
0x5c: {  	_ =	shalt  }
0x5d: {  	_ =	shalt  }
0x5e: {  	_ =	shalt  }
0x5f: {  	_ =	shalt  }
0x60: {  	_ =	shalt  }
0x61: {  	_ =	shalt  }
0x62: {  	_ =	shalt  }
0x63: {  	_ =	shalt  }
0x64: {  	_ =	shalt  }
0x65: {  	_ =	shalt  }
0x66: {  	_ =	shalt  }
0x67: {  	_ =	shalt  }
0x68: {  	_ =	shalt  }
0x69: {  	_ =	shalt  }
0x6a: {  	_ =	shalt  }
0x6b: {  	_ =	shalt  }
0x6c: {  	_ =	shalt  }
0x6d: {  	_ =	shalt  }
0x6e: {  	_ =	shalt  }
0x6f: {  	_ =	shalt  }
0x70: {  	_ =	shalt  }
0x71: {  	_ =	shalt  }
0x72: {  	_ =	shalt  }
0x73: {  	_ =	shalt  }
0x74: {  	_ =	shalt  }
0x75: {  	_ =	shalt  }
0x76: {  	_ =	shalt  }
0x77: {  	_ =	shalt  }
0x78: {  	_ =	shalt  }
0x79: {  	_ =	shalt  }
0x7a: {  	_ =	shalt  }
0x7b: {  	_ =	shalt  }
0x7c: {  	_ =	shalt  }
0x7d: {  	_ =	shalt  }
0x7e: {  	_ =	shalt  }
0x7f: {  	_ =	shalt  }
0x80: {  	_ =	shalt  }
0x81: {  	_ =	shalt  }
0x82: {  	_ =	shalt  }
0x83: {  	_ =	shalt  }
0x84: {  	_ =	shalt  }
0x85: {  	_ =	shalt  }
0x86: {  	_ =	shalt  }
0x87: {  	_ =	shalt  }
.Lfunc_end0:
.L_simem_size_0:
called_computation_lowered:
.L_overlay_start_0:
0x88: {  	s2 =	sld [smem:$0x3FD9]  }
0x89: {  	s3 =	sld [smem:$0x3FFE];
	_ =	sdelay $0x1  }
0x8a: {  	s1 =	srdreg.scid  }
0x8b: {  	s0 =	sand.u32 $0x1, s1  }
0x8c: {  	s17 =	sshll.u32 s0, $0xA;
	s2 =	sadd.s32 s3, s2  }
0x8d: {  	s2 =	sadd.s32 s2, s17  }
0x8e: {  	[smem:$0x3FB5] =	sst s2  }
0x8f: {  	_ = 	snop  }
0x90: {  	s2 =	sld [smem:$0x3FC9];
	(tm) =	ssettm $0x1  }
0x91: {  	s18 =	sld [smem:$0x3FFB];
	_ =	sdelay $0x3  }
0x92: {  	_ =	strace s18  }
0x93: {  	s3 =	sld [smem:$0x3FFC];
	_ =	sdelay $0x3  }
0x94: {  	_ =	strace s3  }
0x95: {  	s3 =	sld [smem:$0x3FFD];
	_ =	sdelay $0x3  }
0x96: {  	_ =	strace s3  }
0x97: {  	_ =	strace $0x8FFFFFFF  }
0x98: {  	s19 =	sld [smem:$0x3FDB];
	_ =	sdelay $0x1  }
0x99: {  	s4 =	simm.s32 $_scs_section_size  }
0x9a: {  	s5 =	simm.s32 $_size__tile_overlayer_lowered;
	s6 =	simm.s32 $_tile_overlayer_lowered  }
0x9b: {  	s22 =	simm.s32 $0x1BFF;
	s21 =	sshll.u32 s6, $0x1;
	s3 =	sadd.s32 s4, s19  }
0x9c: {  	s7 =	simm.s32 $0x0;
	s20 =	sshll.u32 s5, $0x1;
	s5 =	sadd.s32 s21, s3  }
0x9d: {  	[timem:s7], [sflag:s22] =	dma.local [hbm:s5], s20  }
0x9e: {  	_ =	swait.ge [sflag:s22], s20  }
0x9f: {  	s4 =	ssub.s32 $0x0, s20;
	[sflag:s22] =	ssyncset.done $0x0  }
0xa0: {  	[sflag:s22] =	ssyncadd.s32 s4;
	_ =	sdelay $0x1  }
0xa1: {  	s23 =	simm.s32 $0x1B8B  }
0xa2: {  	_ =	swait.ge [sflag:s23], $0x1  }
0xa3: {  	[sflag:s23] =	ssyncset.done $0x0  }
0xa4: {  	s25 =	simm.s32 $0x1B8E;
	s24 =	sld [smem:$0x3FFE];
	[sflag:s23] =	ssyncadd.s32 $0xFFFFFFFF  }
0xa5: {  	s26 =	simm.s32 $execute0_lowered;
	[smem:$0x3FD2] =	sst s25  }
0xa6: {  	s5 =	sshll.u32 s26, $0x1;
	_ =	strace $0x80000046;
	[dreg:$0x1] =	wrdreg $0xFFFFFFFF  }
0xa7: {  	s28 =	simm.s32 $_size_execute0_lowered;
	s3 =	sadd.s32 s3, s5;
	[dreg:$0x0] =	wrdreg $0x0  }
0xa8: {  	s5 =	sshll.u32 s28, $0x1;
	[dreg:$0x2] =	wrdreg s3  }
0xa9: {  	[dreg:$0x3] =	wrdreg s5  }
0xaa: {  	[dreg:$0x4] =	wrdreg $0xC0  }
0xab: {  	_ =	task [dreg:s7], $0x5FFFF  }
0xac: {  	[dreg:$0x1] =	wrdreg $0xFFFFFFFF  }
0xad: {  	[dreg:$0x0] =	wrdreg $0x60  }
0xae: {  	[dreg:$0x2] =	wrdreg s24  }
0xaf: {  	[dreg:$0x3] =	wrdreg s2  }
0xb0: {  	[dreg:$0x4] =	wrdreg $0x150000  }
0xb1: {  	[dreg:$0x5] =	wrdreg $0x9  }
0xb2: {  	_ =	task.clear_ibuf [dreg:s7], $0x6FFFF;
	_ =	strace $0x90000046  }
0xb3: {  	s29 =	simm.s32 $0x9;
	_ =	strace $0x80000048  }
0xb4: {  	_ =	swait.ge [sflag:s29], $0x1  }
0xb5: {  	[sflag:s29] =	ssyncadd.s32 $0xFFFFFFFF  }
0xb6: {  	_ =	strace $0x90000048  }
0xb7: {  	_ =	sfence  }
0xb8: {  	s30 =	sld [smem:$0x0];
	_ =	sdelay $0x2  }
0xb9: {  	s31 =	sshll.u32 s1, $0xD;
	s1 =	sshrl.u32 s1, $0x2  }
0xba: {  	s3 =	sand.u32 $0x4000, s31;
	s1 =	sadd.s32 s1, s30  }
0xbb: {  	s0 =	sor.u32 s3, s0;
	s1 =	sshll.u32 s1, $0x11  }
0xbc: {  	s0 =	sor.u32 s1, s0  }
0xbd: {  	s0 =	sadd.s32 $0x8F2B, s0  }
0xbe: {  	[sflag:s0] =	ssyncadd.remote.s32 $0x1  }
0xbf: {  	_ =	sfence.sel $0xFFFF  }
0xc0: {  	[dreg:$0x0] =	wrdreg $0xFFFFFFFF;
	(pc) =	sbr.abs _section_cstart, $3  }
0xc1: {  	[dreg:$0x1] =	wrdreg $0xFFFFFFFF  }
0xc2: {  	_ =	task.clear_ibuf [dreg:s7], $0x2FFFF;
	_ =	strace $0x9FFFFFFF  }
0xc3: {  	(tm) =	ssettm $0x7FFFFFFF  }
tec
execute0_lowered:
.L_overlay_start_1:
0x0: {  	(tag) =	ssettag $0x1  }
0x1: {  	s6 =	rddreg [dreg:$0x0]  }
0x2: {  	s2 =	rddreg [dreg:$0x1]  }
0x3: {  	s3 =	rddreg [dreg:$0x2]  }
0x4: {  	s0 =	rddreg [dreg:$0x3]  }
0x5: {  	s4 =	simm.s32 $0x0;
	s1 =	stileid.u32;
	s5 =	srdreg.scid  }
0x6: {  	s17 =	simm.s32 $0x10000;
	s18 =	simm.s32 $0x2;
	s20 =	simm.s32 $0x12800  }
0x7: {  	s21 =	simm.s32 $0x0;
	[smem:$0x7FF] =	sst s4;
	s7 =	sshll.u32 s1, $0xC  }
0x8: {  	s8 =	sand.u32 $0x1, s5;
	s5 =	sadd.s32 $0x26800, s6;
	s10 =	smul.u32 $0x138, s1  }
0x9: {  	s11 =	sadd.s32 $0x28000, s6;
	s12 =	smul.u32 $0x27000, s1;
	s14 =	sadd.s32 $0x92400, s3  }
0xa: {  	p0 =	seq.s32 s1, $0xF;
	_ =	strace $0x80000047;
	s19 =	smul.u32 $0x1388, s8  }
0xb: {  	s7 =	sadd.s32 s7, s6;
	s9 =	ssub.s32 $0x2, s8;
	s8 =	smul.u32 $0x9C400, s8  }
0xc: {  	s16 =	sshll.u32 @!p0 s1, $0x6;
	s26 =	sshrl.u32 s9, $0x1;
	s6 =	sadd.s32 $0x6800, s7  }
0xd: {  	s7 =	sadd.s32 $0x16800, s7;
	s28 =	sshrl.u32 s12, $0x2;
	s12 =	simm.s32 $0x8000  }
0xe: {  	s13 =	ssub.s32 s9, s26;
	s10 =	sadd.s32 s10, s19;
	s15 =	sadd.s32 s28, s3  }
0xf: {  	s30 =	sshrl.u32 s8, $0x3;
	v0 =	vmov s19;
	s19 =	simm.s32 $0xFC80;
	s29 =	sshll.u32 s10, $0x4  }
0x10: {  	s31 =	sadd.s32 s11, s30;
	s10 =	smax.u32 s13, $0x1;
	s13 =	sshrl.u32 @p0 s14, $0x3  }
0x11: {  	s14 =	sor.u32 @!p0 $0x1C03, s16;
	s15 =	sshrl.u32 @!p0 s15, $0x3;
	s16 =	simm.s32 $0x50  }
0x12: {  	v1 =	vlaneseq.u32;
	s8 =	sadd.s32 s11, s29;
	s9 =	sadd.s32 $0x12480, s31;
	s11 =	simm.s32 $0x3  }
.LBB2_1:
0x13: {  	[tilespmem:s4], [sflag:$0x3] =	stream.linear.gather [hbm4b:s6+s4], $0x7D00, $0x38;
	[tilespmem:$0x1ED80] =	vst v63  }
0x14: {  	_ =	swait.ge [sflag:s11], $0x7D00  }
0x15: {  	[sflag:s11] =	ssyncset.done $0x0  }
0x16: {  	[sflag:s11] =	ssyncadd.s32 $0xFFFF8300  }
0x17: {  	[tilespmem:s12], [sflag:$0x3] =	stream.linear.gather [hbm4b:s7+s4], $0x7D00, $0x38;
	[tilespmem:$0x1ED80] =	vst v63  }
0x18: {  	_ =	swait.ge [sflag:s11], $0x7D00  }
0x19: {  	[sflag:s11] =	ssyncset.done $0x0  }
0x1a: {  	s22 =	simm.s32 $0x0;
	[sflag:s11] =	ssyncadd.s32 $0xFFFF8300  }
0x1b: {  	v2 =	vld [tilespmem:s22+$0x8040]  }
0x1c: {  	v3 =	vld [tilespmem:s22+$0x8030];
	_ =	sdelay $0x1  }
0x1d: {  	v6 =	vld [tilespmem:s22+$0x8000];
	_ =	sdelay $0x1  }
0x1e: {  	v9 =	vsub.s32 v2, v0;
	v2 =	vadd.s32 v1, v2  }
0x1f: {  	v4 =	vsub.s32 v3, v0;
	v5 =	vand.u32 $0x1F, v2;
	v2 =	vld [tilespmem:s22+$0x8010]  }
0x20: {  	v7 =	vadd.s32 v1, v3;
	v3 =	vld [tilespmem:s22+$0x8020];
	vm0 =	vlt.u32 v9, $0x1388;
	v10 =	vadd.s32 $0x1388, v5  }
0x21: {  	s23 =	simm.s32 $0x200;
	v8 =	vadd.s32 v1, v6;
	v5 =	vsub.s32 v6, v0;
	v6 =	vsel vm0, v9, v10  }
.LBB2_2:
0x22: {  	s24 =	sshra.s32 s23, $0x2;
	p1 =	sne.s32 s23, $0x1F200;
	s23 =	sadd.s32 $0x200, s23;
	vm0 =	vlt.u32 v5, $0x1388;
	v8 =	vand.u32 $0x1F, v8;
	v7 =	vand.u32 $0x1F, v7  }
0x23: {  	vm1 =	vlt.u32 v4, $0x1388;
	v8 =	vadd.s32 $0x1388, v8;
	v7 =	vadd.s32 $0x1388, v7;
	[tilespmem:s22+$0x8040] =	vst v6  }
0x24: {  	v6 =	vld [tilespmem:s24+$0x8040];
	v5 =	vsel vm0, v5, v8;
	v8 =	vadd.s32 v1, v2;
	v4 =	vsel vm1, v4, v7  }
0x25: {  	v2 =	vsub.s32 v2, v0;
	v7 =	vsub.s32 v3, v0;
	v3 =	vadd.s32 v1, v3;
	[tilespmem:s22+$0x8030] =	vst v4  }
0x26: {  	vm0 =	vlt.u32 v2, $0x1388;
	v4 =	vand.u32 $0x1F, v8;
	v9 =	vld [tilespmem:s24+$0x8030];
	[tilespmem:s22+$0x8000] =	vst v5;
	v3 =	vand.u32 $0x1F, v3  }
0x27: {  	v4 =	vadd.s32 $0x1388, v4;
	vm1 =	vlt.u32 v7, $0x1388;
	v8 =	vld [tilespmem:s24+$0x8000];
	v3 =	vadd.s32 $0x1388, v3  }
.Ltmp0:
0x28: {  	v2 =	vsel vm0, v2, v4;
	v3 =	vsel vm1, v7, v3;
	(pc) =	sbr.rel @p1 .LBB2_2-.Ltmp0, $4  }
0x29: {  	v10 =	vsub.s32 v6, v0;
	v4 =	vadd.s32 v1, v6;
	[tilespmem:s22+$0x8010] =	vst v2  }
0x2a: {  	v2 =	vld [tilespmem:s24+$0x8010];
	vm0 =	vlt.u32 v10, $0x1388;
	v5 =	vand.u32 $0x1F, v4;
	[tilespmem:s22+$0x8020] =	vst v3;
	s22 =	smov.u32 s24  }
0x2b: {  	v3 =	vld [tilespmem:s22+$0x8020];
	v4 =	vsub.s32 v9, v0;
	v7 =	vadd.s32 v1, v9;
	v6 =	vadd.s32 $0x1388, v5  }
0x2c: {  	v5 =	vsub.s32 v8, v0;
	v8 =	vadd.s32 v1, v8;
	v6 =	vsel vm0, v10, v6  }
0x2d: {  	v8 =	vand.u32 $0x1F, v8  }
0x2e: {  	vm0 =	vlt.u32 v5, $0x1388;
	v7 =	vand.u32 $0x1F, v7;
	v8 =	vadd.s32 $0x1388, v8  }
0x2f: {  	vm1 =	vlt.u32 v4, $0x1388;
	v7 =	vadd.s32 $0x1388, v7;
	v5 =	vsel vm0, v5, v8  }
0x30: {  	v60 =	vadd.s32 v1, v2;
	v4 =	vsel vm1, v4, v7;
	v2 =	vsub.s32 v2, v0  }
0x31: {  	[tilespmem:s22+$0x8040] =	vst v6;
	v61 =	vsub.s32 v3, v0;
	v3 =	vadd.s32 v1, v3;
	v62 =	vand.u32 $0x1F, v60  }
0x32: {  	[tilespmem:s22+$0x8030] =	vst v4;
	vm14 =	vlt.u32 v2, $0x1388;
	v3 =	vand.u32 $0x1F, v3;
	v63 =	vadd.s32 $0x1388, v62  }
0x33: {  	[tilespmem:s22+$0x8000] =	vst v5;
	vm15 =	vlt.u32 v61, $0x1388;
	v3 =	vadd.s32 $0x1388, v3;
	v2 =	vsel vm14, v2, v63  }
0x34: {  	v3 =	vsel vm15, v61, v3;
	[tilespmem:s22+$0x8010] =	vst v2  }
0x35: {  	[tilespmem:s22+$0x8020] =	vst v3;
	s22 =	simm.s32 @p0 $0x1FC3  }
0x36: {  	[spmem:s13], [sflag:s22] =	dma.local @p0 [hbm:s5], $0x1680  }
0x37: {  	s22 =	simm.s32 @p0 $0x3  }
0x38: {  	_ =	swait.ge @p0 [sflag:s22], $0x1680  }
0x39: {  	[sflag:s22] =	ssyncset.done @p0 $0x0  }
0x3a: {  	s23 =	simm.s32 $0x1;
	[sflag:s22] =	ssyncadd.s32 @p0 $0xFFFFE980;
	s22 =	simm.s32 @!p0 $0x3  }
0x3b: {  	[spmem:s15], [sflag:s14] =	dma.local @!p0 [hbm:s5], $0x1380  }
0x3c: {  	s30 =	sand.u32 $0x1, s23;
	_ =	swait.ge @!p0 [sflag:s22], $0x1380  }
0x3d: {  	s24 =	simm.s32 $0x0;
	s23 =	smul.u32 $0xA000, s30;
	[sflag:s22] =	ssyncset.done @!p0 $0x0  }
0x3e: {  	s25 =	simm.s32 $0x80;
	s24 =	sand.u32 $0x1, s24;
	[sflag:s22] =	ssyncadd.s32 @!p0 $0xFFFFEC80  }
0x3f: {  	s26 =	smul.u32 $0xA000, s24;
	s23 =	sshrl.u32 s23, $0x2;
	[bflag:$0x0] =	sbarrier.arrive $0xFFFF  }
0x40: {  	[tilespmem:s17], [sflag:$0x1] =	stream.indirect.gather [hbm4b:s2+s16], $0x80, s4, s16, $0xb8;
	[tilespmem:$0x1ED80] =	vst v63  }
0x41: {  	s24 =	sadd.s32 $0x1, s24;
	s23 =	sor.u32 $0x10000, s23;
	s22 =	sadd.s32 $0x1, s30  }
0x42: {  	[tilespmem:s23], [sflag:s22] =	stream.indirect.gather [hbm4b:s2+s16], $0x80, s25, s16, $0xb8;
	[tilespmem:$0x1ED80] =	vst v63  }
0x43: {  	s31 =	sshrl.u32 s26, $0x2;
	s26 =	simm.s32 $0x3;
	_ =	swait.ge [sflag:s24], $0x2800  }
0x44: {  	s22 =	simm.s32 $0x8000;
	s25 =	simm.s32 $0x2;
	[sflag:s24] =	ssyncset.done $0x0  }
0x45: {  	s23 =	sor.u32 $0x10000, s31;
	[sflag:s24] =	ssyncadd.s32 $0xFFFFD800;
	s24 =	sand.u32 $0x1, s25  }
0x46: {  	[spmem:s3] =	stream.indirect.scatter.add.f32 [tilespmem:s23], [sflag:$0x3], $0x80, s22, s16, $0xb8;
	[tilespmem:$0x1ED80] =	vst v63  }
0x47: {  	s28 =	smul.u32 $0xA000, s24;
	s23 =	simm.s32 $0x100;
	_ =	swait.ge [sflag:s11], $0x2800  }
.LBB2_4:
0x48: {  	[sflag:s11] =	ssyncset.done $0x0  }
0x49: {  	s22 =	sadd.s32 $0x80, s22;
	s29 =	smov.u32 s26;
	s30 =	sadd.s32 $0x1, s26  }
0x4a: {  	s25 =	sadd.s32 $0xFFFFFFFF, s25;
	s28 =	sshrl.u32 s28, $0x2;
	[sflag:s11] =	ssyncadd.s32 $0xFFFFD800  }
0x4b: {  	s24 =	sadd.s32 $0x1, s24;
	s25 =	sand.u32 $0x1, s25;
	s28 =	sor.u32 $0x10000, s28  }
0x4c: {  	p1 =	sne.s32 s26, $0xF9;
	s26 =	smul.u32 $0xA000, s25;
	s31 =	sadd.s32 $0x1, s25  }
0x4d: {  	[tilespmem:s28], [sflag:s24] =	stream.indirect.gather [hbm4b:s2+s16], $0x80, s23, s16, $0xb8;
	[tilespmem:$0x1ED80] =	vst v63  }
.Ltmp1:
0x4e: {  	s24 =	sshrl.u32 s26, $0x2;
	_ =	swait.ge [sflag:s31], $0x2800;
	(pc) =	sbr.rel @p1 .LBB2_4-.Ltmp1, $4  }
0x4f: {  	s25 =	smov.u32 s29;
	s26 =	sor.u32 $0x10000, s24;
	[sflag:s31] =	ssyncset.done $0x0  }
0x50: {  	s23 =	sadd.s32 $0x80, s23;
	s24 =	sand.u32 $0x1, s25;
	[sflag:s31] =	ssyncadd.s32 $0xFFFFD800  }
0x51: {  	[spmem:s3] =	stream.indirect.scatter.add.f32 [tilespmem:s26], [sflag:$0x3], $0x80, s22, s16, $0xb8;
	[tilespmem:$0x1ED80] =	vst v63  }
0x52: {  	s28 =	smul.u32 $0xA000, s24;
	s26 =	smov.u32 s30;
	_ =	swait.ge [sflag:s11], $0x2800  }
0x53: {  	[sflag:s11] =	ssyncset.done $0x0;
	s25 =	sadd.s32 $0xFFFFFFFF, s25;
	s24 =	sadd.s32 $0x1, s24  }
0x54: {  	s26 =	sshrl.u32 s28, $0x2;
	[sflag:s11] =	ssyncadd.s32 $0xFFFFD800;
	s25 =	sand.u32 $0x1, s25  }
0x55: {  	s26 =	sor.u32 $0x10000, s26;
	s30 =	smul.u32 $0xA000, s25;
	s25 =	sadd.s32 $0x1, s25  }
0x56: {  	[tilespmem:s26], [sflag:s24] =	stream.indirect.gather [hbm4b:s2+s16], $0x80, s23, s16, $0xb8;
	[tilespmem:$0x1ED80] =	vst v63  }
0x57: {  	_ =	swait.ge [sflag:s25], $0x2800  }
0x58: {  	s31 =	sshrl.u32 s30, $0x2;
	[sflag:s25] =	ssyncset.done $0x0  }
0x59: {  	s22 =	sadd.s32 $0x80, s22;
	s23 =	sor.u32 $0x10000, s31;
	[sflag:s25] =	ssyncadd.s32 $0xFFFFD800  }
0x5a: {  	[spmem:s3] =	stream.indirect.scatter.add.f32 [tilespmem:s23], [sflag:$0x3], $0x80, s22, s16, $0xb8;
	[tilespmem:$0x1ED80] =	vst v63  }
0x5b: {  	_ =	swait.ge [sflag:s11], $0x2800  }
0x5c: {  	[sflag:s11] =	ssyncset.done $0x0  }
0x5d: {  	[sflag:s11] =	ssyncadd.s32 $0xFFFFD800  }
0x5e: {  	_ =	swait.ge [sflag:s18], $0x2800  }
0x5f: {  	[sflag:s18] =	ssyncset.done $0x0  }
0x60: {  	[sflag:s18] =	ssyncadd.s32 $0xFFFFD800  }
0x61: {  	[spmem:s3] =	stream.indirect.scatter.add.f32 [tilespmem:s20], [sflag:$0x3], $0x80, s19, s16, $0xb8;
	[tilespmem:$0x1ED80] =	vst v63  }
0x62: {  	_ =	swait.ge [sflag:s11], $0x2800  }
0x63: {  	[sflag:s11] =	ssyncset.done $0x0  }
0x64: {  	[sflag:s11] =	ssyncadd.s32 $0xFFFFD800  }
0x65: {  	s22 =	simm.s32 @p0 $0x1FC3;
	[bflag:$0x0] =	sbarrier.arrive $0xFFFF  }
0x66: {  	[hbm:s9], [sflag:s22] =	dma.local @p0 [spmem:s13], $0x1400  }
0x67: {  	s22 =	simm.s32 @p0 $0x3  }
0x68: {  	s21 =	sadd.s32 $0x1, s21;
	_ =	swait.ge @p0 [sflag:s22], $0x1400  }
0x69: {  	p1 =	sne.s32 s21, s10;
	[sflag:s22] =	ssyncset.done @p0 $0x0  }
.Ltmp2:
0x6a: {  	[sflag:s22] =	ssyncadd.s32 @p0 $0xFFFFEC00;
	s22 =	simm.s32 @!p0 $0x3;
	(pc) =	sbr.rel @p1 .LBB2_1-.Ltmp2, $4  }
0x6b: {  	[hbm:s8], [sflag:s14] =	dma.local @!p0 [spmem:s15], $0x1380  }
0x6c: {  	_ =	swait.ge @!p0 [sflag:s22], $0x1380  }
0x6d: {  	[sflag:s22] =	ssyncset.done @!p0 $0x0  }
0x6e: {  	[sflag:s22] =	ssyncadd.s32 @!p0 $0xFFFFEC80  }
0x6f: {  	_ =	sfence.sel $0x180000  }
0x70: {  	[bflag:$0x0] =	sbarrier.arrive $0xFFFF  }
0x71: {  	p0 =	sne.s32 s1, $0x0;
	_ =	strace $0x90000047  }
0x72: {  	s0 =	sadd.s32 @!p0 $0x100000, s0;
	[bflag:$0x2] =	sbarrier.arrive $0xFFFF  }
0x73: {  	[sflag:s0] =	ssyncadd.tile.s32 @!p0 $0x1;
	_ =	shalt  }
.Lfunc_end2:
_tile_overlayer_lowered:
.L_overlay_start_2:
0x74: {  	(tag) =	ssettag $0x2  }
0x75: {  	s0 =	rddreg [dreg:$0x0];
	s2 =	stileid.u32  }
0x76: {  	s1 =	rddreg [dreg:$0x1];
	p0 =	sne.s32 s2, $0x0  }
0x77: {  	s3 =	rddreg [dreg:$0x2];
	[bflag:$0x3] =	sbarrier.arrive $0xFFFF;
	s2 =	simm.s32 @!p0 $0x1C03  }
0x78: {  	[timem:s3], [sflag:s2] =	dma.local @!p0 [hbm:s0], s1  }
0x79: {  	s0 =	simm.s32 @!p0 $0x3  }
0x7a: {  	_ =	swait.ge @!p0 [sflag:s0], s1  }
0x7b: {  	s1 =	ssub.s32 @!p0 $0x0, s1;
	[sflag:s0] =	ssyncset.done @!p0 $0x0  }
0x7c: {  	[sflag:s0] =	ssyncadd.s32 @!p0 s1  }
0x7d: {  	[bflag:$0x3] =	sbarrier.arrive $0xFFFF  }
0x7e: {  	_ =	shalt  }

// kernel: kernel.15.cloned.1.call-start
scs
__scs_entry_jumppad:
0x0: {  	(pc) =	sbr.rel $0x88, $3  }
0x1: {  	(tag) =	ssettag $0x0;
	lr =	simm.s32 $0x1  }
0x2: {  	[smem:$0x3F8E] =	sst lr;
	_ =	strace $0xD0000000  }
0x3: {  	_ = 	snop  }
0x4: {  	_ = 	snop  }
0x5: {  	_ = 	snop  }
0x6: {  	_ = 	snop  }
0x7: {  	_ = 	snop  }
__scs_overlays_trampoline_lowered:
0x8: {  	[smem:$0x3F9D] =	sst s0  }
0x9: {  	[smem:$0x3F9E] =	sst s1  }
0xa: {  	[smem:$0x3F9F] =	sst s2  }
0xb: {  	[smem:$0x3FA0] =	sst s3  }
0xc: {  	[smem:$0x3FA1] =	sst s4  }
0xd: {  	[smem:$0x3FA2] =	sst s5  }
0xe: {  	[smem:$0x3FA3] =	sst s6  }
0xf: {  	[smem:$0x3FA4] =	sst s7  }
0x10: {  	[smem:$0x3FA5] =	sst s8  }
0x11: {  	[smem:$0x3FA6] =	sst s9;
	s0 =	simm.s32 @!p0 $0x0  }
0x12: {  	s1 =	sld [smem:$0x3F8C];
	s0 =	simm.s32 @p0 $0x1  }
0x13: {  	[smem:$0x3FA7] =	sst s0;
	s0 =	simm.s32 @!p1 $0x0  }
0x14: {  	s2 =	sld [smem:$0x3F8B];
	s0 =	simm.s32 @p1 $0x1  }
0x15: {  	[smem:$0x3FA8] =	sst s0;
	s0 =	simm.s32 @!p2 $0x0  }
0x16: {  	s3 =	sld [smem:$0x3FDB];
	s0 =	simm.s32 @p2 $0x1  }
0x17: {  	s4 =	simm.s32 $0x1BF5;
	[smem:$0x3FAA] =	sst s0  }
0x18: {  	s0 =	sld [smem:$0x3F8D];
	_ =	swait.ge [sflag:s4], $0x0  }
0x19: {  	s7 =	sld [smem:$0x3F8E]  }
0x1a: {  	s8 =	sadd.s32 $0xFFFFE003, lr  }
0x1b: {  	s9 =	sadd.s32 $0xFFFFFEF7, lr;
	s5 =	simm.s32 $0xFFFFFFFF;
	p2 =	slt.u32 s8, $0xFFFFF086  }
0x1c: {  	p1 =	slt.u32 s9, $0xF7A;
	s5 =	simm.s32 @!p2 $0x0  }
0x1d: {  	s5 =	simm.s32 @p1 $0x1;
	p0 =	seq.s32 s7, s2  }
0x1e: {  	s7 =	smul.u32 @!p0 $0xF7A, s2;
	p2 =	seq.s32 @!p0 s5, $0x0  }
0x1f: {  	s9 =	smul.u32 $0xF7A, s1;
	s8 =	simm.s32 @!p0 $0x1BF5;
	p2 =	por !p2, p0  }
0x20: {  	[sflag:s8] =	ssyncset.s32 @!p0 $0xFFFFF086;
	s6 =	sadd.s32 @!p0 s3, s7;
	s7 =	simm.s32 @!p0 $0x108  }
0x21: {  	s3 =	sadd.s32 s3, s9;
	s6 =	sadd.s32 @!p0 $0x88, s6;
	s7 =	simm.s32 @p2 $0x1082  }
0x22: {  	[simem:s7], [sflag:s8] =	dma.local @!p0 [hbm:s6], $0xF7A  }
0x23: {  	s9 =	sor.u32 $0xD0000000, s2;
	s6 =	simm.s32 $0x108;
	_ =	swait.ge @!p0 [sflag:s8], $0x0  }
0x24: {  	s3 =	sadd.s32 $0x88, s3;
	s6 =	simm.s32 @!p1 $0x1082;
	[sflag:s4] =	ssyncset.s32 $0xFFFFF086  }
0x25: {  	[simem:s6], [sflag:s4] =	dma.local [hbm:s3], $0xF7A  }
0x26: {  	[smem:$0x3F8E] =	sst s1;
	(tag) =	ssettag s2;
	_ =	strace s9  }
0x27: {  	s1 =	sld [smem:$0x3F9E]  }
0x28: {  	s2 =	sld [smem:$0x3F9F]  }
0x29: {  	s4 =	sld [smem:$0x3FA1]  }
0x2a: {  	p0 =	seq.s32 s5, $0x0;
	s5 =	sld [smem:$0x3FA2]  }
0x2b: {  	s6 =	sld [smem:$0x3FA3]  }
0x2c: {  	s7 =	sld [smem:$0x3FA4]  }
0x2d: {  	s3 =	simm.s32 $0x108;
	s8 =	sld [smem:$0x3FA5]  }
0x2e: {  	s3 =	simm.s32 @!p0 $0x1082;
	s9 =	sld [smem:$0x3FA6]  }
0x2f: {  	lr =	sadd.s32 s0, s3;
	s0 =	sld [smem:$0x3F9D]  }
0x30: {  	s3 =	sld [smem:$0x3FA0]  }
0x31: {  	[smem:$0x3FA9] =	sst s10  }
0x32: {  	s10 =	sld [smem:$0x3FA7];
	_ =	sdelay $0x3  }
0x33: {  	p0 =	seq.s32 s10, $0x1;
	s10 =	sld [smem:$0x3FA9];
	_ =	sdelay $0x3  }
0x34: {  	[smem:$0x3FA9] =	sst s10  }
0x35: {  	s10 =	sld [smem:$0x3FA8];
	_ =	sdelay $0x3  }
0x36: {  	p1 =	seq.s32 s10, $0x1;
	s10 =	sld [smem:$0x3FA9];
	_ =	sdelay $0x3  }
0x37: {  	[smem:$0x3FA9] =	sst s10  }
0x38: {  	s10 =	sld [smem:$0x3FAA]  }
0x39: {  	_ = 	snop;
	(pc) =	sbr.ind lr, $3  }
0x3a: {  	_ = 	snop  }
0x3b: {  	_ = 	snop  }
0x3c: {  	p2 =	seq.s32 s10, $0x1;
	s10 =	sld [smem:$0x3FA9]  }
0x3d: {  	_ =	shalt  }
0x3e: {  	_ =	shalt  }
0x3f: {  	_ =	shalt  }
0x40: {  	_ =	shalt  }
0x41: {  	_ =	shalt  }
0x42: {  	_ =	shalt  }
0x43: {  	_ =	shalt  }
0x44: {  	_ =	shalt  }
0x45: {  	_ =	shalt  }
0x46: {  	_ =	shalt  }
0x47: {  	_ =	shalt  }
0x48: {  	_ =	shalt  }
0x49: {  	_ =	shalt  }
0x4a: {  	_ =	shalt  }
0x4b: {  	_ =	shalt  }
0x4c: {  	_ =	shalt  }
0x4d: {  	_ =	shalt  }
0x4e: {  	_ =	shalt  }
0x4f: {  	_ =	shalt  }
0x50: {  	_ =	shalt  }
0x51: {  	_ =	shalt  }
0x52: {  	_ =	shalt  }
0x53: {  	_ =	shalt  }
0x54: {  	_ =	shalt  }
0x55: {  	_ =	shalt  }
0x56: {  	_ =	shalt  }
0x57: {  	_ =	shalt  }
0x58: {  	_ =	shalt  }
0x59: {  	_ =	shalt  }
0x5a: {  	_ =	shalt  }
0x5b: {  	_ =	shalt  }
0x5c: {  	_ =	shalt  }
0x5d: {  	_ =	shalt  }
0x5e: {  	_ =	shalt  }
0x5f: {  	_ =	shalt  }
0x60: {  	_ =	shalt  }
0x61: {  	_ =	shalt  }
0x62: {  	_ =	shalt  }
0x63: {  	_ =	shalt  }
0x64: {  	_ =	shalt  }
0x65: {  	_ =	shalt  }
0x66: {  	_ =	shalt  }
0x67: {  	_ =	shalt  }
0x68: {  	_ =	shalt  }
0x69: {  	_ =	shalt  }
0x6a: {  	_ =	shalt  }
0x6b: {  	_ =	shalt  }
0x6c: {  	_ =	shalt  }
0x6d: {  	_ =	shalt  }
0x6e: {  	_ =	shalt  }
0x6f: {  	_ =	shalt  }
0x70: {  	_ =	shalt  }
0x71: {  	_ =	shalt  }
0x72: {  	_ =	shalt  }
0x73: {  	_ =	shalt  }
0x74: {  	_ =	shalt  }
0x75: {  	_ =	shalt  }
0x76: {  	_ =	shalt  }
0x77: {  	_ =	shalt  }
0x78: {  	_ =	shalt  }
0x79: {  	_ =	shalt  }
0x7a: {  	_ =	shalt  }
0x7b: {  	_ =	shalt  }
0x7c: {  	_ =	shalt  }
0x7d: {  	_ =	shalt  }
0x7e: {  	_ =	shalt  }
0x7f: {  	_ =	shalt  }
0x80: {  	_ =	shalt  }
0x81: {  	_ =	shalt  }
0x82: {  	_ =	shalt  }
0x83: {  	_ =	shalt  }
0x84: {  	_ =	shalt  }
0x85: {  	_ =	shalt  }
0x86: {  	_ =	shalt  }
0x87: {  	_ =	shalt  }
.Lfunc_end0:
.L_simem_size_0:
called_computation.1_lowered:
.L_overlay_start_0:
0x88: {  	s2 =	sld [smem:$0x3FD9]  }
0x89: {  	s3 =	sld [smem:$0x3FFE];
	_ =	sdelay $0x1  }
0x8a: {  	s1 =	srdreg.scid  }
0x8b: {  	s0 =	sand.u32 $0x1, s1  }
0x8c: {  	s16 =	sshll.u32 s0, $0xA;
	s2 =	sadd.s32 s3, s2  }
0x8d: {  	s2 =	sadd.s32 s2, s16  }
0x8e: {  	[smem:$0x3FB5] =	sst s2  }
0x8f: {  	_ = 	snop  }
0x90: {  	(tm) =	ssettm $0x1  }
0x91: {  	s17 =	sld [smem:$0x3FFB];
	_ =	sdelay $0x3  }
0x92: {  	_ =	strace s17  }
0x93: {  	s2 =	sld [smem:$0x3FFC];
	_ =	sdelay $0x3  }
0x94: {  	_ =	strace s2  }
0x95: {  	s2 =	sld [smem:$0x3FFD];
	_ =	sdelay $0x3  }
0x96: {  	_ =	strace s2  }
0x97: {  	_ =	strace $0x8FFFFFFF  }
0x98: {  	s18 =	sld [smem:$0x3FDB];
	_ =	sdelay $0x1  }
0x99: {  	s19 =	simm.s32 $_scs_section_size  }
0x9a: {  	s4 =	simm.s32 $_size__tile_overlayer_lowered;
	s5 =	simm.s32 $_tile_overlayer_lowered  }
0x9b: {  	s22 =	simm.s32 $0x1BFF;
	s21 =	sshll.u32 s5, $0x1;
	s2 =	sadd.s32 s19, s18  }
0x9c: {  	s6 =	simm.s32 $0x0;
	s20 =	sshll.u32 s4, $0x1;
	s4 =	sadd.s32 s21, s2  }
0x9d: {  	[timem:s6], [sflag:s22] =	dma.local [hbm:s4], s20  }
0x9e: {  	_ =	swait.ge [sflag:s22], s20  }
0x9f: {  	s3 =	ssub.s32 $0x0, s20;
	[sflag:s22] =	ssyncset.done $0x0  }
0xa0: {  	[sflag:s22] =	ssyncadd.s32 s3;
	_ =	sdelay $0x1  }
0xa1: {  	s23 =	simm.s32 $0x1B8B  }
0xa2: {  	_ =	swait.ge [sflag:s23], $0x1  }
0xa3: {  	[sflag:s23] =	ssyncset.done $0x0  }
0xa4: {  	s25 =	simm.s32 $0x1B8E;
	s24 =	sld [smem:$0x3FFE];
	[sflag:s23] =	ssyncadd.s32 $0xFFFFFFFF  }
0xa5: {  	s26 =	simm.s32 $execute0_lowered;
	[smem:$0x3FD2] =	sst s25  }
0xa6: {  	s4 =	sshll.u32 s26, $0x1;
	_ =	strace $0x80000049;
	[dreg:$0x1] =	wrdreg $0xFFFFFFFF  }
0xa7: {  	s28 =	simm.s32 $_size_execute0_lowered;
	s2 =	sadd.s32 s2, s4;
	[dreg:$0x0] =	wrdreg $0x0  }
0xa8: {  	s4 =	sshll.u32 s28, $0x1;
	[dreg:$0x2] =	wrdreg s2  }
0xa9: {  	[dreg:$0x3] =	wrdreg s4  }
0xaa: {  	[dreg:$0x4] =	wrdreg $0xC0  }
0xab: {  	_ =	task [dreg:s6], $0x5FFFF  }
0xac: {  	[dreg:$0x1] =	wrdreg $0xFFFFFFFF  }
0xad: {  	[dreg:$0x0] =	wrdreg $0x60  }
0xae: {  	[dreg:$0x2] =	wrdreg s24  }
0xaf: {  	[dreg:$0x3] =	wrdreg $0x150000  }
0xb0: {  	[dreg:$0x4] =	wrdreg $0x9  }
0xb1: {  	_ =	task.clear_ibuf [dreg:s6], $0x5FFFF;
	_ =	strace $0x90000049  }
0xb2: {  	s29 =	simm.s32 $0x9;
	_ =	strace $0x8000004B  }
0xb3: {  	_ =	swait.ge [sflag:s29], $0x1  }
0xb4: {  	[sflag:s29] =	ssyncadd.s32 $0xFFFFFFFF  }
0xb5: {  	_ =	strace $0x9000004B  }
0xb6: {  	_ =	sfence  }
0xb7: {  	s30 =	sld [smem:$0x0];
	_ =	sdelay $0x2  }
0xb8: {  	s31 =	sshll.u32 s1, $0xD;
	s1 =	sshrl.u32 s1, $0x2  }
0xb9: {  	s3 =	sand.u32 $0x4000, s31;
	s1 =	sadd.s32 s1, s30  }
0xba: {  	s0 =	sor.u32 s3, s0;
	s1 =	sshll.u32 s1, $0x11  }
0xbb: {  	s0 =	sor.u32 s1, s0  }
0xbc: {  	s0 =	sadd.s32 $0x8F2B, s0  }
0xbd: {  	[sflag:s0] =	ssyncadd.remote.s32 $0x1  }
0xbe: {  	_ =	sfence.sel $0xFFFF  }
0xbf: {  	[dreg:$0x0] =	wrdreg $0xFFFFFFFF;
	(pc) =	sbr.abs _section_cstart, $3  }
0xc0: {  	[dreg:$0x1] =	wrdreg $0xFFFFFFFF  }
0xc1: {  	_ =	task.clear_ibuf [dreg:s6], $0x2FFFF;
	_ =	strace $0x9FFFFFFF  }
0xc2: {  	(tm) =	ssettm $0x7FFFFFFF  }
0xc3: {  	_ =	shalt  }
tec
execute0_lowered:
.L_overlay_start_1:
0x0: {  	(tag) =	ssettag $0x1  }
0x1: {  	s6 =	rddreg [dreg:$0x0]  }
0x2: {  	s2 =	rddreg [dreg:$0x1]  }
0x3: {  	s0 =	rddreg [dreg:$0x2];
	s3 =	simm.s32 $0x0  }
0x4: {  	s1 =	stileid.u32;
	s4 =	srdreg.scid;
	s17 =	simm.s32 $0x10000  }
0x5: {  	s18 =	simm.s32 $0x2;
	s20 =	simm.s32 $0x12800;
	s21 =	simm.s32 $0x0  }
0x6: {  	[smem:$0x7FF] =	sst s3;
	s5 =	sshll.u32 s1, $0xC;
	s7 =	sand.u32 $0x1, s4  }
0x7: {  	s4 =	sadd.s32 $0x26800, s6;
	s10 =	smul.u32 $0x138, s1;
	s11 =	sadd.s32 $0x76400, s6  }
0x8: {  	s12 =	smul.u32 $0x27000, s1;
	s14 =	sadd.s32 $0x92400, s2;
	p0 =	seq.s32 s1, $0xF  }
0x9: {  	_ =	strace $0x8000004A;
	s8 =	sadd.s32 s5, s6;
	s19 =	smul.u32 $0x1388, s7  }
0xa: {  	s5 =	sadd.s32 $0x4F200, s6;
	s9 =	ssub.s32 $0x2, s7;
	s29 =	smul.u32 $0x9C400, s7  }
0xb: {  	s16 =	sshll.u32 @!p0 s1, $0x6;
	s28 =	sshrl.u32 s9, $0x1;
	s6 =	sadd.s32 $0x6800, s8  }
0xc: {  	s7 =	sadd.s32 $0x16800, s8;
	s30 =	sshrl.u32 s12, $0x2;
	s12 =	simm.s32 $0x8000  }
0xd: {  	s13 =	ssub.s32 s9, s28;
	s10 =	sadd.s32 s10, s19;
	s15 =	sadd.s32 s30, s2  }
0xe: {  	s9 =	sshrl.u32 s29, $0x3;
	v0 =	vmov s19;
	s19 =	simm.s32 $0xFC80;
	s31 =	sshll.u32 s10, $0x4  }
0xf: {  	s9 =	sadd.s32 s11, s9;
	s10 =	smax.u32 s13, $0x1;
	s13 =	sshrl.u32 @p0 s14, $0x3  }
0x10: {  	s14 =	sor.u32 @!p0 $0x1C03, s16;
	s15 =	sshrl.u32 @!p0 s15, $0x3;
	s16 =	simm.s32 $0x50  }
0x11: {  	v1 =	vlaneseq.u32;
	s8 =	sadd.s32 s11, s31;
	s9 =	sadd.s32 $0x12480, s9;
	s11 =	simm.s32 $0x3  }
.LBB2_1:
0x12: {  	[tilespmem:s3], [sflag:$0x3] =	stream.linear.gather [hbm4b:s6+s3], $0x7D00, $0x38;
	[tilespmem:$0x1ED80] =	vst v63  }
0x13: {  	_ =	swait.ge [sflag:s11], $0x7D00  }
0x14: {  	[sflag:s11] =	ssyncset.done $0x0  }
0x15: {  	[sflag:s11] =	ssyncadd.s32 $0xFFFF8300  }
0x16: {  	[tilespmem:s12], [sflag:$0x3] =	stream.linear.gather [hbm4b:s7+s3], $0x7D00, $0x38;
	[tilespmem:$0x1ED80] =	vst v63  }
0x17: {  	_ =	swait.ge [sflag:s11], $0x7D00  }
0x18: {  	[sflag:s11] =	ssyncset.done $0x0  }
0x19: {  	s22 =	simm.s32 $0x0;
	[sflag:s11] =	ssyncadd.s32 $0xFFFF8300  }
0x1a: {  	v2 =	vld [tilespmem:s22+$0x8040]  }
0x1b: {  	v3 =	vld [tilespmem:s22+$0x8030];
	_ =	sdelay $0x1  }
0x1c: {  	v6 =	vld [tilespmem:s22+$0x8000];
	_ =	sdelay $0x1  }
0x1d: {  	v9 =	vsub.s32 v2, v0;
	v2 =	vadd.s32 v1, v2  }
0x1e: {  	v4 =	vsub.s32 v3, v0;
	v5 =	vand.u32 $0x1F, v2;
	v2 =	vld [tilespmem:s22+$0x8010]  }
0x1f: {  	v7 =	vadd.s32 v1, v3;
	v3 =	vld [tilespmem:s22+$0x8020];
	vm0 =	vlt.u32 v9, $0x1388;
	v10 =	vadd.s32 $0x1388, v5  }
0x20: {  	s23 =	simm.s32 $0x200;
	v8 =	vadd.s32 v1, v6;
	v5 =	vsub.s32 v6, v0;
	v6 =	vsel vm0, v9, v10  }
.LBB2_2:
0x21: {  	s24 =	sshra.s32 s23, $0x2;
	p1 =	sne.s32 s23, $0x1F200;
	s23 =	sadd.s32 $0x200, s23;
	vm0 =	vlt.u32 v5, $0x1388;
	v8 =	vand.u32 $0x1F, v8;
	v7 =	vand.u32 $0x1F, v7  }
0x22: {  	vm1 =	vlt.u32 v4, $0x1388;
	v8 =	vadd.s32 $0x1388, v8;
	v7 =	vadd.s32 $0x1388, v7;
	[tilespmem:s22+$0x8040] =	vst v6  }
0x23: {  	v6 =	vld [tilespmem:s24+$0x8040];
	v5 =	vsel vm0, v5, v8;
	v8 =	vadd.s32 v1, v2;
	v4 =	vsel vm1, v4, v7  }
0x24: {  	v2 =	vsub.s32 v2, v0;
	v7 =	vsub.s32 v3, v0;
	v3 =	vadd.s32 v1, v3;
	[tilespmem:s22+$0x8030] =	vst v4  }
0x25: {  	vm0 =	vlt.u32 v2, $0x1388;
	v4 =	vand.u32 $0x1F, v8;
	v9 =	vld [tilespmem:s24+$0x8030];
	[tilespmem:s22+$0x8000] =	vst v5;
	v3 =	vand.u32 $0x1F, v3  }
0x26: {  	v4 =	vadd.s32 $0x1388, v4;
	vm1 =	vlt.u32 v7, $0x1388;
	v8 =	vld [tilespmem:s24+$0x8000];
	v3 =	vadd.s32 $0x1388, v3  }
.Ltmp0:
0x27: {  	v2 =	vsel vm0, v2, v4;
	v3 =	vsel vm1, v7, v3;
	(pc) =	sbr.rel @p1 .LBB2_2-.Ltmp0, $4  }
0x28: {  	v10 =	vsub.s32 v6, v0;
	v4 =	vadd.s32 v1, v6;
	[tilespmem:s22+$0x8010] =	vst v2  }
0x29: {  	v2 =	vld [tilespmem:s24+$0x8010];
	vm0 =	vlt.u32 v10, $0x1388;
	v5 =	vand.u32 $0x1F, v4;
	[tilespmem:s22+$0x8020] =	vst v3;
	s22 =	smov.u32 s24  }
0x2a: {  	v3 =	vld [tilespmem:s22+$0x8020];
	v4 =	vsub.s32 v9, v0;
	v7 =	vadd.s32 v1, v9;
	v6 =	vadd.s32 $0x1388, v5  }
0x2b: {  	v5 =	vsub.s32 v8, v0;
	v8 =	vadd.s32 v1, v8;
	v6 =	vsel vm0, v10, v6  }
0x2c: {  	v8 =	vand.u32 $0x1F, v8  }
0x2d: {  	vm0 =	vlt.u32 v5, $0x1388;
	v7 =	vand.u32 $0x1F, v7;
	v8 =	vadd.s32 $0x1388, v8  }
0x2e: {  	vm1 =	vlt.u32 v4, $0x1388;
	v7 =	vadd.s32 $0x1388, v7;
	v5 =	vsel vm0, v5, v8  }
0x2f: {  	v60 =	vadd.s32 v1, v2;
	v4 =	vsel vm1, v4, v7;
	v2 =	vsub.s32 v2, v0  }
0x30: {  	[tilespmem:s22+$0x8040] =	vst v6;
	v61 =	vsub.s32 v3, v0;
	v3 =	vadd.s32 v1, v3;
	v62 =	vand.u32 $0x1F, v60  }
0x31: {  	[tilespmem:s22+$0x8030] =	vst v4;
	vm14 =	vlt.u32 v2, $0x1388;
	v3 =	vand.u32 $0x1F, v3;
	v63 =	vadd.s32 $0x1388, v62  }
0x32: {  	[tilespmem:s22+$0x8000] =	vst v5;
	vm15 =	vlt.u32 v61, $0x1388;
	v3 =	vadd.s32 $0x1388, v3;
	v2 =	vsel vm14, v2, v63  }
0x33: {  	v3 =	vsel vm15, v61, v3;
	[tilespmem:s22+$0x8010] =	vst v2  }
0x34: {  	[tilespmem:s22+$0x8020] =	vst v3;
	s22 =	simm.s32 @p0 $0x1FC3  }
0x35: {  	[spmem:s13], [sflag:s22] =	dma.local @p0 [hbm:s4], $0x1680  }
0x36: {  	s22 =	simm.s32 @p0 $0x3  }
0x37: {  	_ =	swait.ge @p0 [sflag:s22], $0x1680  }
0x38: {  	[sflag:s22] =	ssyncset.done @p0 $0x0  }
0x39: {  	s23 =	simm.s32 $0x1;
	[sflag:s22] =	ssyncadd.s32 @p0 $0xFFFFE980;
	s22 =	simm.s32 @!p0 $0x3  }
0x3a: {  	[spmem:s15], [sflag:s14] =	dma.local @!p0 [hbm:s4], $0x1380  }
0x3b: {  	s30 =	sand.u32 $0x1, s23;
	_ =	swait.ge @!p0 [sflag:s22], $0x1380  }
0x3c: {  	s24 =	simm.s32 $0x0;
	s23 =	smul.u32 $0xA000, s30;
	[sflag:s22] =	ssyncset.done @!p0 $0x0  }
0x3d: {  	s25 =	simm.s32 $0x80;
	s24 =	sand.u32 $0x1, s24;
	[sflag:s22] =	ssyncadd.s32 @!p0 $0xFFFFEC80  }
0x3e: {  	s26 =	smul.u32 $0xA000, s24;
	s23 =	sshrl.u32 s23, $0x2;
	[bflag:$0x0] =	sbarrier.arrive $0xFFFF  }
0x3f: {  	[tilespmem:s17], [sflag:$0x1] =	stream.indirect.gather [hbm4b:s5+s16], $0x80, s3, s16, $0xb8;
	[tilespmem:$0x1ED80] =	vst v63  }
0x40: {  	s24 =	sadd.s32 $0x1, s24;
	s23 =	sor.u32 $0x10000, s23;
	s22 =	sadd.s32 $0x1, s30  }
0x41: {  	[tilespmem:s23], [sflag:s22] =	stream.indirect.gather [hbm4b:s5+s16], $0x80, s25, s16, $0xb8;
	[tilespmem:$0x1ED80] =	vst v63  }
0x42: {  	s31 =	sshrl.u32 s26, $0x2;
	s26 =	simm.s32 $0x3;
	_ =	swait.ge [sflag:s24], $0x2800  }
0x43: {  	s22 =	simm.s32 $0x8000;
	s25 =	simm.s32 $0x2;
	[sflag:s24] =	ssyncset.done $0x0  }
0x44: {  	s23 =	sor.u32 $0x10000, s31;
	[sflag:s24] =	ssyncadd.s32 $0xFFFFD800;
	s24 =	sand.u32 $0x1, s25  }
0x45: {  	[spmem:s2] =	stream.indirect.scatter.add.f32 [tilespmem:s23], [sflag:$0x3], $0x80, s22, s16, $0xb8;
	[tilespmem:$0x1ED80] =	vst v63  }
0x46: {  	s28 =	smul.u32 $0xA000, s24;
	s23 =	simm.s32 $0x100;
	_ =	swait.ge [sflag:s11], $0x2800  }
.LBB2_4:
0x47: {  	[sflag:s11] =	ssyncset.done $0x0  }
0x48: {  	s22 =	sadd.s32 $0x80, s22;
	s29 =	smov.u32 s26;
	s30 =	sadd.s32 $0x1, s26  }
0x49: {  	s25 =	sadd.s32 $0xFFFFFFFF, s25;
	s28 =	sshrl.u32 s28, $0x2;
	[sflag:s11] =	ssyncadd.s32 $0xFFFFD800  }
0x4a: {  	s24 =	sadd.s32 $0x1, s24;
	s25 =	sand.u32 $0x1, s25;
	s28 =	sor.u32 $0x10000, s28  }
0x4b: {  	p1 =	sne.s32 s26, $0xF9;
	s26 =	smul.u32 $0xA000, s25;
	s31 =	sadd.s32 $0x1, s25  }
0x4c: {  	[tilespmem:s28], [sflag:s24] =	stream.indirect.gather [hbm4b:s5+s16], $0x80, s23, s16, $0xb8;
	[tilespmem:$0x1ED80] =	vst v63  }
.Ltmp1:
0x4d: {  	s24 =	sshrl.u32 s26, $0x2;
	_ =	swait.ge [sflag:s31], $0x2800;
	(pc) =	sbr.rel @p1 .LBB2_4-.Ltmp1, $4  }
0x4e: {  	s25 =	smov.u32 s29;
	s26 =	sor.u32 $0x10000, s24;
	[sflag:s31] =	ssyncset.done $0x0  }
0x4f: {  	s23 =	sadd.s32 $0x80, s23;
	s24 =	sand.u32 $0x1, s25;
	[sflag:s31] =	ssyncadd.s32 $0xFFFFD800  }
0x50: {  	[spmem:s2] =	stream.indirect.scatter.add.f32 [tilespmem:s26], [sflag:$0x3], $0x80, s22, s16, $0xb8;
	[tilespmem:$0x1ED80] =	vst v63  }
0x51: {  	s28 =	smul.u32 $0xA000, s24;
	s26 =	smov.u32 s30;
	_ =	swait.ge [sflag:s11], $0x2800  }
0x52: {  	[sflag:s11] =	ssyncset.done $0x0;
	s25 =	sadd.s32 $0xFFFFFFFF, s25;
	s24 =	sadd.s32 $0x1, s24  }
0x53: {  	s26 =	sshrl.u32 s28, $0x2;
	[sflag:s11] =	ssyncadd.s32 $0xFFFFD800;
	s25 =	sand.u32 $0x1, s25  }
0x54: {  	s26 =	sor.u32 $0x10000, s26;
	s30 =	smul.u32 $0xA000, s25;
	s25 =	sadd.s32 $0x1, s25  }
0x55: {  	[tilespmem:s26], [sflag:s24] =	stream.indirect.gather [hbm4b:s5+s16], $0x80, s23, s16, $0xb8;
	[tilespmem:$0x1ED80] =	vst v63  }
0x56: {  	_ =	swait.ge [sflag:s25], $0x2800  }
0x57: {  	s31 =	sshrl.u32 s30, $0x2;
	[sflag:s25] =	ssyncset.done $0x0  }
0x58: {  	s22 =	sadd.s32 $0x80, s22;
	s23 =	sor.u32 $0x10000, s31;
	[sflag:s25] =	ssyncadd.s32 $0xFFFFD800  }
0x59: {  	[spmem:s2] =	stream.indirect.scatter.add.f32 [tilespmem:s23], [sflag:$0x3], $0x80, s22, s16, $0xb8;
	[tilespmem:$0x1ED80] =	vst v63  }
0x5a: {  	_ =	swait.ge [sflag:s11], $0x2800  }
0x5b: {  	[sflag:s11] =	ssyncset.done $0x0  }
0x5c: {  	[sflag:s11] =	ssyncadd.s32 $0xFFFFD800  }
0x5d: {  	_ =	swait.ge [sflag:s18], $0x2800  }
0x5e: {  	[sflag:s18] =	ssyncset.done $0x0  }
0x5f: {  	[sflag:s18] =	ssyncadd.s32 $0xFFFFD800  }
0x60: {  	[spmem:s2] =	stream.indirect.scatter.add.f32 [tilespmem:s20], [sflag:$0x3], $0x80, s19, s16, $0xb8;
	[tilespmem:$0x1ED80] =	vst v63  }
0x61: {  	_ =	swait.ge [sflag:s11], $0x2800  }
0x62: {  	[sflag:s11] =	ssyncset.done $0x0  }
0x63: {  	[sflag:s11] =	ssyncadd.s32 $0xFFFFD800  }
0x64: {  	s22 =	simm.s32 @p0 $0x1FC3;
	[bflag:$0x0] =	sbarrier.arrive $0xFFFF  }
0x65: {  	[hbm:s9], [sflag:s22] =	dma.local @p0 [spmem:s13], $0x1400  }
0x66: {  	s22 =	simm.s32 @p0 $0x3  }
0x67: {  	s21 =	sadd.s32 $0x1, s21;
	_ =	swait.ge @p0 [sflag:s22], $0x1400  }
0x68: {  	p1 =	sne.s32 s21, s10;
	[sflag:s22] =	ssyncset.done @p0 $0x0  }
.Ltmp2:
0x69: {  	[sflag:s22] =	ssyncadd.s32 @p0 $0xFFFFEC00;
	s22 =	simm.s32 @!p0 $0x3;
	(pc) =	sbr.rel @p1 .LBB2_1-.Ltmp2, $4  }
0x6a: {  	[hbm:s8], [sflag:s14] =	dma.local @!p0 [spmem:s15], $0x1380  }
0x6b: {  	_ =	swait.ge @!p0 [sflag:s22], $0x1380  }
0x6c: {  	[sflag:s22] =	ssyncset.done @!p0 $0x0  }
0x6d: {  	[sflag:s22] =	ssyncadd.s32 @!p0 $0xFFFFEC80  }
0x6e: {  	_ =	sfence.sel $0x180000  }
0x6f: {  	[bflag:$0x0] =	sbarrier.arrive $0xFFFF  }
0x70: {  	p0 =	sne.s32 s1, $0x0;
	_ =	strace $0x9000004A  }
0x71: {  	s0 =	sadd.s32 @!p0 $0x100000, s0;
	[bflag:$0x2] =	sbarrier.arrive $0xFFFF  }
0x72: {  	[sflag:s0] =	ssyncadd.tile.s32 @!p0 $0x1;
	_ =	shalt  }
.Lfunc_end2:
_tile_overlayer_lowered:
.L_overlay_start_2:
0x73: {  	(tag) =	ssettag $0x2  }
0x74: {  	s0 =	rddreg [dreg:$0x0];
	s2 =	stileid.u32  }
0x75: {  	s1 =	rddreg [dreg:$0x1];
	p0 =	sne.s32 s2, $0x0  }
0x76: {  	s3 =	rddreg [dreg:$0x2];
	[bflag:$0x3] =	sbarrier.arrive $0xFFFF;
	s2 =	simm.s32 @!p0 $0x1C03  }
0x77: {  	[timem:s3], [sflag:s2] =	dma.local @!p0 [hbm:s0], s1  }
0x78: {  	s0 =	simm.s32 @!p0 $0x3  }
0x79: {  	_ =	swait.ge @!p0 [sflag:s0], s1  }
0x7a: {  	s1 =	ssub.s32 @!p0 $0x0, s1;
	[sflag:s0] =	ssyncset.done @!p0 $0x0  }
0x7b: {  	[sflag:s0] =	ssyncadd.s32 @!p0 s1  }
0x7c: {  	[bflag:$0x3] =	sbarrier.arrive $0xFFFF  }
0x7d: {  	_ =	shalt  }

// kernel: kernel.18.cloned.1.call-start
scs
__scs_entry_jumppad:
0x0: {  	(pc) =	sbr.rel $0x88, $3  }
0x1: {  	(tag) =	ssettag $0x0;
	lr =	simm.s32 $0x1  }
0x2: {  	[smem:$0x3F8E] =	sst lr;
	_ =	strace $0xD0000000  }
0x3: {  	_ = 	snop  }
0x4: {  	_ = 	snop  }
0x5: {  	_ = 	snop  }
0x6: {  	_ = 	snop  }
0x7: {  	_ = 	snop  }
__scs_overlays_trampoline_lowered:
0x8: {  	[smem:$0x3F9D] =	sst s0  }
0x9: {  	[smem:$0x3F9E] =	sst s1  }
0xa: {  	[smem:$0x3F9F] =	sst s2  }
0xb: {  	[smem:$0x3FA0] =	sst s3  }
0xc: {  	[smem:$0x3FA1] =	sst s4  }
0xd: {  	[smem:$0x3FA2] =	sst s5  }
0xe: {  	[smem:$0x3FA3] =	sst s6  }
0xf: {  	[smem:$0x3FA4] =	sst s7  }
0x10: {  	[smem:$0x3FA5] =	sst s8  }
0x11: {  	[smem:$0x3FA6] =	sst s9;
	s0 =	simm.s32 @!p0 $0x0  }
0x12: {  	s1 =	sld [smem:$0x3F8C];
	s0 =	simm.s32 @p0 $0x1  }
0x13: {  	[smem:$0x3FA7] =	sst s0;
	s0 =	simm.s32 @!p1 $0x0  }
0x14: {  	s2 =	sld [smem:$0x3F8B];
	s0 =	simm.s32 @p1 $0x1  }
0x15: {  	[smem:$0x3FA8] =	sst s0;
	s0 =	simm.s32 @!p2 $0x0  }
0x16: {  	s3 =	sld [smem:$0x3FDB];
	s0 =	simm.s32 @p2 $0x1  }
0x17: {  	s4 =	simm.s32 $0x1BF5;
	[smem:$0x3FAA] =	sst s0  }
0x18: {  	s0 =	sld [smem:$0x3F8D];
	_ =	swait.ge [sflag:s4], $0x0  }
0x19: {  	s7 =	sld [smem:$0x3F8E]  }
0x1a: {  	s8 =	sadd.s32 $0xFFFFE003, lr  }
0x1b: {  	s9 =	sadd.s32 $0xFFFFFEF7, lr;
	s5 =	simm.s32 $0xFFFFFFFF;
	p2 =	slt.u32 s8, $0xFFFFF086  }
0x1c: {  	p1 =	slt.u32 s9, $0xF7A;
	s5 =	simm.s32 @!p2 $0x0  }
0x1d: {  	s5 =	simm.s32 @p1 $0x1;
	p0 =	seq.s32 s7, s2  }
0x1e: {  	s7 =	smul.u32 @!p0 $0xF7A, s2;
	p2 =	seq.s32 @!p0 s5, $0x0  }
0x1f: {  	s9 =	smul.u32 $0xF7A, s1;
	s8 =	simm.s32 @!p0 $0x1BF5;
	p2 =	por !p2, p0  }
0x20: {  	[sflag:s8] =	ssyncset.s32 @!p0 $0xFFFFF086;
	s6 =	sadd.s32 @!p0 s3, s7;
	s7 =	simm.s32 @!p0 $0x108  }
0x21: {  	s3 =	sadd.s32 s3, s9;
	s6 =	sadd.s32 @!p0 $0x88, s6;
	s7 =	simm.s32 @p2 $0x1082  }
0x22: {  	[simem:s7], [sflag:s8] =	dma.local @!p0 [hbm:s6], $0xF7A  }
0x23: {  	s9 =	sor.u32 $0xD0000000, s2;
	s6 =	simm.s32 $0x108;
	_ =	swait.ge @!p0 [sflag:s8], $0x0  }
0x24: {  	s3 =	sadd.s32 $0x88, s3;
	s6 =	simm.s32 @!p1 $0x1082;
	[sflag:s4] =	ssyncset.s32 $0xFFFFF086  }
0x25: {  	[simem:s6], [sflag:s4] =	dma.local [hbm:s3], $0xF7A  }
0x26: {  	[smem:$0x3F8E] =	sst s1;
	(tag) =	ssettag s2;
	_ =	strace s9  }
0x27: {  	s1 =	sld [smem:$0x3F9E]  }
0x28: {  	s2 =	sld [smem:$0x3F9F]  }
0x29: {  	s4 =	sld [smem:$0x3FA1]  }
0x2a: {  	p0 =	seq.s32 s5, $0x0;
	s5 =	sld [smem:$0x3FA2]  }
0x2b: {  	s6 =	sld [smem:$0x3FA3]  }
0x2c: {  	s7 =	sld [smem:$0x3FA4]  }
0x2d: {  	s3 =	simm.s32 $0x108;
	s8 =	sld [smem:$0x3FA5]  }
0x2e: {  	s3 =	simm.s32 @!p0 $0x1082;
	s9 =	sld [smem:$0x3FA6]  }
0x2f: {  	lr =	sadd.s32 s0, s3;
	s0 =	sld [smem:$0x3F9D]  }
0x30: {  	s3 =	sld [smem:$0x3FA0]  }
0x31: {  	[smem:$0x3FA9] =	sst s10  }
0x32: {  	s10 =	sld [smem:$0x3FA7];
	_ =	sdelay $0x3  }
0x33: {  	p0 =	seq.s32 s10, $0x1;
	s10 =	sld [smem:$0x3FA9];
	_ =	sdelay $0x3  }
0x34: {  	[smem:$0x3FA9] =	sst s10  }
0x35: {  	s10 =	sld [smem:$0x3FA8];
	_ =	sdelay $0x3  }
0x36: {  	p1 =	seq.s32 s10, $0x1;
	s10 =	sld [smem:$0x3FA9];
	_ =	sdelay $0x3  }
0x37: {  	[smem:$0x3FA9] =	sst s10  }
0x38: {  	s10 =	sld [smem:$0x3FAA]  }
0x39: {  	_ = 	snop;
	(pc) =	sbr.ind lr, $3  }
0x3a: {  	_ = 	snop  }
0x3b: {  	_ = 	snop  }
0x3c: {  	p2 =	seq.s32 s10, $0x1;
	s10 =	sld [smem:$0x3FA9]  }
0x3d: {  	_ =	shalt  }
0x3e: {  	_ =	shalt  }
0x3f: {  	_ =	shalt  }
0x40: {  	_ =	shalt  }
0x41: {  	_ =	shalt  }
0x42: {  	_ =	shalt  }
0x43: {  	_ =	shalt  }
0x44: {  	_ =	shalt  }
0x45: {  	_ =	shalt  }
0x46: {  	_ =	shalt  }
0x47: {  	_ =	shalt  }
0x48: {  	_ =	shalt  }
0x49: {  	_ =	shalt  }
0x4a: {  	_ =	shalt  }
0x4b: {  	_ =	shalt  }
0x4c: {  	_ =	shalt  }
0x4d: {  	_ =	shalt  }
0x4e: {  	_ =	shalt  }
0x4f: {  	_ =	shalt  }
0x50: {  	_ =	shalt  }
0x51: {  	_ =	shalt  }
0x52: {  	_ =	shalt  }
0x53: {  	_ =	shalt  }
0x54: {  	_ =	shalt  }
0x55: {  	_ =	shalt  }
0x56: {  	_ =	shalt  }
0x57: {  	_ =	shalt  }
0x58: {  	_ =	shalt  }
0x59: {  	_ =	shalt  }
0x5a: {  	_ =	shalt  }
0x5b: {  	_ =	shalt  }
0x5c: {  	_ =	shalt  }
0x5d: {  	_ =	shalt  }
0x5e: {  	_ =	shalt  }
0x5f: {  	_ =	shalt  }
0x60: {  	_ =	shalt  }
0x61: {  	_ =	shalt  }
0x62: {  	_ =	shalt  }
0x63: {  	_ =	shalt  }
0x64: {  	_ =	shalt  }
0x65: {  	_ =	shalt  }
0x66: {  	_ =	shalt  }
0x67: {  	_ =	shalt  }
0x68: {  	_ =	shalt  }
0x69: {  	_ =	shalt  }
0x6a: {  	_ =	shalt  }
0x6b: {  	_ =	shalt  }
0x6c: {  	_ =	shalt  }
0x6d: {  	_ =	shalt  }
0x6e: {  	_ =	shalt  }
0x6f: {  	_ =	shalt  }
0x70: {  	_ =	shalt  }
0x71: {  	_ =	shalt  }
0x72: {  	_ =	shalt  }
0x73: {  	_ =	shalt  }
0x74: {  	_ =	shalt  }
0x75: {  	_ =	shalt  }
0x76: {  	_ =	shalt  }
0x77: {  	_ =	shalt  }
0x78: {  	_ =	shalt  }
0x79: {  	_ =	shalt  }
0x7a: {  	_ =	shalt  }
0x7b: {  	_ =	shalt  }
0x7c: {  	_ =	shalt  }
0x7d: {  	_ =	shalt  }
0x7e: {  	_ =	shalt  }
0x7f: {  	_ =	shalt  }
0x80: {  	_ =	shalt  }
0x81: {  	_ =	shalt  }
0x82: {  	_ =	shalt  }
0x83: {  	_ =	shalt  }
0x84: {  	_ =	shalt  }
0x85: {  	_ =	shalt  }
0x86: {  	_ =	shalt  }
0x87: {  	_ =	shalt  }
.Lfunc_end0:
.L_simem_size_0:
called_computation.2_lowered:
.L_overlay_start_0:
0x88: {  	s2 =	sld [smem:$0x3FD9]  }
0x89: {  	s3 =	sld [smem:$0x3FFE];
	_ =	sdelay $0x1  }
0x8a: {  	s1 =	srdreg.scid  }
0x8b: {  	s0 =	sand.u32 $0x1, s1  }
0x8c: {  	s16 =	sshll.u32 s0, $0xA;
	s2 =	sadd.s32 s3, s2  }
0x8d: {  	s2 =	sadd.s32 s2, s16  }
0x8e: {  	[smem:$0x3FB5] =	sst s2  }
0x8f: {  	_ = 	snop  }
0x90: {  	(tm) =	ssettm $0x1  }
0x91: {  	s17 =	sld [smem:$0x3FFB];
	_ =	sdelay $0x3  }
0x92: {  	_ =	strace s17  }
0x93: {  	s2 =	sld [smem:$0x3FFC];
	_ =	sdelay $0x3  }
0x94: {  	_ =	strace s2  }
0x95: {  	s2 =	sld [smem:$0x3FFD];
	_ =	sdelay $0x3  }
0x96: {  	_ =	strace s2  }
0x97: {  	_ =	strace $0x8FFFFFFF  }
0x98: {  	s18 =	sld [smem:$0x3FDB];
	_ =	sdelay $0x1  }
0x99: {  	s19 =	simm.s32 $_scs_section_size  }
0x9a: {  	s4 =	simm.s32 $_size__tile_overlayer_lowered;
	s5 =	simm.s32 $_tile_overlayer_lowered  }
0x9b: {  	s22 =	simm.s32 $0x1BFF;
	s21 =	sshll.u32 s5, $0x1;
	s2 =	sadd.s32 s19, s18  }
0x9c: {  	s6 =	simm.s32 $0x0;
	s20 =	sshll.u32 s4, $0x1;
	s4 =	sadd.s32 s21, s2  }
0x9d: {  	[timem:s6], [sflag:s22] =	dma.local [hbm:s4], s20  }
0x9e: {  	_ =	swait.ge [sflag:s22], s20  }
0x9f: {  	s3 =	ssub.s32 $0x0, s20;
	[sflag:s22] =	ssyncset.done $0x0  }
0xa0: {  	[sflag:s22] =	ssyncadd.s32 s3;
	_ =	sdelay $0x1  }
0xa1: {  	s23 =	simm.s32 $0x1B8B  }
0xa2: {  	_ =	swait.ge [sflag:s23], $0x1  }
0xa3: {  	[sflag:s23] =	ssyncset.done $0x0  }
0xa4: {  	s25 =	simm.s32 $0x1B8E;
	s24 =	sld [smem:$0x3FFE];
	[sflag:s23] =	ssyncadd.s32 $0xFFFFFFFF  }
0xa5: {  	s26 =	simm.s32 $execute0_lowered;
	[smem:$0x3FD2] =	sst s25  }
0xa6: {  	s4 =	sshll.u32 s26, $0x1;
	_ =	strace $0x8000004C;
	[dreg:$0x1] =	wrdreg $0xFFFFFFFF  }
0xa7: {  	s28 =	simm.s32 $_size_execute0_lowered;
	s2 =	sadd.s32 s2, s4;
	[dreg:$0x0] =	wrdreg $0x0  }
0xa8: {  	s4 =	sshll.u32 s28, $0x1;
	[dreg:$0x2] =	wrdreg s2  }
0xa9: {  	[dreg:$0x3] =	wrdreg s4  }
0xaa: {  	[dreg:$0x4] =	wrdreg $0xC0  }
0xab: {  	_ =	task [dreg:s6], $0x5FFFF  }
0xac: {  	[dreg:$0x1] =	wrdreg $0xFFFFFFFF  }
0xad: {  	[dreg:$0x0] =	wrdreg $0x60  }
0xae: {  	[dreg:$0x2] =	wrdreg s24  }
0xaf: {  	[dreg:$0x3] =	wrdreg $0x150000  }
0xb0: {  	[dreg:$0x4] =	wrdreg $0x9  }
0xb1: {  	_ =	task.clear_ibuf [dreg:s6], $0x5FFFF;
	_ =	strace $0x9000004C  }
0xb2: {  	s29 =	simm.s32 $0x9;
	_ =	strace $0x8000004E  }
0xb3: {  	_ =	swait.ge [sflag:s29], $0x1  }
0xb4: {  	[sflag:s29] =	ssyncadd.s32 $0xFFFFFFFF  }
0xb5: {  	_ =	strace $0x9000004E  }
0xb6: {  	_ =	sfence  }
0xb7: {  	s30 =	sld [smem:$0x0];
	_ =	sdelay $0x2  }
0xb8: {  	s31 =	sshll.u32 s1, $0xD;
	s1 =	sshrl.u32 s1, $0x2  }
0xb9: {  	s3 =	sand.u32 $0x4000, s31;
	s1 =	sadd.s32 s1, s30  }
0xba: {  	s0 =	sor.u32 s3, s0;
	s1 =	sshll.u32 s1, $0x11  }
0xbb: {  	s0 =	sor.u32 s1, s0  }
0xbc: {  	s0 =	sadd.s32 $0x8F2B, s0  }
0xbd: {  	[sflag:s0] =	ssyncadd.remote.s32 $0x1  }
0xbe: {  	_ =	sfence.sel $0xFFFF  }
0xbf: {  	[dreg:$0x0] =	wrdreg $0xFFFFFFFF;
	(pc) =	sbr.abs _section_cstart, $3  }
0xc0: {  	[dreg:$0x1] =	wrdreg $0xFFFFFFFF  }
0xc1: {  	_ =	task.clear_ibuf [dreg:s6], $0x2FFFF;
	_ =	strace $0x9FFFFFFF  }
0xc2: {  	(tm) =	ssettm $0x7FFFFFFF  }
0xc3: {  	_ =	shalt  }
tec
execute0_lowered:
.L_overlay_start_1:
0x0: {  	(tag) =	ssettag $0x1  }
0x1: {  	s0 =	rddreg [dreg:$0x0]  }
0x2: {  	s2 =	rddreg [dreg:$0x1];
	s3 =	simm.s32 $0x0  }
0x3: {  	s1 =	stileid.u32;
	s4 =	srdreg.scid;
	s19 =	simm.s32 $0x50  }
0x4: {  	s20 =	simm.s32 $0x10000;
	s21 =	simm.s32 $0x2;
	s23 =	simm.s32 $0x12800  }
0x5: {  	s24 =	simm.s32 $0x0;
	[smem:$0x7FF] =	sst s3;
	s5 =	sshll.u32 s1, $0xC  }
0x6: {  	s7 =	sand.u32 $0x1, s4;
	s4 =	sadd.s32 $0x26800, s0;
	s9 =	smul.u32 $0x138, s1  }
0x7: {  	s6 =	sadd.s32 $0x4F200, s0;
	s11 =	sadd.s32 $0x76400, s0;
	s12 =	smul.u32 $0x27000, s1  }
0x8: {  	s17 =	sadd.s32 $0x92400, s2;
	p0 =	seq.s32 s1, $0xF;
	_ =	strace $0x8000004D  }
0x9: {  	s8 =	sadd.s32 s5, s0;
	s22 =	smul.u32 $0x1388, s7;
	s5 =	sadd.s32 $0x28000, s0  }
0xa: {  	s10 =	ssub.s32 $0x2, s7;
	s0 =	sadd.s32 $0x9D600, s0;
	s14 =	smul.u32 $0x9C400, s7  }
0xb: {  	s17 =	sshrl.u32 @p0 s17, $0x3;
	s13 =	sshrl.u32 s10, $0x1;
	s28 =	sadd.s32 $0x6800, s8  }
0xc: {  	s8 =	sadd.s32 $0x16800, s8;
	s29 =	sshrl.u32 s12, $0x2;
	s15 =	ssub.s32 s10, s13  }
0xd: {  	[dreg:$0x3] =	wrdreg s28;
	s30 =	sadd.s32 s9, s22;
	s31 =	sshrl.u32 s14, $0x3  }
0xe: {  	s9 =	sadd.s32 s29, s2;
	s12 =	sshll.u32 s30, $0x4;
	s13 =	sadd.s32 $0x12480, s31  }
0xf: {  	v0 =	vmov s22;
	s22 =	simm.s32 $0xFC80;
	s10 =	sadd.s32 s11, s12;
	s11 =	sadd.s32 s11, s13  }
0x10: {  	s12 =	sadd.s32 s0, s12;
	s13 =	sadd.s32 s0, s13;
	s0 =	sshll.u32 @!p0 s1, $0x6  }
0x11: {  	v1 =	vlaneseq.u32;
	s14 =	smax.u32 s15, $0x1;
	s15 =	simm.s32 $0x3;
	s18 =	sor.u32 @!p0 $0x1C03, s0  }
.LBB2_1:
0x12: {  	s0 =	rddreg [dreg:$0x3]  }
0x13: {  	[tilespmem:s3], [sflag:$0x3] =	stream.linear.gather [hbm4b:s0+s3], $0x7D00, $0x38;
	[tilespmem:$0x1ED80] =	vst v63  }
0x14: {  	_ =	swait.ge [sflag:s15], $0x7D00  }
0x15: {  	[sflag:s15] =	ssyncset.done $0x0  }
0x16: {  	s31 =	simm.s32 $0x8000;
	[sflag:s15] =	ssyncadd.s32 $0xFFFF8300  }
0x17: {  	[tilespmem:s31], [sflag:$0x3] =	stream.linear.gather [hbm4b:s8+s3], $0x7D00, $0x38;
	[tilespmem:$0x1ED80] =	vst v63  }
0x18: {  	_ =	swait.ge [sflag:s15], $0x7D00  }
0x19: {  	[sflag:s15] =	ssyncset.done $0x0  }
0x1a: {  	s25 =	simm.s32 $0x0;
	[sflag:s15] =	ssyncadd.s32 $0xFFFF8300  }
0x1b: {  	v2 =	vld [tilespmem:s25+$0x8040]  }
0x1c: {  	v3 =	vld [tilespmem:s25+$0x8030];
	_ =	sdelay $0x1  }
0x1d: {  	v6 =	vld [tilespmem:s25+$0x8000];
	_ =	sdelay $0x1  }
0x1e: {  	v9 =	vsub.s32 v2, v0;
	v2 =	vadd.s32 v1, v2  }
0x1f: {  	v4 =	vsub.s32 v3, v0;
	v5 =	vand.u32 $0x1F, v2;
	v2 =	vld [tilespmem:s25+$0x8010]  }
0x20: {  	v7 =	vadd.s32 v1, v3;
	v3 =	vld [tilespmem:s25+$0x8020];
	vm0 =	vlt.u32 v9, $0x1388;
	v10 =	vadd.s32 $0x1388, v5  }
0x21: {  	s26 =	simm.s32 $0x200;
	v8 =	vadd.s32 v1, v6;
	v5 =	vsub.s32 v6, v0;
	v6 =	vsel vm0, v9, v10  }
.LBB2_2:
0x22: {  	s0 =	sshra.s32 s26, $0x2;
	p1 =	sne.s32 s26, $0x1F200;
	s26 =	sadd.s32 $0x200, s26;
	vm0 =	vlt.u32 v5, $0x1388;
	v8 =	vand.u32 $0x1F, v8;
	v7 =	vand.u32 $0x1F, v7  }
0x23: {  	vm1 =	vlt.u32 v4, $0x1388;
	v8 =	vadd.s32 $0x1388, v8;
	v7 =	vadd.s32 $0x1388, v7;
	[tilespmem:s25+$0x8040] =	vst v6  }
0x24: {  	v6 =	vld [tilespmem:s0+$0x8040];
	v5 =	vsel vm0, v5, v8;
	v8 =	vadd.s32 v1, v2;
	v4 =	vsel vm1, v4, v7  }
0x25: {  	v2 =	vsub.s32 v2, v0;
	v7 =	vsub.s32 v3, v0;
	v3 =	vadd.s32 v1, v3;
	[tilespmem:s25+$0x8030] =	vst v4  }
0x26: {  	vm0 =	vlt.u32 v2, $0x1388;
	v4 =	vand.u32 $0x1F, v8;
	v9 =	vld [tilespmem:s0+$0x8030];
	[tilespmem:s25+$0x8000] =	vst v5;
	v3 =	vand.u32 $0x1F, v3  }
0x27: {  	v4 =	vadd.s32 $0x1388, v4;
	vm1 =	vlt.u32 v7, $0x1388;
	v8 =	vld [tilespmem:s0+$0x8000];
	v3 =	vadd.s32 $0x1388, v3  }
.Ltmp0:
0x28: {  	v2 =	vsel vm0, v2, v4;
	v3 =	vsel vm1, v7, v3;
	(pc) =	sbr.rel @p1 .LBB2_2-.Ltmp0, $4  }
0x29: {  	v10 =	vsub.s32 v6, v0;
	v4 =	vadd.s32 v1, v6;
	[tilespmem:s25+$0x8010] =	vst v2  }
0x2a: {  	v2 =	vld [tilespmem:s0+$0x8010];
	vm0 =	vlt.u32 v10, $0x1388;
	v5 =	vand.u32 $0x1F, v4;
	[tilespmem:s25+$0x8020] =	vst v3;
	s25 =	smov.u32 s0  }
0x2b: {  	v3 =	vld [tilespmem:s25+$0x8020];
	v4 =	vsub.s32 v9, v0;
	v7 =	vadd.s32 v1, v9;
	v6 =	vadd.s32 $0x1388, v5  }
0x2c: {  	v5 =	vsub.s32 v8, v0;
	v8 =	vadd.s32 v1, v8;
	v6 =	vsel vm0, v10, v6  }
0x2d: {  	v8 =	vand.u32 $0x1F, v8  }
0x2e: {  	vm0 =	vlt.u32 v5, $0x1388;
	v7 =	vand.u32 $0x1F, v7;
	v8 =	vadd.s32 $0x1388, v8  }
0x2f: {  	vm1 =	vlt.u32 v4, $0x1388;
	v7 =	vadd.s32 $0x1388, v7;
	v5 =	vsel vm0, v5, v8  }
0x30: {  	v60 =	vadd.s32 v1, v2;
	v4 =	vsel vm1, v4, v7;
	v2 =	vsub.s32 v2, v0  }
0x31: {  	[tilespmem:s25+$0x8040] =	vst v6;
	v61 =	vsub.s32 v3, v0;
	v3 =	vadd.s32 v1, v3;
	v62 =	vand.u32 $0x1F, v60  }
0x32: {  	[tilespmem:s25+$0x8030] =	vst v4;
	vm14 =	vlt.u32 v2, $0x1388;
	v3 =	vand.u32 $0x1F, v3;
	v63 =	vadd.s32 $0x1388, v62  }
0x33: {  	[tilespmem:s25+$0x8000] =	vst v5;
	vm15 =	vlt.u32 v61, $0x1388;
	v3 =	vadd.s32 $0x1388, v3;
	v2 =	vsel vm14, v2, v63  }
0x34: {  	v3 =	vsel vm15, v61, v3;
	[tilespmem:s25+$0x8010] =	vst v2  }
0x35: {  	s0 =	simm.s32 @p0 $0x1FC3;
	[tilespmem:s25+$0x8020] =	vst v3  }
0x36: {  	[spmem:s17], [sflag:s0] =	dma.local @p0 [hbm:s4], $0x1680  }
0x37: {  	s0 =	simm.s32 @p0 $0x3  }
0x38: {  	_ =	swait.ge @p0 [sflag:s0], $0x1680  }
0x39: {  	s26 =	simm.s32 $0x1;
	[sflag:s0] =	ssyncset.done @p0 $0x0  }
0x3a: {  	s25 =	sshrl.u32 @!p0 s9, $0x3;
	[sflag:s0] =	ssyncadd.s32 @p0 $0xFFFFE980;
	s0 =	simm.s32 @!p0 $0x3  }
0x3b: {  	[spmem:s25], [sflag:s18] =	dma.local @!p0 [hbm:s4], $0x1380  }
0x3c: {  	s7 =	sand.u32 $0x1, s26;
	_ =	swait.ge @!p0 [sflag:s0], $0x1380  }
0x3d: {  	s28 =	simm.s32 $0x0;
	s26 =	smul.u32 $0xA000, s7;
	[sflag:s0] =	ssyncset.done @!p0 $0x0  }
0x3e: {  	s29 =	simm.s32 $0x80;
	s28 =	sand.u32 $0x1, s28;
	[sflag:s0] =	ssyncadd.s32 @!p0 $0xFFFFEC80  }
0x3f: {  	s30 =	smul.u32 $0xA000, s28;
	s26 =	sshrl.u32 s26, $0x2;
	[bflag:$0x0] =	sbarrier.arrive $0xFFFF  }
0x40: {  	[tilespmem:s20], [sflag:$0x1] =	stream.indirect.gather [hbm4b:s5+s19], $0x80, s3, s19, $0xb8;
	[tilespmem:$0x1ED80] =	vst v63  }
0x41: {  	s28 =	sadd.s32 $0x1, s28;
	s26 =	sor.u32 $0x10000, s26;
	s0 =	sadd.s32 $0x1, s7  }
0x42: {  	[tilespmem:s26], [sflag:s0] =	stream.indirect.gather [hbm4b:s5+s19], $0x80, s29, s19, $0xb8;
	[tilespmem:$0x1ED80] =	vst v63  }
0x43: {  	s31 =	simm.s32 $0x3;
	s16 =	sshrl.u32 s30, $0x2;
	_ =	swait.ge [sflag:s28], $0x2800  }
0x44: {  	s30 =	simm.s32 $0x2;
	s26 =	simm.s32 $0x8000;
	[sflag:s28] =	ssyncset.done $0x0  }
0x45: {  	s0 =	sor.u32 $0x10000, s16;
	s29 =	sand.u32 $0x1, s30;
	[sflag:s28] =	ssyncadd.s32 $0xFFFFD800  }
0x46: {  	[spmem:s2] =	stream.indirect.scatter.add.f32 [tilespmem:s0], [sflag:$0x3], $0x80, s26, s19, $0xb8;
	[tilespmem:$0x1ED80] =	vst v63  }
0x47: {  	s28 =	simm.s32 $0x100;
	s0 =	smul.u32 $0xA000, s29;
	_ =	swait.ge [sflag:s15], $0x2800  }
.LBB2_4:
0x48: {  	[sflag:s15] =	ssyncset.done $0x0  }
0x49: {  	s26 =	sadd.s32 $0x80, s26;
	s1 =	smov.u32 s31;
	s16 =	sadd.s32 $0x1, s31  }
0x4a: {  	s30 =	sadd.s32 $0xFFFFFFFF, s30;
	s0 =	sshrl.u32 s0, $0x2;
	[sflag:s15] =	ssyncadd.s32 $0xFFFFD800  }
0x4b: {  	s29 =	sadd.s32 $0x1, s29;
	s30 =	sand.u32 $0x1, s30;
	s0 =	sor.u32 $0x10000, s0  }
0x4c: {  	p1 =	sne.s32 s31, $0xF9;
	s31 =	smul.u32 $0xA000, s30;
	s7 =	sadd.s32 $0x1, s30  }
0x4d: {  	[tilespmem:s0], [sflag:s29] =	stream.indirect.gather [hbm4b:s5+s19], $0x80, s28, s19, $0xb8;
	[tilespmem:$0x1ED80] =	vst v63  }
.Ltmp1:
0x4e: {  	s0 =	sshrl.u32 s31, $0x2;
	_ =	swait.ge [sflag:s7], $0x2800;
	(pc) =	sbr.rel @p1 .LBB2_4-.Ltmp1, $4  }
0x4f: {  	s30 =	smov.u32 s1;
	s0 =	sor.u32 $0x10000, s0;
	[sflag:s7] =	ssyncset.done $0x0  }
0x50: {  	s29 =	sand.u32 $0x1, s30;
	s28 =	sadd.s32 $0x80, s28;
	[sflag:s7] =	ssyncadd.s32 $0xFFFFD800  }
0x51: {  	[spmem:s2] =	stream.indirect.scatter.add.f32 [tilespmem:s0], [sflag:$0x3], $0x80, s26, s19, $0xb8;
	[tilespmem:$0x1ED80] =	vst v63  }
0x52: {  	s31 =	smov.u32 s16;
	s0 =	smul.u32 $0xA000, s29;
	_ =	swait.ge [sflag:s15], $0x2800  }
0x53: {  	[sflag:s15] =	ssyncset.done $0x0;
	s1 =	sadd.s32 $0xFFFFFFFF, s30;
	s7 =	sadd.s32 $0x1, s29  }
0x54: {  	s0 =	sshrl.u32 s0, $0x2;
	[sflag:s15] =	ssyncadd.s32 $0xFFFFD800;
	s1 =	sand.u32 $0x1, s1  }
0x55: {  	s0 =	sor.u32 $0x10000, s0;
	s16 =	smul.u32 $0xA000, s1;
	s1 =	sadd.s32 $0x1, s1  }
0x56: {  	[tilespmem:s0], [sflag:s7] =	stream.indirect.gather [hbm4b:s5+s19], $0x80, s28, s19, $0xb8;
	[tilespmem:$0x1ED80] =	vst v63  }
0x57: {  	_ =	swait.ge [sflag:s1], $0x2800  }
0x58: {  	s16 =	sshrl.u32 s16, $0x2;
	[sflag:s1] =	ssyncset.done $0x0  }
0x59: {  	s26 =	sadd.s32 $0x80, s26;
	s0 =	sor.u32 $0x10000, s16;
	[sflag:s1] =	ssyncadd.s32 $0xFFFFD800  }
0x5a: {  	[spmem:s2] =	stream.indirect.scatter.add.f32 [tilespmem:s0], [sflag:$0x3], $0x80, s26, s19, $0xb8;
	[tilespmem:$0x1ED80] =	vst v63  }
0x5b: {  	_ =	swait.ge [sflag:s15], $0x2800  }
0x5c: {  	[sflag:s15] =	ssyncset.done $0x0  }
0x5d: {  	[sflag:s15] =	ssyncadd.s32 $0xFFFFD800  }
0x5e: {  	_ =	swait.ge [sflag:s21], $0x2800  }
0x5f: {  	[sflag:s21] =	ssyncset.done $0x0  }
0x60: {  	[sflag:s21] =	ssyncadd.s32 $0xFFFFD800  }
0x61: {  	[spmem:s2] =	stream.indirect.scatter.add.f32 [tilespmem:s23], [sflag:$0x3], $0x80, s22, s19, $0xb8;
	[tilespmem:$0x1ED80] =	vst v63  }
0x62: {  	_ =	swait.ge [sflag:s15], $0x2800  }
0x63: {  	[sflag:s15] =	ssyncset.done $0x0  }
0x64: {  	[sflag:s15] =	ssyncadd.s32 $0xFFFFD800  }
0x65: {  	s1 =	simm.s32 @p0 $0x3;
	s0 =	simm.s32 @p0 $0x1FC3;
	[bflag:$0x0] =	sbarrier.arrive $0xFFFF  }
0x66: {  	[hbm:s11], [sflag:s0] =	dma.local @p0 [spmem:s17], $0x1400  }
0x67: {  	_ =	swait.ge @p0 [sflag:s1], $0x1400  }
0x68: {  	[sflag:s1] =	ssyncset.done @p0 $0x0  }
0x69: {  	[sflag:s1] =	ssyncadd.s32 @p0 $0xFFFFEC00  }
0x6a: {  	[bflag:$0x0] =	sbarrier.arrive @p0 $0xFFFF  }
0x6b: {  	[spmem:s17], [sflag:s0] =	dma.local @p0 [hbm:s4], $0x1680  }
0x6c: {  	_ =	swait.ge @p0 [sflag:s1], $0x1680  }
0x6d: {  	[sflag:s1] =	ssyncset.done @p0 $0x0  }
0x6e: {  	s0 =	simm.s32 @!p0 $0x3;
	[sflag:s1] =	ssyncadd.s32 @p0 $0xFFFFE980  }
0x6f: {  	[hbm:s10], [sflag:s18] =	dma.local @!p0 [spmem:s25], $0x1380  }
0x70: {  	_ =	swait.ge @!p0 [sflag:s0], $0x1380  }
0x71: {  	[sflag:s0] =	ssyncset.done @!p0 $0x0  }
0x72: {  	[sflag:s0] =	ssyncadd.s32 @!p0 $0xFFFFEC80  }
0x73: {  	[bflag:$0x0] =	sbarrier.arrive @!p0 $0xFFFF  }
0x74: {  	[spmem:s25], [sflag:s18] =	dma.local @!p0 [hbm:s4], $0x1380  }
0x75: {  	_ =	swait.ge @!p0 [sflag:s0], $0x1380  }
0x76: {  	s7 =	simm.s32 $0x1;
	[sflag:s0] =	ssyncset.done @!p0 $0x0  }
0x77: {  	s16 =	simm.s32 $0x0;
	[sflag:s0] =	ssyncadd.s32 @!p0 $0xFFFFEC80;
	s0 =	sand.u32 $0x1, s7  }
0x78: {  	s26 =	simm.s32 $0x80;
	[bflag:$0x0] =	sbarrier.arrive $0xFFFF;
	s1 =	smul.u32 $0xA000, s0  }
0x79: {  	[tilespmem:s20], [sflag:$0x1] =	stream.indirect.gather [hbm4b:s6+s19], $0x80, s3, s19, $0xb8;
	[tilespmem:$0x1ED80] =	vst v63  }
0x7a: {  	s7 =	sand.u32 $0x1, s16;
	s0 =	sadd.s32 $0x1, s0;
	s1 =	sshrl.u32 s1, $0x2  }
0x7b: {  	s28 =	smul.u32 $0xA000, s7;
	s7 =	sadd.s32 $0x1, s7;
	s1 =	sor.u32 $0x10000, s1  }
0x7c: {  	[tilespmem:s1], [sflag:s0] =	stream.indirect.gather [hbm4b:s6+s19], $0x80, s26, s19, $0xb8;
	[tilespmem:$0x1ED80] =	vst v63  }
0x7d: {  	s30 =	simm.s32 $0x2;
	s31 =	simm.s32 $0x3;
	_ =	swait.ge [sflag:s7], $0x2800  }
0x7e: {  	s29 =	sand.u32 $0x1, s30;
	s16 =	sshrl.u32 s28, $0x2;
	[sflag:s7] =	ssyncset.done $0x0  }
0x7f: {  	s26 =	simm.s32 $0x8000;
	s0 =	sor.u32 $0x10000, s16;
	[sflag:s7] =	ssyncadd.s32 $0xFFFFD800  }
0x80: {  	[spmem:s2] =	stream.indirect.scatter.add.f32 [tilespmem:s0], [sflag:$0x3], $0x80, s26, s19, $0xb8;
	[tilespmem:$0x1ED80] =	vst v63  }
0x81: {  	s28 =	simm.s32 $0x100;
	s0 =	smul.u32 $0xA000, s29;
	_ =	swait.ge [sflag:s15], $0x2800  }
.LBB2_6:
0x82: {  	[sflag:s15] =	ssyncset.done $0x0  }
0x83: {  	s26 =	sadd.s32 $0x80, s26;
	s1 =	smov.u32 s31;
	s7 =	sadd.s32 $0x1, s31  }
0x84: {  	s16 =	sadd.s32 $0xFFFFFFFF, s30;
	s0 =	sshrl.u32 s0, $0x2;
	[sflag:s15] =	ssyncadd.s32 $0xFFFFD800  }
0x85: {  	s29 =	sadd.s32 $0x1, s29;
	s16 =	sand.u32 $0x1, s16;
	s0 =	sor.u32 $0x10000, s0  }
0x86: {  	p1 =	sne.s32 s31, $0xF9;
	s30 =	smul.u32 $0xA000, s16;
	s16 =	sadd.s32 $0x1, s16  }
0x87: {  	[tilespmem:s0], [sflag:s29] =	stream.indirect.gather [hbm4b:s6+s19], $0x80, s28, s19, $0xb8;
	[tilespmem:$0x1ED80] =	vst v63  }
.Ltmp2:
0x88: {  	s0 =	sshrl.u32 s30, $0x2;
	_ =	swait.ge [sflag:s16], $0x2800;
	(pc) =	sbr.rel @p1 .LBB2_6-.Ltmp2, $4  }
0x89: {  	s30 =	smov.u32 s1;
	s0 =	sor.u32 $0x10000, s0;
	[sflag:s16] =	ssyncset.done $0x0  }
0x8a: {  	s31 =	smov.u32 s7;
	s29 =	sand.u32 $0x1, s30;
	[sflag:s16] =	ssyncadd.s32 $0xFFFFD800  }
0x8b: {  	[spmem:s2] =	stream.indirect.scatter.add.f32 [tilespmem:s0], [sflag:$0x3], $0x80, s26, s19, $0xb8;
	[tilespmem:$0x1ED80] =	vst v63  }
0x8c: {  	s28 =	sadd.s32 $0x80, s28;
	s0 =	smul.u32 $0xA000, s29;
	_ =	swait.ge [sflag:s15], $0x2800  }
0x8d: {  	[sflag:s15] =	ssyncset.done $0x0;
	s1 =	sadd.s32 $0xFFFFFFFF, s30;
	s7 =	sadd.s32 $0x1, s29  }
0x8e: {  	s0 =	sshrl.u32 s0, $0x2;
	[sflag:s15] =	ssyncadd.s32 $0xFFFFD800;
	s1 =	sand.u32 $0x1, s1  }
0x8f: {  	s0 =	sor.u32 $0x10000, s0;
	s16 =	smul.u32 $0xA000, s1;
	s1 =	sadd.s32 $0x1, s1  }
0x90: {  	[tilespmem:s0], [sflag:s7] =	stream.indirect.gather [hbm4b:s6+s19], $0x80, s28, s19, $0xb8;
	[tilespmem:$0x1ED80] =	vst v63  }
0x91: {  	_ =	swait.ge [sflag:s1], $0x2800  }
0x92: {  	s30 =	sshrl.u32 s16, $0x2;
	[sflag:s1] =	ssyncset.done $0x0  }
0x93: {  	s31 =	sadd.s32 $0x80, s26;
	s0 =	sor.u32 $0x10000, s30;
	[sflag:s1] =	ssyncadd.s32 $0xFFFFD800  }
0x94: {  	[spmem:s2] =	stream.indirect.scatter.add.f32 [tilespmem:s0], [sflag:$0x3], $0x80, s31, s19, $0xb8;
	[tilespmem:$0x1ED80] =	vst v63  }
0x95: {  	_ =	swait.ge [sflag:s15], $0x2800  }
0x96: {  	[sflag:s15] =	ssyncset.done $0x0  }
0x97: {  	[sflag:s15] =	ssyncadd.s32 $0xFFFFD800  }
0x98: {  	_ =	swait.ge [sflag:s21], $0x2800  }
0x99: {  	[sflag:s21] =	ssyncset.done $0x0  }
0x9a: {  	[sflag:s21] =	ssyncadd.s32 $0xFFFFD800  }
0x9b: {  	[spmem:s2] =	stream.indirect.scatter.add.f32 [tilespmem:s23], [sflag:$0x3], $0x80, s22, s19, $0xb8;
	[tilespmem:$0x1ED80] =	vst v63  }
0x9c: {  	_ =	swait.ge [sflag:s15], $0x2800  }
0x9d: {  	[sflag:s15] =	ssyncset.done $0x0  }
0x9e: {  	[sflag:s15] =	ssyncadd.s32 $0xFFFFD800  }
0x9f: {  	s0 =	simm.s32 @p0 $0x1FC3;
	[bflag:$0x0] =	sbarrier.arrive $0xFFFF  }
0xa0: {  	[hbm:s13], [sflag:s0] =	dma.local @p0 [spmem:s17], $0x1400  }
0xa1: {  	s0 =	simm.s32 @p0 $0x3  }
0xa2: {  	s24 =	sadd.s32 $0x1, s24;
	_ =	swait.ge @p0 [sflag:s0], $0x1400  }
0xa3: {  	p1 =	sne.s32 s24, s14;
	[sflag:s0] =	ssyncset.done @p0 $0x0  }
.Ltmp3:
0xa4: {  	[sflag:s0] =	ssyncadd.s32 @p0 $0xFFFFEC00;
	s0 =	simm.s32 @!p0 $0x3;
	(pc) =	sbr.rel @p1 .LBB2_1-.Ltmp3, $4  }
0xa5: {  	[hbm:s12], [sflag:s18] =	dma.local @!p0 [spmem:s25], $0x1380  }
0xa6: {  	_ =	swait.ge @!p0 [sflag:s0], $0x1380  }
0xa7: {  	[sflag:s0] =	ssyncset.done @!p0 $0x0  }
0xa8: {  	[sflag:s0] =	ssyncadd.s32 @!p0 $0xFFFFEC80  }
0xa9: {  	_ =	sfence.sel $0x180000  }
0xaa: {  	[bflag:$0x0] =	sbarrier.arrive $0xFFFF  }
0xab: {  	_ =	strace $0x9000004D  }
0xac: {  	s0 =	stileid.u32;
	[bflag:$0x2] =	sbarrier.arrive $0xFFFF  }
0xad: {  	p0 =	sne.s32 s0, $0x0;
	s0 =	rddreg [dreg:$0x2]  }
0xae: {  	s0 =	sadd.s32 @!p0 $0x100000, s0  }
0xaf: {  	[sflag:s0] =	ssyncadd.tile.s32 @!p0 $0x1;
	_ =	shalt  }
.Lfunc_end2:
_tile_overlayer_lowered:
.L_overlay_start_2:
0xb0: {  	(tag) =	ssettag $0x2  }
0xb1: {  	s0 =	rddreg [dreg:$0x0];
	s2 =	stileid.u32  }
0xb2: {  	s1 =	rddreg [dreg:$0x1];
	p0 =	sne.s32 s2, $0x0  }
0xb3: {  	s3 =	rddreg [dreg:$0x2];
	[bflag:$0x3] =	sbarrier.arrive $0xFFFF;
	s2 =	simm.s32 @!p0 $0x1C03  }
0xb4: {  	[timem:s3], [sflag:s2] =	dma.local @!p0 [hbm:s0], s1  }
0xb5: {  	s0 =	simm.s32 @!p0 $0x3  }
0xb6: {  	_ =	swait.ge @!p0 [sflag:s0], s1  }
0xb7: {  	s1 =	ssub.s32 @!p0 $0x0, s1;
	[sflag:s0] =	ssyncset.done @!p0 $0x0  }
0xb8: {  	[sflag:s0] =	ssyncadd.s32 @!p0 s1  }
0xb9: {  	[bflag:$0x3] =	sbarrier.arrive $0xFFFF  }
0xba: {  	_ =	shalt  }

// kernel: kernel.21.cloned.1.call-start
scs
__scs_entry_jumppad:
0x0: {  	(pc) =	sbr.rel $0x88, $3  }
0x1: {  	(tag) =	ssettag $0x0;
	lr =	simm.s32 $0x1  }
0x2: {  	[smem:$0x3F8E] =	sst lr;
	_ =	strace $0xD0000000  }
0x3: {  	_ = 	snop  }
0x4: {  	_ = 	snop  }
0x5: {  	_ = 	snop  }
0x6: {  	_ = 	snop  }
0x7: {  	_ = 	snop  }
__scs_overlays_trampoline_lowered:
0x8: {  	[smem:$0x3F9D] =	sst s0  }
0x9: {  	[smem:$0x3F9E] =	sst s1  }
0xa: {  	[smem:$0x3F9F] =	sst s2  }
0xb: {  	[smem:$0x3FA0] =	sst s3  }
0xc: {  	[smem:$0x3FA1] =	sst s4  }
0xd: {  	[smem:$0x3FA2] =	sst s5  }
0xe: {  	[smem:$0x3FA3] =	sst s6  }
0xf: {  	[smem:$0x3FA4] =	sst s7  }
0x10: {  	[smem:$0x3FA5] =	sst s8  }
0x11: {  	[smem:$0x3FA6] =	sst s9;
	s0 =	simm.s32 @!p0 $0x0  }
0x12: {  	s1 =	sld [smem:$0x3F8C];
	s0 =	simm.s32 @p0 $0x1  }
0x13: {  	[smem:$0x3FA7] =	sst s0;
	s0 =	simm.s32 @!p1 $0x0  }
0x14: {  	s2 =	sld [smem:$0x3F8B];
	s0 =	simm.s32 @p1 $0x1  }
0x15: {  	[smem:$0x3FA8] =	sst s0;
	s0 =	simm.s32 @!p2 $0x0  }
0x16: {  	s3 =	sld [smem:$0x3FDB];
	s0 =	simm.s32 @p2 $0x1  }
0x17: {  	s4 =	simm.s32 $0x1BF5;
	[smem:$0x3FAA] =	sst s0  }
0x18: {  	s0 =	sld [smem:$0x3F8D];
	_ =	swait.ge [sflag:s4], $0x0  }
0x19: {  	s7 =	sld [smem:$0x3F8E]  }
0x1a: {  	s8 =	sadd.s32 $0xFFFFE003, lr  }
0x1b: {  	s9 =	sadd.s32 $0xFFFFFEF7, lr;
	s5 =	simm.s32 $0xFFFFFFFF;
	p2 =	slt.u32 s8, $0xFFFFF086  }
0x1c: {  	p1 =	slt.u32 s9, $0xF7A;
	s5 =	simm.s32 @!p2 $0x0  }
0x1d: {  	s5 =	simm.s32 @p1 $0x1;
	p0 =	seq.s32 s7, s2  }
0x1e: {  	s7 =	smul.u32 @!p0 $0xF7A, s2;
	p2 =	seq.s32 @!p0 s5, $0x0  }
0x1f: {  	s9 =	smul.u32 $0xF7A, s1;
	s8 =	simm.s32 @!p0 $0x1BF5;
	p2 =	por !p2, p0  }
0x20: {  	[sflag:s8] =	ssyncset.s32 @!p0 $0xFFFFF086;
	s6 =	sadd.s32 @!p0 s3, s7;
	s7 =	simm.s32 @!p0 $0x108  }
0x21: {  	s3 =	sadd.s32 s3, s9;
	s6 =	sadd.s32 @!p0 $0x88, s6;
	s7 =	simm.s32 @p2 $0x1082  }
0x22: {  	[simem:s7], [sflag:s8] =	dma.local @!p0 [hbm:s6], $0xF7A  }
0x23: {  	s9 =	sor.u32 $0xD0000000, s2;
	s6 =	simm.s32 $0x108;
	_ =	swait.ge @!p0 [sflag:s8], $0x0  }
0x24: {  	s3 =	sadd.s32 $0x88, s3;
	s6 =	simm.s32 @!p1 $0x1082;
	[sflag:s4] =	ssyncset.s32 $0xFFFFF086  }
0x25: {  	[simem:s6], [sflag:s4] =	dma.local [hbm:s3], $0xF7A  }
0x26: {  	[smem:$0x3F8E] =	sst s1;
	(tag) =	ssettag s2;
	_ =	strace s9  }
0x27: {  	s1 =	sld [smem:$0x3F9E]  }
0x28: {  	s2 =	sld [smem:$0x3F9F]  }
0x29: {  	s4 =	sld [smem:$0x3FA1]  }
0x2a: {  	p0 =	seq.s32 s5, $0x0;
	s5 =	sld [smem:$0x3FA2]  }
0x2b: {  	s6 =	sld [smem:$0x3FA3]  }
0x2c: {  	s7 =	sld [smem:$0x3FA4]  }
0x2d: {  	s3 =	simm.s32 $0x108;
	s8 =	sld [smem:$0x3FA5]  }
0x2e: {  	s3 =	simm.s32 @!p0 $0x1082;
	s9 =	sld [smem:$0x3FA6]  }
0x2f: {  	lr =	sadd.s32 s0, s3;
	s0 =	sld [smem:$0x3F9D]  }
0x30: {  	s3 =	sld [smem:$0x3FA0]  }
0x31: {  	[smem:$0x3FA9] =	sst s10  }
0x32: {  	s10 =	sld [smem:$0x3FA7];
	_ =	sdelay $0x3  }
0x33: {  	p0 =	seq.s32 s10, $0x1;
	s10 =	sld [smem:$0x3FA9];
	_ =	sdelay $0x3  }
0x34: {  	[smem:$0x3FA9] =	sst s10  }
0x35: {  	s10 =	sld [smem:$0x3FA8];
	_ =	sdelay $0x3  }
0x36: {  	p1 =	seq.s32 s10, $0x1;
	s10 =	sld [smem:$0x3FA9];
	_ =	sdelay $0x3  }
0x37: {  	[smem:$0x3FA9] =	sst s10  }
0x38: {  	s10 =	sld [smem:$0x3FAA]  }
0x39: {  	_ = 	snop;
	(pc) =	sbr.ind lr, $3  }
0x3a: {  	_ = 	snop  }
0x3b: {  	_ = 	snop  }
0x3c: {  	p2 =	seq.s32 s10, $0x1;
	s10 =	sld [smem:$0x3FA9]  }
0x3d: {  	_ =	shalt  }
0x3e: {  	_ =	shalt  }
0x3f: {  	_ =	shalt  }
0x40: {  	_ =	shalt  }
0x41: {  	_ =	shalt  }
0x42: {  	_ =	shalt  }
0x43: {  	_ =	shalt  }
0x44: {  	_ =	shalt  }
0x45: {  	_ =	shalt  }
0x46: {  	_ =	shalt  }
0x47: {  	_ =	shalt  }
0x48: {  	_ =	shalt  }
0x49: {  	_ =	shalt  }
0x4a: {  	_ =	shalt  }
0x4b: {  	_ =	shalt  }
0x4c: {  	_ =	shalt  }
0x4d: {  	_ =	shalt  }
0x4e: {  	_ =	shalt  }
0x4f: {  	_ =	shalt  }
0x50: {  	_ =	shalt  }
0x51: {  	_ =	shalt  }
0x52: {  	_ =	shalt  }
0x53: {  	_ =	shalt  }
0x54: {  	_ =	shalt  }
0x55: {  	_ =	shalt  }
0x56: {  	_ =	shalt  }
0x57: {  	_ =	shalt  }
0x58: {  	_ =	shalt  }
0x59: {  	_ =	shalt  }
0x5a: {  	_ =	shalt  }
0x5b: {  	_ =	shalt  }
0x5c: {  	_ =	shalt  }
0x5d: {  	_ =	shalt  }
0x5e: {  	_ =	shalt  }
0x5f: {  	_ =	shalt  }
0x60: {  	_ =	shalt  }
0x61: {  	_ =	shalt  }
0x62: {  	_ =	shalt  }
0x63: {  	_ =	shalt  }
0x64: {  	_ =	shalt  }
0x65: {  	_ =	shalt  }
0x66: {  	_ =	shalt  }
0x67: {  	_ =	shalt  }
0x68: {  	_ =	shalt  }
0x69: {  	_ =	shalt  }
0x6a: {  	_ =	shalt  }
0x6b: {  	_ =	shalt  }
0x6c: {  	_ =	shalt  }
0x6d: {  	_ =	shalt  }
0x6e: {  	_ =	shalt  }
0x6f: {  	_ =	shalt  }
0x70: {  	_ =	shalt  }
0x71: {  	_ =	shalt  }
0x72: {  	_ =	shalt  }
0x73: {  	_ =	shalt  }
0x74: {  	_ =	shalt  }
0x75: {  	_ =	shalt  }
0x76: {  	_ =	shalt  }
0x77: {  	_ =	shalt  }
0x78: {  	_ =	shalt  }
0x79: {  	_ =	shalt  }
0x7a: {  	_ =	shalt  }
0x7b: {  	_ =	shalt  }
0x7c: {  	_ =	shalt  }
0x7d: {  	_ =	shalt  }
0x7e: {  	_ =	shalt  }
0x7f: {  	_ =	shalt  }
0x80: {  	_ =	shalt  }
0x81: {  	_ =	shalt  }
0x82: {  	_ =	shalt  }
0x83: {  	_ =	shalt  }
0x84: {  	_ =	shalt  }
0x85: {  	_ =	shalt  }
0x86: {  	_ =	shalt  }
0x87: {  	_ =	shalt  }
.Lfunc_end0:
.L_simem_size_0:
called_computation.3_lowered:
.L_overlay_start_0:
0x88: {  	s2 =	sld [smem:$0x3FD9]  }
0x89: {  	s3 =	sld [smem:$0x3FFE];
	_ =	sdelay $0x1  }
0x8a: {  	s1 =	srdreg.scid  }
0x8b: {  	s0 =	sand.u32 $0x1, s1  }
0x8c: {  	s16 =	sshll.u32 s0, $0xA;
	s2 =	sadd.s32 s3, s2  }
0x8d: {  	s2 =	sadd.s32 s2, s16  }
0x8e: {  	[smem:$0x3FB5] =	sst s2  }
0x8f: {  	_ = 	snop  }
0x90: {  	(tm) =	ssettm $0x1  }
0x91: {  	s17 =	sld [smem:$0x3FFB];
	_ =	sdelay $0x3  }
0x92: {  	_ =	strace s17  }
0x93: {  	s2 =	sld [smem:$0x3FFC];
	_ =	sdelay $0x3  }
0x94: {  	_ =	strace s2  }
0x95: {  	s2 =	sld [smem:$0x3FFD];
	_ =	sdelay $0x3  }
0x96: {  	_ =	strace s2  }
0x97: {  	_ =	strace $0x8FFFFFFF  }
0x98: {  	s18 =	sld [smem:$0x3FDB];
	_ =	sdelay $0x1  }
0x99: {  	s19 =	simm.s32 $_scs_section_size  }
0x9a: {  	s4 =	simm.s32 $_size__tile_overlayer_lowered;
	s5 =	simm.s32 $_tile_overlayer_lowered  }
0x9b: {  	s22 =	simm.s32 $0x1BFF;
	s21 =	sshll.u32 s5, $0x1;
	s2 =	sadd.s32 s19, s18  }
0x9c: {  	s6 =	simm.s32 $0x0;
	s20 =	sshll.u32 s4, $0x1;
	s4 =	sadd.s32 s21, s2  }
0x9d: {  	[timem:s6], [sflag:s22] =	dma.local [hbm:s4], s20  }
0x9e: {  	_ =	swait.ge [sflag:s22], s20  }
0x9f: {  	s3 =	ssub.s32 $0x0, s20;
	[sflag:s22] =	ssyncset.done $0x0  }
0xa0: {  	[sflag:s22] =	ssyncadd.s32 s3;
	_ =	sdelay $0x1  }
0xa1: {  	s23 =	simm.s32 $0x1B8B  }
0xa2: {  	_ =	swait.ge [sflag:s23], $0x1  }
0xa3: {  	[sflag:s23] =	ssyncset.done $0x0  }
0xa4: {  	s25 =	simm.s32 $0x1B8E;
	s24 =	sld [smem:$0x3FFE];
	[sflag:s23] =	ssyncadd.s32 $0xFFFFFFFF  }
0xa5: {  	s26 =	simm.s32 $execute0_lowered;
	[smem:$0x3FD2] =	sst s25  }
0xa6: {  	s4 =	sshll.u32 s26, $0x1;
	_ =	strace $0x8000004F;
	[dreg:$0x1] =	wrdreg $0xFFFFFFFF  }
0xa7: {  	s28 =	simm.s32 $_size_execute0_lowered;
	s2 =	sadd.s32 s2, s4;
	[dreg:$0x0] =	wrdreg $0x0  }
0xa8: {  	s4 =	sshll.u32 s28, $0x1;
	[dreg:$0x2] =	wrdreg s2  }
0xa9: {  	[dreg:$0x3] =	wrdreg s4  }
0xaa: {  	[dreg:$0x4] =	wrdreg $0xC0  }
0xab: {  	_ =	task [dreg:s6], $0x5FFFF  }
0xac: {  	[dreg:$0x1] =	wrdreg $0xFFFFFFFF  }
0xad: {  	[dreg:$0x0] =	wrdreg $0x60  }
0xae: {  	[dreg:$0x2] =	wrdreg s24  }
0xaf: {  	[dreg:$0x3] =	wrdreg $0x150000  }
0xb0: {  	[dreg:$0x4] =	wrdreg $0x9  }
0xb1: {  	_ =	task.clear_ibuf [dreg:s6], $0x5FFFF;
	_ =	strace $0x9000004F  }
0xb2: {  	s29 =	simm.s32 $0x9;
	_ =	strace $0x80000051  }
0xb3: {  	_ =	swait.ge [sflag:s29], $0x1  }
0xb4: {  	[sflag:s29] =	ssyncadd.s32 $0xFFFFFFFF  }
0xb5: {  	_ =	strace $0x90000051  }
0xb6: {  	_ =	sfence  }
0xb7: {  	s30 =	sld [smem:$0x0];
	_ =	sdelay $0x2  }
0xb8: {  	s31 =	sshll.u32 s1, $0xD;
	s1 =	sshrl.u32 s1, $0x2  }
0xb9: {  	s3 =	sand.u32 $0x4000, s31;
	s1 =	sadd.s32 s1, s30  }
0xba: {  	s0 =	sor.u32 s3, s0;
	s1 =	sshll.u32 s1, $0x11  }
0xbb: {  	s0 =	sor.u32 s1, s0  }
0xbc: {  	s0 =	sadd.s32 $0x8F2B, s0  }
0xbd: {  	[sflag:s0] =	ssyncadd.remote.s32 $0x1  }
0xbe: {  	_ =	sfence.sel $0xFFFF  }
0xbf: {  	[dreg:$0x0] =	wrdreg $0xFFFFFFFF;
	(pc) =	sbr.abs _section_cstart, $3  }
0xc0: {  	[dreg:$0x1] =	wrdreg $0xFFFFFFFF  }
0xc1: {  	_ =	task.clear_ibuf [dreg:s6], $0x2FFFF;
	_ =	strace $0x9FFFFFFF  }
0xc2: {  	(tm) =	ssettm $0x7FFFFFFF  }
0xc3: {  	_ =	shalt  }
tec
execute0_lowered:
.L_overlay_start_1:
0x0: {  	(tag) =	ssettag $0x1  }
0x1: {  	s0 =	rddreg [dreg:$0x0]  }
0x2: {  	s2 =	rddreg [dreg:$0x1];
	s3 =	simm.s32 $0x0  }
0x3: {  	s1 =	stileid.u32;
	s4 =	srdreg.scid;
	s19 =	simm.s32 $0x50  }
0x4: {  	s20 =	simm.s32 $0x10000;
	s21 =	simm.s32 $0x2;
	s23 =	simm.s32 $0x12800  }
0x5: {  	s24 =	simm.s32 $0x0;
	[smem:$0x7FF] =	sst s3;
	s5 =	sshll.u32 s1, $0xC  }
0x6: {  	s7 =	sand.u32 $0x1, s4;
	s4 =	sadd.s32 $0x26800, s0;
	s9 =	smul.u32 $0x138, s1  }
0x7: {  	s6 =	sadd.s32 $0x4F200, s0;
	s11 =	sadd.s32 $0x76400, s0;
	s12 =	smul.u32 $0x27000, s1  }
0x8: {  	s17 =	sadd.s32 $0x92400, s2;
	p0 =	seq.s32 s1, $0xF;
	_ =	strace $0x80000050  }
0x9: {  	s8 =	sadd.s32 s5, s0;
	s22 =	smul.u32 $0x1388, s7;
	s5 =	sadd.s32 $0x28000, s0  }
0xa: {  	s10 =	ssub.s32 $0x2, s7;
	s0 =	sadd.s32 $0x9D600, s0;
	s14 =	smul.u32 $0x9C400, s7  }
0xb: {  	s17 =	sshrl.u32 @p0 s17, $0x3;
	s13 =	sshrl.u32 s10, $0x1;
	s28 =	sadd.s32 $0x6800, s8  }
0xc: {  	s8 =	sadd.s32 $0x16800, s8;
	s29 =	sshrl.u32 s12, $0x2;
	s15 =	ssub.s32 s10, s13  }
0xd: {  	[dreg:$0x3] =	wrdreg s28;
	s30 =	sadd.s32 s9, s22;
	s31 =	sshrl.u32 s14, $0x3  }
0xe: {  	s9 =	sadd.s32 s29, s2;
	s12 =	sshll.u32 s30, $0x4;
	s13 =	sadd.s32 $0x12480, s31  }
0xf: {  	v0 =	vmov s22;
	s22 =	simm.s32 $0xFC80;
	s10 =	sadd.s32 s11, s12;
	s11 =	sadd.s32 s11, s13  }
0x10: {  	s12 =	sadd.s32 s0, s12;
	s13 =	sadd.s32 s0, s13;
	s0 =	sshll.u32 @!p0 s1, $0x6  }
0x11: {  	v1 =	vlaneseq.u32;
	s14 =	smax.u32 s15, $0x1;
	s15 =	simm.s32 $0x3;
	s18 =	sor.u32 @!p0 $0x1C03, s0  }
.LBB2_1:
0x12: {  	s0 =	rddreg [dreg:$0x3]  }
0x13: {  	[tilespmem:s3], [sflag:$0x3] =	stream.linear.gather [hbm4b:s0+s3], $0x7D00, $0x38;
	[tilespmem:$0x1ED80] =	vst v63  }
0x14: {  	_ =	swait.ge [sflag:s15], $0x7D00  }
0x15: {  	[sflag:s15] =	ssyncset.done $0x0  }
0x16: {  	s31 =	simm.s32 $0x8000;
	[sflag:s15] =	ssyncadd.s32 $0xFFFF8300  }
0x17: {  	[tilespmem:s31], [sflag:$0x3] =	stream.linear.gather [hbm4b:s8+s3], $0x7D00, $0x38;
	[tilespmem:$0x1ED80] =	vst v63  }
0x18: {  	_ =	swait.ge [sflag:s15], $0x7D00  }
0x19: {  	[sflag:s15] =	ssyncset.done $0x0  }
0x1a: {  	s25 =	simm.s32 $0x0;
	[sflag:s15] =	ssyncadd.s32 $0xFFFF8300  }
0x1b: {  	v2 =	vld [tilespmem:s25+$0x8040]  }
0x1c: {  	v3 =	vld [tilespmem:s25+$0x8030];
	_ =	sdelay $0x1  }
0x1d: {  	v6 =	vld [tilespmem:s25+$0x8000];
	_ =	sdelay $0x1  }
0x1e: {  	v9 =	vsub.s32 v2, v0;
	v2 =	vadd.s32 v1, v2  }
0x1f: {  	v4 =	vsub.s32 v3, v0;
	v5 =	vand.u32 $0x1F, v2;
	v2 =	vld [tilespmem:s25+$0x8010]  }
0x20: {  	v7 =	vadd.s32 v1, v3;
	v3 =	vld [tilespmem:s25+$0x8020];
	vm0 =	vlt.u32 v9, $0x1388;
	v10 =	vadd.s32 $0x1388, v5  }
0x21: {  	s26 =	simm.s32 $0x200;
	v8 =	vadd.s32 v1, v6;
	v5 =	vsub.s32 v6, v0;
	v6 =	vsel vm0, v9, v10  }
.LBB2_2:
0x22: {  	s0 =	sshra.s32 s26, $0x2;
	p1 =	sne.s32 s26, $0x1F200;
	s26 =	sadd.s32 $0x200, s26;
	vm0 =	vlt.u32 v5, $0x1388;
	v8 =	vand.u32 $0x1F, v8;
	v7 =	vand.u32 $0x1F, v7  }
0x23: {  	vm1 =	vlt.u32 v4, $0x1388;
	v8 =	vadd.s32 $0x1388, v8;
	v7 =	vadd.s32 $0x1388, v7;
	[tilespmem:s25+$0x8040] =	vst v6  }
0x24: {  	v6 =	vld [tilespmem:s0+$0x8040];
	v5 =	vsel vm0, v5, v8;
	v8 =	vadd.s32 v1, v2;
	v4 =	vsel vm1, v4, v7  }
0x25: {  	v2 =	vsub.s32 v2, v0;
	v7 =	vsub.s32 v3, v0;
	v3 =	vadd.s32 v1, v3;
	[tilespmem:s25+$0x8030] =	vst v4  }
0x26: {  	vm0 =	vlt.u32 v2, $0x1388;
	v4 =	vand.u32 $0x1F, v8;
	v9 =	vld [tilespmem:s0+$0x8030];
	[tilespmem:s25+$0x8000] =	vst v5;
	v3 =	vand.u32 $0x1F, v3  }
0x27: {  	v4 =	vadd.s32 $0x1388, v4;
	vm1 =	vlt.u32 v7, $0x1388;
	v8 =	vld [tilespmem:s0+$0x8000];
	v3 =	vadd.s32 $0x1388, v3  }
.Ltmp0:
0x28: {  	v2 =	vsel vm0, v2, v4;
	v3 =	vsel vm1, v7, v3;
	(pc) =	sbr.rel @p1 .LBB2_2-.Ltmp0, $4  }
0x29: {  	v10 =	vsub.s32 v6, v0;
	v4 =	vadd.s32 v1, v6;
	[tilespmem:s25+$0x8010] =	vst v2  }
0x2a: {  	v2 =	vld [tilespmem:s0+$0x8010];
	vm0 =	vlt.u32 v10, $0x1388;
	v5 =	vand.u32 $0x1F, v4;
	[tilespmem:s25+$0x8020] =	vst v3;
	s25 =	smov.u32 s0  }
0x2b: {  	v3 =	vld [tilespmem:s25+$0x8020];
	v4 =	vsub.s32 v9, v0;
	v7 =	vadd.s32 v1, v9;
	v6 =	vadd.s32 $0x1388, v5  }
0x2c: {  	v5 =	vsub.s32 v8, v0;
	v8 =	vadd.s32 v1, v8;
	v6 =	vsel vm0, v10, v6  }
0x2d: {  	v8 =	vand.u32 $0x1F, v8  }
0x2e: {  	vm0 =	vlt.u32 v5, $0x1388;
	v7 =	vand.u32 $0x1F, v7;
	v8 =	vadd.s32 $0x1388, v8  }
0x2f: {  	vm1 =	vlt.u32 v4, $0x1388;
	v7 =	vadd.s32 $0x1388, v7;
	v5 =	vsel vm0, v5, v8  }
0x30: {  	v60 =	vadd.s32 v1, v2;
	v4 =	vsel vm1, v4, v7;
	v2 =	vsub.s32 v2, v0  }
0x31: {  	[tilespmem:s25+$0x8040] =	vst v6;
	v61 =	vsub.s32 v3, v0;
	v3 =	vadd.s32 v1, v3;
	v62 =	vand.u32 $0x1F, v60  }
0x32: {  	[tilespmem:s25+$0x8030] =	vst v4;
	vm14 =	vlt.u32 v2, $0x1388;
	v3 =	vand.u32 $0x1F, v3;
	v63 =	vadd.s32 $0x1388, v62  }
0x33: {  	[tilespmem:s25+$0x8000] =	vst v5;
	vm15 =	vlt.u32 v61, $0x1388;
	v3 =	vadd.s32 $0x1388, v3;
	v2 =	vsel vm14, v2, v63  }
0x34: {  	v3 =	vsel vm15, v61, v3;
	[tilespmem:s25+$0x8010] =	vst v2  }
0x35: {  	s0 =	simm.s32 @p0 $0x1FC3;
	[tilespmem:s25+$0x8020] =	vst v3  }
0x36: {  	[spmem:s17], [sflag:s0] =	dma.local @p0 [hbm:s4], $0x1680  }
0x37: {  	s0 =	simm.s32 @p0 $0x3  }
0x38: {  	_ =	swait.ge @p0 [sflag:s0], $0x1680  }
0x39: {  	s26 =	simm.s32 $0x1;
	[sflag:s0] =	ssyncset.done @p0 $0x0  }
0x3a: {  	s25 =	sshrl.u32 @!p0 s9, $0x3;
	[sflag:s0] =	ssyncadd.s32 @p0 $0xFFFFE980;
	s0 =	simm.s32 @!p0 $0x3  }
0x3b: {  	[spmem:s25], [sflag:s18] =	dma.local @!p0 [hbm:s4], $0x1380  }
0x3c: {  	s7 =	sand.u32 $0x1, s26;
	_ =	swait.ge @!p0 [sflag:s0], $0x1380  }
0x3d: {  	s28 =	simm.s32 $0x0;
	s26 =	smul.u32 $0xA000, s7;
	[sflag:s0] =	ssyncset.done @!p0 $0x0  }
0x3e: {  	s29 =	simm.s32 $0x80;
	s28 =	sand.u32 $0x1, s28;
	[sflag:s0] =	ssyncadd.s32 @!p0 $0xFFFFEC80  }
0x3f: {  	s30 =	smul.u32 $0xA000, s28;
	s26 =	sshrl.u32 s26, $0x2;
	[bflag:$0x0] =	sbarrier.arrive $0xFFFF  }
0x40: {  	[tilespmem:s20], [sflag:$0x1] =	stream.indirect.gather [hbm4b:s5+s19], $0x80, s3, s19, $0xb8;
	[tilespmem:$0x1ED80] =	vst v63  }
0x41: {  	s28 =	sadd.s32 $0x1, s28;
	s26 =	sor.u32 $0x10000, s26;
	s0 =	sadd.s32 $0x1, s7  }
0x42: {  	[tilespmem:s26], [sflag:s0] =	stream.indirect.gather [hbm4b:s5+s19], $0x80, s29, s19, $0xb8;
	[tilespmem:$0x1ED80] =	vst v63  }
0x43: {  	s31 =	simm.s32 $0x3;
	s16 =	sshrl.u32 s30, $0x2;
	_ =	swait.ge [sflag:s28], $0x2800  }
0x44: {  	s30 =	simm.s32 $0x2;
	s26 =	simm.s32 $0x8000;
	[sflag:s28] =	ssyncset.done $0x0  }
0x45: {  	s0 =	sor.u32 $0x10000, s16;
	s29 =	sand.u32 $0x1, s30;
	[sflag:s28] =	ssyncadd.s32 $0xFFFFD800  }
0x46: {  	[spmem:s2] =	stream.indirect.scatter.add.f32 [tilespmem:s0], [sflag:$0x3], $0x80, s26, s19, $0xb8;
	[tilespmem:$0x1ED80] =	vst v63  }
0x47: {  	s28 =	simm.s32 $0x100;
	s0 =	smul.u32 $0xA000, s29;
	_ =	swait.ge [sflag:s15], $0x2800  }
.LBB2_4:
0x48: {  	[sflag:s15] =	ssyncset.done $0x0  }
0x49: {  	s26 =	sadd.s32 $0x80, s26;
	s1 =	smov.u32 s31;
	s16 =	sadd.s32 $0x1, s31  }
0x4a: {  	s30 =	sadd.s32 $0xFFFFFFFF, s30;
	s0 =	sshrl.u32 s0, $0x2;
	[sflag:s15] =	ssyncadd.s32 $0xFFFFD800  }
0x4b: {  	s29 =	sadd.s32 $0x1, s29;
	s30 =	sand.u32 $0x1, s30;
	s0 =	sor.u32 $0x10000, s0  }
0x4c: {  	p1 =	sne.s32 s31, $0xF9;
	s31 =	smul.u32 $0xA000, s30;
	s7 =	sadd.s32 $0x1, s30  }
0x4d: {  	[tilespmem:s0], [sflag:s29] =	stream.indirect.gather [hbm4b:s5+s19], $0x80, s28, s19, $0xb8;
	[tilespmem:$0x1ED80] =	vst v63  }
.Ltmp1:
0x4e: {  	s0 =	sshrl.u32 s31, $0x2;
	_ =	swait.ge [sflag:s7], $0x2800;
	(pc) =	sbr.rel @p1 .LBB2_4-.Ltmp1, $4  }
0x4f: {  	s30 =	smov.u32 s1;
	s0 =	sor.u32 $0x10000, s0;
	[sflag:s7] =	ssyncset.done $0x0  }
0x50: {  	s29 =	sand.u32 $0x1, s30;
	s28 =	sadd.s32 $0x80, s28;
	[sflag:s7] =	ssyncadd.s32 $0xFFFFD800  }
0x51: {  	[spmem:s2] =	stream.indirect.scatter.add.f32 [tilespmem:s0], [sflag:$0x3], $0x80, s26, s19, $0xb8;
	[tilespmem:$0x1ED80] =	vst v63  }
0x52: {  	s31 =	smov.u32 s16;
	s0 =	smul.u32 $0xA000, s29;
	_ =	swait.ge [sflag:s15], $0x2800  }
0x53: {  	[sflag:s15] =	ssyncset.done $0x0;
	s1 =	sadd.s32 $0xFFFFFFFF, s30;
	s7 =	sadd.s32 $0x1, s29  }
0x54: {  	s0 =	sshrl.u32 s0, $0x2;
	[sflag:s15] =	ssyncadd.s32 $0xFFFFD800;
	s1 =	sand.u32 $0x1, s1  }
0x55: {  	s0 =	sor.u32 $0x10000, s0;
	s16 =	smul.u32 $0xA000, s1;
	s1 =	sadd.s32 $0x1, s1  }
0x56: {  	[tilespmem:s0], [sflag:s7] =	stream.indirect.gather [hbm4b:s5+s19], $0x80, s28, s19, $0xb8;
	[tilespmem:$0x1ED80] =	vst v63  }
0x57: {  	_ =	swait.ge [sflag:s1], $0x2800  }
0x58: {  	s16 =	sshrl.u32 s16, $0x2;
	[sflag:s1] =	ssyncset.done $0x0  }
0x59: {  	s26 =	sadd.s32 $0x80, s26;
	s0 =	sor.u32 $0x10000, s16;
	[sflag:s1] =	ssyncadd.s32 $0xFFFFD800  }
0x5a: {  	[spmem:s2] =	stream.indirect.scatter.add.f32 [tilespmem:s0], [sflag:$0x3], $0x80, s26, s19, $0xb8;
	[tilespmem:$0x1ED80] =	vst v63  }
0x5b: {  	_ =	swait.ge [sflag:s15], $0x2800  }
0x5c: {  	[sflag:s15] =	ssyncset.done $0x0  }
0x5d: {  	[sflag:s15] =	ssyncadd.s32 $0xFFFFD800  }
0x5e: {  	_ =	swait.ge [sflag:s21], $0x2800  }
0x5f: {  	[sflag:s21] =	ssyncset.done $0x0  }
0x60: {  	[sflag:s21] =	ssyncadd.s32 $0xFFFFD800  }
0x61: {  	[spmem:s2] =	stream.indirect.scatter.add.f32 [tilespmem:s23], [sflag:$0x3], $0x80, s22, s19, $0xb8;
	[tilespmem:$0x1ED80] =	vst v63  }
0x62: {  	_ =	swait.ge [sflag:s15], $0x2800  }
0x63: {  	[sflag:s15] =	ssyncset.done $0x0  }
0x64: {  	[sflag:s15] =	ssyncadd.s32 $0xFFFFD800  }
0x65: {  	s1 =	simm.s32 @p0 $0x3;
	s0 =	simm.s32 @p0 $0x1FC3;
	[bflag:$0x0] =	sbarrier.arrive $0xFFFF  }
0x66: {  	[hbm:s11], [sflag:s0] =	dma.local @p0 [spmem:s17], $0x1400  }
0x67: {  	_ =	swait.ge @p0 [sflag:s1], $0x1400  }
0x68: {  	[sflag:s1] =	ssyncset.done @p0 $0x0  }
0x69: {  	[sflag:s1] =	ssyncadd.s32 @p0 $0xFFFFEC00  }
0x6a: {  	[bflag:$0x0] =	sbarrier.arrive @p0 $0xFFFF  }
0x6b: {  	[spmem:s17], [sflag:s0] =	dma.local @p0 [hbm:s4], $0x1680  }
0x6c: {  	_ =	swait.ge @p0 [sflag:s1], $0x1680  }
0x6d: {  	[sflag:s1] =	ssyncset.done @p0 $0x0  }
0x6e: {  	s0 =	simm.s32 @!p0 $0x3;
	[sflag:s1] =	ssyncadd.s32 @p0 $0xFFFFE980  }
0x6f: {  	[hbm:s10], [sflag:s18] =	dma.local @!p0 [spmem:s25], $0x1380  }
0x70: {  	_ =	swait.ge @!p0 [sflag:s0], $0x1380  }
0x71: {  	[sflag:s0] =	ssyncset.done @!p0 $0x0  }
0x72: {  	[sflag:s0] =	ssyncadd.s32 @!p0 $0xFFFFEC80  }
0x73: {  	[bflag:$0x0] =	sbarrier.arrive @!p0 $0xFFFF  }
0x74: {  	[spmem:s25], [sflag:s18] =	dma.local @!p0 [hbm:s4], $0x1380  }
0x75: {  	_ =	swait.ge @!p0 [sflag:s0], $0x1380  }
0x76: {  	s7 =	simm.s32 $0x1;
	[sflag:s0] =	ssyncset.done @!p0 $0x0  }
0x77: {  	s16 =	simm.s32 $0x0;
	[sflag:s0] =	ssyncadd.s32 @!p0 $0xFFFFEC80;
	s0 =	sand.u32 $0x1, s7  }
0x78: {  	s26 =	simm.s32 $0x80;
	[bflag:$0x0] =	sbarrier.arrive $0xFFFF;
	s1 =	smul.u32 $0xA000, s0  }
0x79: {  	[tilespmem:s20], [sflag:$0x1] =	stream.indirect.gather [hbm4b:s6+s19], $0x80, s3, s19, $0xb8;
	[tilespmem:$0x1ED80] =	vst v63  }
0x7a: {  	s7 =	sand.u32 $0x1, s16;
	s0 =	sadd.s32 $0x1, s0;
	s1 =	sshrl.u32 s1, $0x2  }
0x7b: {  	s28 =	smul.u32 $0xA000, s7;
	s7 =	sadd.s32 $0x1, s7;
	s1 =	sor.u32 $0x10000, s1  }
0x7c: {  	[tilespmem:s1], [sflag:s0] =	stream.indirect.gather [hbm4b:s6+s19], $0x80, s26, s19, $0xb8;
	[tilespmem:$0x1ED80] =	vst v63  }
0x7d: {  	s30 =	simm.s32 $0x2;
	s31 =	simm.s32 $0x3;
	_ =	swait.ge [sflag:s7], $0x2800  }
0x7e: {  	s29 =	sand.u32 $0x1, s30;
	s16 =	sshrl.u32 s28, $0x2;
	[sflag:s7] =	ssyncset.done $0x0  }
0x7f: {  	s26 =	simm.s32 $0x8000;
	s0 =	sor.u32 $0x10000, s16;
	[sflag:s7] =	ssyncadd.s32 $0xFFFFD800  }
0x80: {  	[spmem:s2] =	stream.indirect.scatter.add.f32 [tilespmem:s0], [sflag:$0x3], $0x80, s26, s19, $0xb8;
	[tilespmem:$0x1ED80] =	vst v63  }
0x81: {  	s28 =	simm.s32 $0x100;
	s0 =	smul.u32 $0xA000, s29;
	_ =	swait.ge [sflag:s15], $0x2800  }
.LBB2_6:
0x82: {  	[sflag:s15] =	ssyncset.done $0x0  }
0x83: {  	s26 =	sadd.s32 $0x80, s26;
	s1 =	smov.u32 s31;
	s7 =	sadd.s32 $0x1, s31  }
0x84: {  	s16 =	sadd.s32 $0xFFFFFFFF, s30;
	s0 =	sshrl.u32 s0, $0x2;
	[sflag:s15] =	ssyncadd.s32 $0xFFFFD800  }
0x85: {  	s29 =	sadd.s32 $0x1, s29;
	s16 =	sand.u32 $0x1, s16;
	s0 =	sor.u32 $0x10000, s0  }
0x86: {  	p1 =	sne.s32 s31, $0xF9;
	s30 =	smul.u32 $0xA000, s16;
	s16 =	sadd.s32 $0x1, s16  }
0x87: {  	[tilespmem:s0], [sflag:s29] =	stream.indirect.gather [hbm4b:s6+s19], $0x80, s28, s19, $0xb8;
	[tilespmem:$0x1ED80] =	vst v63  }
.Ltmp2:
0x88: {  	s0 =	sshrl.u32 s30, $0x2;
	_ =	swait.ge [sflag:s16], $0x2800;
	(pc) =	sbr.rel @p1 .LBB2_6-.Ltmp2, $4  }
0x89: {  	s30 =	smov.u32 s1;
	s0 =	sor.u32 $0x10000, s0;
	[sflag:s16] =	ssyncset.done $0x0  }
0x8a: {  	s31 =	smov.u32 s7;
	s29 =	sand.u32 $0x1, s30;
	[sflag:s16] =	ssyncadd.s32 $0xFFFFD800  }
0x8b: {  	[spmem:s2] =	stream.indirect.scatter.add.f32 [tilespmem:s0], [sflag:$0x3], $0x80, s26, s19, $0xb8;
	[tilespmem:$0x1ED80] =	vst v63  }
0x8c: {  	s28 =	sadd.s32 $0x80, s28;
	s0 =	smul.u32 $0xA000, s29;
	_ =	swait.ge [sflag:s15], $0x2800  }
0x8d: {  	[sflag:s15] =	ssyncset.done $0x0;
	s1 =	sadd.s32 $0xFFFFFFFF, s30;
	s7 =	sadd.s32 $0x1, s29  }
0x8e: {  	s0 =	sshrl.u32 s0, $0x2;
	[sflag:s15] =	ssyncadd.s32 $0xFFFFD800;
	s1 =	sand.u32 $0x1, s1  }
0x8f: {  	s0 =	sor.u32 $0x10000, s0;
	s16 =	smul.u32 $0xA000, s1;
	s1 =	sadd.s32 $0x1, s1  }
0x90: {  	[tilespmem:s0], [sflag:s7] =	stream.indirect.gather [hbm4b:s6+s19], $0x80, s28, s19, $0xb8;
	[tilespmem:$0x1ED80] =	vst v63  }
0x91: {  	_ =	swait.ge [sflag:s1], $0x2800  }
0x92: {  	s30 =	sshrl.u32 s16, $0x2;
	[sflag:s1] =	ssyncset.done $0x0  }
0x93: {  	s31 =	sadd.s32 $0x80, s26;
	s0 =	sor.u32 $0x10000, s30;
	[sflag:s1] =	ssyncadd.s32 $0xFFFFD800  }
0x94: {  	[spmem:s2] =	stream.indirect.scatter.add.f32 [tilespmem:s0], [sflag:$0x3], $0x80, s31, s19, $0xb8;
	[tilespmem:$0x1ED80] =	vst v63  }
0x95: {  	_ =	swait.ge [sflag:s15], $0x2800  }
0x96: {  	[sflag:s15] =	ssyncset.done $0x0  }
0x97: {  	[sflag:s15] =	ssyncadd.s32 $0xFFFFD800  }
0x98: {  	_ =	swait.ge [sflag:s21], $0x2800  }
0x99: {  	[sflag:s21] =	ssyncset.done $0x0  }
0x9a: {  	[sflag:s21] =	ssyncadd.s32 $0xFFFFD800  }
0x9b: {  	[spmem:s2] =	stream.indirect.scatter.add.f32 [tilespmem:s23], [sflag:$0x3], $0x80, s22, s19, $0xb8;
	[tilespmem:$0x1ED80] =	vst v63  }
0x9c: {  	_ =	swait.ge [sflag:s15], $0x2800  }
0x9d: {  	[sflag:s15] =	ssyncset.done $0x0  }
0x9e: {  	[sflag:s15] =	ssyncadd.s32 $0xFFFFD800  }
0x9f: {  	s0 =	simm.s32 @p0 $0x1FC3;
	[bflag:$0x0] =	sbarrier.arrive $0xFFFF  }
0xa0: {  	[hbm:s13], [sflag:s0] =	dma.local @p0 [spmem:s17], $0x1400  }
0xa1: {  	s0 =	simm.s32 @p0 $0x3  }
0xa2: {  	s24 =	sadd.s32 $0x1, s24;
	_ =	swait.ge @p0 [sflag:s0], $0x1400  }
0xa3: {  	p1 =	sne.s32 s24, s14;
	[sflag:s0] =	ssyncset.done @p0 $0x0  }
.Ltmp3:
0xa4: {  	[sflag:s0] =	ssyncadd.s32 @p0 $0xFFFFEC00;
	s0 =	simm.s32 @!p0 $0x3;
	(pc) =	sbr.rel @p1 .LBB2_1-.Ltmp3, $4  }
0xa5: {  	[hbm:s12], [sflag:s18] =	dma.local @!p0 [spmem:s25], $0x1380  }
0xa6: {  	_ =	swait.ge @!p0 [sflag:s0], $0x1380  }
0xa7: {  	[sflag:s0] =	ssyncset.done @!p0 $0x0  }
0xa8: {  	[sflag:s0] =	ssyncadd.s32 @!p0 $0xFFFFEC80  }
0xa9: {  	_ =	sfence.sel $0x180000  }
0xaa: {  	[bflag:$0x0] =	sbarrier.arrive $0xFFFF  }
0xab: {  	_ =	strace $0x90000050  }
0xac: {  	s0 =	stileid.u32;
	[bflag:$0x2] =	sbarrier.arrive $0xFFFF  }
0xad: {  	p0 =	sne.s32 s0, $0x0;
	s0 =	rddreg [dreg:$0x2]  }
0xae: {  	s0 =	sadd.s32 @!p0 $0x100000, s0  }
0xaf: {  	[sflag:s0] =	ssyncadd.tile.s32 @!p0 $0x1;
	_ =	shalt  }
.Lfunc_end2:
_tile_overlayer_lowered:
.L_overlay_start_2:
0xb0: {  	(tag) =	ssettag $0x2  }
0xb1: {  	s0 =	rddreg [dreg:$0x0];
	s2 =	stileid.u32  }
0xb2: {  	s1 =	rddreg [dreg:$0x1];
	p0 =	sne.s32 s2, $0x0  }
0xb3: {  	s3 =	rddreg [dreg:$0x2];
	[bflag:$0x3] =	sbarrier.arrive $0xFFFF;
	s2 =	simm.s32 @!p0 $0x1C03  }
0xb4: {  	[timem:s3], [sflag:s2] =	dma.local @!p0 [hbm:s0], s1  }
0xb5: {  	s0 =	simm.s32 @!p0 $0x3  }
0xb6: {  	_ =	swait.ge @!p0 [sflag:s0], s1  }
0xb7: {  	s1 =	ssub.s32 @!p0 $0x0, s1;
	[sflag:s0] =	ssyncset.done @!p0 $0x0  }
0xb8: {  	[sflag:s0] =	ssyncadd.s32 @!p0 s1  }
0xb9: {  	[bflag:$0x3] =	sbarrier.arrive $0xFFFF  }
0xba: {  	_ =	shalt  }

// kernel: kernel.24.cloned.1.call-start
scs
__scs_entry_jumppad:
0x0: {  	(pc) =	sbr.rel $0x88, $3  }
0x1: {  	(tag) =	ssettag $0x0;
	lr =	simm.s32 $0x1  }
0x2: {  	[smem:$0x3F8E] =	sst lr;
	_ =	strace $0xD0000000  }
0x3: {  	_ = 	snop  }
0x4: {  	_ = 	snop  }
0x5: {  	_ = 	snop  }
0x6: {  	_ = 	snop  }
0x7: {  	_ = 	snop  }
__scs_overlays_trampoline_lowered:
0x8: {  	[smem:$0x3F9D] =	sst s0  }
0x9: {  	[smem:$0x3F9E] =	sst s1  }
0xa: {  	[smem:$0x3F9F] =	sst s2  }
0xb: {  	[smem:$0x3FA0] =	sst s3  }
0xc: {  	[smem:$0x3FA1] =	sst s4  }
0xd: {  	[smem:$0x3FA2] =	sst s5  }
0xe: {  	[smem:$0x3FA3] =	sst s6  }
0xf: {  	[smem:$0x3FA4] =	sst s7  }
0x10: {  	[smem:$0x3FA5] =	sst s8  }
0x11: {  	[smem:$0x3FA6] =	sst s9;
	s0 =	simm.s32 @!p0 $0x0  }
0x12: {  	s1 =	sld [smem:$0x3F8C];
	s0 =	simm.s32 @p0 $0x1  }
0x13: {  	[smem:$0x3FA7] =	sst s0;
	s0 =	simm.s32 @!p1 $0x0  }
0x14: {  	s2 =	sld [smem:$0x3F8B];
	s0 =	simm.s32 @p1 $0x1  }
0x15: {  	[smem:$0x3FA8] =	sst s0;
	s0 =	simm.s32 @!p2 $0x0  }
0x16: {  	s3 =	sld [smem:$0x3FDB];
	s0 =	simm.s32 @p2 $0x1  }
0x17: {  	s4 =	simm.s32 $0x1BF5;
	[smem:$0x3FAA] =	sst s0  }
0x18: {  	s0 =	sld [smem:$0x3F8D];
	_ =	swait.ge [sflag:s4], $0x0  }
0x19: {  	s7 =	sld [smem:$0x3F8E]  }
0x1a: {  	s8 =	sadd.s32 $0xFFFFE003, lr  }
0x1b: {  	s9 =	sadd.s32 $0xFFFFFEF7, lr;
	s5 =	simm.s32 $0xFFFFFFFF;
	p2 =	slt.u32 s8, $0xFFFFF086  }
0x1c: {  	p1 =	slt.u32 s9, $0xF7A;
	s5 =	simm.s32 @!p2 $0x0  }
0x1d: {  	s5 =	simm.s32 @p1 $0x1;
	p0 =	seq.s32 s7, s2  }
0x1e: {  	s7 =	smul.u32 @!p0 $0xF7A, s2;
	p2 =	seq.s32 @!p0 s5, $0x0  }
0x1f: {  	s9 =	smul.u32 $0xF7A, s1;
	s8 =	simm.s32 @!p0 $0x1BF5;
	p2 =	por !p2, p0  }
0x20: {  	[sflag:s8] =	ssyncset.s32 @!p0 $0xFFFFF086;
	s6 =	sadd.s32 @!p0 s3, s7;
	s7 =	simm.s32 @!p0 $0x108  }
0x21: {  	s3 =	sadd.s32 s3, s9;
	s6 =	sadd.s32 @!p0 $0x88, s6;
	s7 =	simm.s32 @p2 $0x1082  }
0x22: {  	[simem:s7], [sflag:s8] =	dma.local @!p0 [hbm:s6], $0xF7A  }
0x23: {  	s9 =	sor.u32 $0xD0000000, s2;
	s6 =	simm.s32 $0x108;
	_ =	swait.ge @!p0 [sflag:s8], $0x0  }
0x24: {  	s3 =	sadd.s32 $0x88, s3;
	s6 =	simm.s32 @!p1 $0x1082;
	[sflag:s4] =	ssyncset.s32 $0xFFFFF086  }
0x25: {  	[simem:s6], [sflag:s4] =	dma.local [hbm:s3], $0xF7A  }
0x26: {  	[smem:$0x3F8E] =	sst s1;
	(tag) =	ssettag s2;
	_ =	strace s9  }
0x27: {  	s1 =	sld [smem:$0x3F9E]  }
0x28: {  	s2 =	sld [smem:$0x3F9F]  }
0x29: {  	s4 =	sld [smem:$0x3FA1]  }
0x2a: {  	p0 =	seq.s32 s5, $0x0;
	s5 =	sld [smem:$0x3FA2]  }
0x2b: {  	s6 =	sld [smem:$0x3FA3]  }
0x2c: {  	s7 =	sld [smem:$0x3FA4]  }
0x2d: {  	s3 =	simm.s32 $0x108;
	s8 =	sld [smem:$0x3FA5]  }
0x2e: {  	s3 =	simm.s32 @!p0 $0x1082;
	s9 =	sld [smem:$0x3FA6]  }
0x2f: {  	lr =	sadd.s32 s0, s3;
	s0 =	sld [smem:$0x3F9D]  }
0x30: {  	s3 =	sld [smem:$0x3FA0]  }
0x31: {  	[smem:$0x3FA9] =	sst s10  }
0x32: {  	s10 =	sld [smem:$0x3FA7];
	_ =	sdelay $0x3  }
0x33: {  	p0 =	seq.s32 s10, $0x1;
	s10 =	sld [smem:$0x3FA9];
	_ =	sdelay $0x3  }
0x34: {  	[smem:$0x3FA9] =	sst s10  }
0x35: {  	s10 =	sld [smem:$0x3FA8];
	_ =	sdelay $0x3  }
0x36: {  	p1 =	seq.s32 s10, $0x1;
	s10 =	sld [smem:$0x3FA9];
	_ =	sdelay $0x3  }
0x37: {  	[smem:$0x3FA9] =	sst s10  }
0x38: {  	s10 =	sld [smem:$0x3FAA]  }
0x39: {  	_ = 	snop;
	(pc) =	sbr.ind lr, $3  }
0x3a: {  	_ = 	snop  }
0x3b: {  	_ = 	snop  }
0x3c: {  	p2 =	seq.s32 s10, $0x1;
	s10 =	sld [smem:$0x3FA9]  }
0x3d: {  	_ =	shalt  }
0x3e: {  	_ =	shalt  }
0x3f: {  	_ =	shalt  }
0x40: {  	_ =	shalt  }
0x41: {  	_ =	shalt  }
0x42: {  	_ =	shalt  }
0x43: {  	_ =	shalt  }
0x44: {  	_ =	shalt  }
0x45: {  	_ =	shalt  }
0x46: {  	_ =	shalt  }
0x47: {  	_ =	shalt  }
0x48: {  	_ =	shalt  }
0x49: {  	_ =	shalt  }
0x4a: {  	_ =	shalt  }
0x4b: {  	_ =	shalt  }
0x4c: {  	_ =	shalt  }
0x4d: {  	_ =	shalt  }
0x4e: {  	_ =	shalt  }
0x4f: {  	_ =	shalt  }
0x50: {  	_ =	shalt  }
0x51: {  	_ =	shalt  }
0x52: {  	_ =	shalt  }
0x53: {  	_ =	shalt  }
0x54: {  	_ =	shalt  }
0x55: {  	_ =	shalt  }
0x56: {  	_ =	shalt  }
0x57: {  	_ =	shalt  }
0x58: {  	_ =	shalt  }
0x59: {  	_ =	shalt  }
0x5a: {  	_ =	shalt  }
0x5b: {  	_ =	shalt  }
0x5c: {  	_ =	shalt  }
0x5d: {  	_ =	shalt  }
0x5e: {  	_ =	shalt  }
0x5f: {  	_ =	shalt  }
0x60: {  	_ =	shalt  }
0x61: {  	_ =	shalt  }
0x62: {  	_ =	shalt  }
0x63: {  	_ =	shalt  }
0x64: {  	_ =	shalt  }
0x65: {  	_ =	shalt  }
0x66: {  	_ =	shalt  }
0x67: {  	_ =	shalt  }
0x68: {  	_ =	shalt  }
0x69: {  	_ =	shalt  }
0x6a: {  	_ =	shalt  }
0x6b: {  	_ =	shalt  }
0x6c: {  	_ =	shalt  }
0x6d: {  	_ =	shalt  }
0x6e: {  	_ =	shalt  }
0x6f: {  	_ =	shalt  }
0x70: {  	_ =	shalt  }
0x71: {  	_ =	shalt  }
0x72: {  	_ =	shalt  }
0x73: {  	_ =	shalt  }
0x74: {  	_ =	shalt  }
0x75: {  	_ =	shalt  }
0x76: {  	_ =	shalt  }
0x77: {  	_ =	shalt  }
0x78: {  	_ =	shalt  }
0x79: {  	_ =	shalt  }
0x7a: {  	_ =	shalt  }
0x7b: {  	_ =	shalt  }
0x7c: {  	_ =	shalt  }
0x7d: {  	_ =	shalt  }
0x7e: {  	_ =	shalt  }
0x7f: {  	_ =	shalt  }
0x80: {  	_ =	shalt  }
0x81: {  	_ =	shalt  }
0x82: {  	_ =	shalt  }
0x83: {  	_ =	shalt  }
0x84: {  	_ =	shalt  }
0x85: {  	_ =	shalt  }
0x86: {  	_ =	shalt  }
0x87: {  	_ =	shalt  }
.Lfunc_end0:
.L_simem_size_0:
called_computation.4_lowered:
.L_overlay_start_0:
0x88: {  	s2 =	sld [smem:$0x3FD9]  }
0x89: {  	s3 =	sld [smem:$0x3FFE];
	_ =	sdelay $0x1  }
0x8a: {  	s1 =	srdreg.scid  }
0x8b: {  	s0 =	sand.u32 $0x1, s1  }
0x8c: {  	s16 =	sshll.u32 s0, $0xA;
	s2 =	sadd.s32 s3, s2  }
0x8d: {  	s2 =	sadd.s32 s2, s16  }
0x8e: {  	[smem:$0x3FB5] =	sst s2  }
0x8f: {  	_ = 	snop  }
0x90: {  	(tm) =	ssettm $0x1  }
0x91: {  	s17 =	sld [smem:$0x3FFB];
	_ =	sdelay $0x3  }
0x92: {  	_ =	strace s17  }
0x93: {  	s2 =	sld [smem:$0x3FFC];
	_ =	sdelay $0x3  }
0x94: {  	_ =	strace s2  }
0x95: {  	s2 =	sld [smem:$0x3FFD];
	_ =	sdelay $0x3  }
0x96: {  	_ =	strace s2  }
0x97: {  	_ =	strace $0x8FFFFFFF  }
0x98: {  	s18 =	sld [smem:$0x3FDB];
	_ =	sdelay $0x1  }
0x99: {  	s19 =	simm.s32 $_scs_section_size  }
0x9a: {  	s4 =	simm.s32 $_size__tile_overlayer_lowered;
	s5 =	simm.s32 $_tile_overlayer_lowered  }
0x9b: {  	s22 =	simm.s32 $0x1BFF;
	s21 =	sshll.u32 s5, $0x1;
	s2 =	sadd.s32 s19, s18  }
0x9c: {  	s6 =	simm.s32 $0x0;
	s20 =	sshll.u32 s4, $0x1;
	s4 =	sadd.s32 s21, s2  }
0x9d: {  	[timem:s6], [sflag:s22] =	dma.local [hbm:s4], s20  }
0x9e: {  	_ =	swait.ge [sflag:s22], s20  }
0x9f: {  	s3 =	ssub.s32 $0x0, s20;
	[sflag:s22] =	ssyncset.done $0x0  }
0xa0: {  	[sflag:s22] =	ssyncadd.s32 s3;
	_ =	sdelay $0x1  }
0xa1: {  	s23 =	simm.s32 $0x1B8B  }
0xa2: {  	_ =	swait.ge [sflag:s23], $0x1  }
0xa3: {  	[sflag:s23] =	ssyncset.done $0x0  }
0xa4: {  	s25 =	simm.s32 $0x1B8E;
	s24 =	sld [smem:$0x3FFE];
	[sflag:s23] =	ssyncadd.s32 $0xFFFFFFFF  }
0xa5: {  	s26 =	simm.s32 $execute0_lowered;
	[smem:$0x3FD2] =	sst s25  }
0xa6: {  	s4 =	sshll.u32 s26, $0x1;
	_ =	strace $0x80000052;
	[dreg:$0x1] =	wrdreg $0xFFFFFFFF  }
0xa7: {  	s28 =	simm.s32 $_size_execute0_lowered;
	s2 =	sadd.s32 s2, s4;
	[dreg:$0x0] =	wrdreg $0x0  }
0xa8: {  	s4 =	sshll.u32 s28, $0x1;
	[dreg:$0x2] =	wrdreg s2  }
0xa9: {  	[dreg:$0x3] =	wrdreg s4  }
0xaa: {  	[dreg:$0x4] =	wrdreg $0xC0  }
0xab: {  	_ =	task [dreg:s6], $0x5FFFF  }
0xac: {  	[dreg:$0x1] =	wrdreg $0xFFFFFFFF  }
0xad: {  	[dreg:$0x0] =	wrdreg $0x60  }
0xae: {  	[dreg:$0x2] =	wrdreg s24  }
0xaf: {  	[dreg:$0x3] =	wrdreg $0x90000  }
0xb0: {  	[dreg:$0x4] =	wrdreg $0x93400  }
0xb1: {  	[dreg:$0x5] =	wrdreg $0x96800  }
0xb2: {  	[dreg:$0x6] =	wrdreg $0x9  }
0xb3: {  	_ =	task.clear_ibuf [dreg:s6], $0x7FFFF;
	_ =	strace $0x90000052  }
0xb4: {  	s29 =	simm.s32 $0x9;
	_ =	strace $0x80000054  }
0xb5: {  	_ =	swait.ge [sflag:s29], $0x1  }
0xb6: {  	[sflag:s29] =	ssyncadd.s32 $0xFFFFFFFF  }
0xb7: {  	_ =	strace $0x90000054  }
0xb8: {  	_ =	sfence  }
0xb9: {  	s30 =	sld [smem:$0x0];
	_ =	sdelay $0x2  }
0xba: {  	s31 =	sshll.u32 s1, $0xD;
	s1 =	sshrl.u32 s1, $0x2  }
0xbb: {  	s3 =	sand.u32 $0x4000, s31;
	s1 =	sadd.s32 s1, s30  }
0xbc: {  	s0 =	sor.u32 s3, s0;
	s1 =	sshll.u32 s1, $0x11  }
0xbd: {  	s0 =	sor.u32 s1, s0  }
0xbe: {  	s0 =	sadd.s32 $0x8F2B, s0  }
0xbf: {  	[sflag:s0] =	ssyncadd.remote.s32 $0x1  }
0xc0: {  	_ =	sfence.sel $0xFFFF  }
0xc1: {  	[dreg:$0x0] =	wrdreg $0xFFFFFFFF;
	(pc) =	sbr.abs _section_cstart, $3  }
0xc2: {  	[dreg:$0x1] =	wrdreg $0xFFFFFFFF  }
0xc3: {  	_ =	task.clear_ibuf [dreg:s6], $0x2FFFF;
	_ =	strace $0x9FFFFFFF  }
0xc4: {  	(tm) =	ssettm $0x7FFFFFFF  }
0xc5: {  	_ =	shalt  }
tec
execute0_lowered:
.L_overlay_start_1:
0x0: {  	(tag) =	ssettag $0x1  }
0x1: {  	s31 =	rddreg [dreg:$0x0]  }
0x2: {  	s1 =	rddreg [dreg:$0x1]  }
0x3: {  	s2 =	rddreg [dreg:$0x2]  }
0x4: {  	s3 =	rddreg [dreg:$0x3]  }
0x5: {  	s4 =	simm.s32 $0x0;
	s6 =	srdreg.scid;
	s7 =	stileid.u32  }
0x6: {  	[smem:$0x7FF] =	sst s4;
	s5 =	sadd.s32 $0xC4800, s31;
	s17 =	sadd.s32 $0x6800, s31  }
0x7: {  	s29 =	sand.u32 $0x1, s6;
	_ =	strace $0x80000053;
	[dreg:$0x5] =	wrdreg s5  }
0x8: {  	s18 =	sadd.s32 $0x7C00, s31;
	s19 =	sadd.s32 $0x6E80, s31;
	[dreg:$0x6] =	wrdreg s17  }
0x9: {  	s20 =	sadd.s32 $0x7500, s31;
	s6 =	sshll.u32 s29, $0x4;
	[dreg:$0x7] =	wrdreg s18  }
0xa: {  	s22 =	sadd.s32 $0x28000, s31;
	[dreg:$0x8] =	wrdreg s19;
	s21 =	sor.u32 s7, s6  }
0xb: {  	s5 =	simm.s32 $0x6800;
	s8 =	rddreg [dreg:$0x7];
	s18 =	smul.u32 $0xF00, s21  }
0xc: {  	[tilespmem:s5], [sflag:$0x1] =	stream.linear.gather [hbm4b:s8+s4], $0x2800, $0x38;
	[tilespmem:$0x99C0] =	vst v63  }
0xd: {  	s28 =	sadd.s32 $0x4F200, s31;
	[dreg:$0x9] =	wrdreg s20;
	s23 =	sadd.s32 s22, s18  }
0xe: {  	s24 =	sadd.s32 s28, s18;
	[dreg:$0xa] =	wrdreg s23  }
0xf: {  	s6 =	simm.s32 $0x1;
	[dreg:$0xb] =	wrdreg s24  }
0x10: {  	_ =	swait.ge [sflag:s6], $0x2800  }
0x11: {  	[sflag:s6] =	ssyncset.done $0x0  }
0x12: {  	s25 =	rddreg [dreg:$0x5];
	[sflag:s6] =	ssyncadd.s32 $0xFFFFD800  }
0x13: {  	[tilespmem:s4], [sflag:$0x1] =	stream.linear.gather [hbm4b:s25+s4], $0x3E80, $0x38;
	[tilespmem:$0x99C0] =	vst v63  }
0x14: {  	p0 =	sne.s32 s7, $0x0;
	_ =	swait.ge [sflag:s6], $0x3E80  }
0x15: {  	s9 =	simm.s32 @!p0 $0x1C01;
	s7 =	simm.s32 @!p0 $0x1;
	[sflag:s6] =	ssyncset.done $0x0  }
0x16: {  	s8 =	sshrl.u32 @!p0 s1, $0x3;
	s10 =	rddreg [dreg:$0x6];
	[sflag:s6] =	ssyncadd.s32 $0xFFFFC180  }
0x17: {  	[spmem:s8], [sflag:s9] =	dma.local @!p0 [hbm:s10], $0x680  }
0x18: {  	_ =	swait.ge @!p0 [sflag:s7], $0x680  }
0x19: {  	[sflag:s7] =	ssyncset.done @!p0 $0x0  }
0x1a: {  	s10 =	sshrl.u32 @!p0 s2, $0x3;
	s11 =	rddreg [dreg:$0x8];
	[sflag:s7] =	ssyncadd.s32 @!p0 $0xFFFFF980  }
0x1b: {  	[spmem:s10], [sflag:s9] =	dma.local @!p0 [hbm:s11], $0x680  }
0x1c: {  	_ =	swait.ge @!p0 [sflag:s7], $0x680  }
0x1d: {  	[sflag:s7] =	ssyncset.done @!p0 $0x0  }
0x1e: {  	s11 =	sshrl.u32 @!p0 s3, $0x3;
	s12 =	rddreg [dreg:$0x9];
	[sflag:s7] =	ssyncadd.s32 @!p0 $0xFFFFF980  }
0x1f: {  	[spmem:s11], [sflag:s9] =	dma.local @!p0 [hbm:s12], $0x680  }
0x20: {  	_ =	swait.ge @!p0 [sflag:s7], $0x680  }
0x21: {  	[sflag:s7] =	ssyncset.done @!p0 $0x0  }
0x22: {  	[sflag:s7] =	ssyncadd.s32 @!p0 $0xFFFFF980  }
0x23: {  	[bflag:$0x0] =	sbarrier.arrive $0xFFFF  }
0x24: {  	s12 =	simm.s32 $0x4000;
	s13 =	rddreg [dreg:$0xa]  }
0x25: {  	[tilespmem:s12], [sflag:$0x1] =	stream.linear.gather [hbm4b:s13+s4], $0x2800, $0x38;
	[tilespmem:$0x99C0] =	vst v63  }
0x26: {  	s26 =	smul.u32 $0x600, s21;
	_ =	swait.ge [sflag:s6], $0x2800  }
0x27: {  	[sflag:s6] =	ssyncset.done $0x0  }
0x28: {  	s14 =	simm.s32 $0x50;
	s13 =	sshrl.u32 s26, $0x2;
	[sflag:s6] =	ssyncadd.s32 $0xFFFFD800  }
0x29: {  	[spmem:s1] =	stream.indirect.scatter.add.f32 [tilespmem:s12], [sflag:$0x1], $0x80, s13, s14, $0xb8;
	[tilespmem:$0x99C0] =	vst v63  }
0x2a: {  	_ =	swait.ge [sflag:s6], $0x2800  }
0x2b: {  	[sflag:s6] =	ssyncset.done $0x0  }
0x2c: {  	s15 =	rddreg [dreg:$0xb];
	[sflag:s6] =	ssyncadd.s32 $0xFFFFD800  }
0x2d: {  	[tilespmem:s12], [sflag:$0x1] =	stream.linear.gather [hbm4b:s15+s4], $0x2800, $0x38;
	[tilespmem:$0x99C0] =	vst v63  }
0x2e: {  	_ =	swait.ge [sflag:s6], $0x2800  }
0x2f: {  	[sflag:s6] =	ssyncset.done $0x0  }
0x30: {  	s19 =	smul.u32 $0x3, s21;
	[sflag:s6] =	ssyncadd.s32 $0xFFFFD800  }
0x31: {  	[spmem:s2] =	stream.indirect.scatter.add.f32 [tilespmem:s12], [sflag:$0x1], $0x80, s13, s14, $0xb8;
	[tilespmem:$0x99C0] =	vst v63  }
0x32: {  	_ =	swait.ge [sflag:s6], $0x2800  }
0x33: {  	s16 =	sadd.s32 $0x1, s19;
	[sflag:s6] =	ssyncset.done $0x0  }
0x34: {  	s17 =	smul.u32 $0x500, s16;
	[sflag:s6] =	ssyncadd.s32 $0xFFFFD800  }
0x35: {  	[spmem:s3] =	stream.indirect.scatter.add.f32 [tilespmem:s5], [sflag:$0x1], $0x80, s13, s14, $0xb8;
	[tilespmem:$0x99C0] =	vst v63  }
0x36: {  	_ =	swait.ge [sflag:s6], $0x2800  }
0x37: {  	s0 =	sadd.s32 s22, s17;
	[sflag:s6] =	ssyncset.done $0x0  }
0x38: {  	[dreg:$0xc] =	wrdreg s0;
	[sflag:s6] =	ssyncadd.s32 $0xFFFFD800  }
0x39: {  	[tilespmem:s12], [sflag:$0x1] =	stream.linear.gather [hbm4b:s0+s4], $0x2800, $0x38;
	[tilespmem:$0x99C0] =	vst v63  }
0x3a: {  	_ =	swait.ge [sflag:s6], $0x2800  }
0x3b: {  	[sflag:s6] =	ssyncset.done $0x0  }
0x3c: {  	s16 =	sshll.u32 s16, $0x7;
	[sflag:s6] =	ssyncadd.s32 $0xFFFFD800  }
0x3d: {  	[spmem:s1] =	stream.indirect.scatter.add.f32 [tilespmem:s12], [sflag:$0x1], $0x80, s16, s14, $0xb8;
	[tilespmem:$0x99C0] =	vst v63  }
0x3e: {  	_ =	swait.ge [sflag:s6], $0x2800  }
0x3f: {  	[sflag:s6] =	ssyncset.done $0x0  }
0x40: {  	s17 =	sadd.s32 s28, s17;
	[sflag:s6] =	ssyncadd.s32 $0xFFFFD800  }
0x41: {  	[tilespmem:s12], [sflag:$0x1] =	stream.linear.gather [hbm4b:s17+s4], $0x2800, $0x38;
	[tilespmem:$0x99C0] =	vst v63  }
0x42: {  	_ =	swait.ge [sflag:s6], $0x2800  }
0x43: {  	[sflag:s6] =	ssyncset.done $0x0  }
0x44: {  	[sflag:s6] =	ssyncadd.s32 $0xFFFFD800  }
0x45: {  	[spmem:s2] =	stream.indirect.scatter.add.f32 [tilespmem:s12], [sflag:$0x1], $0x80, s16, s14, $0xb8;
	[tilespmem:$0x99C0] =	vst v63  }
0x46: {  	_ =	swait.ge [sflag:s6], $0x2800  }
0x47: {  	[sflag:s6] =	ssyncset.done $0x0  }
0x48: {  	[sflag:s6] =	ssyncadd.s32 $0xFFFFD800  }
0x49: {  	[spmem:s3] =	stream.indirect.scatter.add.f32 [tilespmem:s5], [sflag:$0x1], $0x80, s16, s14, $0xb8;
	[tilespmem:$0x99C0] =	vst v63  }
0x4a: {  	_ =	swait.ge [sflag:s6], $0x2800  }
0x4b: {  	s20 =	sadd.s32 $0xA00, s18;
	[sflag:s6] =	ssyncset.done $0x0  }
0x4c: {  	s18 =	sadd.s32 s22, s20;
	[sflag:s6] =	ssyncadd.s32 $0xFFFFD800  }
0x4d: {  	[tilespmem:s12], [sflag:$0x1] =	stream.linear.gather [hbm4b:s18+s4], $0x2800, $0x38;
	[tilespmem:$0x99C0] =	vst v63  }
0x4e: {  	_ =	swait.ge [sflag:s6], $0x2800  }
0x4f: {  	s19 =	sshll.u32 s19, $0x7;
	[sflag:s6] =	ssyncset.done $0x0  }
0x50: {  	s19 =	sadd.s32 $0x100, s19;
	[sflag:s6] =	ssyncadd.s32 $0xFFFFD800  }
0x51: {  	[spmem:s1] =	stream.indirect.scatter.add.f32 [tilespmem:s12], [sflag:$0x1], $0x80, s19, s14, $0xb8;
	[tilespmem:$0x99C0] =	vst v63  }
0x52: {  	_ =	swait.ge [sflag:s6], $0x2800  }
0x53: {  	[sflag:s6] =	ssyncset.done $0x0  }
0x54: {  	s20 =	sadd.s32 s28, s20;
	[sflag:s6] =	ssyncadd.s32 $0xFFFFD800  }
0x55: {  	[tilespmem:s12], [sflag:$0x1] =	stream.linear.gather [hbm4b:s20+s4], $0x2800, $0x38;
	[tilespmem:$0x99C0] =	vst v63  }
0x56: {  	_ =	swait.ge [sflag:s6], $0x2800  }
0x57: {  	[sflag:s6] =	ssyncset.done $0x0  }
0x58: {  	[sflag:s6] =	ssyncadd.s32 $0xFFFFD800  }
0x59: {  	[spmem:s2] =	stream.indirect.scatter.add.f32 [tilespmem:s12], [sflag:$0x1], $0x80, s19, s14, $0xb8;
	[tilespmem:$0x99C0] =	vst v63  }
0x5a: {  	_ =	swait.ge [sflag:s6], $0x2800  }
0x5b: {  	[sflag:s6] =	ssyncset.done $0x0  }
0x5c: {  	s25 =	sor.u32 $0x60, s21;
	[sflag:s6] =	ssyncadd.s32 $0xFFFFD800  }
0x5d: {  	[spmem:s3] =	stream.indirect.scatter.add.f32 [tilespmem:s5], [sflag:$0x1], $0x80, s19, s14, $0xb8;
	[tilespmem:$0x99C0] =	vst v63  }
0x5e: {  	p1 =	sgt.u32 s21, $0x1C;
	s30 =	smul.u32 $0x500, s25;
	_ =	swait.ge [sflag:s6], $0x2800  }
0x5f: {  	s23 =	simm.s32 @!p1 $0x4000;
	s24 =	simm.s32 @!p1 $0x1;
	[sflag:s6] =	ssyncset.done $0x0  }
0x60: {  	s21 =	sadd.s32 s22, s30;
	s22 =	simm.s32 @!p1 $0x0;
	[sflag:s6] =	ssyncadd.s32 $0xFFFFD800  }
0x61: {  	[tilespmem:s23], [sflag:$0x1] =	stream.linear.gather @!p1 [hbm4b:s21+s22], $0x2800, $0x38;
	[tilespmem:$0x99C0] =	vst v63  }
0x62: {  	_ =	swait.ge @!p1 [sflag:s24], $0x2800  }
0x63: {  	[sflag:s24] =	ssyncset.done @!p1 $0x0  }
0x64: {  	s25 =	sshll.u32 s25, $0x7;
	s26 =	simm.s32 @!p1 $0x50;
	[sflag:s24] =	ssyncadd.s32 @!p1 $0xFFFFD800  }
0x65: {  	[spmem:s1] =	stream.indirect.scatter.add.f32 @!p1 [tilespmem:s23], [sflag:$0x1], $0x80, s25, s26, $0xb8;
	[tilespmem:$0x99C0] =	vst v63  }
0x66: {  	_ =	swait.ge @!p1 [sflag:s24], $0x2800  }
0x67: {  	[sflag:s24] =	ssyncset.done @!p1 $0x0  }
0x68: {  	s28 =	sadd.s32 s28, s30;
	[sflag:s24] =	ssyncadd.s32 @!p1 $0xFFFFD800  }
0x69: {  	[tilespmem:s23], [sflag:$0x1] =	stream.linear.gather @!p1 [hbm4b:s28+s22], $0x2800, $0x38;
	[tilespmem:$0x99C0] =	vst v63  }
0x6a: {  	_ =	swait.ge @!p1 [sflag:s24], $0x2800  }
0x6b: {  	[sflag:s24] =	ssyncset.done @!p1 $0x0  }
0x6c: {  	[sflag:s24] =	ssyncadd.s32 @!p1 $0xFFFFD800  }
0x6d: {  	[spmem:s2] =	stream.indirect.scatter.add.f32 @!p1 [tilespmem:s23], [sflag:$0x1], $0x80, s25, s26, $0xb8;
	[tilespmem:$0x99C0] =	vst v63  }
0x6e: {  	_ =	swait.ge @!p1 [sflag:s24], $0x2800  }
0x6f: {  	[sflag:s24] =	ssyncset.done @!p1 $0x0  }
0x70: {  	p2 =	seq.s32 s29, $0x1;
	s0 =	simm.s32 @!p1 $0x6800;
	[sflag:s24] =	ssyncadd.s32 @!p1 $0xFFFFD800  }
0x71: {  	[spmem:s3] =	stream.indirect.scatter.add.f32 @!p1 [tilespmem:s0], [sflag:$0x1], $0x80, s25, s26, $0xb8;
	[tilespmem:$0x99C0] =	vst v63  }
0x72: {  	p2 =	por !p2, p0;
	s15 =	smov.u32 s31;
	_ =	swait.ge @!p1 [sflag:s24], $0x2800  }
0x73: {  	s31 =	sadd.s32 $0x8200, s31;
	s30 =	sadd.s32 $0x8880, s15;
	[sflag:s24] =	ssyncset.done @!p1 $0x0  }
0x74: {  	s30 =	smov.u32 @p2 s31;
	[sflag:s24] =	ssyncadd.s32 @!p1 $0xFFFFD800  }
0x75: {  	s31 =	sadd.s32 $0x9580, s15;
	s0 =	sadd.s32 $0x8F00, s15;
	[bflag:$0x0] =	sbarrier.arrive $0xFFFF  }
0x76: {  	[hbm:s30], [sflag:s9] =	dma.local @!p0 [spmem:s8], $0x680  }
0x77: {  	s31 =	smov.u32 @p2 s0;
	s0 =	ssub.s32 $0x2, s29;
	_ =	swait.ge @!p0 [sflag:s7], $0x680  }
0x78: {  	s29 =	sshrl.u32 s0, $0x1;
	[sflag:s7] =	ssyncset.done @!p0 $0x0  }
0x79: {  	s29 =	ssub.s32 s0, s29;
	s0 =	sadd.s32 $0x9C00, s15;
	[sflag:s7] =	ssyncadd.s32 @!p0 $0xFFFFF980  }
0x7a: {  	[hbm:s31], [sflag:s9] =	dma.local @!p0 [spmem:s10], $0x680  }
0x7b: {  	s29 =	smax.u32 s29, $0x1;
	_ =	swait.ge @!p0 [sflag:s7], $0x680;
	[dreg:$0xd] =	wrdreg s0  }
0x7c: {  	s29 =	sadd.s32 $0xFFFFFFFF, s29;
	s0 =	sadd.s32 $0xA280, s15;
	s15 =	rddreg [dreg:$0xd]  }
0x7d: {  	s0 =	smov.u32 @p2 s15;
	p2 =	sne.s32 s29, $0x0  }
.Ltmp0:
0x7e: {  	_ = 	snop;
	(pc) =	sbr.rel @!p2 .LBB2_2-.Ltmp0, $4  }
0x7f: {  	[sflag:s7] =	ssyncset.done @!p0 $0x0  }
0x80: {  	[sflag:s7] =	ssyncadd.s32 @!p0 $0xFFFFF980  }
0x81: {  	[hbm:s0], [sflag:s9] =	dma.local @!p0 [spmem:s11], $0x680  }
0x82: {  	_ =	swait.ge @!p0 [sflag:s7], $0x680  }
.LBB2_1:
0x83: {  	[sflag:s7] =	ssyncset.done @!p0 $0x0  }
0x84: {  	s15 =	rddreg [dreg:$0x7];
	[sflag:s7] =	ssyncadd.s32 @!p0 $0xFFFFF980  }
0x85: {  	[tilespmem:s5], [sflag:$0x1] =	stream.linear.gather [hbm4b:s15+s4], $0x2800, $0x38;
	[tilespmem:$0x99C0] =	vst v63  }
0x86: {  	_ =	swait.ge [sflag:s6], $0x2800  }
0x87: {  	[sflag:s6] =	ssyncset.done $0x0  }
0x88: {  	s15 =	rddreg [dreg:$0x5];
	[sflag:s6] =	ssyncadd.s32 $0xFFFFD800  }
0x89: {  	[tilespmem:s4], [sflag:$0x1] =	stream.linear.gather [hbm4b:s15+s4], $0x3E80, $0x38;
	[tilespmem:$0x99C0] =	vst v63  }
0x8a: {  	_ =	swait.ge [sflag:s6], $0x3E80  }
0x8b: {  	[sflag:s6] =	ssyncset.done $0x0  }
0x8c: {  	s15 =	rddreg [dreg:$0x6];
	[sflag:s6] =	ssyncadd.s32 $0xFFFFC180  }
0x8d: {  	[spmem:s8], [sflag:s9] =	dma.local @!p0 [hbm:s15], $0x680  }
0x8e: {  	_ =	swait.ge @!p0 [sflag:s7], $0x680  }
0x8f: {  	[sflag:s7] =	ssyncset.done @!p0 $0x0  }
0x90: {  	s15 =	rddreg [dreg:$0x8];
	[sflag:s7] =	ssyncadd.s32 @!p0 $0xFFFFF980  }
0x91: {  	[spmem:s10], [sflag:s9] =	dma.local @!p0 [hbm:s15], $0x680  }
0x92: {  	_ =	swait.ge @!p0 [sflag:s7], $0x680  }
0x93: {  	[sflag:s7] =	ssyncset.done @!p0 $0x0  }
0x94: {  	s15 =	rddreg [dreg:$0x9];
	[sflag:s7] =	ssyncadd.s32 @!p0 $0xFFFFF980  }
0x95: {  	[spmem:s11], [sflag:s9] =	dma.local @!p0 [hbm:s15], $0x680  }
0x96: {  	_ =	swait.ge @!p0 [sflag:s7], $0x680  }
0x97: {  	[sflag:s7] =	ssyncset.done @!p0 $0x0  }
0x98: {  	[sflag:s7] =	ssyncadd.s32 @!p0 $0xFFFFF980  }
0x99: {  	[bflag:$0x0] =	sbarrier.arrive $0xFFFF  }
0x9a: {  	s15 =	rddreg [dreg:$0xa]  }
0x9b: {  	[tilespmem:s12], [sflag:$0x1] =	stream.linear.gather [hbm4b:s15+s4], $0x2800, $0x38;
	[tilespmem:$0x99C0] =	vst v63  }
0x9c: {  	_ =	swait.ge [sflag:s6], $0x2800  }
0x9d: {  	[sflag:s6] =	ssyncset.done $0x0  }
0x9e: {  	[sflag:s6] =	ssyncadd.s32 $0xFFFFD800  }
0x9f: {  	[spmem:s1] =	stream.indirect.scatter.add.f32 [tilespmem:s12], [sflag:$0x1], $0x80, s13, s14, $0xb8;
	[tilespmem:$0x99C0] =	vst v63  }
0xa0: {  	_ =	swait.ge [sflag:s6], $0x2800  }
0xa1: {  	[sflag:s6] =	ssyncset.done $0x0  }
0xa2: {  	s15 =	rddreg [dreg:$0xb];
	[sflag:s6] =	ssyncadd.s32 $0xFFFFD800  }
0xa3: {  	[tilespmem:s12], [sflag:$0x1] =	stream.linear.gather [hbm4b:s15+s4], $0x2800, $0x38;
	[tilespmem:$0x99C0] =	vst v63  }
0xa4: {  	_ =	swait.ge [sflag:s6], $0x2800  }
0xa5: {  	[sflag:s6] =	ssyncset.done $0x0  }
0xa6: {  	[sflag:s6] =	ssyncadd.s32 $0xFFFFD800  }
0xa7: {  	[spmem:s2] =	stream.indirect.scatter.add.f32 [tilespmem:s12], [sflag:$0x1], $0x80, s13, s14, $0xb8;
	[tilespmem:$0x99C0] =	vst v63  }
0xa8: {  	_ =	swait.ge [sflag:s6], $0x2800  }
0xa9: {  	[sflag:s6] =	ssyncset.done $0x0  }
0xaa: {  	[sflag:s6] =	ssyncadd.s32 $0xFFFFD800  }
0xab: {  	[spmem:s3] =	stream.indirect.scatter.add.f32 [tilespmem:s5], [sflag:$0x1], $0x80, s13, s14, $0xb8;
	[tilespmem:$0x99C0] =	vst v63  }
0xac: {  	_ =	swait.ge [sflag:s6], $0x2800  }
0xad: {  	[sflag:s6] =	ssyncset.done $0x0  }
0xae: {  	s15 =	rddreg [dreg:$0xc];
	[sflag:s6] =	ssyncadd.s32 $0xFFFFD800  }
0xaf: {  	[tilespmem:s12], [sflag:$0x1] =	stream.linear.gather [hbm4b:s15+s4], $0x2800, $0x38;
	[tilespmem:$0x99C0] =	vst v63  }
0xb0: {  	_ =	swait.ge [sflag:s6], $0x2800  }
0xb1: {  	[sflag:s6] =	ssyncset.done $0x0  }
0xb2: {  	[sflag:s6] =	ssyncadd.s32 $0xFFFFD800  }
0xb3: {  	[spmem:s1] =	stream.indirect.scatter.add.f32 [tilespmem:s12], [sflag:$0x1], $0x80, s16, s14, $0xb8;
	[tilespmem:$0x99C0] =	vst v63  }
0xb4: {  	_ =	swait.ge [sflag:s6], $0x2800  }
0xb5: {  	[sflag:s6] =	ssyncset.done $0x0  }
0xb6: {  	[sflag:s6] =	ssyncadd.s32 $0xFFFFD800  }
0xb7: {  	[tilespmem:s12], [sflag:$0x1] =	stream.linear.gather [hbm4b:s17+s4], $0x2800, $0x38;
	[tilespmem:$0x99C0] =	vst v63  }
0xb8: {  	_ =	swait.ge [sflag:s6], $0x2800  }
0xb9: {  	[sflag:s6] =	ssyncset.done $0x0  }
0xba: {  	[sflag:s6] =	ssyncadd.s32 $0xFFFFD800  }
0xbb: {  	[spmem:s2] =	stream.indirect.scatter.add.f32 [tilespmem:s12], [sflag:$0x1], $0x80, s16, s14, $0xb8;
	[tilespmem:$0x99C0] =	vst v63  }
0xbc: {  	_ =	swait.ge [sflag:s6], $0x2800  }
0xbd: {  	[sflag:s6] =	ssyncset.done $0x0  }
0xbe: {  	[sflag:s6] =	ssyncadd.s32 $0xFFFFD800  }
0xbf: {  	[spmem:s3] =	stream.indirect.scatter.add.f32 [tilespmem:s5], [sflag:$0x1], $0x80, s16, s14, $0xb8;
	[tilespmem:$0x99C0] =	vst v63  }
0xc0: {  	_ =	swait.ge [sflag:s6], $0x2800  }
0xc1: {  	[sflag:s6] =	ssyncset.done $0x0  }
0xc2: {  	[sflag:s6] =	ssyncadd.s32 $0xFFFFD800  }
0xc3: {  	[tilespmem:s12], [sflag:$0x1] =	stream.linear.gather [hbm4b:s18+s4], $0x2800, $0x38;
	[tilespmem:$0x99C0] =	vst v63  }
0xc4: {  	_ =	swait.ge [sflag:s6], $0x2800  }
0xc5: {  	[sflag:s6] =	ssyncset.done $0x0  }
0xc6: {  	[sflag:s6] =	ssyncadd.s32 $0xFFFFD800  }
0xc7: {  	[spmem:s1] =	stream.indirect.scatter.add.f32 [tilespmem:s12], [sflag:$0x1], $0x80, s19, s14, $0xb8;
	[tilespmem:$0x99C0] =	vst v63  }
0xc8: {  	_ =	swait.ge [sflag:s6], $0x2800  }
0xc9: {  	[sflag:s6] =	ssyncset.done $0x0  }
0xca: {  	[sflag:s6] =	ssyncadd.s32 $0xFFFFD800  }
0xcb: {  	[tilespmem:s12], [sflag:$0x1] =	stream.linear.gather [hbm4b:s20+s4], $0x2800, $0x38;
	[tilespmem:$0x99C0] =	vst v63  }
0xcc: {  	_ =	swait.ge [sflag:s6], $0x2800  }
0xcd: {  	[sflag:s6] =	ssyncset.done $0x0  }
0xce: {  	[sflag:s6] =	ssyncadd.s32 $0xFFFFD800  }
0xcf: {  	[spmem:s2] =	stream.indirect.scatter.add.f32 [tilespmem:s12], [sflag:$0x1], $0x80, s19, s14, $0xb8;
	[tilespmem:$0x99C0] =	vst v63  }
0xd0: {  	_ =	swait.ge [sflag:s6], $0x2800  }
0xd1: {  	[sflag:s6] =	ssyncset.done $0x0  }
0xd2: {  	[sflag:s6] =	ssyncadd.s32 $0xFFFFD800  }
0xd3: {  	[spmem:s3] =	stream.indirect.scatter.add.f32 [tilespmem:s5], [sflag:$0x1], $0x80, s19, s14, $0xb8;
	[tilespmem:$0x99C0] =	vst v63  }
0xd4: {  	_ =	swait.ge [sflag:s6], $0x2800  }
0xd5: {  	[sflag:s6] =	ssyncset.done $0x0  }
0xd6: {  	[sflag:s6] =	ssyncadd.s32 $0xFFFFD800  }
0xd7: {  	[tilespmem:s23], [sflag:$0x1] =	stream.linear.gather @!p1 [hbm4b:s21+s22], $0x2800, $0x38;
	[tilespmem:$0x99C0] =	vst v63  }
0xd8: {  	_ =	swait.ge @!p1 [sflag:s24], $0x2800  }
0xd9: {  	[sflag:s24] =	ssyncset.done @!p1 $0x0  }
0xda: {  	[sflag:s24] =	ssyncadd.s32 @!p1 $0xFFFFD800  }
0xdb: {  	[spmem:s1] =	stream.indirect.scatter.add.f32 @!p1 [tilespmem:s23], [sflag:$0x1], $0x80, s25, s26, $0xb8;
	[tilespmem:$0x99C0] =	vst v63  }
0xdc: {  	_ =	swait.ge @!p1 [sflag:s24], $0x2800  }
0xdd: {  	[sflag:s24] =	ssyncset.done @!p1 $0x0  }
0xde: {  	[sflag:s24] =	ssyncadd.s32 @!p1 $0xFFFFD800  }
0xdf: {  	[tilespmem:s23], [sflag:$0x1] =	stream.linear.gather @!p1 [hbm4b:s28+s22], $0x2800, $0x38;
	[tilespmem:$0x99C0] =	vst v63  }
0xe0: {  	_ =	swait.ge @!p1 [sflag:s24], $0x2800  }
0xe1: {  	[sflag:s24] =	ssyncset.done @!p1 $0x0  }
0xe2: {  	[sflag:s24] =	ssyncadd.s32 @!p1 $0xFFFFD800  }
0xe3: {  	[spmem:s2] =	stream.indirect.scatter.add.f32 @!p1 [tilespmem:s23], [sflag:$0x1], $0x80, s25, s26, $0xb8;
	[tilespmem:$0x99C0] =	vst v63  }
0xe4: {  	_ =	swait.ge @!p1 [sflag:s24], $0x2800  }
0xe5: {  	[sflag:s24] =	ssyncset.done @!p1 $0x0  }
0xe6: {  	s15 =	simm.s32 @!p1 $0x6800;
	[sflag:s24] =	ssyncadd.s32 @!p1 $0xFFFFD800  }
0xe7: {  	[spmem:s3] =	stream.indirect.scatter.add.f32 @!p1 [tilespmem:s15], [sflag:$0x1], $0x80, s25, s26, $0xb8;
	[tilespmem:$0x99C0] =	vst v63  }
0xe8: {  	_ =	swait.ge @!p1 [sflag:s24], $0x2800  }
0xe9: {  	[sflag:s24] =	ssyncset.done @!p1 $0x0  }
0xea: {  	[sflag:s24] =	ssyncadd.s32 @!p1 $0xFFFFD800  }
0xeb: {  	[bflag:$0x0] =	sbarrier.arrive $0xFFFF  }
0xec: {  	[hbm:s30], [sflag:s9] =	dma.local @!p0 [spmem:s8], $0x680  }
0xed: {  	_ =	swait.ge @!p0 [sflag:s7], $0x680  }
0xee: {  	s29 =	sadd.s32 $0xFFFFFFFF, s29;
	[sflag:s7] =	ssyncset.done @!p0 $0x0  }
0xef: {  	p2 =	sne.s32 s29, $0x0;
	[sflag:s7] =	ssyncadd.s32 @!p0 $0xFFFFF980  }
0xf0: {  	[hbm:s31], [sflag:s9] =	dma.local @!p0 [spmem:s10], $0x680  }
.Ltmp1:
0xf1: {  	_ =	swait.ge @!p0 [sflag:s7], $0x680;
	(pc) =	sbr.rel @p2 .LBB2_1-.Ltmp1, $4  }
0xf2: {  	[sflag:s7] =	ssyncset.done @!p0 $0x0  }
0xf3: {  	[sflag:s7] =	ssyncadd.s32 @!p0 $0xFFFFF980  }
0xf4: {  	[hbm:s0], [sflag:s9] =	dma.local @!p0 [spmem:s11], $0x680  }
0xf5: {  	_ =	swait.ge @!p0 [sflag:s7], $0x680  }
.LBB2_2:
0xf6: {  	[sflag:s7] =	ssyncset.done @!p0 $0x0  }
0xf7: {  	[sflag:s7] =	ssyncadd.s32 @!p0 $0xFFFFF980  }
0xf8: {  	_ =	sfence.sel $0x180000  }
0xf9: {  	[bflag:$0x0] =	sbarrier.arrive $0xFFFF  }
0xfa: {  	_ =	strace $0x90000053  }
0xfb: {  	[bflag:$0x2] =	sbarrier.arrive $0xFFFF  }
0xfc: {  	s0 =	rddreg [dreg:$0x4]  }
0xfd: {  	s0 =	sadd.s32 @!p0 $0x100000, s0  }
0xfe: {  	[sflag:s0] =	ssyncadd.tile.s32 @!p0 $0x1;
	_ =	shalt  }
.Lfunc_end2:
_tile_overlayer_lowered:
.L_overlay_start_2:
0xff: {  	(tag) =	ssettag $0x2  }
0x100: {  	s0 =	rddreg [dreg:$0x0];
	s2 =	stileid.u32  }
0x101: {  	s1 =	rddreg [dreg:$0x1];
	p0 =	sne.s32 s2, $0x0  }
0x102: {  	s3 =	rddreg [dreg:$0x2];
	[bflag:$0x3] =	sbarrier.arrive $0xFFFF;
	s2 =	simm.s32 @!p0 $0x1C01  }
0x103: {  	[timem:s3], [sflag:s2] =	dma.local @!p0 [hbm:s0], s1  }
0x104: {  	s0 =	simm.s32 @!p0 $0x1  }
0x105: {  	_ =	swait.ge @!p0 [sflag:s0], s1  }
0x106: {  	s1 =	ssub.s32 @!p0 $0x0, s1;
	[sflag:s0] =	ssyncset.done @!p0 $0x0  }
0x107: {  	[sflag:s0] =	ssyncadd.s32 @!p0 s1  }
0x108: {  	[bflag:$0x3] =	sbarrier.arrive $0xFFFF  }
0x109: {  	_ =	shalt  }

</sc_bundles>
